<compile_context>
chip_gen: v7x
topology: tpu7x:2x2x1
jax: 0.10.2.dev20260603
libtpu: 0.0.44.dev20260713+nightly
codegen_flags: <defaults>
</compile_context>

<pallas_src>
import numpy as np
import jax
import jax.numpy as jnp
from jax import lax
from jax.experimental import pallas as pl
from jax.experimental.pallas import tpu as pltpu
from jax.experimental.pallas import tpu_sc as plsc

N = 10000
NP = 10240
R = 320
HW = 256
MW = 64
E = 320000
C = 1600
NCH = E // C
G = 64
M = 256
ALPHA = 0.7213 / (1.0 + 1.079 / M)
TH = 220.0

_lut = np.zeros(272, np.float32)
_z = np.arange(1, 257, dtype=np.float64)
_lut[1:257] = (M * np.log(M / _z)).astype(np.float32)


def _hop_body(src_hbm, dst_hbm, mh_in, hll_in, lut_hbm,
              mh_out, hll_out, cards_out,
              acc_h, acc_m, srcb, dstb,
              msrc, mdst, pbuf, hrows, mrows,
              lutv, zscr, sescr, cardsv, sem1, sem2, sem3, sem4):
    wid = lax.axis_index("s") * 2 + lax.axis_index("c")
    base = wid * R

    pltpu.sync_copy(hll_in.at[pl.ds(base, R)], acc_h)
    pltpu.sync_copy(mh_in.at[pl.ds(base, R)], acc_m)
    pltpu.sync_copy(lut_hbm, lutv)

    def zi(i, carry):
        msrc[pl.ds(i * 16, 16)] = jnp.zeros((16,), jnp.int32)
        return carry
    lax.fori_loop(0, (C + 16) // 16, zi, 0)
    pbuf[pl.ds(0, 16)] = jnp.zeros((16,), jnp.int32)
    pbuf[pl.ds(16, 16)] = jnp.zeros((16,), jnp.int32)

    pltpu.async_copy(src_hbm.at[pl.ds(0, C)], srcb, sem3)
    pltpu.async_copy(dst_hbm.at[pl.ds(0, C)], dstb, sem4)

    def chunk_body(c, carry):
        pltpu.make_async_copy(src_hbm.at[pl.ds(0, C)], srcb, sem3).wait()
        pltpu.make_async_copy(dst_hbm.at[pl.ds(0, C)], dstb, sem4).wait()

        def scan_body(i, off):
            sv = srcb[pl.ds(i * 16, 16)]
            dv = dstb[pl.ds(i * 16, 16)]
            m = (dv >= base) & (dv < base + R)
            mi = jnp.where(m, jnp.int32(1), jnp.int32(0))
            pbuf[pl.ds(16, 16)] = mi
            x = mi + pbuf[pl.ds(15, 16)]
            pbuf[pl.ds(16, 16)] = x
            x = x + pbuf[pl.ds(14, 16)]
            pbuf[pl.ds(16, 16)] = x
            x = x + pbuf[pl.ds(12, 16)]
            pbuf[pl.ds(16, 16)] = x
            x = x + pbuf[pl.ds(8, 16)]
            pos = off + x - 1
            plsc.store_scatter(msrc, [pos], sv, mask=m)
            plsc.store_scatter(mdst, [pos], dv - base, mask=m)
            return off + x[15]
        cnt = lax.fori_loop(0, C // 16, scan_body, jnp.int32(0))

        cn = jnp.minimum(c + 1, NCH - 1) * C
        pltpu.async_copy(src_hbm.at[pl.ds(cn, C)], srcb, sem3)
        pltpu.async_copy(dst_hbm.at[pl.ds(cn, C)], dstb, sem4)

        ng = (cnt + (G - 1)) // G

        def group_body(g, carry):
            gbase = g * G
            cp1 = pltpu.async_copy(
                hll_in.at[msrc.at[pl.ds(gbase, G)]], hrows, sem1)
            cp2 = pltpu.async_copy(
                mh_in.at[msrc.at[pl.ds(gbase, G)]], mrows, sem2)
            cp1.wait()
            cp2.wait()
            ne = jnp.minimum(G, cnt - gbase)

            def edge_body(j, carry2):
                dl = mdst[pl.ds(gbase + j, 16)][0]
                for k in range(HW // 16):
                    s = pl.ds(k * 16, 16)
                    acc_h[dl, s] = jnp.maximum(acc_h[dl, s], hrows[j, s])
                for k in range(MW // 16):
                    s = pl.ds(k * 16, 16)
                    acc_m[dl, s] = jnp.minimum(acc_m[dl, s], mrows[j, s])
                return carry2
            lax.fori_loop(0, ne, edge_body, 0)
            return carry
        lax.fori_loop(0, ng, group_body, 0)
        return carry
    lax.fori_loop(0, NCH, chunk_body, 0)
    pltpu.make_async_copy(src_hbm.at[pl.ds(0, C)], srcb, sem3).wait()
    pltpu.make_async_copy(dst_hbm.at[pl.ds(0, C)], dstb, sem4).wait()

    lane = lax.iota(jnp.int32, 16)

    def rg_body(rg, carry):
        def row_body(rl, carry2):
            row = rg * 16 + rl
            zp = jnp.zeros((16,), jnp.int32)
            sp = jnp.zeros((16,), jnp.float32)
            for k in range(HW // 16):
                v = acc_h[row, pl.ds(k * 16, 16)]
                zp = zp + jnp.where(v == 0.0, jnp.int32(1), jnp.int32(0))
                vi = v.astype(jnp.int32)
                bits = (127 << 23) - (vi << 23)
                sp = sp + lax.bitcast_convert_type(bits, jnp.float32)
            idx = lane * 16 + rl
            plsc.store_scatter(zscr, [idx], zp)
            plsc.store_scatter(sescr, [idx], sp)
            return carry2
        lax.fori_loop(0, 16, row_body, 0)
        nz = zscr[pl.ds(0, 16)]
        se = sescr[pl.ds(0, 16)]
        for l in range(1, 16):
            nz = nz + zscr[pl.ds(l * 16, 16)]
            se = se + sescr[pl.ds(l * 16, 16)]
        lc = plsc.load_gather(lutv, [nz])
        card = jnp.where(nz > 0, lc, TH + 1.0)
        card = jnp.where(card > TH, (ALPHA * M * M) / se, card)
        cardsv[pl.ds(rg * 16, 16)] = card
        return carry
    lax.fori_loop(0, R // 16, rg_body, 0)

    pltpu.sync_copy(acc_h, hll_out.at[pl.ds(base, R)])
    pltpu.sync_copy(acc_m, mh_out.at[pl.ds(base, R)])
    pltpu.sync_copy(cardsv, cards_out.at[pl.ds(base, R)])


def _make_hop():
    mesh = plsc.VectorSubcoreMesh(core_axis_name="c", subcore_axis_name="s")
    return pl.kernel(
        _hop_body,
        out_type=(
            jax.ShapeDtypeStruct((NP, MW), jnp.int32),
            jax.ShapeDtypeStruct((NP, HW), jnp.float32),
            jax.ShapeDtypeStruct((NP,), jnp.float32),
        ),
        mesh=mesh,
        compiler_params=pltpu.CompilerParams(
            needs_layout_passes=False, use_tc_tiling_on_sc=False),
        scratch_types=[
            pltpu.VMEM((R, HW), jnp.float32),
            pltpu.VMEM((R, MW), jnp.int32),
            pltpu.VMEM((C,), jnp.int32),
            pltpu.VMEM((C,), jnp.int32),
            pltpu.VMEM((C + 16,), jnp.int32),
            pltpu.VMEM((C + 16,), jnp.int32),
            pltpu.VMEM((32,), jnp.int32),
            pltpu.VMEM((G, HW), jnp.float32),
            pltpu.VMEM((G, MW), jnp.int32),
            pltpu.VMEM((272,), jnp.float32),
            pltpu.VMEM((256,), jnp.int32),
            pltpu.VMEM((256,), jnp.float32),
            pltpu.VMEM((R,), jnp.float32),
            pltpu.SemaphoreType.DMA,
            pltpu.SemaphoreType.DMA,
            pltpu.SemaphoreType.DMA,
            pltpu.SemaphoreType.DMA,
        ],
        name="elph_hop",
    )


def kernel(minhash, hll_regs, edge_index):
    src = edge_index[0]
    dst = edge_index[1]
    mh_p = jnp.pad(minhash, ((0, NP - N), (0, 0)))
    hll_p = jnp.pad(hll_regs, ((0, NP - N), (0, 0)))
    lut = jnp.asarray(_lut)
    hop = _make_hop()
    mh1, hll1, c1 = hop(src, dst, mh_p, hll_p, lut)
    mh2, hll2, c2 = hop(src, dst, mh1, hll1, lut)
    cards = jnp.stack([c1[:N], c2[:N]], axis=1)
    return (mh2[:N], hll2[:N], cards)

# --- scband reference (transcript-rebuilt; emitter-appended) ---
"""Pipeline reference for scband-elph-76209899700625 (READ-ONLY COPY).

The authoritative reference and input builder live on the scoring server;
editing this copy changes nothing except your own understanding.
"""

import jax, jax.numpy as jnp
import numpy as np

N_NODES = 10000
N_EDGES = 320000
NUM_PERM = 64
P = 8
M = 1 << P
MAX_HOPS = 2
ALPHA = 0.7213 / (1.0 + 1.079 / M)
HLL_THRESHOLD = 220.0  # datasketch hyperloglog_const._thresholds[P - 4]


def hll_count(regs):
    # regs: float32 [n, M] hyperloglog registers
    num_zero = M - jnp.count_nonzero(regs, axis=-1)
    # linear counting branch (when any register is zero)
    lc = M * jnp.log(M / jnp.maximum(num_zero, 1).astype(jnp.float32))
    retval = jnp.where(num_zero > 0, lc, HLL_THRESHOLD + 1.0)
    # raw hll estimate where linear counting exceeds threshold
    e = ALPHA * M * M / jnp.sum(jnp.exp2(-regs), axis=-1)
    retval = jnp.where(retval > HLL_THRESHOLD, e, retval)
    return retval


def setup_inputs(seed: int = 0):
    key = jax.random.key(seed)
    k1, k2, k3 = jax.random.split(key, 3)
    minhash = jax.random.randint(k1, (N_NODES, NUM_PERM), 0, 2147483647, dtype=jnp.int32)
    hll_regs = jax.random.randint(k2, (N_NODES, M), 0, 50).astype(jnp.float32)
    edge_index = jax.random.randint(k3, (2, N_EDGES), 0, N_NODES, dtype=jnp.int32)
    return {"minhash": minhash, "hll_regs": hll_regs, "edge_index": edge_index}


def reference(minhash, hll_regs, edge_index):
    # ELPH build_hash_tables core: k-hop propagation of hll (max-aggr) and
    # minhash (min-aggr via negated max) sketches with self loops, plus
    # per-hop hll cardinality estimates.
    N = minhash.shape[0]
    loops = jnp.arange(N, dtype=edge_index.dtype)
    src = jnp.concatenate([edge_index[0], loops])  # add_self_loops
    dst = jnp.concatenate([edge_index[1], loops])
    mh = minhash
    hll = hll_regs
    cards = []
    for _ in range(MAX_HOPS):
        # HllPropagation: aggr='max' message passing out[dst] = max_src x[src]
        hll = jax.ops.segment_max(hll[src], dst, num_segments=N)
        # MinhashPropagation: propagate(-x) with max aggr, then negate -> min
        mh = -jax.ops.segment_max(-mh[src], dst, num_segments=N)
        cards.append(hll_count(hll))
    cards = jnp.stack(cards, axis=1)  # [N, MAX_HOPS]
    return (mh, hll, cards)

if __name__ == "__main__":
    import jax
    _d = setup_inputs()
    print(jax.jit(kernel)(*tuple(_d.values())))

</pallas_src>

<mosaic_0001>
#map = affine_map<(d0, d1) -> (0)>
#map1 = affine_map<(d0, d1) -> (0, 0)>
module attributes {stable_mosaic.version = 14 : i64} {
  func.func @elph_hop(%arg0: i32, %arg1: i32, %arg2: memref<320000xi32, #tpu.memory_space<hbm>>, %arg3: memref<320000xi32, #tpu.memory_space<hbm>>, %arg4: memref<10240x64xi32, #tpu.memory_space<hbm>>, %arg5: memref<10240x256xf32, #tpu.memory_space<hbm>>, %arg6: memref<272xf32, #tpu.memory_space<hbm>>, %arg7: memref<10240x64xi32, #tpu.memory_space<hbm>>, %arg8: memref<10240x256xf32, #tpu.memory_space<hbm>>, %arg9: memref<10240xf32, #tpu.memory_space<hbm>>, %arg10: memref<320x256xf32, #tpu.memory_space<vmem>>, %arg11: memref<320x64xi32, #tpu.memory_space<vmem>>, %arg12: memref<1600xi32, #tpu.memory_space<vmem>>, %arg13: memref<1600xi32, #tpu.memory_space<vmem>>, %arg14: memref<1616xi32, #tpu.memory_space<vmem>>, %arg15: memref<1616xi32, #tpu.memory_space<vmem>>, %arg16: memref<32xi32, #tpu.memory_space<vmem>>, %arg17: memref<64x256xf32, #tpu.memory_space<vmem>>, %arg18: memref<64x64xi32, #tpu.memory_space<vmem>>, %arg19: memref<272xf32, #tpu.memory_space<vmem>>, %arg20: memref<256xi32, #tpu.memory_space<vmem>>, %arg21: memref<256xf32, #tpu.memory_space<vmem>>, %arg22: memref<320xf32, #tpu.memory_space<vmem>>, %arg23: memref<!tpu.dma_semaphore, #tpu.memory_space<semaphore_mem>>, %arg24: memref<!tpu.dma_semaphore, #tpu.memory_space<semaphore_mem>>, %arg25: memref<!tpu.dma_semaphore, #tpu.memory_space<semaphore_mem>>, %arg26: memref<!tpu.dma_semaphore, #tpu.memory_space<semaphore_mem>>) attributes {dimension_semantics = [#tpu.dimension_semantics<core_parallel>, #tpu.dimension_semantics<subcore_parallel>], iteration_bounds = array<i64: 2, 16>, scalar_prefetch = 0 : i64, scratch_operands = 17 : i64, tpu.core_type = #tpu.core_type<sc_vector_subcore>, window_params = [{transform_indices = #map}, {transform_indices = #map}, {transform_indices = #map1}, {transform_indices = #map1}, {transform_indices = #map}, {transform_indices = #map1}, {transform_indices = #map1}, {transform_indices = #map}]} {
    %mul3A = arith.constant 2 : i32
    %mul3A_0 = arith.muli %arg1, %mul3A : i32
    %add3A = arith.addi %mul3A_0, %arg0 : i32
    %mul3A_1 = arith.constant 320 : i32
    %mul3A_2 = arith.muli %add3A, %mul3A_1 : i32
    "tpu.region"() ({
      %run_scoped3A = tpu.sem_alloc : memref<!tpu.dma_semaphore, #tpu.memory_space<semaphore_mem>>
      %dma_start3A_40 = arith.constant 0 : i32
      %dma_start3A_41 = tpu.memref_slice %arg5[%mul3A_2, %dma_start3A_40] : memref<10240x256xf32, #tpu.memory_space<hbm>> -> memref<320x256xf32, #tpu.memory_space<hbm>>
      %dma_start3A_42 = arith.constant 0 : i32
      %dma_start3A_43 = tpu.memref_slice %arg5[%mul3A_2, %dma_start3A_42] : memref<10240x256xf32, #tpu.memory_space<hbm>> -> memref<320x256xf32, #tpu.memory_space<hbm>>
      tpu.enqueue_dma source(%dma_start3A_43 : memref<320x256xf32, #tpu.memory_space<hbm>>) target(%arg10 : memref<320x256xf32, #tpu.memory_space<vmem>>) target_semaphore(%run_scoped3A : memref<!tpu.dma_semaphore, #tpu.memory_space<semaphore_mem>>)
      %dma_wait3A_44 = arith.constant 0 : i32
      %dma_wait3A_45 = tpu.memref_slice %arg5[%mul3A_2, %dma_wait3A_44] : memref<10240x256xf32, #tpu.memory_space<hbm>> -> memref<320x256xf32, #tpu.memory_space<hbm>>
      %dma_wait3A_46 = arith.constant 0 : i32
      %dma_wait3A_47 = tpu.memref_slice %arg5[%mul3A_2, %dma_wait3A_46] : memref<10240x256xf32, #tpu.memory_space<hbm>> -> memref<320x256xf32, #tpu.memory_space<hbm>>
      tpu.wait_dma2 semaphore(%run_scoped3A : memref<!tpu.dma_semaphore, #tpu.memory_space<semaphore_mem>>) src(%dma_wait3A_47 : memref<320x256xf32, #tpu.memory_space<hbm>>) dst(%arg10 : memref<320x256xf32, #tpu.memory_space<vmem>>)
      tpu.yield
    }) : () -> ()
    "tpu.region"() ({
      %run_scoped3A = tpu.sem_alloc : memref<!tpu.dma_semaphore, #tpu.memory_space<semaphore_mem>>
      %dma_start3A_40 = arith.constant 0 : i32
      %dma_start3A_41 = tpu.memref_slice %arg4[%mul3A_2, %dma_start3A_40] : memref<10240x64xi32, #tpu.memory_space<hbm>> -> memref<320x64xi32, #tpu.memory_space<hbm>>
      %dma_start3A_42 = arith.constant 0 : i32
      %dma_start3A_43 = tpu.memref_slice %arg4[%mul3A_2, %dma_start3A_42] : memref<10240x64xi32, #tpu.memory_space<hbm>> -> memref<320x64xi32, #tpu.memory_space<hbm>>
      tpu.enqueue_dma source(%dma_start3A_43 : memref<320x64xi32, #tpu.memory_space<hbm>>) target(%arg11 : memref<320x64xi32, #tpu.memory_space<vmem>>) target_semaphore(%run_scoped3A : memref<!tpu.dma_semaphore, #tpu.memory_space<semaphore_mem>>)
      %dma_wait3A_44 = arith.constant 0 : i32
      %dma_wait3A_45 = tpu.memref_slice %arg4[%mul3A_2, %dma_wait3A_44] : memref<10240x64xi32, #tpu.memory_space<hbm>> -> memref<320x64xi32, #tpu.memory_space<hbm>>
      %dma_wait3A_46 = arith.constant 0 : i32
      %dma_wait3A_47 = tpu.memref_slice %arg4[%mul3A_2, %dma_wait3A_46] : memref<10240x64xi32, #tpu.memory_space<hbm>> -> memref<320x64xi32, #tpu.memory_space<hbm>>
      tpu.wait_dma2 semaphore(%run_scoped3A : memref<!tpu.dma_semaphore, #tpu.memory_space<semaphore_mem>>) src(%dma_wait3A_47 : memref<320x64xi32, #tpu.memory_space<hbm>>) dst(%arg11 : memref<320x64xi32, #tpu.memory_space<vmem>>)
      tpu.yield
    }) : () -> ()
    "tpu.region"() ({
      %run_scoped3A = tpu.sem_alloc : memref<!tpu.dma_semaphore, #tpu.memory_space<semaphore_mem>>
      tpu.enqueue_dma source(%arg6 : memref<272xf32, #tpu.memory_space<hbm>>) target(%arg19 : memref<272xf32, #tpu.memory_space<vmem>>) target_semaphore(%run_scoped3A : memref<!tpu.dma_semaphore, #tpu.memory_space<semaphore_mem>>)
      tpu.wait_dma2 semaphore(%run_scoped3A : memref<!tpu.dma_semaphore, #tpu.memory_space<semaphore_mem>>) src(%arg6 : memref<272xf32, #tpu.memory_space<hbm>>) dst(%arg19 : memref<272xf32, #tpu.memory_space<vmem>>)
      tpu.yield
    }) : () -> ()
    %scan3A = arith.constant 0 : i32
    %scan3A_3 = arith.constant 0 : i32
    %scan3A_4 = arith.constant 101 : i32
    %scan3A_5 = arith.addi %scan3A_3, %scan3A_4 : i32
    %scan3A_6 = arith.constant 1 : i32
    scf.for %scan3A_40 = %scan3A_3 to %scan3A_5 step %scan3A_6  : i32 {
      %broadcast_in_dim3A_41 = arith.constant 0 : i32
      %broadcast_in_dim3A_42 = vector.broadcast %broadcast_in_dim3A_41 : i32 to vector<16xi32>
      %mul3A_43 = arith.constant 16 : i32
      %mul3A_44 = arith.muli %scan3A_40, %mul3A_43 : i32
      %swap3A_45 = arith.index_cast %mul3A_44 : i32 to index
      %swap3A_46 = tpu.vector_load %arg14[%swap3A_45] {strides = array<i32>} : memref<1616xi32, #tpu.memory_space<vmem>>, vector<16xi32>,
      tpu.vector_store %arg14[%swap3A_45], %broadcast_in_dim3A_42 {strides = array<i32>} : memref<1616xi32, #tpu.memory_space<vmem>>, vector<16xi32>,
    }
    %scan3A_7 = arith.constant 101 : i32
    %broadcast_in_dim3A = arith.constant 0 : i32
    %broadcast_in_dim3A_8 = vector.broadcast %broadcast_in_dim3A : i32 to vector<16xi32>
    %swap3A = arith.constant 0 : index
    %swap3A_9 = tpu.vector_load %arg16[%swap3A] {strides = array<i32>} : memref<32xi32, #tpu.memory_space<vmem>>, vector<16xi32>,
    tpu.vector_store %arg16[%swap3A], %broadcast_in_dim3A_8 {strides = array<i32>} : memref<32xi32, #tpu.memory_space<vmem>>, vector<16xi32>,
    %broadcast_in_dim3A_10 = arith.constant 0 : i32
    %broadcast_in_dim3A_11 = vector.broadcast %broadcast_in_dim3A_10 : i32 to vector<16xi32>
    %swap3A_12 = arith.constant 16 : index
    %swap3A_13 = tpu.vector_load %arg16[%swap3A_12] {strides = array<i32>} : memref<32xi32, #tpu.memory_space<vmem>>, vector<16xi32>,
    tpu.vector_store %arg16[%swap3A_12], %broadcast_in_dim3A_11 {strides = array<i32>} : memref<32xi32, #tpu.memory_space<vmem>>, vector<16xi32>,
    %dma_start3A = arith.constant 0 : i32
    %dma_start3A_14 = tpu.memref_slice %arg2[%dma_start3A] : memref<320000xi32, #tpu.memory_space<hbm>> -> memref<1600xi32, #tpu.memory_space<hbm>>
    %dma_start3A_15 = arith.constant 0 : i32
    %dma_start3A_16 = tpu.memref_slice %arg2[%dma_start3A_15] : memref<320000xi32, #tpu.memory_space<hbm>> -> memref<1600xi32, #tpu.memory_space<hbm>>
    tpu.enqueue_dma source(%dma_start3A_16 : memref<1600xi32, #tpu.memory_space<hbm>>) target(%arg12 : memref<1600xi32, #tpu.memory_space<vmem>>) target_semaphore(%arg25 : memref<!tpu.dma_semaphore, #tpu.memory_space<semaphore_mem>>)
    %dma_start3A_17 = arith.constant 0 : i32
    %dma_start3A_18 = tpu.memref_slice %arg3[%dma_start3A_17] : memref<320000xi32, #tpu.memory_space<hbm>> -> memref<1600xi32, #tpu.memory_space<hbm>>
    %dma_start3A_19 = arith.constant 0 : i32
    %dma_start3A_20 = tpu.memref_slice %arg3[%dma_start3A_19] : memref<320000xi32, #tpu.memory_space<hbm>> -> memref<1600xi32, #tpu.memory_space<hbm>>
    tpu.enqueue_dma source(%dma_start3A_20 : memref<1600xi32, #tpu.memory_space<hbm>>) target(%arg13 : memref<1600xi32, #tpu.memory_space<vmem>>) target_semaphore(%arg26 : memref<!tpu.dma_semaphore, #tpu.memory_space<semaphore_mem>>)
    %scan3A_21 = arith.constant 0 : i32
    %scan3A_22 = arith.constant 0 : i32
    %scan3A_23 = arith.constant 200 : i32
    %scan3A_24 = arith.addi %scan3A_22, %scan3A_23 : i32
    %scan3A_25 = arith.constant 1 : i32
    scf.for %scan3A_40 = %scan3A_22 to %scan3A_24 step %scan3A_25  : i32 {
      %dma_wait3A_41 = arith.constant 0 : i32
      %dma_wait3A_42 = tpu.memref_slice %arg2[%dma_wait3A_41] : memref<320000xi32, #tpu.memory_space<hbm>> -> memref<1600xi32, #tpu.memory_space<hbm>>
      %dma_wait3A_43 = arith.constant 0 : i32
      %dma_wait3A_44 = tpu.memref_slice %arg2[%dma_wait3A_43] : memref<320000xi32, #tpu.memory_space<hbm>> -> memref<1600xi32, #tpu.memory_space<hbm>>
      tpu.wait_dma2 semaphore(%arg25 : memref<!tpu.dma_semaphore, #tpu.memory_space<semaphore_mem>>) src(%dma_wait3A_44 : memref<1600xi32, #tpu.memory_space<hbm>>) dst(%arg12 : memref<1600xi32, #tpu.memory_space<vmem>>)
      %dma_wait3A_45 = arith.constant 0 : i32
      %dma_wait3A_46 = tpu.memref_slice %arg3[%dma_wait3A_45] : memref<320000xi32, #tpu.memory_space<hbm>> -> memref<1600xi32, #tpu.memory_space<hbm>>
      %dma_wait3A_47 = arith.constant 0 : i32
      %dma_wait3A_48 = tpu.memref_slice %arg3[%dma_wait3A_47] : memref<320000xi32, #tpu.memory_space<hbm>> -> memref<1600xi32, #tpu.memory_space<hbm>>
      tpu.wait_dma2 semaphore(%arg26 : memref<!tpu.dma_semaphore, #tpu.memory_space<semaphore_mem>>) src(%dma_wait3A_48 : memref<1600xi32, #tpu.memory_space<hbm>>) dst(%arg13 : memref<1600xi32, #tpu.memory_space<vmem>>)
      %scan3A_49 = arith.constant 0 : i32
      %scan3A_50 = arith.constant 0 : i32
      %scan3A_51 = arith.constant 100 : i32
      %scan3A_52 = arith.addi %scan3A_50, %scan3A_51 : i32
      %scan3A_53 = arith.constant 1 : i32
      %scan3A_54 = scf.for %scan3A_92 = %scan3A_50 to %scan3A_52 step %scan3A_53 iter_args(%scan3A_93 = %scan3A_49) -> (i32)  : i32 {
        %mul3A_94 = arith.constant 16 : i32
        %mul3A_95 = arith.muli %scan3A_92, %mul3A_94 : i32
        %get3A = arith.index_cast %mul3A_95 : i32 to index
        %get3A_96 = tpu.vector_load %arg12[%get3A] {strides = array<i32>} : memref<1600xi32, #tpu.memory_space<vmem>>, vector<16xi32>,
        %mul3A_97 = arith.constant 16 : i32
        %mul3A_98 = arith.muli %scan3A_92, %mul3A_97 : i32
        %get3A_99 = arith.index_cast %mul3A_98 : i32 to index
        %get3A_100 = tpu.vector_load %arg13[%get3A_99] {strides = array<i32>} : memref<1600xi32, #tpu.memory_space<vmem>>, vector<16xi32>,
        %ge3A = vector.broadcast %mul3A_2 : i32 to vector<16xi32>
        %ge3A_101 = arith.cmpi sge, %get3A_100, %ge3A : vector<16xi32>
        %add3A_102 = arith.constant 320 : i32
        %add3A_103 = arith.addi %mul3A_2, %add3A_102 : i32
        %lt3A = vector.broadcast %add3A_103 : i32 to vector<16xi32>
        %lt3A_104 = arith.cmpi slt, %get3A_100, %lt3A : vector<16xi32>
        %and3A_105 = arith.andi %ge3A_101, %lt3A_104 : vector<16xi1>
        %jit3A_106 = arith.constant 1 : i32
        %jit3A_107 = arith.constant 0 : i32
        %broadcast_in_dim3A_108 = vector.broadcast %jit3A_106 : i32 to vector<16xi32>
        %broadcast_in_dim3A_109 = vector.broadcast %jit3A_107 : i32 to vector<16xi32>
        %select_n3A_110 = arith.select %and3A_105, %broadcast_in_dim3A_108, %broadcast_in_dim3A_109 : vector<16xi1>, vector<16xi32>
        %swap3A_111 = arith.constant 16 : index
        %swap3A_112 = tpu.vector_load %arg16[%swap3A_111] {strides = array<i32>} : memref<32xi32, #tpu.memory_space<vmem>>, vector<16xi32>,
        tpu.vector_store %arg16[%swap3A_111], %select_n3A_110 {strides = array<i32>} : memref<32xi32, #tpu.memory_space<vmem>>, vector<16xi32>,
        %get3A_113 = arith.constant 15 : index
        %get3A_114 = tpu.vector_load %arg16[%get3A_113] {strides = array<i32>} : memref<32xi32, #tpu.memory_space<vmem>>, vector<16xi32>,
        %add3A_115 = arith.addi %select_n3A_110, %get3A_114 : vector<16xi32>
        %swap3A_116 = arith.constant 16 : index
        %swap3A_117 = tpu.vector_load %arg16[%swap3A_116] {strides = array<i32>} : memref<32xi32, #tpu.memory_space<vmem>>, vector<16xi32>,
        tpu.vector_store %arg16[%swap3A_116], %add3A_115 {strides = array<i32>} : memref<32xi32, #tpu.memory_space<vmem>>, vector<16xi32>,
        %get3A_118 = arith.constant 14 : index
        %get3A_119 = tpu.vector_load %arg16[%get3A_118] {strides = array<i32>} : memref<32xi32, #tpu.memory_space<vmem>>, vector<16xi32>,
        %add3A_120 = arith.addi %add3A_115, %get3A_119 : vector<16xi32>
        %swap3A_121 = arith.constant 16 : index
        %swap3A_122 = tpu.vector_load %arg16[%swap3A_121] {strides = array<i32>} : memref<32xi32, #tpu.memory_space<vmem>>, vector<16xi32>,
        tpu.vector_store %arg16[%swap3A_121], %add3A_120 {strides = array<i32>} : memref<32xi32, #tpu.memory_space<vmem>>, vector<16xi32>,
        %get3A_123 = arith.constant 12 : index
        %get3A_124 = tpu.vector_load %arg16[%get3A_123] {strides = array<i32>} : memref<32xi32, #tpu.memory_space<vmem>>, vector<16xi32>,
        %add3A_125 = arith.addi %add3A_120, %get3A_124 : vector<16xi32>
        %swap3A_126 = arith.constant 16 : index
        %swap3A_127 = tpu.vector_load %arg16[%swap3A_126] {strides = array<i32>} : memref<32xi32, #tpu.memory_space<vmem>>, vector<16xi32>,
        tpu.vector_store %arg16[%swap3A_126], %add3A_125 {strides = array<i32>} : memref<32xi32, #tpu.memory_space<vmem>>, vector<16xi32>,
        %get3A_128 = arith.constant 8 : index
        %get3A_129 = tpu.vector_load %arg16[%get3A_128] {strides = array<i32>} : memref<32xi32, #tpu.memory_space<vmem>>, vector<16xi32>,
        %add3A_130 = arith.addi %add3A_125, %get3A_129 : vector<16xi32>
        %add3A_131 = vector.broadcast %scan3A_93 : i32 to vector<16xi32>
        %add3A_132 = arith.addi %add3A_131, %add3A_130 : vector<16xi32>
        %sub3A_133 = arith.constant 1 : i32
        %sub3A_134 = vector.broadcast %sub3A_133 : i32 to vector<16xi32>
        %sub3A_135 = arith.subi %add3A_132, %sub3A_134 : vector<16xi32>
        tpu.vector_store_idx %arg14[%sub3A_135], %get3A_96 masked %and3A_105 : memref<1616xi32, #tpu.memory_space<vmem>>[vector<16xi32>], vector<16xi32>, vector<16xi1>
        %sub3A_136 = vector.broadcast %mul3A_2 : i32 to vector<16xi32>
        %sub3A_137 = arith.subi %get3A_100, %sub3A_136 : vector<16xi32>
        tpu.vector_store_idx %arg15[%sub3A_135], %sub3A_137 masked %and3A_105 : memref<1616xi32, #tpu.memory_space<vmem>>[vector<16xi32>], vector<16xi32>, vector<16xi1>
        %slice3A = vector.extract_strided_slice %add3A_130 {offsets = [15], sizes = [1], strides = [1]} : vector<16xi32> to vector<1xi32>
        %squeeze3A = vector.extract %slice3A[0] : i32 from vector<1xi32>
        %add3A_138 = arith.addi %scan3A_93, %squeeze3A : i32
        scf.yield %add3A_138 : i32
      }
      %scan3A_55 = arith.constant 100 : i32
      %add3A_56 = arith.constant 1 : i32
      %add3A_57 = arith.addi %scan3A_40, %add3A_56 : i32
      %min3A = arith.constant 199 : i32
      %min3A_58 = arith.minsi %add3A_57, %min3A : i32
      %mul3A_59 = arith.constant 1600 : i32
      %mul3A_60 = arith.muli %min3A_58, %mul3A_59 : i32
      %dma_start3A_61 = tpu.memref_slice %arg2[%mul3A_60] : memref<320000xi32, #tpu.memory_space<hbm>> -> memref<1600xi32, #tpu.memory_space<hbm>>
      %dma_start3A_62 = tpu.memref_slice %arg2[%mul3A_60] : memref<320000xi32, #tpu.memory_space<hbm>> -> memref<1600xi32, #tpu.memory_space<hbm>>
      tpu.enqueue_dma source(%dma_start3A_62 : memref<1600xi32, #tpu.memory_space<hbm>>) target(%arg12 : memref<1600xi32, #tpu.memory_space<vmem>>) target_semaphore(%arg25 : memref<!tpu.dma_semaphore, #tpu.memory_space<semaphore_mem>>)
      %dma_start3A_63 = tpu.memref_slice %arg3[%mul3A_60] : memref<320000xi32, #tpu.memory_space<hbm>> -> memref<1600xi32, #tpu.memory_space<hbm>>
      %dma_start3A_64 = tpu.memref_slice %arg3[%mul3A_60] : memref<320000xi32, #tpu.memory_space<hbm>> -> memref<1600xi32, #tpu.memory_space<hbm>>
      tpu.enqueue_dma source(%dma_start3A_64 : memref<1600xi32, #tpu.memory_space<hbm>>) target(%arg13 : memref<1600xi32, #tpu.memory_space<vmem>>) target_semaphore(%arg26 : memref<!tpu.dma_semaphore, #tpu.memory_space<semaphore_mem>>)
      %add3A_65 = arith.constant 63 : i32
      %add3A_66 = arith.addi %scan3A_54, %add3A_65 : i32
      %jit3A = arith.constant 64 : i32
      %div3A = arith.divsi %add3A_66, %jit3A : i32
      %sign3A = arith.constant 0 : i32
      %sign3A_67 = arith.cmpi sgt, %add3A_66, %sign3A : i32
      %sign3A_68 = arith.extui %sign3A_67 : i1 to i32
      %sign3A_69 = arith.constant 0 : i32
      %sign3A_70 = arith.cmpi slt, %add3A_66, %sign3A_69 : i32
      %sign3A_71 = arith.extui %sign3A_70 : i1 to i32
      %sign3A_72 = arith.subi %sign3A_68, %sign3A_71 : i32
      %sign3A_73 = arith.constant 0 : i32
      %sign3A_74 = arith.cmpi sgt, %jit3A, %sign3A_73 : i32
      %sign3A_75 = arith.extui %sign3A_74 : i1 to i32
      %sign3A_76 = arith.constant 0 : i32
      %sign3A_77 = arith.cmpi slt, %jit3A, %sign3A_76 : i32
      %sign3A_78 = arith.extui %sign3A_77 : i1 to i32
      %sign3A_79 = arith.subi %sign3A_75, %sign3A_78 : i32
      %ne3A = arith.cmpi ne, %sign3A_72, %sign3A_79 : i32
      %rem3A = arith.remsi %add3A_66, %jit3A : i32
      %ne3A_80 = arith.constant 0 : i32
      %ne3A_81 = arith.cmpi ne, %rem3A, %ne3A_80 : i32
      %and3A = arith.andi %ne3A, %ne3A_81 : i1
      %sub3A = arith.constant 1 : i32
      %sub3A_82 = arith.subi %div3A, %sub3A : i32
      %select_n3A = arith.select %and3A, %sub3A_82, %div3A : i32
      %while3A = arith.constant 0 : i32
      %while3A_83 = arith.constant 0 : i32
      %while3A_84 = arith.subi %select_n3A, %while3A_83 : i32
      %while3A_85 = arith.addi %while3A_83, %while3A_84 : i32
      %while3A_86 = arith.constant 1 : i32
      %while3A_87 = arith.divsi %while3A_84, %while3A_86 : i32
      %while3A_88 = arith.muli %while3A_87, %while3A_86 : i32
      %while3A_89 = arith.addi %while3A_83, %while3A_88 : i32
      %while3A_90 = arith.constant 1 : i32
      scf.for %while3A_92 = %while3A_83 to %while3A_89 step %while3A_90  : i32 {
        %mul3A_93 = arith.constant 64 : i32
        %mul3A_94 = arith.muli %while3A_92, %mul3A_93 : i32
        %dma_start3A_95 = tpu.memref_slice %arg14[%mul3A_94] : memref<1616xi32, #tpu.memory_space<vmem>> -> memref<64xi32, #tpu.memory_space<vmem>>
        %dma_start3A_96 = arith.constant 0 : i32
        %dma_start3A_97 = arith.constant 0 : i32
        %dma_start3A_98 = tpu.memref_slice %arg5[%dma_start3A_96, %dma_start3A_97] : memref<10240x256xf32, #tpu.memory_space<hbm>> -> memref<10240x256xf32, #tpu.memory_space<hbm>>
        tpu.enqueue_indirect_dma source(%dma_start3A_98 : memref<10240x256xf32, #tpu.memory_space<hbm>>) target(%arg17 : memref<64x256xf32, #tpu.memory_space<vmem>>) offsets(%dma_start3A_95 : memref<64xi32, #tpu.memory_space<vmem>>) semaphore(%arg23 : memref<!tpu.dma_semaphore, #tpu.memory_space<semaphore_mem>>)
        %dma_start3A_99 = tpu.memref_slice %arg14[%mul3A_94] : memref<1616xi32, #tpu.memory_space<vmem>> -> memref<64xi32, #tpu.memory_space<vmem>>
        %dma_start3A_100 = arith.constant 0 : i32
        %dma_start3A_101 = arith.constant 0 : i32
        %dma_start3A_102 = tpu.memref_slice %arg4[%dma_start3A_100, %dma_start3A_101] : memref<10240x64xi32, #tpu.memory_space<hbm>> -> memref<10240x64xi32, #tpu.memory_space<hbm>>
        tpu.enqueue_indirect_dma source(%dma_start3A_102 : memref<10240x64xi32, #tpu.memory_space<hbm>>) target(%arg18 : memref<64x64xi32, #tpu.memory_space<vmem>>) offsets(%dma_start3A_99 : memref<64xi32, #tpu.memory_space<vmem>>) semaphore(%arg24 : memref<!tpu.dma_semaphore, #tpu.memory_space<semaphore_mem>>)
        %dma_wait3A_103 = tpu.memref_slice %arg14[%mul3A_94] : memref<1616xi32, #tpu.memory_space<vmem>> -> memref<64xi32, #tpu.memory_space<vmem>>
        %dma_wait3A_104 = arith.constant 0 : i32
        %dma_wait3A_105 = arith.constant 0 : i32
        %dma_wait3A_106 = tpu.memref_slice %arg5[%dma_wait3A_104, %dma_wait3A_105] : memref<10240x256xf32, #tpu.memory_space<hbm>> -> memref<10240x256xf32, #tpu.memory_space<hbm>>
        tpu.wait_indirect_dma semaphore(%arg23 : memref<!tpu.dma_semaphore, #tpu.memory_space<semaphore_mem>>) src(%dma_wait3A_106 : memref<10240x256xf32, #tpu.memory_space<hbm>>) dst(%arg17 : memref<64x256xf32, #tpu.memory_space<vmem>>)
        %dma_wait3A_107 = tpu.memref_slice %arg14[%mul3A_94] : memref<1616xi32, #tpu.memory_space<vmem>> -> memref<64xi32, #tpu.memory_space<vmem>>
        %dma_wait3A_108 = arith.constant 0 : i32
        %dma_wait3A_109 = arith.constant 0 : i32
        %dma_wait3A_110 = tpu.memref_slice %arg4[%dma_wait3A_108, %dma_wait3A_109] : memref<10240x64xi32, #tpu.memory_space<hbm>> -> memref<10240x64xi32, #tpu.memory_space<hbm>>
        tpu.wait_indirect_dma semaphore(%arg24 : memref<!tpu.dma_semaphore, #tpu.memory_space<semaphore_mem>>) src(%dma_wait3A_110 : memref<10240x64xi32, #tpu.memory_space<hbm>>) dst(%arg18 : memref<64x64xi32, #tpu.memory_space<vmem>>)
        %sub3A_111 = arith.subi %scan3A_54, %mul3A_94 : i32
        %min3A_112 = arith.constant 64 : i32
        %min3A_113 = arith.minsi %min3A_112, %sub3A_111 : i32
        %while3A_114 = arith.constant 0 : i32
        %while3A_115 = arith.constant 0 : i32
        %while3A_116 = arith.subi %min3A_113, %while3A_115 : i32
        %while3A_117 = arith.addi %while3A_115, %while3A_116 : i32
        %while3A_118 = arith.constant 1 : i32
        %while3A_119 = arith.divsi %while3A_116, %while3A_118 : i32
        %while3A_120 = arith.muli %while3A_119, %while3A_118 : i32
        %while3A_121 = arith.addi %while3A_115, %while3A_120 : i32
        %while3A_122 = arith.constant 1 : i32
        scf.for %while3A_124 = %while3A_115 to %while3A_121 step %while3A_122  : i32 {
          %add3A_125 = arith.addi %mul3A_94, %while3A_124 : i32
          %get3A = arith.index_cast %add3A_125 : i32 to index
          %get3A_126 = tpu.vector_load %arg15[%get3A] {strides = array<i32>} : memref<1616xi32, #tpu.memory_space<vmem>>, vector<16xi32>,
          %slice3A = vector.extract_strided_slice %get3A_126 {offsets = [0], sizes = [1], strides = [1]} : vector<16xi32> to vector<1xi32>
          %squeeze3A = vector.extract %slice3A[0] : i32 from vector<1xi32>
          %get3A_127 = arith.index_cast %squeeze3A : i32 to index
          %get3A_128 = arith.constant 0 : index
          %get3A_129 = tpu.vector_load %arg10[%get3A_127, %get3A_128] {strides = array<i32>} : memref<320x256xf32, #tpu.memory_space<vmem>>, vector<16xf32>,
          %get3A_130 = arith.index_cast %while3A_124 : i32 to index
          %get3A_131 = arith.constant 0 : index
          %get3A_132 = tpu.vector_load %arg17[%get3A_130, %get3A_131] {strides = array<i32>} : memref<64x256xf32, #tpu.memory_space<vmem>>, vector<16xf32>,
          %max3A = arith.maximumf %get3A_129, %get3A_132 : vector<16xf32>
          %swap3A_133 = arith.index_cast %squeeze3A : i32 to index
          %swap3A_134 = arith.constant 0 : index
          %swap3A_135 = tpu.vector_load %arg10[%swap3A_133, %swap3A_134] {strides = array<i32>} : memref<320x256xf32, #tpu.memory_space<vmem>>, vector<16xf32>,
          tpu.vector_store %arg10[%swap3A_133, %swap3A_134], %max3A {strides = array<i32>} : memref<320x256xf32, #tpu.memory_space<vmem>>, vector<16xf32>,
          %get3A_136 = arith.index_cast %squeeze3A : i32 to index
          %get3A_137 = arith.constant 16 : index
          %get3A_138 = tpu.vector_load %arg10[%get3A_136, %get3A_137] {strides = array<i32>} : memref<320x256xf32, #tpu.memory_space<vmem>>, vector<16xf32>,
          %get3A_139 = arith.index_cast %while3A_124 : i32 to index
          %get3A_140 = arith.constant 16 : index
          %get3A_141 = tpu.vector_load %arg17[%get3A_139, %get3A_140] {strides = array<i32>} : memref<64x256xf32, #tpu.memory_space<vmem>>, vector<16xf32>,
          %max3A_142 = arith.maximumf %get3A_138, %get3A_141 : vector<16xf32>
          %swap3A_143 = arith.index_cast %squeeze3A : i32 to index
          %swap3A_144 = arith.constant 16 : index
          %swap3A_145 = tpu.vector_load %arg10[%swap3A_143, %swap3A_144] {strides = array<i32>} : memref<320x256xf32, #tpu.memory_space<vmem>>, vector<16xf32>,
          tpu.vector_store %arg10[%swap3A_143, %swap3A_144], %max3A_142 {strides = array<i32>} : memref<320x256xf32, #tpu.memory_space<vmem>>, vector<16xf32>,
          %get3A_146 = arith.index_cast %squeeze3A : i32 to index
          %get3A_147 = arith.constant 32 : index
          %get3A_148 = tpu.vector_load %arg10[%get3A_146, %get3A_147] {strides = array<i32>} : memref<320x256xf32, #tpu.memory_space<vmem>>, vector<16xf32>,
          %get3A_149 = arith.index_cast %while3A_124 : i32 to index
          %get3A_150 = arith.constant 32 : index
          %get3A_151 = tpu.vector_load %arg17[%get3A_149, %get3A_150] {strides = array<i32>} : memref<64x256xf32, #tpu.memory_space<vmem>>, vector<16xf32>,
          %max3A_152 = arith.maximumf %get3A_148, %get3A_151 : vector<16xf32>
          %swap3A_153 = arith.index_cast %squeeze3A : i32 to index
          %swap3A_154 = arith.constant 32 : index
          %swap3A_155 = tpu.vector_load %arg10[%swap3A_153, %swap3A_154] {strides = array<i32>} : memref<320x256xf32, #tpu.memory_space<vmem>>, vector<16xf32>,
          tpu.vector_store %arg10[%swap3A_153, %swap3A_154], %max3A_152 {strides = array<i32>} : memref<320x256xf32, #tpu.memory_space<vmem>>, vector<16xf32>,
          %get3A_156 = arith.index_cast %squeeze3A : i32 to index
          %get3A_157 = arith.constant 48 : index
          %get3A_158 = tpu.vector_load %arg10[%get3A_156, %get3A_157] {strides = array<i32>} : memref<320x256xf32, #tpu.memory_space<vmem>>, vector<16xf32>,
          %get3A_159 = arith.index_cast %while3A_124 : i32 to index
          %get3A_160 = arith.constant 48 : index
          %get3A_161 = tpu.vector_load %arg17[%get3A_159, %get3A_160] {strides = array<i32>} : memref<64x256xf32, #tpu.memory_space<vmem>>, vector<16xf32>,
          %max3A_162 = arith.maximumf %get3A_158, %get3A_161 : vector<16xf32>
          %swap3A_163 = arith.index_cast %squeeze3A : i32 to index
          %swap3A_164 = arith.constant 48 : index
          %swap3A_165 = tpu.vector_load %arg10[%swap3A_163, %swap3A_164] {strides = array<i32>} : memref<320x256xf32, #tpu.memory_space<vmem>>, vector<16xf32>,
          tpu.vector_store %arg10[%swap3A_163, %swap3A_164], %max3A_162 {strides = array<i32>} : memref<320x256xf32, #tpu.memory_space<vmem>>, vector<16xf32>,
          %get3A_166 = arith.index_cast %squeeze3A : i32 to index
          %get3A_167 = arith.constant 64 : index
          %get3A_168 = tpu.vector_load %arg10[%get3A_166, %get3A_167] {strides = array<i32>} : memref<320x256xf32, #tpu.memory_space<vmem>>, vector<16xf32>,
          %get3A_169 = arith.index_cast %while3A_124 : i32 to index
          %get3A_170 = arith.constant 64 : index
          %get3A_171 = tpu.vector_load %arg17[%get3A_169, %get3A_170] {strides = array<i32>} : memref<64x256xf32, #tpu.memory_space<vmem>>, vector<16xf32>,
          %max3A_172 = arith.maximumf %get3A_168, %get3A_171 : vector<16xf32>
          %swap3A_173 = arith.index_cast %squeeze3A : i32 to index
          %swap3A_174 = arith.constant 64 : index
          %swap3A_175 = tpu.vector_load %arg10[%swap3A_173, %swap3A_174] {strides = array<i32>} : memref<320x256xf32, #tpu.memory_space<vmem>>, vector<16xf32>,
          tpu.vector_store %arg10[%swap3A_173, %swap3A_174], %max3A_172 {strides = array<i32>} : memref<320x256xf32, #tpu.memory_space<vmem>>, vector<16xf32>,
          %get3A_176 = arith.index_cast %squeeze3A : i32 to index
          %get3A_177 = arith.constant 80 : index
          %get3A_178 = tpu.vector_load %arg10[%get3A_176, %get3A_177] {strides = array<i32>} : memref<320x256xf32, #tpu.memory_space<vmem>>, vector<16xf32>,
          %get3A_179 = arith.index_cast %while3A_124 : i32 to index
          %get3A_180 = arith.constant 80 : index
          %get3A_181 = tpu.vector_load %arg17[%get3A_179, %get3A_180] {strides = array<i32>} : memref<64x256xf32, #tpu.memory_space<vmem>>, vector<16xf32>,
          %max3A_182 = arith.maximumf %get3A_178, %get3A_181 : vector<16xf32>
          %swap3A_183 = arith.index_cast %squeeze3A : i32 to index
          %swap3A_184 = arith.constant 80 : index
          %swap3A_185 = tpu.vector_load %arg10[%swap3A_183, %swap3A_184] {strides = array<i32>} : memref<320x256xf32, #tpu.memory_space<vmem>>, vector<16xf32>,
          tpu.vector_store %arg10[%swap3A_183, %swap3A_184], %max3A_182 {strides = array<i32>} : memref<320x256xf32, #tpu.memory_space<vmem>>, vector<16xf32>,
          %get3A_186 = arith.index_cast %squeeze3A : i32 to index
          %get3A_187 = arith.constant 96 : index
          %get3A_188 = tpu.vector_load %arg10[%get3A_186, %get3A_187] {strides = array<i32>} : memref<320x256xf32, #tpu.memory_space<vmem>>, vector<16xf32>,
          %get3A_189 = arith.index_cast %while3A_124 : i32 to index
          %get3A_190 = arith.constant 96 : index
          %get3A_191 = tpu.vector_load %arg17[%get3A_189, %get3A_190] {strides = array<i32>} : memref<64x256xf32, #tpu.memory_space<vmem>>, vector<16xf32>,
          %max3A_192 = arith.maximumf %get3A_188, %get3A_191 : vector<16xf32>
          %swap3A_193 = arith.index_cast %squeeze3A : i32 to index
          %swap3A_194 = arith.constant 96 : index
          %swap3A_195 = tpu.vector_load %arg10[%swap3A_193, %swap3A_194] {strides = array<i32>} : memref<320x256xf32, #tpu.memory_space<vmem>>, vector<16xf32>,
          tpu.vector_store %arg10[%swap3A_193, %swap3A_194], %max3A_192 {strides = array<i32>} : memref<320x256xf32, #tpu.memory_space<vmem>>, vector<16xf32>,
          %get3A_196 = arith.index_cast %squeeze3A : i32 to index
          %get3A_197 = arith.constant 112 : index
          %get3A_198 = tpu.vector_load %arg10[%get3A_196, %get3A_197] {strides = array<i32>} : memref<320x256xf32, #tpu.memory_space<vmem>>, vector<16xf32>,
          %get3A_199 = arith.index_cast %while3A_124 : i32 to index
          %get3A_200 = arith.constant 112 : index
          %get3A_201 = tpu.vector_load %arg17[%get3A_199, %get3A_200] {strides = array<i32>} : memref<64x256xf32, #tpu.memory_space<vmem>>, vector<16xf32>,
          %max3A_202 = arith.maximumf %get3A_198, %get3A_201 : vector<16xf32>
          %swap3A_203 = arith.index_cast %squeeze3A : i32 to index
          %swap3A_204 = arith.constant 112 : index
          %swap3A_205 = tpu.vector_load %arg10[%swap3A_203, %swap3A_204] {strides = array<i32>} : memref<320x256xf32, #tpu.memory_space<vmem>>, vector<16xf32>,
          tpu.vector_store %arg10[%swap3A_203, %swap3A_204], %max3A_202 {strides = array<i32>} : memref<320x256xf32, #tpu.memory_space<vmem>>, vector<16xf32>,
          %get3A_206 = arith.index_cast %squeeze3A : i32 to index
          %get3A_207 = arith.constant 128 : index
          %get3A_208 = tpu.vector_load %arg10[%get3A_206, %get3A_207] {strides = array<i32>} : memref<320x256xf32, #tpu.memory_space<vmem>>, vector<16xf32>,
          %get3A_209 = arith.index_cast %while3A_124 : i32 to index
          %get3A_210 = arith.constant 128 : index
          %get3A_211 = tpu.vector_load %arg17[%get3A_209, %get3A_210] {strides = array<i32>} : memref<64x256xf32, #tpu.memory_space<vmem>>, vector<16xf32>,
          %max3A_212 = arith.maximumf %get3A_208, %get3A_211 : vector<16xf32>
          %swap3A_213 = arith.index_cast %squeeze3A : i32 to index
          %swap3A_214 = arith.constant 128 : index
          %swap3A_215 = tpu.vector_load %arg10[%swap3A_213, %swap3A_214] {strides = array<i32>} : memref<320x256xf32, #tpu.memory_space<vmem>>, vector<16xf32>,
          tpu.vector_store %arg10[%swap3A_213, %swap3A_214], %max3A_212 {strides = array<i32>} : memref<320x256xf32, #tpu.memory_space<vmem>>, vector<16xf32>,
          %get3A_216 = arith.index_cast %squeeze3A : i32 to index
          %get3A_217 = arith.constant 144 : index
          %get3A_218 = tpu.vector_load %arg10[%get3A_216, %get3A_217] {strides = array<i32>} : memref<320x256xf32, #tpu.memory_space<vmem>>, vector<16xf32>,
          %get3A_219 = arith.index_cast %while3A_124 : i32 to index
          %get3A_220 = arith.constant 144 : index
          %get3A_221 = tpu.vector_load %arg17[%get3A_219, %get3A_220] {strides = array<i32>} : memref<64x256xf32, #tpu.memory_space<vmem>>, vector<16xf32>,
          %max3A_222 = arith.maximumf %get3A_218, %get3A_221 : vector<16xf32>
          %swap3A_223 = arith.index_cast %squeeze3A : i32 to index
          %swap3A_224 = arith.constant 144 : index
          %swap3A_225 = tpu.vector_load %arg10[%swap3A_223, %swap3A_224] {strides = array<i32>} : memref<320x256xf32, #tpu.memory_space<vmem>>, vector<16xf32>,
          tpu.vector_store %arg10[%swap3A_223, %swap3A_224], %max3A_222 {strides = array<i32>} : memref<320x256xf32, #tpu.memory_space<vmem>>, vector<16xf32>,
          %get3A_226 = arith.index_cast %squeeze3A : i32 to index
          %get3A_227 = arith.constant 160 : index
          %get3A_228 = tpu.vector_load %arg10[%get3A_226, %get3A_227] {strides = array<i32>} : memref<320x256xf32, #tpu.memory_space<vmem>>, vector<16xf32>,
          %get3A_229 = arith.index_cast %while3A_124 : i32 to index
          %get3A_230 = arith.constant 160 : index
          %get3A_231 = tpu.vector_load %arg17[%get3A_229, %get3A_230] {strides = array<i32>} : memref<64x256xf32, #tpu.memory_space<vmem>>, vector<16xf32>,
          %max3A_232 = arith.maximumf %get3A_228, %get3A_231 : vector<16xf32>
          %swap3A_233 = arith.index_cast %squeeze3A : i32 to index
          %swap3A_234 = arith.constant 160 : index
          %swap3A_235 = tpu.vector_load %arg10[%swap3A_233, %swap3A_234] {strides = array<i32>} : memref<320x256xf32, #tpu.memory_space<vmem>>, vector<16xf32>,
          tpu.vector_store %arg10[%swap3A_233, %swap3A_234], %max3A_232 {strides = array<i32>} : memref<320x256xf32, #tpu.memory_space<vmem>>, vector<16xf32>,
          %get3A_236 = arith.index_cast %squeeze3A : i32 to index
          %get3A_237 = arith.constant 176 : index
          %get3A_238 = tpu.vector_load %arg10[%get3A_236, %get3A_237] {strides = array<i32>} : memref<320x256xf32, #tpu.memory_space<vmem>>, vector<16xf32>,
          %get3A_239 = arith.index_cast %while3A_124 : i32 to index
          %get3A_240 = arith.constant 176 : index
          %get3A_241 = tpu.vector_load %arg17[%get3A_239, %get3A_240] {strides = array<i32>} : memref<64x256xf32, #tpu.memory_space<vmem>>, vector<16xf32>,
          %max3A_242 = arith.maximumf %get3A_238, %get3A_241 : vector<16xf32>
          %swap3A_243 = arith.index_cast %squeeze3A : i32 to index
          %swap3A_244 = arith.constant 176 : index
          %swap3A_245 = tpu.vector_load %arg10[%swap3A_243, %swap3A_244] {strides = array<i32>} : memref<320x256xf32, #tpu.memory_space<vmem>>, vector<16xf32>,
          tpu.vector_store %arg10[%swap3A_243, %swap3A_244], %max3A_242 {strides = array<i32>} : memref<320x256xf32, #tpu.memory_space<vmem>>, vector<16xf32>,
          %get3A_246 = arith.index_cast %squeeze3A : i32 to index
          %get3A_247 = arith.constant 192 : index
          %get3A_248 = tpu.vector_load %arg10[%get3A_246, %get3A_247] {strides = array<i32>} : memref<320x256xf32, #tpu.memory_space<vmem>>, vector<16xf32>,
          %get3A_249 = arith.index_cast %while3A_124 : i32 to index
          %get3A_250 = arith.constant 192 : index
          %get3A_251 = tpu.vector_load %arg17[%get3A_249, %get3A_250] {strides = array<i32>} : memref<64x256xf32, #tpu.memory_space<vmem>>, vector<16xf32>,
          %max3A_252 = arith.maximumf %get3A_248, %get3A_251 : vector<16xf32>
          %swap3A_253 = arith.index_cast %squeeze3A : i32 to index
          %swap3A_254 = arith.constant 192 : index
          %swap3A_255 = tpu.vector_load %arg10[%swap3A_253, %swap3A_254] {strides = array<i32>} : memref<320x256xf32, #tpu.memory_space<vmem>>, vector<16xf32>,
          tpu.vector_store %arg10[%swap3A_253, %swap3A_254], %max3A_252 {strides = array<i32>} : memref<320x256xf32, #tpu.memory_space<vmem>>, vector<16xf32>,
          %get3A_256 = arith.index_cast %squeeze3A : i32 to index
          %get3A_257 = arith.constant 208 : index
          %get3A_258 = tpu.vector_load %arg10[%get3A_256, %get3A_257] {strides = array<i32>} : memref<320x256xf32, #tpu.memory_space<vmem>>, vector<16xf32>,
          %get3A_259 = arith.index_cast %while3A_124 : i32 to index
          %get3A_260 = arith.constant 208 : index
          %get3A_261 = tpu.vector_load %arg17[%get3A_259, %get3A_260] {strides = array<i32>} : memref<64x256xf32, #tpu.memory_space<vmem>>, vector<16xf32>,
          %max3A_262 = arith.maximumf %get3A_258, %get3A_261 : vector<16xf32>
          %swap3A_263 = arith.index_cast %squeeze3A : i32 to index
          %swap3A_264 = arith.constant 208 : index
          %swap3A_265 = tpu.vector_load %arg10[%swap3A_263, %swap3A_264] {strides = array<i32>} : memref<320x256xf32, #tpu.memory_space<vmem>>, vector<16xf32>,
          tpu.vector_store %arg10[%swap3A_263, %swap3A_264], %max3A_262 {strides = array<i32>} : memref<320x256xf32, #tpu.memory_space<vmem>>, vector<16xf32>,
          %get3A_266 = arith.index_cast %squeeze3A : i32 to index
          %get3A_267 = arith.constant 224 : index
          %get3A_268 = tpu.vector_load %arg10[%get3A_266, %get3A_267] {strides = array<i32>} : memref<320x256xf32, #tpu.memory_space<vmem>>, vector<16xf32>,
          %get3A_269 = arith.index_cast %while3A_124 : i32 to index
          %get3A_270 = arith.constant 224 : index
          %get3A_271 = tpu.vector_load %arg17[%get3A_269, %get3A_270] {strides = array<i32>} : memref<64x256xf32, #tpu.memory_space<vmem>>, vector<16xf32>,
          %max3A_272 = arith.maximumf %get3A_268, %get3A_271 : vector<16xf32>
          %swap3A_273 = arith.index_cast %squeeze3A : i32 to index
          %swap3A_274 = arith.constant 224 : index
          %swap3A_275 = tpu.vector_load %arg10[%swap3A_273, %swap3A_274] {strides = array<i32>} : memref<320x256xf32, #tpu.memory_space<vmem>>, vector<16xf32>,
          tpu.vector_store %arg10[%swap3A_273, %swap3A_274], %max3A_272 {strides = array<i32>} : memref<320x256xf32, #tpu.memory_space<vmem>>, vector<16xf32>,
          %get3A_276 = arith.index_cast %squeeze3A : i32 to index
          %get3A_277 = arith.constant 240 : index
          %get3A_278 = tpu.vector_load %arg10[%get3A_276, %get3A_277] {strides = array<i32>} : memref<320x256xf32, #tpu.memory_space<vmem>>, vector<16xf32>,
          %get3A_279 = arith.index_cast %while3A_124 : i32 to index
          %get3A_280 = arith.constant 240 : index
          %get3A_281 = tpu.vector_load %arg17[%get3A_279, %get3A_280] {strides = array<i32>} : memref<64x256xf32, #tpu.memory_space<vmem>>, vector<16xf32>,
          %max3A_282 = arith.maximumf %get3A_278, %get3A_281 : vector<16xf32>
          %swap3A_283 = arith.index_cast %squeeze3A : i32 to index
          %swap3A_284 = arith.constant 240 : index
          %swap3A_285 = tpu.vector_load %arg10[%swap3A_283, %swap3A_284] {strides = array<i32>} : memref<320x256xf32, #tpu.memory_space<vmem>>, vector<16xf32>,
          tpu.vector_store %arg10[%swap3A_283, %swap3A_284], %max3A_282 {strides = array<i32>} : memref<320x256xf32, #tpu.memory_space<vmem>>, vector<16xf32>,
          %get3A_286 = arith.index_cast %squeeze3A : i32 to index
          %get3A_287 = arith.constant 0 : index
          %get3A_288 = tpu.vector_load %arg11[%get3A_286, %get3A_287] {strides = array<i32>} : memref<320x64xi32, #tpu.memory_space<vmem>>, vector<16xi32>,
          %get3A_289 = arith.index_cast %while3A_124 : i32 to index
          %get3A_290 = arith.constant 0 : index
          %get3A_291 = tpu.vector_load %arg18[%get3A_289, %get3A_290] {strides = array<i32>} : memref<64x64xi32, #tpu.memory_space<vmem>>, vector<16xi32>,
          %min3A_292 = arith.minsi %get3A_288, %get3A_291 : vector<16xi32>
          %swap3A_293 = arith.index_cast %squeeze3A : i32 to index
          %swap3A_294 = arith.constant 0 : index
          %swap3A_295 = tpu.vector_load %arg11[%swap3A_293, %swap3A_294] {strides = array<i32>} : memref<320x64xi32, #tpu.memory_space<vmem>>, vector<16xi32>,
          tpu.vector_store %arg11[%swap3A_293, %swap3A_294], %min3A_292 {strides = array<i32>} : memref<320x64xi32, #tpu.memory_space<vmem>>, vector<16xi32>,
          %get3A_296 = arith.index_cast %squeeze3A : i32 to index
          %get3A_297 = arith.constant 16 : index
          %get3A_298 = tpu.vector_load %arg11[%get3A_296, %get3A_297] {strides = array<i32>} : memref<320x64xi32, #tpu.memory_space<vmem>>, vector<16xi32>,
          %get3A_299 = arith.index_cast %while3A_124 : i32 to index
          %get3A_300 = arith.constant 16 : index
          %get3A_301 = tpu.vector_load %arg18[%get3A_299, %get3A_300] {strides = array<i32>} : memref<64x64xi32, #tpu.memory_space<vmem>>, vector<16xi32>,
          %min3A_302 = arith.minsi %get3A_298, %get3A_301 : vector<16xi32>
          %swap3A_303 = arith.index_cast %squeeze3A : i32 to index
          %swap3A_304 = arith.constant 16 : index
          %swap3A_305 = tpu.vector_load %arg11[%swap3A_303, %swap3A_304] {strides = array<i32>} : memref<320x64xi32, #tpu.memory_space<vmem>>, vector<16xi32>,
          tpu.vector_store %arg11[%swap3A_303, %swap3A_304], %min3A_302 {strides = array<i32>} : memref<320x64xi32, #tpu.memory_space<vmem>>, vector<16xi32>,
          %get3A_306 = arith.index_cast %squeeze3A : i32 to index
          %get3A_307 = arith.constant 32 : index
          %get3A_308 = tpu.vector_load %arg11[%get3A_306, %get3A_307] {strides = array<i32>} : memref<320x64xi32, #tpu.memory_space<vmem>>, vector<16xi32>,
          %get3A_309 = arith.index_cast %while3A_124 : i32 to index
          %get3A_310 = arith.constant 32 : index
          %get3A_311 = tpu.vector_load %arg18[%get3A_309, %get3A_310] {strides = array<i32>} : memref<64x64xi32, #tpu.memory_space<vmem>>, vector<16xi32>,
          %min3A_312 = arith.minsi %get3A_308, %get3A_311 : vector<16xi32>
          %swap3A_313 = arith.index_cast %squeeze3A : i32 to index
          %swap3A_314 = arith.constant 32 : index
          %swap3A_315 = tpu.vector_load %arg11[%swap3A_313, %swap3A_314] {strides = array<i32>} : memref<320x64xi32, #tpu.memory_space<vmem>>, vector<16xi32>,
          tpu.vector_store %arg11[%swap3A_313, %swap3A_314], %min3A_312 {strides = array<i32>} : memref<320x64xi32, #tpu.memory_space<vmem>>, vector<16xi32>,
          %get3A_316 = arith.index_cast %squeeze3A : i32 to index
          %get3A_317 = arith.constant 48 : index
          %get3A_318 = tpu.vector_load %arg11[%get3A_316, %get3A_317] {strides = array<i32>} : memref<320x64xi32, #tpu.memory_space<vmem>>, vector<16xi32>,
          %get3A_319 = arith.index_cast %while3A_124 : i32 to index
          %get3A_320 = arith.constant 48 : index
          %get3A_321 = tpu.vector_load %arg18[%get3A_319, %get3A_320] {strides = array<i32>} : memref<64x64xi32, #tpu.memory_space<vmem>>, vector<16xi32>,
          %min3A_322 = arith.minsi %get3A_318, %get3A_321 : vector<16xi32>
          %swap3A_323 = arith.index_cast %squeeze3A : i32 to index
          %swap3A_324 = arith.constant 48 : index
          %swap3A_325 = tpu.vector_load %arg11[%swap3A_323, %swap3A_324] {strides = array<i32>} : memref<320x64xi32, #tpu.memory_space<vmem>>, vector<16xi32>,
          tpu.vector_store %arg11[%swap3A_323, %swap3A_324], %min3A_322 {strides = array<i32>} : memref<320x64xi32, #tpu.memory_space<vmem>>, vector<16xi32>,
        }
        %while3A_123 = arith.constant 1 : i32
        scf.for %while3A_124 = %while3A_121 to %while3A_117 step %while3A_123  : i32 {
          %add3A_125 = arith.addi %mul3A_94, %while3A_124 : i32
          %get3A = arith.index_cast %add3A_125 : i32 to index
          %get3A_126 = tpu.vector_load %arg15[%get3A] {strides = array<i32>} : memref<1616xi32, #tpu.memory_space<vmem>>, vector<16xi32>,
          %slice3A = vector.extract_strided_slice %get3A_126 {offsets = [0], sizes = [1], strides = [1]} : vector<16xi32> to vector<1xi32>
          %squeeze3A = vector.extract %slice3A[0] : i32 from vector<1xi32>
          %get3A_127 = arith.index_cast %squeeze3A : i32 to index
          %get3A_128 = arith.constant 0 : index
          %get3A_129 = tpu.vector_load %arg10[%get3A_127, %get3A_128] {strides = array<i32>} : memref<320x256xf32, #tpu.memory_space<vmem>>, vector<16xf32>,
          %get3A_130 = arith.index_cast %while3A_124 : i32 to index
          %get3A_131 = arith.constant 0 : index
          %get3A_132 = tpu.vector_load %arg17[%get3A_130, %get3A_131] {strides = array<i32>} : memref<64x256xf32, #tpu.memory_space<vmem>>, vector<16xf32>,
          %max3A = arith.maximumf %get3A_129, %get3A_132 : vector<16xf32>
          %swap3A_133 = arith.index_cast %squeeze3A : i32 to index
          %swap3A_134 = arith.constant 0 : index
          %swap3A_135 = tpu.vector_load %arg10[%swap3A_133, %swap3A_134] {strides = array<i32>} : memref<320x256xf32, #tpu.memory_space<vmem>>, vector<16xf32>,
          tpu.vector_store %arg10[%swap3A_133, %swap3A_134], %max3A {strides = array<i32>} : memref<320x256xf32, #tpu.memory_space<vmem>>, vector<16xf32>,
          %get3A_136 = arith.index_cast %squeeze3A : i32 to index
          %get3A_137 = arith.constant 16 : index
          %get3A_138 = tpu.vector_load %arg10[%get3A_136, %get3A_137] {strides = array<i32>} : memref<320x256xf32, #tpu.memory_space<vmem>>, vector<16xf32>,
          %get3A_139 = arith.index_cast %while3A_124 : i32 to index
          %get3A_140 = arith.constant 16 : index
          %get3A_141 = tpu.vector_load %arg17[%get3A_139, %get3A_140] {strides = array<i32>} : memref<64x256xf32, #tpu.memory_space<vmem>>, vector<16xf32>,
          %max3A_142 = arith.maximumf %get3A_138, %get3A_141 : vector<16xf32>
          %swap3A_143 = arith.index_cast %squeeze3A : i32 to index
          %swap3A_144 = arith.constant 16 : index
          %swap3A_145 = tpu.vector_load %arg10[%swap3A_143, %swap3A_144] {strides = array<i32>} : memref<320x256xf32, #tpu.memory_space<vmem>>, vector<16xf32>,
          tpu.vector_store %arg10[%swap3A_143, %swap3A_144], %max3A_142 {strides = array<i32>} : memref<320x256xf32, #tpu.memory_space<vmem>>, vector<16xf32>,
          %get3A_146 = arith.index_cast %squeeze3A : i32 to index
          %get3A_147 = arith.constant 32 : index
          %get3A_148 = tpu.vector_load %arg10[%get3A_146, %get3A_147] {strides = array<i32>} : memref<320x256xf32, #tpu.memory_space<vmem>>, vector<16xf32>,
          %get3A_149 = arith.index_cast %while3A_124 : i32 to index
          %get3A_150 = arith.constant 32 : index
          %get3A_151 = tpu.vector_load %arg17[%get3A_149, %get3A_150] {strides = array<i32>} : memref<64x256xf32, #tpu.memory_space<vmem>>, vector<16xf32>,
          %max3A_152 = arith.maximumf %get3A_148, %get3A_151 : vector<16xf32>
          %swap3A_153 = arith.index_cast %squeeze3A : i32 to index
          %swap3A_154 = arith.constant 32 : index
          %swap3A_155 = tpu.vector_load %arg10[%swap3A_153, %swap3A_154] {strides = array<i32>} : memref<320x256xf32, #tpu.memory_space<vmem>>, vector<16xf32>,
          tpu.vector_store %arg10[%swap3A_153, %swap3A_154], %max3A_152 {strides = array<i32>} : memref<320x256xf32, #tpu.memory_space<vmem>>, vector<16xf32>,
          %get3A_156 = arith.index_cast %squeeze3A : i32 to index
          %get3A_157 = arith.constant 48 : index
          %get3A_158 = tpu.vector_load %arg10[%get3A_156, %get3A_157] {strides = array<i32>} : memref<320x256xf32, #tpu.memory_space<vmem>>, vector<16xf32>,
          %get3A_159 = arith.index_cast %while3A_124 : i32 to index
          %get3A_160 = arith.constant 48 : index
          %get3A_161 = tpu.vector_load %arg17[%get3A_159, %get3A_160] {strides = array<i32>} : memref<64x256xf32, #tpu.memory_space<vmem>>, vector<16xf32>,
          %max3A_162 = arith.maximumf %get3A_158, %get3A_161 : vector<16xf32>
          %swap3A_163 = arith.index_cast %squeeze3A : i32 to index
          %swap3A_164 = arith.constant 48 : index
          %swap3A_165 = tpu.vector_load %arg10[%swap3A_163, %swap3A_164] {strides = array<i32>} : memref<320x256xf32, #tpu.memory_space<vmem>>, vector<16xf32>,
          tpu.vector_store %arg10[%swap3A_163, %swap3A_164], %max3A_162 {strides = array<i32>} : memref<320x256xf32, #tpu.memory_space<vmem>>, vector<16xf32>,
          %get3A_166 = arith.index_cast %squeeze3A : i32 to index
          %get3A_167 = arith.constant 64 : index
          %get3A_168 = tpu.vector_load %arg10[%get3A_166, %get3A_167] {strides = array<i32>} : memref<320x256xf32, #tpu.memory_space<vmem>>, vector<16xf32>,
          %get3A_169 = arith.index_cast %while3A_124 : i32 to index
          %get3A_170 = arith.constant 64 : index
          %get3A_171 = tpu.vector_load %arg17[%get3A_169, %get3A_170] {strides = array<i32>} : memref<64x256xf32, #tpu.memory_space<vmem>>, vector<16xf32>,
          %max3A_172 = arith.maximumf %get3A_168, %get3A_171 : vector<16xf32>
          %swap3A_173 = arith.index_cast %squeeze3A : i32 to index
          %swap3A_174 = arith.constant 64 : index
          %swap3A_175 = tpu.vector_load %arg10[%swap3A_173, %swap3A_174] {strides = array<i32>} : memref<320x256xf32, #tpu.memory_space<vmem>>, vector<16xf32>,
          tpu.vector_store %arg10[%swap3A_173, %swap3A_174], %max3A_172 {strides = array<i32>} : memref<320x256xf32, #tpu.memory_space<vmem>>, vector<16xf32>,
          %get3A_176 = arith.index_cast %squeeze3A : i32 to index
          %get3A_177 = arith.constant 80 : index
          %get3A_178 = tpu.vector_load %arg10[%get3A_176, %get3A_177] {strides = array<i32>} : memref<320x256xf32, #tpu.memory_space<vmem>>, vector<16xf32>,
          %get3A_179 = arith.index_cast %while3A_124 : i32 to index
          %get3A_180 = arith.constant 80 : index
          %get3A_181 = tpu.vector_load %arg17[%get3A_179, %get3A_180] {strides = array<i32>} : memref<64x256xf32, #tpu.memory_space<vmem>>, vector<16xf32>,
          %max3A_182 = arith.maximumf %get3A_178, %get3A_181 : vector<16xf32>
          %swap3A_183 = arith.index_cast %squeeze3A : i32 to index
          %swap3A_184 = arith.constant 80 : index
          %swap3A_185 = tpu.vector_load %arg10[%swap3A_183, %swap3A_184] {strides = array<i32>} : memref<320x256xf32, #tpu.memory_space<vmem>>, vector<16xf32>,
          tpu.vector_store %arg10[%swap3A_183, %swap3A_184], %max3A_182 {strides = array<i32>} : memref<320x256xf32, #tpu.memory_space<vmem>>, vector<16xf32>,
          %get3A_186 = arith.index_cast %squeeze3A : i32 to index
          %get3A_187 = arith.constant 96 : index
          %get3A_188 = tpu.vector_load %arg10[%get3A_186, %get3A_187] {strides = array<i32>} : memref<320x256xf32, #tpu.memory_space<vmem>>, vector<16xf32>,
          %get3A_189 = arith.index_cast %while3A_124 : i32 to index
          %get3A_190 = arith.constant 96 : index
          %get3A_191 = tpu.vector_load %arg17[%get3A_189, %get3A_190] {strides = array<i32>} : memref<64x256xf32, #tpu.memory_space<vmem>>, vector<16xf32>,
          %max3A_192 = arith.maximumf %get3A_188, %get3A_191 : vector<16xf32>
          %swap3A_193 = arith.index_cast %squeeze3A : i32 to index
          %swap3A_194 = arith.constant 96 : index
          %swap3A_195 = tpu.vector_load %arg10[%swap3A_193, %swap3A_194] {strides = array<i32>} : memref<320x256xf32, #tpu.memory_space<vmem>>, vector<16xf32>,
          tpu.vector_store %arg10[%swap3A_193, %swap3A_194], %max3A_192 {strides = array<i32>} : memref<320x256xf32, #tpu.memory_space<vmem>>, vector<16xf32>,
          %get3A_196 = arith.index_cast %squeeze3A : i32 to index
          %get3A_197 = arith.constant 112 : index
          %get3A_198 = tpu.vector_load %arg10[%get3A_196, %get3A_197] {strides = array<i32>} : memref<320x256xf32, #tpu.memory_space<vmem>>, vector<16xf32>,
          %get3A_199 = arith.index_cast %while3A_124 : i32 to index
          %get3A_200 = arith.constant 112 : index
          %get3A_201 = tpu.vector_load %arg17[%get3A_199, %get3A_200] {strides = array<i32>} : memref<64x256xf32, #tpu.memory_space<vmem>>, vector<16xf32>,
          %max3A_202 = arith.maximumf %get3A_198, %get3A_201 : vector<16xf32>
          %swap3A_203 = arith.index_cast %squeeze3A : i32 to index
          %swap3A_204 = arith.constant 112 : index
          %swap3A_205 = tpu.vector_load %arg10[%swap3A_203, %swap3A_204] {strides = array<i32>} : memref<320x256xf32, #tpu.memory_space<vmem>>, vector<16xf32>,
          tpu.vector_store %arg10[%swap3A_203, %swap3A_204], %max3A_202 {strides = array<i32>} : memref<320x256xf32, #tpu.memory_space<vmem>>, vector<16xf32>,
          %get3A_206 = arith.index_cast %squeeze3A : i32 to index
          %get3A_207 = arith.constant 128 : index
          %get3A_208 = tpu.vector_load %arg10[%get3A_206, %get3A_207] {strides = array<i32>} : memref<320x256xf32, #tpu.memory_space<vmem>>, vector<16xf32>,
          %get3A_209 = arith.index_cast %while3A_124 : i32 to index
          %get3A_210 = arith.constant 128 : index
          %get3A_211 = tpu.vector_load %arg17[%get3A_209, %get3A_210] {strides = array<i32>} : memref<64x256xf32, #tpu.memory_space<vmem>>, vector<16xf32>,
          %max3A_212 = arith.maximumf %get3A_208, %get3A_211 : vector<16xf32>
          %swap3A_213 = arith.index_cast %squeeze3A : i32 to index
          %swap3A_214 = arith.constant 128 : index
          %swap3A_215 = tpu.vector_load %arg10[%swap3A_213, %swap3A_214] {strides = array<i32>} : memref<320x256xf32, #tpu.memory_space<vmem>>, vector<16xf32>,
          tpu.vector_store %arg10[%swap3A_213, %swap3A_214], %max3A_212 {strides = array<i32>} : memref<320x256xf32, #tpu.memory_space<vmem>>, vector<16xf32>,
          %get3A_216 = arith.index_cast %squeeze3A : i32 to index
          %get3A_217 = arith.constant 144 : index
          %get3A_218 = tpu.vector_load %arg10[%get3A_216, %get3A_217] {strides = array<i32>} : memref<320x256xf32, #tpu.memory_space<vmem>>, vector<16xf32>,
          %get3A_219 = arith.index_cast %while3A_124 : i32 to index
          %get3A_220 = arith.constant 144 : index
          %get3A_221 = tpu.vector_load %arg17[%get3A_219, %get3A_220] {strides = array<i32>} : memref<64x256xf32, #tpu.memory_space<vmem>>, vector<16xf32>,
          %max3A_222 = arith.maximumf %get3A_218, %get3A_221 : vector<16xf32>
          %swap3A_223 = arith.index_cast %squeeze3A : i32 to index
          %swap3A_224 = arith.constant 144 : index
          %swap3A_225 = tpu.vector_load %arg10[%swap3A_223, %swap3A_224] {strides = array<i32>} : memref<320x256xf32, #tpu.memory_space<vmem>>, vector<16xf32>,
          tpu.vector_store %arg10[%swap3A_223, %swap3A_224], %max3A_222 {strides = array<i32>} : memref<320x256xf32, #tpu.memory_space<vmem>>, vector<16xf32>,
          %get3A_226 = arith.index_cast %squeeze3A : i32 to index
          %get3A_227 = arith.constant 160 : index
          %get3A_228 = tpu.vector_load %arg10[%get3A_226, %get3A_227] {strides = array<i32>} : memref<320x256xf32, #tpu.memory_space<vmem>>, vector<16xf32>,
          %get3A_229 = arith.index_cast %while3A_124 : i32 to index
          %get3A_230 = arith.constant 160 : index
          %get3A_231 = tpu.vector_load %arg17[%get3A_229, %get3A_230] {strides = array<i32>} : memref<64x256xf32, #tpu.memory_space<vmem>>, vector<16xf32>,
          %max3A_232 = arith.maximumf %get3A_228, %get3A_231 : vector<16xf32>
          %swap3A_233 = arith.index_cast %squeeze3A : i32 to index
          %swap3A_234 = arith.constant 160 : index
          %swap3A_235 = tpu.vector_load %arg10[%swap3A_233, %swap3A_234] {strides = array<i32>} : memref<320x256xf32, #tpu.memory_space<vmem>>, vector<16xf32>,
          tpu.vector_store %arg10[%swap3A_233, %swap3A_234], %max3A_232 {strides = array<i32>} : memref<320x256xf32, #tpu.memory_space<vmem>>, vector<16xf32>,
          %get3A_236 = arith.index_cast %squeeze3A : i32 to index
          %get3A_237 = arith.constant 176 : index
          %get3A_238 = tpu.vector_load %arg10[%get3A_236, %get3A_237] {strides = array<i32>} : memref<320x256xf32, #tpu.memory_space<vmem>>, vector<16xf32>,
          %get3A_239 = arith.index_cast %while3A_124 : i32 to index
          %get3A_240 = arith.constant 176 : index
          %get3A_241 = tpu.vector_load %arg17[%get3A_239, %get3A_240] {strides = array<i32>} : memref<64x256xf32, #tpu.memory_space<vmem>>, vector<16xf32>,
          %max3A_242 = arith.maximumf %get3A_238, %get3A_241 : vector<16xf32>
          %swap3A_243 = arith.index_cast %squeeze3A : i32 to index
          %swap3A_244 = arith.constant 176 : index
          %swap3A_245 = tpu.vector_load %arg10[%swap3A_243, %swap3A_244] {strides = array<i32>} : memref<320x256xf32, #tpu.memory_space<vmem>>, vector<16xf32>,
          tpu.vector_store %arg10[%swap3A_243, %swap3A_244], %max3A_242 {strides = array<i32>} : memref<320x256xf32, #tpu.memory_space<vmem>>, vector<16xf32>,
          %get3A_246 = arith.index_cast %squeeze3A : i32 to index
          %get3A_247 = arith.constant 192 : index
          %get3A_248 = tpu.vector_load %arg10[%get3A_246, %get3A_247] {strides = array<i32>} : memref<320x256xf32, #tpu.memory_space<vmem>>, vector<16xf32>,
          %get3A_249 = arith.index_cast %while3A_124 : i32 to index
          %get3A_250 = arith.constant 192 : index
          %get3A_251 = tpu.vector_load %arg17[%get3A_249, %get3A_250] {strides = array<i32>} : memref<64x256xf32, #tpu.memory_space<vmem>>, vector<16xf32>,
          %max3A_252 = arith.maximumf %get3A_248, %get3A_251 : vector<16xf32>
          %swap3A_253 = arith.index_cast %squeeze3A : i32 to index
          %swap3A_254 = arith.constant 192 : index
          %swap3A_255 = tpu.vector_load %arg10[%swap3A_253, %swap3A_254] {strides = array<i32>} : memref<320x256xf32, #tpu.memory_space<vmem>>, vector<16xf32>,
          tpu.vector_store %arg10[%swap3A_253, %swap3A_254], %max3A_252 {strides = array<i32>} : memref<320x256xf32, #tpu.memory_space<vmem>>, vector<16xf32>,
          %get3A_256 = arith.index_cast %squeeze3A : i32 to index
          %get3A_257 = arith.constant 208 : index
          %get3A_258 = tpu.vector_load %arg10[%get3A_256, %get3A_257] {strides = array<i32>} : memref<320x256xf32, #tpu.memory_space<vmem>>, vector<16xf32>,
          %get3A_259 = arith.index_cast %while3A_124 : i32 to index
          %get3A_260 = arith.constant 208 : index
          %get3A_261 = tpu.vector_load %arg17[%get3A_259, %get3A_260] {strides = array<i32>} : memref<64x256xf32, #tpu.memory_space<vmem>>, vector<16xf32>,
          %max3A_262 = arith.maximumf %get3A_258, %get3A_261 : vector<16xf32>
          %swap3A_263 = arith.index_cast %squeeze3A : i32 to index
          %swap3A_264 = arith.constant 208 : index
          %swap3A_265 = tpu.vector_load %arg10[%swap3A_263, %swap3A_264] {strides = array<i32>} : memref<320x256xf32, #tpu.memory_space<vmem>>, vector<16xf32>,
          tpu.vector_store %arg10[%swap3A_263, %swap3A_264], %max3A_262 {strides = array<i32>} : memref<320x256xf32, #tpu.memory_space<vmem>>, vector<16xf32>,
          %get3A_266 = arith.index_cast %squeeze3A : i32 to index
          %get3A_267 = arith.constant 224 : index
          %get3A_268 = tpu.vector_load %arg10[%get3A_266, %get3A_267] {strides = array<i32>} : memref<320x256xf32, #tpu.memory_space<vmem>>, vector<16xf32>,
          %get3A_269 = arith.index_cast %while3A_124 : i32 to index
          %get3A_270 = arith.constant 224 : index
          %get3A_271 = tpu.vector_load %arg17[%get3A_269, %get3A_270] {strides = array<i32>} : memref<64x256xf32, #tpu.memory_space<vmem>>, vector<16xf32>,
          %max3A_272 = arith.maximumf %get3A_268, %get3A_271 : vector<16xf32>
          %swap3A_273 = arith.index_cast %squeeze3A : i32 to index
          %swap3A_274 = arith.constant 224 : index
          %swap3A_275 = tpu.vector_load %arg10[%swap3A_273, %swap3A_274] {strides = array<i32>} : memref<320x256xf32, #tpu.memory_space<vmem>>, vector<16xf32>,
          tpu.vector_store %arg10[%swap3A_273, %swap3A_274], %max3A_272 {strides = array<i32>} : memref<320x256xf32, #tpu.memory_space<vmem>>, vector<16xf32>,
          %get3A_276 = arith.index_cast %squeeze3A : i32 to index
          %get3A_277 = arith.constant 240 : index
          %get3A_278 = tpu.vector_load %arg10[%get3A_276, %get3A_277] {strides = array<i32>} : memref<320x256xf32, #tpu.memory_space<vmem>>, vector<16xf32>,
          %get3A_279 = arith.index_cast %while3A_124 : i32 to index
          %get3A_280 = arith.constant 240 : index
          %get3A_281 = tpu.vector_load %arg17[%get3A_279, %get3A_280] {strides = array<i32>} : memref<64x256xf32, #tpu.memory_space<vmem>>, vector<16xf32>,
          %max3A_282 = arith.maximumf %get3A_278, %get3A_281 : vector<16xf32>
          %swap3A_283 = arith.index_cast %squeeze3A : i32 to index
          %swap3A_284 = arith.constant 240 : index
          %swap3A_285 = tpu.vector_load %arg10[%swap3A_283, %swap3A_284] {strides = array<i32>} : memref<320x256xf32, #tpu.memory_space<vmem>>, vector<16xf32>,
          tpu.vector_store %arg10[%swap3A_283, %swap3A_284], %max3A_282 {strides = array<i32>} : memref<320x256xf32, #tpu.memory_space<vmem>>, vector<16xf32>,
          %get3A_286 = arith.index_cast %squeeze3A : i32 to index
          %get3A_287 = arith.constant 0 : index
          %get3A_288 = tpu.vector_load %arg11[%get3A_286, %get3A_287] {strides = array<i32>} : memref<320x64xi32, #tpu.memory_space<vmem>>, vector<16xi32>,
          %get3A_289 = arith.index_cast %while3A_124 : i32 to index
          %get3A_290 = arith.constant 0 : index
          %get3A_291 = tpu.vector_load %arg18[%get3A_289, %get3A_290] {strides = array<i32>} : memref<64x64xi32, #tpu.memory_space<vmem>>, vector<16xi32>,
          %min3A_292 = arith.minsi %get3A_288, %get3A_291 : vector<16xi32>
          %swap3A_293 = arith.index_cast %squeeze3A : i32 to index
          %swap3A_294 = arith.constant 0 : index
          %swap3A_295 = tpu.vector_load %arg11[%swap3A_293, %swap3A_294] {strides = array<i32>} : memref<320x64xi32, #tpu.memory_space<vmem>>, vector<16xi32>,
          tpu.vector_store %arg11[%swap3A_293, %swap3A_294], %min3A_292 {strides = array<i32>} : memref<320x64xi32, #tpu.memory_space<vmem>>, vector<16xi32>,
          %get3A_296 = arith.index_cast %squeeze3A : i32 to index
          %get3A_297 = arith.constant 16 : index
          %get3A_298 = tpu.vector_load %arg11[%get3A_296, %get3A_297] {strides = array<i32>} : memref<320x64xi32, #tpu.memory_space<vmem>>, vector<16xi32>,
          %get3A_299 = arith.index_cast %while3A_124 : i32 to index
          %get3A_300 = arith.constant 16 : index
          %get3A_301 = tpu.vector_load %arg18[%get3A_299, %get3A_300] {strides = array<i32>} : memref<64x64xi32, #tpu.memory_space<vmem>>, vector<16xi32>,
          %min3A_302 = arith.minsi %get3A_298, %get3A_301 : vector<16xi32>
          %swap3A_303 = arith.index_cast %squeeze3A : i32 to index
          %swap3A_304 = arith.constant 16 : index
          %swap3A_305 = tpu.vector_load %arg11[%swap3A_303, %swap3A_304] {strides = array<i32>} : memref<320x64xi32, #tpu.memory_space<vmem>>, vector<16xi32>,
          tpu.vector_store %arg11[%swap3A_303, %swap3A_304], %min3A_302 {strides = array<i32>} : memref<320x64xi32, #tpu.memory_space<vmem>>, vector<16xi32>,
          %get3A_306 = arith.index_cast %squeeze3A : i32 to index
          %get3A_307 = arith.constant 32 : index
          %get3A_308 = tpu.vector_load %arg11[%get3A_306, %get3A_307] {strides = array<i32>} : memref<320x64xi32, #tpu.memory_space<vmem>>, vector<16xi32>,
          %get3A_309 = arith.index_cast %while3A_124 : i32 to index
          %get3A_310 = arith.constant 32 : index
          %get3A_311 = tpu.vector_load %arg18[%get3A_309, %get3A_310] {strides = array<i32>} : memref<64x64xi32, #tpu.memory_space<vmem>>, vector<16xi32>,
          %min3A_312 = arith.minsi %get3A_308, %get3A_311 : vector<16xi32>
          %swap3A_313 = arith.index_cast %squeeze3A : i32 to index
          %swap3A_314 = arith.constant 32 : index
          %swap3A_315 = tpu.vector_load %arg11[%swap3A_313, %swap3A_314] {strides = array<i32>} : memref<320x64xi32, #tpu.memory_space<vmem>>, vector<16xi32>,
          tpu.vector_store %arg11[%swap3A_313, %swap3A_314], %min3A_312 {strides = array<i32>} : memref<320x64xi32, #tpu.memory_space<vmem>>, vector<16xi32>,
          %get3A_316 = arith.index_cast %squeeze3A : i32 to index
          %get3A_317 = arith.constant 48 : index
          %get3A_318 = tpu.vector_load %arg11[%get3A_316, %get3A_317] {strides = array<i32>} : memref<320x64xi32, #tpu.memory_space<vmem>>, vector<16xi32>,
          %get3A_319 = arith.index_cast %while3A_124 : i32 to index
          %get3A_320 = arith.constant 48 : index
          %get3A_321 = tpu.vector_load %arg18[%get3A_319, %get3A_320] {strides = array<i32>} : memref<64x64xi32, #tpu.memory_space<vmem>>, vector<16xi32>,
          %min3A_322 = arith.minsi %get3A_318, %get3A_321 : vector<16xi32>
          %swap3A_323 = arith.index_cast %squeeze3A : i32 to index
          %swap3A_324 = arith.constant 48 : index
          %swap3A_325 = tpu.vector_load %arg11[%swap3A_323, %swap3A_324] {strides = array<i32>} : memref<320x64xi32, #tpu.memory_space<vmem>>, vector<16xi32>,
          tpu.vector_store %arg11[%swap3A_323, %swap3A_324], %min3A_322 {strides = array<i32>} : memref<320x64xi32, #tpu.memory_space<vmem>>, vector<16xi32>,
        }
      }
      %while3A_91 = arith.constant 1 : i32
      scf.for %while3A_92 = %while3A_89 to %while3A_85 step %while3A_91  : i32 {
        %mul3A_93 = arith.constant 64 : i32
        %mul3A_94 = arith.muli %while3A_92, %mul3A_93 : i32
        %dma_start3A_95 = tpu.memref_slice %arg14[%mul3A_94] : memref<1616xi32, #tpu.memory_space<vmem>> -> memref<64xi32, #tpu.memory_space<vmem>>
        %dma_start3A_96 = arith.constant 0 : i32
        %dma_start3A_97 = arith.constant 0 : i32
        %dma_start3A_98 = tpu.memref_slice %arg5[%dma_start3A_96, %dma_start3A_97] : memref<10240x256xf32, #tpu.memory_space<hbm>> -> memref<10240x256xf32, #tpu.memory_space<hbm>>
        tpu.enqueue_indirect_dma source(%dma_start3A_98 : memref<10240x256xf32, #tpu.memory_space<hbm>>) target(%arg17 : memref<64x256xf32, #tpu.memory_space<vmem>>) offsets(%dma_start3A_95 : memref<64xi32, #tpu.memory_space<vmem>>) semaphore(%arg23 : memref<!tpu.dma_semaphore, #tpu.memory_space<semaphore_mem>>)
        %dma_start3A_99 = tpu.memref_slice %arg14[%mul3A_94] : memref<1616xi32, #tpu.memory_space<vmem>> -> memref<64xi32, #tpu.memory_space<vmem>>
        %dma_start3A_100 = arith.constant 0 : i32
        %dma_start3A_101 = arith.constant 0 : i32
        %dma_start3A_102 = tpu.memref_slice %arg4[%dma_start3A_100, %dma_start3A_101] : memref<10240x64xi32, #tpu.memory_space<hbm>> -> memref<10240x64xi32, #tpu.memory_space<hbm>>
        tpu.enqueue_indirect_dma source(%dma_start3A_102 : memref<10240x64xi32, #tpu.memory_space<hbm>>) target(%arg18 : memref<64x64xi32, #tpu.memory_space<vmem>>) offsets(%dma_start3A_99 : memref<64xi32, #tpu.memory_space<vmem>>) semaphore(%arg24 : memref<!tpu.dma_semaphore, #tpu.memory_space<semaphore_mem>>)
        %dma_wait3A_103 = tpu.memref_slice %arg14[%mul3A_94] : memref<1616xi32, #tpu.memory_space<vmem>> -> memref<64xi32, #tpu.memory_space<vmem>>
        %dma_wait3A_104 = arith.constant 0 : i32
        %dma_wait3A_105 = arith.constant 0 : i32
        %dma_wait3A_106 = tpu.memref_slice %arg5[%dma_wait3A_104, %dma_wait3A_105] : memref<10240x256xf32, #tpu.memory_space<hbm>> -> memref<10240x256xf32, #tpu.memory_space<hbm>>
        tpu.wait_indirect_dma semaphore(%arg23 : memref<!tpu.dma_semaphore, #tpu.memory_space<semaphore_mem>>) src(%dma_wait3A_106 : memref<10240x256xf32, #tpu.memory_space<hbm>>) dst(%arg17 : memref<64x256xf32, #tpu.memory_space<vmem>>)
        %dma_wait3A_107 = tpu.memref_slice %arg14[%mul3A_94] : memref<1616xi32, #tpu.memory_space<vmem>> -> memref<64xi32, #tpu.memory_space<vmem>>
        %dma_wait3A_108 = arith.constant 0 : i32
        %dma_wait3A_109 = arith.constant 0 : i32
        %dma_wait3A_110 = tpu.memref_slice %arg4[%dma_wait3A_108, %dma_wait3A_109] : memref<10240x64xi32, #tpu.memory_space<hbm>> -> memref<10240x64xi32, #tpu.memory_space<hbm>>
        tpu.wait_indirect_dma semaphore(%arg24 : memref<!tpu.dma_semaphore, #tpu.memory_space<semaphore_mem>>) src(%dma_wait3A_110 : memref<10240x64xi32, #tpu.memory_space<hbm>>) dst(%arg18 : memref<64x64xi32, #tpu.memory_space<vmem>>)
        %sub3A_111 = arith.subi %scan3A_54, %mul3A_94 : i32
        %min3A_112 = arith.constant 64 : i32
        %min3A_113 = arith.minsi %min3A_112, %sub3A_111 : i32
        %while3A_114 = arith.constant 0 : i32
        %while3A_115 = arith.constant 0 : i32
        %while3A_116 = arith.subi %min3A_113, %while3A_115 : i32
        %while3A_117 = arith.addi %while3A_115, %while3A_116 : i32
        %while3A_118 = arith.constant 1 : i32
        %while3A_119 = arith.divsi %while3A_116, %while3A_118 : i32
        %while3A_120 = arith.muli %while3A_119, %while3A_118 : i32
        %while3A_121 = arith.addi %while3A_115, %while3A_120 : i32
        %while3A_122 = arith.constant 1 : i32
        scf.for %while3A_124 = %while3A_115 to %while3A_121 step %while3A_122  : i32 {
          %add3A_125 = arith.addi %mul3A_94, %while3A_124 : i32
          %get3A = arith.index_cast %add3A_125 : i32 to index
          %get3A_126 = tpu.vector_load %arg15[%get3A] {strides = array<i32>} : memref<1616xi32, #tpu.memory_space<vmem>>, vector<16xi32>,
          %slice3A = vector.extract_strided_slice %get3A_126 {offsets = [0], sizes = [1], strides = [1]} : vector<16xi32> to vector<1xi32>
          %squeeze3A = vector.extract %slice3A[0] : i32 from vector<1xi32>
          %get3A_127 = arith.index_cast %squeeze3A : i32 to index
          %get3A_128 = arith.constant 0 : index
          %get3A_129 = tpu.vector_load %arg10[%get3A_127, %get3A_128] {strides = array<i32>} : memref<320x256xf32, #tpu.memory_space<vmem>>, vector<16xf32>,
          %get3A_130 = arith.index_cast %while3A_124 : i32 to index
          %get3A_131 = arith.constant 0 : index
          %get3A_132 = tpu.vector_load %arg17[%get3A_130, %get3A_131] {strides = array<i32>} : memref<64x256xf32, #tpu.memory_space<vmem>>, vector<16xf32>,
          %max3A = arith.maximumf %get3A_129, %get3A_132 : vector<16xf32>
          %swap3A_133 = arith.index_cast %squeeze3A : i32 to index
          %swap3A_134 = arith.constant 0 : index
          %swap3A_135 = tpu.vector_load %arg10[%swap3A_133, %swap3A_134] {strides = array<i32>} : memref<320x256xf32, #tpu.memory_space<vmem>>, vector<16xf32>,
          tpu.vector_store %arg10[%swap3A_133, %swap3A_134], %max3A {strides = array<i32>} : memref<320x256xf32, #tpu.memory_space<vmem>>, vector<16xf32>,
          %get3A_136 = arith.index_cast %squeeze3A : i32 to index
          %get3A_137 = arith.constant 16 : index
          %get3A_138 = tpu.vector_load %arg10[%get3A_136, %get3A_137] {strides = array<i32>} : memref<320x256xf32, #tpu.memory_space<vmem>>, vector<16xf32>,
          %get3A_139 = arith.index_cast %while3A_124 : i32 to index
          %get3A_140 = arith.constant 16 : index
          %get3A_141 = tpu.vector_load %arg17[%get3A_139, %get3A_140] {strides = array<i32>} : memref<64x256xf32, #tpu.memory_space<vmem>>, vector<16xf32>,
          %max3A_142 = arith.maximumf %get3A_138, %get3A_141 : vector<16xf32>
          %swap3A_143 = arith.index_cast %squeeze3A : i32 to index
          %swap3A_144 = arith.constant 16 : index
          %swap3A_145 = tpu.vector_load %arg10[%swap3A_143, %swap3A_144] {strides = array<i32>} : memref<320x256xf32, #tpu.memory_space<vmem>>, vector<16xf32>,
          tpu.vector_store %arg10[%swap3A_143, %swap3A_144], %max3A_142 {strides = array<i32>} : memref<320x256xf32, #tpu.memory_space<vmem>>, vector<16xf32>,
          %get3A_146 = arith.index_cast %squeeze3A : i32 to index
          %get3A_147 = arith.constant 32 : index
          %get3A_148 = tpu.vector_load %arg10[%get3A_146, %get3A_147] {strides = array<i32>} : memref<320x256xf32, #tpu.memory_space<vmem>>, vector<16xf32>,
          %get3A_149 = arith.index_cast %while3A_124 : i32 to index
          %get3A_150 = arith.constant 32 : index
          %get3A_151 = tpu.vector_load %arg17[%get3A_149, %get3A_150] {strides = array<i32>} : memref<64x256xf32, #tpu.memory_space<vmem>>, vector<16xf32>,
          %max3A_152 = arith.maximumf %get3A_148, %get3A_151 : vector<16xf32>
          %swap3A_153 = arith.index_cast %squeeze3A : i32 to index
          %swap3A_154 = arith.constant 32 : index
          %swap3A_155 = tpu.vector_load %arg10[%swap3A_153, %swap3A_154] {strides = array<i32>} : memref<320x256xf32, #tpu.memory_space<vmem>>, vector<16xf32>,
          tpu.vector_store %arg10[%swap3A_153, %swap3A_154], %max3A_152 {strides = array<i32>} : memref<320x256xf32, #tpu.memory_space<vmem>>, vector<16xf32>,
          %get3A_156 = arith.index_cast %squeeze3A : i32 to index
          %get3A_157 = arith.constant 48 : index
          %get3A_158 = tpu.vector_load %arg10[%get3A_156, %get3A_157] {strides = array<i32>} : memref<320x256xf32, #tpu.memory_space<vmem>>, vector<16xf32>,
          %get3A_159 = arith.index_cast %while3A_124 : i32 to index
          %get3A_160 = arith.constant 48 : index
          %get3A_161 = tpu.vector_load %arg17[%get3A_159, %get3A_160] {strides = array<i32>} : memref<64x256xf32, #tpu.memory_space<vmem>>, vector<16xf32>,
          %max3A_162 = arith.maximumf %get3A_158, %get3A_161 : vector<16xf32>
          %swap3A_163 = arith.index_cast %squeeze3A : i32 to index
          %swap3A_164 = arith.constant 48 : index
          %swap3A_165 = tpu.vector_load %arg10[%swap3A_163, %swap3A_164] {strides = array<i32>} : memref<320x256xf32, #tpu.memory_space<vmem>>, vector<16xf32>,
          tpu.vector_store %arg10[%swap3A_163, %swap3A_164], %max3A_162 {strides = array<i32>} : memref<320x256xf32, #tpu.memory_space<vmem>>, vector<16xf32>,
          %get3A_166 = arith.index_cast %squeeze3A : i32 to index
          %get3A_167 = arith.constant 64 : index
          %get3A_168 = tpu.vector_load %arg10[%get3A_166, %get3A_167] {strides = array<i32>} : memref<320x256xf32, #tpu.memory_space<vmem>>, vector<16xf32>,
          %get3A_169 = arith.index_cast %while3A_124 : i32 to index
          %get3A_170 = arith.constant 64 : index
          %get3A_171 = tpu.vector_load %arg17[%get3A_169, %get3A_170] {strides = array<i32>} : memref<64x256xf32, #tpu.memory_space<vmem>>, vector<16xf32>,
          %max3A_172 = arith.maximumf %get3A_168, %get3A_171 : vector<16xf32>
          %swap3A_173 = arith.index_cast %squeeze3A : i32 to index
          %swap3A_174 = arith.constant 64 : index
          %swap3A_175 = tpu.vector_load %arg10[%swap3A_173, %swap3A_174] {strides = array<i32>} : memref<320x256xf32, #tpu.memory_space<vmem>>, vector<16xf32>,
          tpu.vector_store %arg10[%swap3A_173, %swap3A_174], %max3A_172 {strides = array<i32>} : memref<320x256xf32, #tpu.memory_space<vmem>>, vector<16xf32>,
          %get3A_176 = arith.index_cast %squeeze3A : i32 to index
          %get3A_177 = arith.constant 80 : index
          %get3A_178 = tpu.vector_load %arg10[%get3A_176, %get3A_177] {strides = array<i32>} : memref<320x256xf32, #tpu.memory_space<vmem>>, vector<16xf32>,
          %get3A_179 = arith.index_cast %while3A_124 : i32 to index
          %get3A_180 = arith.constant 80 : index
          %get3A_181 = tpu.vector_load %arg17[%get3A_179, %get3A_180] {strides = array<i32>} : memref<64x256xf32, #tpu.memory_space<vmem>>, vector<16xf32>,
          %max3A_182 = arith.maximumf %get3A_178, %get3A_181 : vector<16xf32>
          %swap3A_183 = arith.index_cast %squeeze3A : i32 to index
          %swap3A_184 = arith.constant 80 : index
          %swap3A_185 = tpu.vector_load %arg10[%swap3A_183, %swap3A_184] {strides = array<i32>} : memref<320x256xf32, #tpu.memory_space<vmem>>, vector<16xf32>,
          tpu.vector_store %arg10[%swap3A_183, %swap3A_184], %max3A_182 {strides = array<i32>} : memref<320x256xf32, #tpu.memory_space<vmem>>, vector<16xf32>,
          %get3A_186 = arith.index_cast %squeeze3A : i32 to index
          %get3A_187 = arith.constant 96 : index
          %get3A_188 = tpu.vector_load %arg10[%get3A_186, %get3A_187] {strides = array<i32>} : memref<320x256xf32, #tpu.memory_space<vmem>>, vector<16xf32>,
          %get3A_189 = arith.index_cast %while3A_124 : i32 to index
          %get3A_190 = arith.constant 96 : index
          %get3A_191 = tpu.vector_load %arg17[%get3A_189, %get3A_190] {strides = array<i32>} : memref<64x256xf32, #tpu.memory_space<vmem>>, vector<16xf32>,
          %max3A_192 = arith.maximumf %get3A_188, %get3A_191 : vector<16xf32>
          %swap3A_193 = arith.index_cast %squeeze3A : i32 to index
          %swap3A_194 = arith.constant 96 : index
          %swap3A_195 = tpu.vector_load %arg10[%swap3A_193, %swap3A_194] {strides = array<i32>} : memref<320x256xf32, #tpu.memory_space<vmem>>, vector<16xf32>,
          tpu.vector_store %arg10[%swap3A_193, %swap3A_194], %max3A_192 {strides = array<i32>} : memref<320x256xf32, #tpu.memory_space<vmem>>, vector<16xf32>,
          %get3A_196 = arith.index_cast %squeeze3A : i32 to index
          %get3A_197 = arith.constant 112 : index
          %get3A_198 = tpu.vector_load %arg10[%get3A_196, %get3A_197] {strides = array<i32>} : memref<320x256xf32, #tpu.memory_space<vmem>>, vector<16xf32>,
          %get3A_199 = arith.index_cast %while3A_124 : i32 to index
          %get3A_200 = arith.constant 112 : index
          %get3A_201 = tpu.vector_load %arg17[%get3A_199, %get3A_200] {strides = array<i32>} : memref<64x256xf32, #tpu.memory_space<vmem>>, vector<16xf32>,
          %max3A_202 = arith.maximumf %get3A_198, %get3A_201 : vector<16xf32>
          %swap3A_203 = arith.index_cast %squeeze3A : i32 to index
          %swap3A_204 = arith.constant 112 : index
          %swap3A_205 = tpu.vector_load %arg10[%swap3A_203, %swap3A_204] {strides = array<i32>} : memref<320x256xf32, #tpu.memory_space<vmem>>, vector<16xf32>,
          tpu.vector_store %arg10[%swap3A_203, %swap3A_204], %max3A_202 {strides = array<i32>} : memref<320x256xf32, #tpu.memory_space<vmem>>, vector<16xf32>,
          %get3A_206 = arith.index_cast %squeeze3A : i32 to index
          %get3A_207 = arith.constant 128 : index
          %get3A_208 = tpu.vector_load %arg10[%get3A_206, %get3A_207] {strides = array<i32>} : memref<320x256xf32, #tpu.memory_space<vmem>>, vector<16xf32>,
          %get3A_209 = arith.index_cast %while3A_124 : i32 to index
          %get3A_210 = arith.constant 128 : index
          %get3A_211 = tpu.vector_load %arg17[%get3A_209, %get3A_210] {strides = array<i32>} : memref<64x256xf32, #tpu.memory_space<vmem>>, vector<16xf32>,
          %max3A_212 = arith.maximumf %get3A_208, %get3A_211 : vector<16xf32>
          %swap3A_213 = arith.index_cast %squeeze3A : i32 to index
          %swap3A_214 = arith.constant 128 : index
          %swap3A_215 = tpu.vector_load %arg10[%swap3A_213, %swap3A_214] {strides = array<i32>} : memref<320x256xf32, #tpu.memory_space<vmem>>, vector<16xf32>,
          tpu.vector_store %arg10[%swap3A_213, %swap3A_214], %max3A_212 {strides = array<i32>} : memref<320x256xf32, #tpu.memory_space<vmem>>, vector<16xf32>,
          %get3A_216 = arith.index_cast %squeeze3A : i32 to index
          %get3A_217 = arith.constant 144 : index
          %get3A_218 = tpu.vector_load %arg10[%get3A_216, %get3A_217] {strides = array<i32>} : memref<320x256xf32, #tpu.memory_space<vmem>>, vector<16xf32>,
          %get3A_219 = arith.index_cast %while3A_124 : i32 to index
          %get3A_220 = arith.constant 144 : index
          %get3A_221 = tpu.vector_load %arg17[%get3A_219, %get3A_220] {strides = array<i32>} : memref<64x256xf32, #tpu.memory_space<vmem>>, vector<16xf32>,
          %max3A_222 = arith.maximumf %get3A_218, %get3A_221 : vector<16xf32>
          %swap3A_223 = arith.index_cast %squeeze3A : i32 to index
          %swap3A_224 = arith.constant 144 : index
          %swap3A_225 = tpu.vector_load %arg10[%swap3A_223, %swap3A_224] {strides = array<i32>} : memref<320x256xf32, #tpu.memory_space<vmem>>, vector<16xf32>,
          tpu.vector_store %arg10[%swap3A_223, %swap3A_224], %max3A_222 {strides = array<i32>} : memref<320x256xf32, #tpu.memory_space<vmem>>, vector<16xf32>,
          %get3A_226 = arith.index_cast %squeeze3A : i32 to index
          %get3A_227 = arith.constant 160 : index
          %get3A_228 = tpu.vector_load %arg10[%get3A_226, %get3A_227] {strides = array<i32>} : memref<320x256xf32, #tpu.memory_space<vmem>>, vector<16xf32>,
          %get3A_229 = arith.index_cast %while3A_124 : i32 to index
          %get3A_230 = arith.constant 160 : index
          %get3A_231 = tpu.vector_load %arg17[%get3A_229, %get3A_230] {strides = array<i32>} : memref<64x256xf32, #tpu.memory_space<vmem>>, vector<16xf32>,
          %max3A_232 = arith.maximumf %get3A_228, %get3A_231 : vector<16xf32>
          %swap3A_233 = arith.index_cast %squeeze3A : i32 to index
          %swap3A_234 = arith.constant 160 : index
          %swap3A_235 = tpu.vector_load %arg10[%swap3A_233, %swap3A_234] {strides = array<i32>} : memref<320x256xf32, #tpu.memory_space<vmem>>, vector<16xf32>,
          tpu.vector_store %arg10[%swap3A_233, %swap3A_234], %max3A_232 {strides = array<i32>} : memref<320x256xf32, #tpu.memory_space<vmem>>, vector<16xf32>,
          %get3A_236 = arith.index_cast %squeeze3A : i32 to index
          %get3A_237 = arith.constant 176 : index
          %get3A_238 = tpu.vector_load %arg10[%get3A_236, %get3A_237] {strides = array<i32>} : memref<320x256xf32, #tpu.memory_space<vmem>>, vector<16xf32>,
          %get3A_239 = arith.index_cast %while3A_124 : i32 to index
          %get3A_240 = arith.constant 176 : index
          %get3A_241 = tpu.vector_load %arg17[%get3A_239, %get3A_240] {strides = array<i32>} : memref<64x256xf32, #tpu.memory_space<vmem>>, vector<16xf32>,
          %max3A_242 = arith.maximumf %get3A_238, %get3A_241 : vector<16xf32>
          %swap3A_243 = arith.index_cast %squeeze3A : i32 to index
          %swap3A_244 = arith.constant 176 : index
          %swap3A_245 = tpu.vector_load %arg10[%swap3A_243, %swap3A_244] {strides = array<i32>} : memref<320x256xf32, #tpu.memory_space<vmem>>, vector<16xf32>,
          tpu.vector_store %arg10[%swap3A_243, %swap3A_244], %max3A_242 {strides = array<i32>} : memref<320x256xf32, #tpu.memory_space<vmem>>, vector<16xf32>,
          %get3A_246 = arith.index_cast %squeeze3A : i32 to index
          %get3A_247 = arith.constant 192 : index
          %get3A_248 = tpu.vector_load %arg10[%get3A_246, %get3A_247] {strides = array<i32>} : memref<320x256xf32, #tpu.memory_space<vmem>>, vector<16xf32>,
          %get3A_249 = arith.index_cast %while3A_124 : i32 to index
          %get3A_250 = arith.constant 192 : index
          %get3A_251 = tpu.vector_load %arg17[%get3A_249, %get3A_250] {strides = array<i32>} : memref<64x256xf32, #tpu.memory_space<vmem>>, vector<16xf32>,
          %max3A_252 = arith.maximumf %get3A_248, %get3A_251 : vector<16xf32>
          %swap3A_253 = arith.index_cast %squeeze3A : i32 to index
          %swap3A_254 = arith.constant 192 : index
          %swap3A_255 = tpu.vector_load %arg10[%swap3A_253, %swap3A_254] {strides = array<i32>} : memref<320x256xf32, #tpu.memory_space<vmem>>, vector<16xf32>,
          tpu.vector_store %arg10[%swap3A_253, %swap3A_254], %max3A_252 {strides = array<i32>} : memref<320x256xf32, #tpu.memory_space<vmem>>, vector<16xf32>,
          %get3A_256 = arith.index_cast %squeeze3A : i32 to index
          %get3A_257 = arith.constant 208 : index
          %get3A_258 = tpu.vector_load %arg10[%get3A_256, %get3A_257] {strides = array<i32>} : memref<320x256xf32, #tpu.memory_space<vmem>>, vector<16xf32>,
          %get3A_259 = arith.index_cast %while3A_124 : i32 to index
          %get3A_260 = arith.constant 208 : index
          %get3A_261 = tpu.vector_load %arg17[%get3A_259, %get3A_260] {strides = array<i32>} : memref<64x256xf32, #tpu.memory_space<vmem>>, vector<16xf32>,
          %max3A_262 = arith.maximumf %get3A_258, %get3A_261 : vector<16xf32>
          %swap3A_263 = arith.index_cast %squeeze3A : i32 to index
          %swap3A_264 = arith.constant 208 : index
          %swap3A_265 = tpu.vector_load %arg10[%swap3A_263, %swap3A_264] {strides = array<i32>} : memref<320x256xf32, #tpu.memory_space<vmem>>, vector<16xf32>,
          tpu.vector_store %arg10[%swap3A_263, %swap3A_264], %max3A_262 {strides = array<i32>} : memref<320x256xf32, #tpu.memory_space<vmem>>, vector<16xf32>,
          %get3A_266 = arith.index_cast %squeeze3A : i32 to index
          %get3A_267 = arith.constant 224 : index
          %get3A_268 = tpu.vector_load %arg10[%get3A_266, %get3A_267] {strides = array<i32>} : memref<320x256xf32, #tpu.memory_space<vmem>>, vector<16xf32>,
          %get3A_269 = arith.index_cast %while3A_124 : i32 to index
          %get3A_270 = arith.constant 224 : index
          %get3A_271 = tpu.vector_load %arg17[%get3A_269, %get3A_270] {strides = array<i32>} : memref<64x256xf32, #tpu.memory_space<vmem>>, vector<16xf32>,
          %max3A_272 = arith.maximumf %get3A_268, %get3A_271 : vector<16xf32>
          %swap3A_273 = arith.index_cast %squeeze3A : i32 to index
          %swap3A_274 = arith.constant 224 : index
          %swap3A_275 = tpu.vector_load %arg10[%swap3A_273, %swap3A_274] {strides = array<i32>} : memref<320x256xf32, #tpu.memory_space<vmem>>, vector<16xf32>,
          tpu.vector_store %arg10[%swap3A_273, %swap3A_274], %max3A_272 {strides = array<i32>} : memref<320x256xf32, #tpu.memory_space<vmem>>, vector<16xf32>,
          %get3A_276 = arith.index_cast %squeeze3A : i32 to index
          %get3A_277 = arith.constant 240 : index
          %get3A_278 = tpu.vector_load %arg10[%get3A_276, %get3A_277] {strides = array<i32>} : memref<320x256xf32, #tpu.memory_space<vmem>>, vector<16xf32>,
          %get3A_279 = arith.index_cast %while3A_124 : i32 to index
          %get3A_280 = arith.constant 240 : index
          %get3A_281 = tpu.vector_load %arg17[%get3A_279, %get3A_280] {strides = array<i32>} : memref<64x256xf32, #tpu.memory_space<vmem>>, vector<16xf32>,
          %max3A_282 = arith.maximumf %get3A_278, %get3A_281 : vector<16xf32>
          %swap3A_283 = arith.index_cast %squeeze3A : i32 to index
          %swap3A_284 = arith.constant 240 : index
          %swap3A_285 = tpu.vector_load %arg10[%swap3A_283, %swap3A_284] {strides = array<i32>} : memref<320x256xf32, #tpu.memory_space<vmem>>, vector<16xf32>,
          tpu.vector_store %arg10[%swap3A_283, %swap3A_284], %max3A_282 {strides = array<i32>} : memref<320x256xf32, #tpu.memory_space<vmem>>, vector<16xf32>,
          %get3A_286 = arith.index_cast %squeeze3A : i32 to index
          %get3A_287 = arith.constant 0 : index
          %get3A_288 = tpu.vector_load %arg11[%get3A_286, %get3A_287] {strides = array<i32>} : memref<320x64xi32, #tpu.memory_space<vmem>>, vector<16xi32>,
          %get3A_289 = arith.index_cast %while3A_124 : i32 to index
          %get3A_290 = arith.constant 0 : index
          %get3A_291 = tpu.vector_load %arg18[%get3A_289, %get3A_290] {strides = array<i32>} : memref<64x64xi32, #tpu.memory_space<vmem>>, vector<16xi32>,
          %min3A_292 = arith.minsi %get3A_288, %get3A_291 : vector<16xi32>
          %swap3A_293 = arith.index_cast %squeeze3A : i32 to index
          %swap3A_294 = arith.constant 0 : index
          %swap3A_295 = tpu.vector_load %arg11[%swap3A_293, %swap3A_294] {strides = array<i32>} : memref<320x64xi32, #tpu.memory_space<vmem>>, vector<16xi32>,
          tpu.vector_store %arg11[%swap3A_293, %swap3A_294], %min3A_292 {strides = array<i32>} : memref<320x64xi32, #tpu.memory_space<vmem>>, vector<16xi32>,
          %get3A_296 = arith.index_cast %squeeze3A : i32 to index
          %get3A_297 = arith.constant 16 : index
          %get3A_298 = tpu.vector_load %arg11[%get3A_296, %get3A_297] {strides = array<i32>} : memref<320x64xi32, #tpu.memory_space<vmem>>, vector<16xi32>,
          %get3A_299 = arith.index_cast %while3A_124 : i32 to index
          %get3A_300 = arith.constant 16 : index
          %get3A_301 = tpu.vector_load %arg18[%get3A_299, %get3A_300] {strides = array<i32>} : memref<64x64xi32, #tpu.memory_space<vmem>>, vector<16xi32>,
          %min3A_302 = arith.minsi %get3A_298, %get3A_301 : vector<16xi32>
          %swap3A_303 = arith.index_cast %squeeze3A : i32 to index
          %swap3A_304 = arith.constant 16 : index
          %swap3A_305 = tpu.vector_load %arg11[%swap3A_303, %swap3A_304] {strides = array<i32>} : memref<320x64xi32, #tpu.memory_space<vmem>>, vector<16xi32>,
          tpu.vector_store %arg11[%swap3A_303, %swap3A_304], %min3A_302 {strides = array<i32>} : memref<320x64xi32, #tpu.memory_space<vmem>>, vector<16xi32>,
          %get3A_306 = arith.index_cast %squeeze3A : i32 to index
          %get3A_307 = arith.constant 32 : index
          %get3A_308 = tpu.vector_load %arg11[%get3A_306, %get3A_307] {strides = array<i32>} : memref<320x64xi32, #tpu.memory_space<vmem>>, vector<16xi32>,
          %get3A_309 = arith.index_cast %while3A_124 : i32 to index
          %get3A_310 = arith.constant 32 : index
          %get3A_311 = tpu.vector_load %arg18[%get3A_309, %get3A_310] {strides = array<i32>} : memref<64x64xi32, #tpu.memory_space<vmem>>, vector<16xi32>,
          %min3A_312 = arith.minsi %get3A_308, %get3A_311 : vector<16xi32>
          %swap3A_313 = arith.index_cast %squeeze3A : i32 to index
          %swap3A_314 = arith.constant 32 : index
          %swap3A_315 = tpu.vector_load %arg11[%swap3A_313, %swap3A_314] {strides = array<i32>} : memref<320x64xi32, #tpu.memory_space<vmem>>, vector<16xi32>,
          tpu.vector_store %arg11[%swap3A_313, %swap3A_314], %min3A_312 {strides = array<i32>} : memref<320x64xi32, #tpu.memory_space<vmem>>, vector<16xi32>,
          %get3A_316 = arith.index_cast %squeeze3A : i32 to index
          %get3A_317 = arith.constant 48 : index
          %get3A_318 = tpu.vector_load %arg11[%get3A_316, %get3A_317] {strides = array<i32>} : memref<320x64xi32, #tpu.memory_space<vmem>>, vector<16xi32>,
          %get3A_319 = arith.index_cast %while3A_124 : i32 to index
          %get3A_320 = arith.constant 48 : index
          %get3A_321 = tpu.vector_load %arg18[%get3A_319, %get3A_320] {strides = array<i32>} : memref<64x64xi32, #tpu.memory_space<vmem>>, vector<16xi32>,
          %min3A_322 = arith.minsi %get3A_318, %get3A_321 : vector<16xi32>
          %swap3A_323 = arith.index_cast %squeeze3A : i32 to index
          %swap3A_324 = arith.constant 48 : index
          %swap3A_325 = tpu.vector_load %arg11[%swap3A_323, %swap3A_324] {strides = array<i32>} : memref<320x64xi32, #tpu.memory_space<vmem>>, vector<16xi32>,
          tpu.vector_store %arg11[%swap3A_323, %swap3A_324], %min3A_322 {strides = array<i32>} : memref<320x64xi32, #tpu.memory_space<vmem>>, vector<16xi32>,
        }
        %while3A_123 = arith.constant 1 : i32
        scf.for %while3A_124 = %while3A_121 to %while3A_117 step %while3A_123  : i32 {
          %add3A_125 = arith.addi %mul3A_94, %while3A_124 : i32
          %get3A = arith.index_cast %add3A_125 : i32 to index
          %get3A_126 = tpu.vector_load %arg15[%get3A] {strides = array<i32>} : memref<1616xi32, #tpu.memory_space<vmem>>, vector<16xi32>,
          %slice3A = vector.extract_strided_slice %get3A_126 {offsets = [0], sizes = [1], strides = [1]} : vector<16xi32> to vector<1xi32>
          %squeeze3A = vector.extract %slice3A[0] : i32 from vector<1xi32>
          %get3A_127 = arith.index_cast %squeeze3A : i32 to index
          %get3A_128 = arith.constant 0 : index
          %get3A_129 = tpu.vector_load %arg10[%get3A_127, %get3A_128] {strides = array<i32>} : memref<320x256xf32, #tpu.memory_space<vmem>>, vector<16xf32>,
          %get3A_130 = arith.index_cast %while3A_124 : i32 to index
          %get3A_131 = arith.constant 0 : index
          %get3A_132 = tpu.vector_load %arg17[%get3A_130, %get3A_131] {strides = array<i32>} : memref<64x256xf32, #tpu.memory_space<vmem>>, vector<16xf32>,
          %max3A = arith.maximumf %get3A_129, %get3A_132 : vector<16xf32>
          %swap3A_133 = arith.index_cast %squeeze3A : i32 to index
          %swap3A_134 = arith.constant 0 : index
          %swap3A_135 = tpu.vector_load %arg10[%swap3A_133, %swap3A_134] {strides = array<i32>} : memref<320x256xf32, #tpu.memory_space<vmem>>, vector<16xf32>,
          tpu.vector_store %arg10[%swap3A_133, %swap3A_134], %max3A {strides = array<i32>} : memref<320x256xf32, #tpu.memory_space<vmem>>, vector<16xf32>,
          %get3A_136 = arith.index_cast %squeeze3A : i32 to index
          %get3A_137 = arith.constant 16 : index
          %get3A_138 = tpu.vector_load %arg10[%get3A_136, %get3A_137] {strides = array<i32>} : memref<320x256xf32, #tpu.memory_space<vmem>>, vector<16xf32>,
          %get3A_139 = arith.index_cast %while3A_124 : i32 to index
          %get3A_140 = arith.constant 16 : index
          %get3A_141 = tpu.vector_load %arg17[%get3A_139, %get3A_140] {strides = array<i32>} : memref<64x256xf32, #tpu.memory_space<vmem>>, vector<16xf32>,
          %max3A_142 = arith.maximumf %get3A_138, %get3A_141 : vector<16xf32>
          %swap3A_143 = arith.index_cast %squeeze3A : i32 to index
          %swap3A_144 = arith.constant 16 : index
          %swap3A_145 = tpu.vector_load %arg10[%swap3A_143, %swap3A_144] {strides = array<i32>} : memref<320x256xf32, #tpu.memory_space<vmem>>, vector<16xf32>,
          tpu.vector_store %arg10[%swap3A_143, %swap3A_144], %max3A_142 {strides = array<i32>} : memref<320x256xf32, #tpu.memory_space<vmem>>, vector<16xf32>,
          %get3A_146 = arith.index_cast %squeeze3A : i32 to index
          %get3A_147 = arith.constant 32 : index
          %get3A_148 = tpu.vector_load %arg10[%get3A_146, %get3A_147] {strides = array<i32>} : memref<320x256xf32, #tpu.memory_space<vmem>>, vector<16xf32>,
          %get3A_149 = arith.index_cast %while3A_124 : i32 to index
          %get3A_150 = arith.constant 32 : index
          %get3A_151 = tpu.vector_load %arg17[%get3A_149, %get3A_150] {strides = array<i32>} : memref<64x256xf32, #tpu.memory_space<vmem>>, vector<16xf32>,
          %max3A_152 = arith.maximumf %get3A_148, %get3A_151 : vector<16xf32>
          %swap3A_153 = arith.index_cast %squeeze3A : i32 to index
          %swap3A_154 = arith.constant 32 : index
          %swap3A_155 = tpu.vector_load %arg10[%swap3A_153, %swap3A_154] {strides = array<i32>} : memref<320x256xf32, #tpu.memory_space<vmem>>, vector<16xf32>,
          tpu.vector_store %arg10[%swap3A_153, %swap3A_154], %max3A_152 {strides = array<i32>} : memref<320x256xf32, #tpu.memory_space<vmem>>, vector<16xf32>,
          %get3A_156 = arith.index_cast %squeeze3A : i32 to index
          %get3A_157 = arith.constant 48 : index
          %get3A_158 = tpu.vector_load %arg10[%get3A_156, %get3A_157] {strides = array<i32>} : memref<320x256xf32, #tpu.memory_space<vmem>>, vector<16xf32>,
          %get3A_159 = arith.index_cast %while3A_124 : i32 to index
          %get3A_160 = arith.constant 48 : index
          %get3A_161 = tpu.vector_load %arg17[%get3A_159, %get3A_160] {strides = array<i32>} : memref<64x256xf32, #tpu.memory_space<vmem>>, vector<16xf32>,
          %max3A_162 = arith.maximumf %get3A_158, %get3A_161 : vector<16xf32>
          %swap3A_163 = arith.index_cast %squeeze3A : i32 to index
          %swap3A_164 = arith.constant 48 : index
          %swap3A_165 = tpu.vector_load %arg10[%swap3A_163, %swap3A_164] {strides = array<i32>} : memref<320x256xf32, #tpu.memory_space<vmem>>, vector<16xf32>,
          tpu.vector_store %arg10[%swap3A_163, %swap3A_164], %max3A_162 {strides = array<i32>} : memref<320x256xf32, #tpu.memory_space<vmem>>, vector<16xf32>,
          %get3A_166 = arith.index_cast %squeeze3A : i32 to index
          %get3A_167 = arith.constant 64 : index
          %get3A_168 = tpu.vector_load %arg10[%get3A_166, %get3A_167] {strides = array<i32>} : memref<320x256xf32, #tpu.memory_space<vmem>>, vector<16xf32>,
          %get3A_169 = arith.index_cast %while3A_124 : i32 to index
          %get3A_170 = arith.constant 64 : index
          %get3A_171 = tpu.vector_load %arg17[%get3A_169, %get3A_170] {strides = array<i32>} : memref<64x256xf32, #tpu.memory_space<vmem>>, vector<16xf32>,
          %max3A_172 = arith.maximumf %get3A_168, %get3A_171 : vector<16xf32>
          %swap3A_173 = arith.index_cast %squeeze3A : i32 to index
          %swap3A_174 = arith.constant 64 : index
          %swap3A_175 = tpu.vector_load %arg10[%swap3A_173, %swap3A_174] {strides = array<i32>} : memref<320x256xf32, #tpu.memory_space<vmem>>, vector<16xf32>,
          tpu.vector_store %arg10[%swap3A_173, %swap3A_174], %max3A_172 {strides = array<i32>} : memref<320x256xf32, #tpu.memory_space<vmem>>, vector<16xf32>,
          %get3A_176 = arith.index_cast %squeeze3A : i32 to index
          %get3A_177 = arith.constant 80 : index
          %get3A_178 = tpu.vector_load %arg10[%get3A_176, %get3A_177] {strides = array<i32>} : memref<320x256xf32, #tpu.memory_space<vmem>>, vector<16xf32>,
          %get3A_179 = arith.index_cast %while3A_124 : i32 to index
          %get3A_180 = arith.constant 80 : index
          %get3A_181 = tpu.vector_load %arg17[%get3A_179, %get3A_180] {strides = array<i32>} : memref<64x256xf32, #tpu.memory_space<vmem>>, vector<16xf32>,
          %max3A_182 = arith.maximumf %get3A_178, %get3A_181 : vector<16xf32>
          %swap3A_183 = arith.index_cast %squeeze3A : i32 to index
          %swap3A_184 = arith.constant 80 : index
          %swap3A_185 = tpu.vector_load %arg10[%swap3A_183, %swap3A_184] {strides = array<i32>} : memref<320x256xf32, #tpu.memory_space<vmem>>, vector<16xf32>,
          tpu.vector_store %arg10[%swap3A_183, %swap3A_184], %max3A_182 {strides = array<i32>} : memref<320x256xf32, #tpu.memory_space<vmem>>, vector<16xf32>,
          %get3A_186 = arith.index_cast %squeeze3A : i32 to index
          %get3A_187 = arith.constant 96 : index
          %get3A_188 = tpu.vector_load %arg10[%get3A_186, %get3A_187] {strides = array<i32>} : memref<320x256xf32, #tpu.memory_space<vmem>>, vector<16xf32>,
          %get3A_189 = arith.index_cast %while3A_124 : i32 to index
          %get3A_190 = arith.constant 96 : index
          %get3A_191 = tpu.vector_load %arg17[%get3A_189, %get3A_190] {strides = array<i32>} : memref<64x256xf32, #tpu.memory_space<vmem>>, vector<16xf32>,
          %max3A_192 = arith.maximumf %get3A_188, %get3A_191 : vector<16xf32>
          %swap3A_193 = arith.index_cast %squeeze3A : i32 to index
          %swap3A_194 = arith.constant 96 : index
          %swap3A_195 = tpu.vector_load %arg10[%swap3A_193, %swap3A_194] {strides = array<i32>} : memref<320x256xf32, #tpu.memory_space<vmem>>, vector<16xf32>,
          tpu.vector_store %arg10[%swap3A_193, %swap3A_194], %max3A_192 {strides = array<i32>} : memref<320x256xf32, #tpu.memory_space<vmem>>, vector<16xf32>,
          %get3A_196 = arith.index_cast %squeeze3A : i32 to index
          %get3A_197 = arith.constant 112 : index
          %get3A_198 = tpu.vector_load %arg10[%get3A_196, %get3A_197] {strides = array<i32>} : memref<320x256xf32, #tpu.memory_space<vmem>>, vector<16xf32>,
          %get3A_199 = arith.index_cast %while3A_124 : i32 to index
          %get3A_200 = arith.constant 112 : index
          %get3A_201 = tpu.vector_load %arg17[%get3A_199, %get3A_200] {strides = array<i32>} : memref<64x256xf32, #tpu.memory_space<vmem>>, vector<16xf32>,
          %max3A_202 = arith.maximumf %get3A_198, %get3A_201 : vector<16xf32>
          %swap3A_203 = arith.index_cast %squeeze3A : i32 to index
          %swap3A_204 = arith.constant 112 : index
          %swap3A_205 = tpu.vector_load %arg10[%swap3A_203, %swap3A_204] {strides = array<i32>} : memref<320x256xf32, #tpu.memory_space<vmem>>, vector<16xf32>,
          tpu.vector_store %arg10[%swap3A_203, %swap3A_204], %max3A_202 {strides = array<i32>} : memref<320x256xf32, #tpu.memory_space<vmem>>, vector<16xf32>,
          %get3A_206 = arith.index_cast %squeeze3A : i32 to index
          %get3A_207 = arith.constant 128 : index
          %get3A_208 = tpu.vector_load %arg10[%get3A_206, %get3A_207] {strides = array<i32>} : memref<320x256xf32, #tpu.memory_space<vmem>>, vector<16xf32>,
          %get3A_209 = arith.index_cast %while3A_124 : i32 to index
          %get3A_210 = arith.constant 128 : index
          %get3A_211 = tpu.vector_load %arg17[%get3A_209, %get3A_210] {strides = array<i32>} : memref<64x256xf32, #tpu.memory_space<vmem>>, vector<16xf32>,
          %max3A_212 = arith.maximumf %get3A_208, %get3A_211 : vector<16xf32>
          %swap3A_213 = arith.index_cast %squeeze3A : i32 to index
          %swap3A_214 = arith.constant 128 : index
          %swap3A_215 = tpu.vector_load %arg10[%swap3A_213, %swap3A_214] {strides = array<i32>} : memref<320x256xf32, #tpu.memory_space<vmem>>, vector<16xf32>,
          tpu.vector_store %arg10[%swap3A_213, %swap3A_214], %max3A_212 {strides = array<i32>} : memref<320x256xf32, #tpu.memory_space<vmem>>, vector<16xf32>,
          %get3A_216 = arith.index_cast %squeeze3A : i32 to index
          %get3A_217 = arith.constant 144 : index
          %get3A_218 = tpu.vector_load %arg10[%get3A_216, %get3A_217] {strides = array<i32>} : memref<320x256xf32, #tpu.memory_space<vmem>>, vector<16xf32>,
          %get3A_219 = arith.index_cast %while3A_124 : i32 to index
          %get3A_220 = arith.constant 144 : index
          %get3A_221 = tpu.vector_load %arg17[%get3A_219, %get3A_220] {strides = array<i32>} : memref<64x256xf32, #tpu.memory_space<vmem>>, vector<16xf32>,
          %max3A_222 = arith.maximumf %get3A_218, %get3A_221 : vector<16xf32>
          %swap3A_223 = arith.index_cast %squeeze3A : i32 to index
          %swap3A_224 = arith.constant 144 : index
          %swap3A_225 = tpu.vector_load %arg10[%swap3A_223, %swap3A_224] {strides = array<i32>} : memref<320x256xf32, #tpu.memory_space<vmem>>, vector<16xf32>,
          tpu.vector_store %arg10[%swap3A_223, %swap3A_224], %max3A_222 {strides = array<i32>} : memref<320x256xf32, #tpu.memory_space<vmem>>, vector<16xf32>,
          %get3A_226 = arith.index_cast %squeeze3A : i32 to index
          %get3A_227 = arith.constant 160 : index
          %get3A_228 = tpu.vector_load %arg10[%get3A_226, %get3A_227] {strides = array<i32>} : memref<320x256xf32, #tpu.memory_space<vmem>>, vector<16xf32>,
          %get3A_229 = arith.index_cast %while3A_124 : i32 to index
          %get3A_230 = arith.constant 160 : index
          %get3A_231 = tpu.vector_load %arg17[%get3A_229, %get3A_230] {strides = array<i32>} : memref<64x256xf32, #tpu.memory_space<vmem>>, vector<16xf32>,
          %max3A_232 = arith.maximumf %get3A_228, %get3A_231 : vector<16xf32>
          %swap3A_233 = arith.index_cast %squeeze3A : i32 to index
          %swap3A_234 = arith.constant 160 : index
          %swap3A_235 = tpu.vector_load %arg10[%swap3A_233, %swap3A_234] {strides = array<i32>} : memref<320x256xf32, #tpu.memory_space<vmem>>, vector<16xf32>,
          tpu.vector_store %arg10[%swap3A_233, %swap3A_234], %max3A_232 {strides = array<i32>} : memref<320x256xf32, #tpu.memory_space<vmem>>, vector<16xf32>,
          %get3A_236 = arith.index_cast %squeeze3A : i32 to index
          %get3A_237 = arith.constant 176 : index
          %get3A_238 = tpu.vector_load %arg10[%get3A_236, %get3A_237] {strides = array<i32>} : memref<320x256xf32, #tpu.memory_space<vmem>>, vector<16xf32>,
          %get3A_239 = arith.index_cast %while3A_124 : i32 to index
          %get3A_240 = arith.constant 176 : index
          %get3A_241 = tpu.vector_load %arg17[%get3A_239, %get3A_240] {strides = array<i32>} : memref<64x256xf32, #tpu.memory_space<vmem>>, vector<16xf32>,
          %max3A_242 = arith.maximumf %get3A_238, %get3A_241 : vector<16xf32>
          %swap3A_243 = arith.index_cast %squeeze3A : i32 to index
          %swap3A_244 = arith.constant 176 : index
          %swap3A_245 = tpu.vector_load %arg10[%swap3A_243, %swap3A_244] {strides = array<i32>} : memref<320x256xf32, #tpu.memory_space<vmem>>, vector<16xf32>,
          tpu.vector_store %arg10[%swap3A_243, %swap3A_244], %max3A_242 {strides = array<i32>} : memref<320x256xf32, #tpu.memory_space<vmem>>, vector<16xf32>,
          %get3A_246 = arith.index_cast %squeeze3A : i32 to index
          %get3A_247 = arith.constant 192 : index
          %get3A_248 = tpu.vector_load %arg10[%get3A_246, %get3A_247] {strides = array<i32>} : memref<320x256xf32, #tpu.memory_space<vmem>>, vector<16xf32>,
          %get3A_249 = arith.index_cast %while3A_124 : i32 to index
          %get3A_250 = arith.constant 192 : index
          %get3A_251 = tpu.vector_load %arg17[%get3A_249, %get3A_250] {strides = array<i32>} : memref<64x256xf32, #tpu.memory_space<vmem>>, vector<16xf32>,
          %max3A_252 = arith.maximumf %get3A_248, %get3A_251 : vector<16xf32>
          %swap3A_253 = arith.index_cast %squeeze3A : i32 to index
          %swap3A_254 = arith.constant 192 : index
          %swap3A_255 = tpu.vector_load %arg10[%swap3A_253, %swap3A_254] {strides = array<i32>} : memref<320x256xf32, #tpu.memory_space<vmem>>, vector<16xf32>,
          tpu.vector_store %arg10[%swap3A_253, %swap3A_254], %max3A_252 {strides = array<i32>} : memref<320x256xf32, #tpu.memory_space<vmem>>, vector<16xf32>,
          %get3A_256 = arith.index_cast %squeeze3A : i32 to index
          %get3A_257 = arith.constant 208 : index
          %get3A_258 = tpu.vector_load %arg10[%get3A_256, %get3A_257] {strides = array<i32>} : memref<320x256xf32, #tpu.memory_space<vmem>>, vector<16xf32>,
          %get3A_259 = arith.index_cast %while3A_124 : i32 to index
          %get3A_260 = arith.constant 208 : index
          %get3A_261 = tpu.vector_load %arg17[%get3A_259, %get3A_260] {strides = array<i32>} : memref<64x256xf32, #tpu.memory_space<vmem>>, vector<16xf32>,
          %max3A_262 = arith.maximumf %get3A_258, %get3A_261 : vector<16xf32>
          %swap3A_263 = arith.index_cast %squeeze3A : i32 to index
          %swap3A_264 = arith.constant 208 : index
          %swap3A_265 = tpu.vector_load %arg10[%swap3A_263, %swap3A_264] {strides = array<i32>} : memref<320x256xf32, #tpu.memory_space<vmem>>, vector<16xf32>,
          tpu.vector_store %arg10[%swap3A_263, %swap3A_264], %max3A_262 {strides = array<i32>} : memref<320x256xf32, #tpu.memory_space<vmem>>, vector<16xf32>,
          %get3A_266 = arith.index_cast %squeeze3A : i32 to index
          %get3A_267 = arith.constant 224 : index
          %get3A_268 = tpu.vector_load %arg10[%get3A_266, %get3A_267] {strides = array<i32>} : memref<320x256xf32, #tpu.memory_space<vmem>>, vector<16xf32>,
          %get3A_269 = arith.index_cast %while3A_124 : i32 to index
          %get3A_270 = arith.constant 224 : index
          %get3A_271 = tpu.vector_load %arg17[%get3A_269, %get3A_270] {strides = array<i32>} : memref<64x256xf32, #tpu.memory_space<vmem>>, vector<16xf32>,
          %max3A_272 = arith.maximumf %get3A_268, %get3A_271 : vector<16xf32>
          %swap3A_273 = arith.index_cast %squeeze3A : i32 to index
          %swap3A_274 = arith.constant 224 : index
          %swap3A_275 = tpu.vector_load %arg10[%swap3A_273, %swap3A_274] {strides = array<i32>} : memref<320x256xf32, #tpu.memory_space<vmem>>, vector<16xf32>,
          tpu.vector_store %arg10[%swap3A_273, %swap3A_274], %max3A_272 {strides = array<i32>} : memref<320x256xf32, #tpu.memory_space<vmem>>, vector<16xf32>,
          %get3A_276 = arith.index_cast %squeeze3A : i32 to index
          %get3A_277 = arith.constant 240 : index
          %get3A_278 = tpu.vector_load %arg10[%get3A_276, %get3A_277] {strides = array<i32>} : memref<320x256xf32, #tpu.memory_space<vmem>>, vector<16xf32>,
          %get3A_279 = arith.index_cast %while3A_124 : i32 to index
          %get3A_280 = arith.constant 240 : index
          %get3A_281 = tpu.vector_load %arg17[%get3A_279, %get3A_280] {strides = array<i32>} : memref<64x256xf32, #tpu.memory_space<vmem>>, vector<16xf32>,
          %max3A_282 = arith.maximumf %get3A_278, %get3A_281 : vector<16xf32>
          %swap3A_283 = arith.index_cast %squeeze3A : i32 to index
          %swap3A_284 = arith.constant 240 : index
          %swap3A_285 = tpu.vector_load %arg10[%swap3A_283, %swap3A_284] {strides = array<i32>} : memref<320x256xf32, #tpu.memory_space<vmem>>, vector<16xf32>,
          tpu.vector_store %arg10[%swap3A_283, %swap3A_284], %max3A_282 {strides = array<i32>} : memref<320x256xf32, #tpu.memory_space<vmem>>, vector<16xf32>,
          %get3A_286 = arith.index_cast %squeeze3A : i32 to index
          %get3A_287 = arith.constant 0 : index
          %get3A_288 = tpu.vector_load %arg11[%get3A_286, %get3A_287] {strides = array<i32>} : memref<320x64xi32, #tpu.memory_space<vmem>>, vector<16xi32>,
          %get3A_289 = arith.index_cast %while3A_124 : i32 to index
          %get3A_290 = arith.constant 0 : index
          %get3A_291 = tpu.vector_load %arg18[%get3A_289, %get3A_290] {strides = array<i32>} : memref<64x64xi32, #tpu.memory_space<vmem>>, vector<16xi32>,
          %min3A_292 = arith.minsi %get3A_288, %get3A_291 : vector<16xi32>
          %swap3A_293 = arith.index_cast %squeeze3A : i32 to index
          %swap3A_294 = arith.constant 0 : index
          %swap3A_295 = tpu.vector_load %arg11[%swap3A_293, %swap3A_294] {strides = array<i32>} : memref<320x64xi32, #tpu.memory_space<vmem>>, vector<16xi32>,
          tpu.vector_store %arg11[%swap3A_293, %swap3A_294], %min3A_292 {strides = array<i32>} : memref<320x64xi32, #tpu.memory_space<vmem>>, vector<16xi32>,
          %get3A_296 = arith.index_cast %squeeze3A : i32 to index
          %get3A_297 = arith.constant 16 : index
          %get3A_298 = tpu.vector_load %arg11[%get3A_296, %get3A_297] {strides = array<i32>} : memref<320x64xi32, #tpu.memory_space<vmem>>, vector<16xi32>,
          %get3A_299 = arith.index_cast %while3A_124 : i32 to index
          %get3A_300 = arith.constant 16 : index
          %get3A_301 = tpu.vector_load %arg18[%get3A_299, %get3A_300] {strides = array<i32>} : memref<64x64xi32, #tpu.memory_space<vmem>>, vector<16xi32>,
          %min3A_302 = arith.minsi %get3A_298, %get3A_301 : vector<16xi32>
          %swap3A_303 = arith.index_cast %squeeze3A : i32 to index
          %swap3A_304 = arith.constant 16 : index
          %swap3A_305 = tpu.vector_load %arg11[%swap3A_303, %swap3A_304] {strides = array<i32>} : memref<320x64xi32, #tpu.memory_space<vmem>>, vector<16xi32>,
          tpu.vector_store %arg11[%swap3A_303, %swap3A_304], %min3A_302 {strides = array<i32>} : memref<320x64xi32, #tpu.memory_space<vmem>>, vector<16xi32>,
          %get3A_306 = arith.index_cast %squeeze3A : i32 to index
          %get3A_307 = arith.constant 32 : index
          %get3A_308 = tpu.vector_load %arg11[%get3A_306, %get3A_307] {strides = array<i32>} : memref<320x64xi32, #tpu.memory_space<vmem>>, vector<16xi32>,
          %get3A_309 = arith.index_cast %while3A_124 : i32 to index
          %get3A_310 = arith.constant 32 : index
          %get3A_311 = tpu.vector_load %arg18[%get3A_309, %get3A_310] {strides = array<i32>} : memref<64x64xi32, #tpu.memory_space<vmem>>, vector<16xi32>,
          %min3A_312 = arith.minsi %get3A_308, %get3A_311 : vector<16xi32>
          %swap3A_313 = arith.index_cast %squeeze3A : i32 to index
          %swap3A_314 = arith.constant 32 : index
          %swap3A_315 = tpu.vector_load %arg11[%swap3A_313, %swap3A_314] {strides = array<i32>} : memref<320x64xi32, #tpu.memory_space<vmem>>, vector<16xi32>,
          tpu.vector_store %arg11[%swap3A_313, %swap3A_314], %min3A_312 {strides = array<i32>} : memref<320x64xi32, #tpu.memory_space<vmem>>, vector<16xi32>,
          %get3A_316 = arith.index_cast %squeeze3A : i32 to index
          %get3A_317 = arith.constant 48 : index
          %get3A_318 = tpu.vector_load %arg11[%get3A_316, %get3A_317] {strides = array<i32>} : memref<320x64xi32, #tpu.memory_space<vmem>>, vector<16xi32>,
          %get3A_319 = arith.index_cast %while3A_124 : i32 to index
          %get3A_320 = arith.constant 48 : index
          %get3A_321 = tpu.vector_load %arg18[%get3A_319, %get3A_320] {strides = array<i32>} : memref<64x64xi32, #tpu.memory_space<vmem>>, vector<16xi32>,
          %min3A_322 = arith.minsi %get3A_318, %get3A_321 : vector<16xi32>
          %swap3A_323 = arith.index_cast %squeeze3A : i32 to index
          %swap3A_324 = arith.constant 48 : index
          %swap3A_325 = tpu.vector_load %arg11[%swap3A_323, %swap3A_324] {strides = array<i32>} : memref<320x64xi32, #tpu.memory_space<vmem>>, vector<16xi32>,
          tpu.vector_store %arg11[%swap3A_323, %swap3A_324], %min3A_322 {strides = array<i32>} : memref<320x64xi32, #tpu.memory_space<vmem>>, vector<16xi32>,
        }
      }
    }
    %scan3A_26 = arith.constant 200 : i32
    %dma_wait3A = arith.constant 0 : i32
    %dma_wait3A_27 = tpu.memref_slice %arg2[%dma_wait3A] : memref<320000xi32, #tpu.memory_space<hbm>> -> memref<1600xi32, #tpu.memory_space<hbm>>
    %dma_wait3A_28 = arith.constant 0 : i32
    %dma_wait3A_29 = tpu.memref_slice %arg2[%dma_wait3A_28] : memref<320000xi32, #tpu.memory_space<hbm>> -> memref<1600xi32, #tpu.memory_space<hbm>>
    tpu.wait_dma2 semaphore(%arg25 : memref<!tpu.dma_semaphore, #tpu.memory_space<semaphore_mem>>) src(%dma_wait3A_29 : memref<1600xi32, #tpu.memory_space<hbm>>) dst(%arg12 : memref<1600xi32, #tpu.memory_space<vmem>>)
    %dma_wait3A_30 = arith.constant 0 : i32
    %dma_wait3A_31 = tpu.memref_slice %arg3[%dma_wait3A_30] : memref<320000xi32, #tpu.memory_space<hbm>> -> memref<1600xi32, #tpu.memory_space<hbm>>
    %dma_wait3A_32 = arith.constant 0 : i32
    %dma_wait3A_33 = tpu.memref_slice %arg3[%dma_wait3A_32] : memref<320000xi32, #tpu.memory_space<hbm>> -> memref<1600xi32, #tpu.memory_space<hbm>>
    tpu.wait_dma2 semaphore(%arg26 : memref<!tpu.dma_semaphore, #tpu.memory_space<semaphore_mem>>) src(%dma_wait3A_33 : memref<1600xi32, #tpu.memory_space<hbm>>) dst(%arg13 : memref<1600xi32, #tpu.memory_space<vmem>>)
    %iota3A = tpu.iota {dimensions = array<i32: 0>} : vector<16xi32>
    %scan3A_34 = arith.constant 0 : i32
    %scan3A_35 = arith.constant 0 : i32
    %scan3A_36 = arith.constant 20 : i32
    %scan3A_37 = arith.addi %scan3A_35, %scan3A_36 : i32
    %scan3A_38 = arith.constant 1 : i32
    scf.for %scan3A_40 = %scan3A_35 to %scan3A_37 step %scan3A_38  : i32 {
      %scan3A_41 = arith.constant 0 : i32
      %scan3A_42 = arith.constant 0 : i32
      %scan3A_43 = arith.constant 16 : i32
      %scan3A_44 = arith.addi %scan3A_42, %scan3A_43 : i32
      %scan3A_45 = arith.constant 1 : i32
      scf.for %scan3A_153 = %scan3A_42 to %scan3A_44 step %scan3A_45  : i32 {
        %mul3A_154 = arith.constant 16 : i32
        %mul3A_155 = arith.muli %scan3A_40, %mul3A_154 : i32
        %add3A_156 = arith.addi %mul3A_155, %scan3A_153 : i32
        %broadcast_in_dim3A_157 = arith.constant 0 : i32
        %broadcast_in_dim3A_158 = vector.broadcast %broadcast_in_dim3A_157 : i32 to vector<16xi32>
        %broadcast_in_dim3A_159 = arith.constant 0.000000e+00 : f32
        %broadcast_in_dim3A_160 = vector.broadcast %broadcast_in_dim3A_159 : f32 to vector<16xf32>
        %get3A_161 = arith.index_cast %add3A_156 : i32 to index
        %get3A_162 = arith.constant 0 : index
        %get3A_163 = tpu.vector_load %arg10[%get3A_161, %get3A_162] {strides = array<i32>} : memref<320x256xf32, #tpu.memory_space<vmem>>, vector<16xf32>,
        %eq3A = arith.constant 0.000000e+00 : f32
        %eq3A_164 = vector.broadcast %eq3A : f32 to vector<16xf32>
        %eq3A_165 = arith.cmpf oeq, %get3A_163, %eq3A_164 : vector<16xf32>
        %jit3A_166 = arith.constant 1 : i32
        %jit3A_167 = arith.constant 0 : i32
        %broadcast_in_dim3A_168 = vector.broadcast %jit3A_166 : i32 to vector<16xi32>
        %broadcast_in_dim3A_169 = vector.broadcast %jit3A_167 : i32 to vector<16xi32>
        %select_n3A_170 = arith.select %eq3A_165, %broadcast_in_dim3A_168, %broadcast_in_dim3A_169 : vector<16xi1>, vector<16xi32>
        %add3A_171 = arith.addi %broadcast_in_dim3A_158, %select_n3A_170 : vector<16xi32>
        %convert_element_type3A = arith.fptosi %get3A_163 : vector<16xf32> to vector<16xi32>
        %shift_left3A = arith.constant 23 : i32
        %shift_left3A_172 = vector.broadcast %shift_left3A : i32 to vector<16xi32>
        %shift_left3A_173 = arith.shli %convert_element_type3A, %shift_left3A_172 : vector<16xi32>
        %sub3A = arith.constant 1065353216 : i32
        %sub3A_174 = vector.broadcast %sub3A : i32 to vector<16xi32>
        %sub3A_175 = arith.subi %sub3A_174, %shift_left3A_173 : vector<16xi32>
        %bitcast_convert_type3A = tpu.bitcast %sub3A_175 : vector<16xi32> -> vector<16xf32>
        %add3A_176 = arith.addf %broadcast_in_dim3A_160, %bitcast_convert_type3A : vector<16xf32>
        %get3A_177 = arith.index_cast %add3A_156 : i32 to index
        %get3A_178 = arith.constant 16 : index
        %get3A_179 = tpu.vector_load %arg10[%get3A_177, %get3A_178] {strides = array<i32>} : memref<320x256xf32, #tpu.memory_space<vmem>>, vector<16xf32>,
        %eq3A_180 = arith.constant 0.000000e+00 : f32
        %eq3A_181 = vector.broadcast %eq3A_180 : f32 to vector<16xf32>
        %eq3A_182 = arith.cmpf oeq, %get3A_179, %eq3A_181 : vector<16xf32>
        %jit3A_183 = arith.constant 1 : i32
        %jit3A_184 = arith.constant 0 : i32
        %broadcast_in_dim3A_185 = vector.broadcast %jit3A_183 : i32 to vector<16xi32>
        %broadcast_in_dim3A_186 = vector.broadcast %jit3A_184 : i32 to vector<16xi32>
        %select_n3A_187 = arith.select %eq3A_182, %broadcast_in_dim3A_185, %broadcast_in_dim3A_186 : vector<16xi1>, vector<16xi32>
        %add3A_188 = arith.addi %add3A_171, %select_n3A_187 : vector<16xi32>
        %convert_element_type3A_189 = arith.fptosi %get3A_179 : vector<16xf32> to vector<16xi32>
        %shift_left3A_190 = arith.constant 23 : i32
        %shift_left3A_191 = vector.broadcast %shift_left3A_190 : i32 to vector<16xi32>
        %shift_left3A_192 = arith.shli %convert_element_type3A_189, %shift_left3A_191 : vector<16xi32>
        %sub3A_193 = arith.constant 1065353216 : i32
        %sub3A_194 = vector.broadcast %sub3A_193 : i32 to vector<16xi32>
        %sub3A_195 = arith.subi %sub3A_194, %shift_left3A_192 : vector<16xi32>
        %bitcast_convert_type3A_196 = tpu.bitcast %sub3A_195 : vector<16xi32> -> vector<16xf32>
        %add3A_197 = arith.addf %add3A_176, %bitcast_convert_type3A_196 : vector<16xf32>
        %get3A_198 = arith.index_cast %add3A_156 : i32 to index
        %get3A_199 = arith.constant 32 : index
        %get3A_200 = tpu.vector_load %arg10[%get3A_198, %get3A_199] {strides = array<i32>} : memref<320x256xf32, #tpu.memory_space<vmem>>, vector<16xf32>,
        %eq3A_201 = arith.constant 0.000000e+00 : f32
        %eq3A_202 = vector.broadcast %eq3A_201 : f32 to vector<16xf32>
        %eq3A_203 = arith.cmpf oeq, %get3A_200, %eq3A_202 : vector<16xf32>
        %jit3A_204 = arith.constant 1 : i32
        %jit3A_205 = arith.constant 0 : i32
        %broadcast_in_dim3A_206 = vector.broadcast %jit3A_204 : i32 to vector<16xi32>
        %broadcast_in_dim3A_207 = vector.broadcast %jit3A_205 : i32 to vector<16xi32>
        %select_n3A_208 = arith.select %eq3A_203, %broadcast_in_dim3A_206, %broadcast_in_dim3A_207 : vector<16xi1>, vector<16xi32>
        %add3A_209 = arith.addi %add3A_188, %select_n3A_208 : vector<16xi32>
        %convert_element_type3A_210 = arith.fptosi %get3A_200 : vector<16xf32> to vector<16xi32>
        %shift_left3A_211 = arith.constant 23 : i32
        %shift_left3A_212 = vector.broadcast %shift_left3A_211 : i32 to vector<16xi32>
        %shift_left3A_213 = arith.shli %convert_element_type3A_210, %shift_left3A_212 : vector<16xi32>
        %sub3A_214 = arith.constant 1065353216 : i32
        %sub3A_215 = vector.broadcast %sub3A_214 : i32 to vector<16xi32>
        %sub3A_216 = arith.subi %sub3A_215, %shift_left3A_213 : vector<16xi32>
        %bitcast_convert_type3A_217 = tpu.bitcast %sub3A_216 : vector<16xi32> -> vector<16xf32>
        %add3A_218 = arith.addf %add3A_197, %bitcast_convert_type3A_217 : vector<16xf32>
        %get3A_219 = arith.index_cast %add3A_156 : i32 to index
        %get3A_220 = arith.constant 48 : index
        %get3A_221 = tpu.vector_load %arg10[%get3A_219, %get3A_220] {strides = array<i32>} : memref<320x256xf32, #tpu.memory_space<vmem>>, vector<16xf32>,
        %eq3A_222 = arith.constant 0.000000e+00 : f32
        %eq3A_223 = vector.broadcast %eq3A_222 : f32 to vector<16xf32>
        %eq3A_224 = arith.cmpf oeq, %get3A_221, %eq3A_223 : vector<16xf32>
        %jit3A_225 = arith.constant 1 : i32
        %jit3A_226 = arith.constant 0 : i32
        %broadcast_in_dim3A_227 = vector.broadcast %jit3A_225 : i32 to vector<16xi32>
        %broadcast_in_dim3A_228 = vector.broadcast %jit3A_226 : i32 to vector<16xi32>
        %select_n3A_229 = arith.select %eq3A_224, %broadcast_in_dim3A_227, %broadcast_in_dim3A_228 : vector<16xi1>, vector<16xi32>
        %add3A_230 = arith.addi %add3A_209, %select_n3A_229 : vector<16xi32>
        %convert_element_type3A_231 = arith.fptosi %get3A_221 : vector<16xf32> to vector<16xi32>
        %shift_left3A_232 = arith.constant 23 : i32
        %shift_left3A_233 = vector.broadcast %shift_left3A_232 : i32 to vector<16xi32>
        %shift_left3A_234 = arith.shli %convert_element_type3A_231, %shift_left3A_233 : vector<16xi32>
        %sub3A_235 = arith.constant 1065353216 : i32
        %sub3A_236 = vector.broadcast %sub3A_235 : i32 to vector<16xi32>
        %sub3A_237 = arith.subi %sub3A_236, %shift_left3A_234 : vector<16xi32>
        %bitcast_convert_type3A_238 = tpu.bitcast %sub3A_237 : vector<16xi32> -> vector<16xf32>
        %add3A_239 = arith.addf %add3A_218, %bitcast_convert_type3A_238 : vector<16xf32>
        %get3A_240 = arith.index_cast %add3A_156 : i32 to index
        %get3A_241 = arith.constant 64 : index
        %get3A_242 = tpu.vector_load %arg10[%get3A_240, %get3A_241] {strides = array<i32>} : memref<320x256xf32, #tpu.memory_space<vmem>>, vector<16xf32>,
        %eq3A_243 = arith.constant 0.000000e+00 : f32
        %eq3A_244 = vector.broadcast %eq3A_243 : f32 to vector<16xf32>
        %eq3A_245 = arith.cmpf oeq, %get3A_242, %eq3A_244 : vector<16xf32>
        %jit3A_246 = arith.constant 1 : i32
        %jit3A_247 = arith.constant 0 : i32
        %broadcast_in_dim3A_248 = vector.broadcast %jit3A_246 : i32 to vector<16xi32>
        %broadcast_in_dim3A_249 = vector.broadcast %jit3A_247 : i32 to vector<16xi32>
        %select_n3A_250 = arith.select %eq3A_245, %broadcast_in_dim3A_248, %broadcast_in_dim3A_249 : vector<16xi1>, vector<16xi32>
        %add3A_251 = arith.addi %add3A_230, %select_n3A_250 : vector<16xi32>
        %convert_element_type3A_252 = arith.fptosi %get3A_242 : vector<16xf32> to vector<16xi32>
        %shift_left3A_253 = arith.constant 23 : i32
        %shift_left3A_254 = vector.broadcast %shift_left3A_253 : i32 to vector<16xi32>
        %shift_left3A_255 = arith.shli %convert_element_type3A_252, %shift_left3A_254 : vector<16xi32>
        %sub3A_256 = arith.constant 1065353216 : i32
        %sub3A_257 = vector.broadcast %sub3A_256 : i32 to vector<16xi32>
        %sub3A_258 = arith.subi %sub3A_257, %shift_left3A_255 : vector<16xi32>
        %bitcast_convert_type3A_259 = tpu.bitcast %sub3A_258 : vector<16xi32> -> vector<16xf32>
        %add3A_260 = arith.addf %add3A_239, %bitcast_convert_type3A_259 : vector<16xf32>
        %get3A_261 = arith.index_cast %add3A_156 : i32 to index
        %get3A_262 = arith.constant 80 : index
        %get3A_263 = tpu.vector_load %arg10[%get3A_261, %get3A_262] {strides = array<i32>} : memref<320x256xf32, #tpu.memory_space<vmem>>, vector<16xf32>,
        %eq3A_264 = arith.constant 0.000000e+00 : f32
        %eq3A_265 = vector.broadcast %eq3A_264 : f32 to vector<16xf32>
        %eq3A_266 = arith.cmpf oeq, %get3A_263, %eq3A_265 : vector<16xf32>
        %jit3A_267 = arith.constant 1 : i32
        %jit3A_268 = arith.constant 0 : i32
        %broadcast_in_dim3A_269 = vector.broadcast %jit3A_267 : i32 to vector<16xi32>
        %broadcast_in_dim3A_270 = vector.broadcast %jit3A_268 : i32 to vector<16xi32>
        %select_n3A_271 = arith.select %eq3A_266, %broadcast_in_dim3A_269, %broadcast_in_dim3A_270 : vector<16xi1>, vector<16xi32>
        %add3A_272 = arith.addi %add3A_251, %select_n3A_271 : vector<16xi32>
        %convert_element_type3A_273 = arith.fptosi %get3A_263 : vector<16xf32> to vector<16xi32>
        %shift_left3A_274 = arith.constant 23 : i32
        %shift_left3A_275 = vector.broadcast %shift_left3A_274 : i32 to vector<16xi32>
        %shift_left3A_276 = arith.shli %convert_element_type3A_273, %shift_left3A_275 : vector<16xi32>
        %sub3A_277 = arith.constant 1065353216 : i32
        %sub3A_278 = vector.broadcast %sub3A_277 : i32 to vector<16xi32>
        %sub3A_279 = arith.subi %sub3A_278, %shift_left3A_276 : vector<16xi32>
        %bitcast_convert_type3A_280 = tpu.bitcast %sub3A_279 : vector<16xi32> -> vector<16xf32>
        %add3A_281 = arith.addf %add3A_260, %bitcast_convert_type3A_280 : vector<16xf32>
        %get3A_282 = arith.index_cast %add3A_156 : i32 to index
        %get3A_283 = arith.constant 96 : index
        %get3A_284 = tpu.vector_load %arg10[%get3A_282, %get3A_283] {strides = array<i32>} : memref<320x256xf32, #tpu.memory_space<vmem>>, vector<16xf32>,
        %eq3A_285 = arith.constant 0.000000e+00 : f32
        %eq3A_286 = vector.broadcast %eq3A_285 : f32 to vector<16xf32>
        %eq3A_287 = arith.cmpf oeq, %get3A_284, %eq3A_286 : vector<16xf32>
        %jit3A_288 = arith.constant 1 : i32
        %jit3A_289 = arith.constant 0 : i32
        %broadcast_in_dim3A_290 = vector.broadcast %jit3A_288 : i32 to vector<16xi32>
        %broadcast_in_dim3A_291 = vector.broadcast %jit3A_289 : i32 to vector<16xi32>
        %select_n3A_292 = arith.select %eq3A_287, %broadcast_in_dim3A_290, %broadcast_in_dim3A_291 : vector<16xi1>, vector<16xi32>
        %add3A_293 = arith.addi %add3A_272, %select_n3A_292 : vector<16xi32>
        %convert_element_type3A_294 = arith.fptosi %get3A_284 : vector<16xf32> to vector<16xi32>
        %shift_left3A_295 = arith.constant 23 : i32
        %shift_left3A_296 = vector.broadcast %shift_left3A_295 : i32 to vector<16xi32>
        %shift_left3A_297 = arith.shli %convert_element_type3A_294, %shift_left3A_296 : vector<16xi32>
        %sub3A_298 = arith.constant 1065353216 : i32
        %sub3A_299 = vector.broadcast %sub3A_298 : i32 to vector<16xi32>
        %sub3A_300 = arith.subi %sub3A_299, %shift_left3A_297 : vector<16xi32>
        %bitcast_convert_type3A_301 = tpu.bitcast %sub3A_300 : vector<16xi32> -> vector<16xf32>
        %add3A_302 = arith.addf %add3A_281, %bitcast_convert_type3A_301 : vector<16xf32>
        %get3A_303 = arith.index_cast %add3A_156 : i32 to index
        %get3A_304 = arith.constant 112 : index
        %get3A_305 = tpu.vector_load %arg10[%get3A_303, %get3A_304] {strides = array<i32>} : memref<320x256xf32, #tpu.memory_space<vmem>>, vector<16xf32>,
        %eq3A_306 = arith.constant 0.000000e+00 : f32
        %eq3A_307 = vector.broadcast %eq3A_306 : f32 to vector<16xf32>
        %eq3A_308 = arith.cmpf oeq, %get3A_305, %eq3A_307 : vector<16xf32>
        %jit3A_309 = arith.constant 1 : i32
        %jit3A_310 = arith.constant 0 : i32
        %broadcast_in_dim3A_311 = vector.broadcast %jit3A_309 : i32 to vector<16xi32>
        %broadcast_in_dim3A_312 = vector.broadcast %jit3A_310 : i32 to vector<16xi32>
        %select_n3A_313 = arith.select %eq3A_308, %broadcast_in_dim3A_311, %broadcast_in_dim3A_312 : vector<16xi1>, vector<16xi32>
        %add3A_314 = arith.addi %add3A_293, %select_n3A_313 : vector<16xi32>
        %convert_element_type3A_315 = arith.fptosi %get3A_305 : vector<16xf32> to vector<16xi32>
        %shift_left3A_316 = arith.constant 23 : i32
        %shift_left3A_317 = vector.broadcast %shift_left3A_316 : i32 to vector<16xi32>
        %shift_left3A_318 = arith.shli %convert_element_type3A_315, %shift_left3A_317 : vector<16xi32>
        %sub3A_319 = arith.constant 1065353216 : i32
        %sub3A_320 = vector.broadcast %sub3A_319 : i32 to vector<16xi32>
        %sub3A_321 = arith.subi %sub3A_320, %shift_left3A_318 : vector<16xi32>
        %bitcast_convert_type3A_322 = tpu.bitcast %sub3A_321 : vector<16xi32> -> vector<16xf32>
        %add3A_323 = arith.addf %add3A_302, %bitcast_convert_type3A_322 : vector<16xf32>
        %get3A_324 = arith.index_cast %add3A_156 : i32 to index
        %get3A_325 = arith.constant 128 : index
        %get3A_326 = tpu.vector_load %arg10[%get3A_324, %get3A_325] {strides = array<i32>} : memref<320x256xf32, #tpu.memory_space<vmem>>, vector<16xf32>,
        %eq3A_327 = arith.constant 0.000000e+00 : f32
        %eq3A_328 = vector.broadcast %eq3A_327 : f32 to vector<16xf32>
        %eq3A_329 = arith.cmpf oeq, %get3A_326, %eq3A_328 : vector<16xf32>
        %jit3A_330 = arith.constant 1 : i32
        %jit3A_331 = arith.constant 0 : i32
        %broadcast_in_dim3A_332 = vector.broadcast %jit3A_330 : i32 to vector<16xi32>
        %broadcast_in_dim3A_333 = vector.broadcast %jit3A_331 : i32 to vector<16xi32>
        %select_n3A_334 = arith.select %eq3A_329, %broadcast_in_dim3A_332, %broadcast_in_dim3A_333 : vector<16xi1>, vector<16xi32>
        %add3A_335 = arith.addi %add3A_314, %select_n3A_334 : vector<16xi32>
        %convert_element_type3A_336 = arith.fptosi %get3A_326 : vector<16xf32> to vector<16xi32>
        %shift_left3A_337 = arith.constant 23 : i32
        %shift_left3A_338 = vector.broadcast %shift_left3A_337 : i32 to vector<16xi32>
        %shift_left3A_339 = arith.shli %convert_element_type3A_336, %shift_left3A_338 : vector<16xi32>
        %sub3A_340 = arith.constant 1065353216 : i32
        %sub3A_341 = vector.broadcast %sub3A_340 : i32 to vector<16xi32>
        %sub3A_342 = arith.subi %sub3A_341, %shift_left3A_339 : vector<16xi32>
        %bitcast_convert_type3A_343 = tpu.bitcast %sub3A_342 : vector<16xi32> -> vector<16xf32>
        %add3A_344 = arith.addf %add3A_323, %bitcast_convert_type3A_343 : vector<16xf32>
        %get3A_345 = arith.index_cast %add3A_156 : i32 to index
        %get3A_346 = arith.constant 144 : index
        %get3A_347 = tpu.vector_load %arg10[%get3A_345, %get3A_346] {strides = array<i32>} : memref<320x256xf32, #tpu.memory_space<vmem>>, vector<16xf32>,
        %eq3A_348 = arith.constant 0.000000e+00 : f32
        %eq3A_349 = vector.broadcast %eq3A_348 : f32 to vector<16xf32>
        %eq3A_350 = arith.cmpf oeq, %get3A_347, %eq3A_349 : vector<16xf32>
        %jit3A_351 = arith.constant 1 : i32
        %jit3A_352 = arith.constant 0 : i32
        %broadcast_in_dim3A_353 = vector.broadcast %jit3A_351 : i32 to vector<16xi32>
        %broadcast_in_dim3A_354 = vector.broadcast %jit3A_352 : i32 to vector<16xi32>
        %select_n3A_355 = arith.select %eq3A_350, %broadcast_in_dim3A_353, %broadcast_in_dim3A_354 : vector<16xi1>, vector<16xi32>
        %add3A_356 = arith.addi %add3A_335, %select_n3A_355 : vector<16xi32>
        %convert_element_type3A_357 = arith.fptosi %get3A_347 : vector<16xf32> to vector<16xi32>
        %shift_left3A_358 = arith.constant 23 : i32
        %shift_left3A_359 = vector.broadcast %shift_left3A_358 : i32 to vector<16xi32>
        %shift_left3A_360 = arith.shli %convert_element_type3A_357, %shift_left3A_359 : vector<16xi32>
        %sub3A_361 = arith.constant 1065353216 : i32
        %sub3A_362 = vector.broadcast %sub3A_361 : i32 to vector<16xi32>
        %sub3A_363 = arith.subi %sub3A_362, %shift_left3A_360 : vector<16xi32>
        %bitcast_convert_type3A_364 = tpu.bitcast %sub3A_363 : vector<16xi32> -> vector<16xf32>
        %add3A_365 = arith.addf %add3A_344, %bitcast_convert_type3A_364 : vector<16xf32>
        %get3A_366 = arith.index_cast %add3A_156 : i32 to index
        %get3A_367 = arith.constant 160 : index
        %get3A_368 = tpu.vector_load %arg10[%get3A_366, %get3A_367] {strides = array<i32>} : memref<320x256xf32, #tpu.memory_space<vmem>>, vector<16xf32>,
        %eq3A_369 = arith.constant 0.000000e+00 : f32
        %eq3A_370 = vector.broadcast %eq3A_369 : f32 to vector<16xf32>
        %eq3A_371 = arith.cmpf oeq, %get3A_368, %eq3A_370 : vector<16xf32>
        %jit3A_372 = arith.constant 1 : i32
        %jit3A_373 = arith.constant 0 : i32
        %broadcast_in_dim3A_374 = vector.broadcast %jit3A_372 : i32 to vector<16xi32>
        %broadcast_in_dim3A_375 = vector.broadcast %jit3A_373 : i32 to vector<16xi32>
        %select_n3A_376 = arith.select %eq3A_371, %broadcast_in_dim3A_374, %broadcast_in_dim3A_375 : vector<16xi1>, vector<16xi32>
        %add3A_377 = arith.addi %add3A_356, %select_n3A_376 : vector<16xi32>
        %convert_element_type3A_378 = arith.fptosi %get3A_368 : vector<16xf32> to vector<16xi32>
        %shift_left3A_379 = arith.constant 23 : i32
        %shift_left3A_380 = vector.broadcast %shift_left3A_379 : i32 to vector<16xi32>
        %shift_left3A_381 = arith.shli %convert_element_type3A_378, %shift_left3A_380 : vector<16xi32>
        %sub3A_382 = arith.constant 1065353216 : i32
        %sub3A_383 = vector.broadcast %sub3A_382 : i32 to vector<16xi32>
        %sub3A_384 = arith.subi %sub3A_383, %shift_left3A_381 : vector<16xi32>
        %bitcast_convert_type3A_385 = tpu.bitcast %sub3A_384 : vector<16xi32> -> vector<16xf32>
        %add3A_386 = arith.addf %add3A_365, %bitcast_convert_type3A_385 : vector<16xf32>
        %get3A_387 = arith.index_cast %add3A_156 : i32 to index
        %get3A_388 = arith.constant 176 : index
        %get3A_389 = tpu.vector_load %arg10[%get3A_387, %get3A_388] {strides = array<i32>} : memref<320x256xf32, #tpu.memory_space<vmem>>, vector<16xf32>,
        %eq3A_390 = arith.constant 0.000000e+00 : f32
        %eq3A_391 = vector.broadcast %eq3A_390 : f32 to vector<16xf32>
        %eq3A_392 = arith.cmpf oeq, %get3A_389, %eq3A_391 : vector<16xf32>
        %jit3A_393 = arith.constant 1 : i32
        %jit3A_394 = arith.constant 0 : i32
        %broadcast_in_dim3A_395 = vector.broadcast %jit3A_393 : i32 to vector<16xi32>
        %broadcast_in_dim3A_396 = vector.broadcast %jit3A_394 : i32 to vector<16xi32>
        %select_n3A_397 = arith.select %eq3A_392, %broadcast_in_dim3A_395, %broadcast_in_dim3A_396 : vector<16xi1>, vector<16xi32>
        %add3A_398 = arith.addi %add3A_377, %select_n3A_397 : vector<16xi32>
        %convert_element_type3A_399 = arith.fptosi %get3A_389 : vector<16xf32> to vector<16xi32>
        %shift_left3A_400 = arith.constant 23 : i32
        %shift_left3A_401 = vector.broadcast %shift_left3A_400 : i32 to vector<16xi32>
        %shift_left3A_402 = arith.shli %convert_element_type3A_399, %shift_left3A_401 : vector<16xi32>
        %sub3A_403 = arith.constant 1065353216 : i32
        %sub3A_404 = vector.broadcast %sub3A_403 : i32 to vector<16xi32>
        %sub3A_405 = arith.subi %sub3A_404, %shift_left3A_402 : vector<16xi32>
        %bitcast_convert_type3A_406 = tpu.bitcast %sub3A_405 : vector<16xi32> -> vector<16xf32>
        %add3A_407 = arith.addf %add3A_386, %bitcast_convert_type3A_406 : vector<16xf32>
        %get3A_408 = arith.index_cast %add3A_156 : i32 to index
        %get3A_409 = arith.constant 192 : index
        %get3A_410 = tpu.vector_load %arg10[%get3A_408, %get3A_409] {strides = array<i32>} : memref<320x256xf32, #tpu.memory_space<vmem>>, vector<16xf32>,
        %eq3A_411 = arith.constant 0.000000e+00 : f32
        %eq3A_412 = vector.broadcast %eq3A_411 : f32 to vector<16xf32>
        %eq3A_413 = arith.cmpf oeq, %get3A_410, %eq3A_412 : vector<16xf32>
        %jit3A_414 = arith.constant 1 : i32
        %jit3A_415 = arith.constant 0 : i32
        %broadcast_in_dim3A_416 = vector.broadcast %jit3A_414 : i32 to vector<16xi32>
        %broadcast_in_dim3A_417 = vector.broadcast %jit3A_415 : i32 to vector<16xi32>
        %select_n3A_418 = arith.select %eq3A_413, %broadcast_in_dim3A_416, %broadcast_in_dim3A_417 : vector<16xi1>, vector<16xi32>
        %add3A_419 = arith.addi %add3A_398, %select_n3A_418 : vector<16xi32>
        %convert_element_type3A_420 = arith.fptosi %get3A_410 : vector<16xf32> to vector<16xi32>
        %shift_left3A_421 = arith.constant 23 : i32
        %shift_left3A_422 = vector.broadcast %shift_left3A_421 : i32 to vector<16xi32>
        %shift_left3A_423 = arith.shli %convert_element_type3A_420, %shift_left3A_422 : vector<16xi32>
        %sub3A_424 = arith.constant 1065353216 : i32
        %sub3A_425 = vector.broadcast %sub3A_424 : i32 to vector<16xi32>
        %sub3A_426 = arith.subi %sub3A_425, %shift_left3A_423 : vector<16xi32>
        %bitcast_convert_type3A_427 = tpu.bitcast %sub3A_426 : vector<16xi32> -> vector<16xf32>
        %add3A_428 = arith.addf %add3A_407, %bitcast_convert_type3A_427 : vector<16xf32>
        %get3A_429 = arith.index_cast %add3A_156 : i32 to index
        %get3A_430 = arith.constant 208 : index
        %get3A_431 = tpu.vector_load %arg10[%get3A_429, %get3A_430] {strides = array<i32>} : memref<320x256xf32, #tpu.memory_space<vmem>>, vector<16xf32>,
        %eq3A_432 = arith.constant 0.000000e+00 : f32
        %eq3A_433 = vector.broadcast %eq3A_432 : f32 to vector<16xf32>
        %eq3A_434 = arith.cmpf oeq, %get3A_431, %eq3A_433 : vector<16xf32>
        %jit3A_435 = arith.constant 1 : i32
        %jit3A_436 = arith.constant 0 : i32
        %broadcast_in_dim3A_437 = vector.broadcast %jit3A_435 : i32 to vector<16xi32>
        %broadcast_in_dim3A_438 = vector.broadcast %jit3A_436 : i32 to vector<16xi32>
        %select_n3A_439 = arith.select %eq3A_434, %broadcast_in_dim3A_437, %broadcast_in_dim3A_438 : vector<16xi1>, vector<16xi32>
        %add3A_440 = arith.addi %add3A_419, %select_n3A_439 : vector<16xi32>
        %convert_element_type3A_441 = arith.fptosi %get3A_431 : vector<16xf32> to vector<16xi32>
        %shift_left3A_442 = arith.constant 23 : i32
        %shift_left3A_443 = vector.broadcast %shift_left3A_442 : i32 to vector<16xi32>
        %shift_left3A_444 = arith.shli %convert_element_type3A_441, %shift_left3A_443 : vector<16xi32>
        %sub3A_445 = arith.constant 1065353216 : i32
        %sub3A_446 = vector.broadcast %sub3A_445 : i32 to vector<16xi32>
        %sub3A_447 = arith.subi %sub3A_446, %shift_left3A_444 : vector<16xi32>
        %bitcast_convert_type3A_448 = tpu.bitcast %sub3A_447 : vector<16xi32> -> vector<16xf32>
        %add3A_449 = arith.addf %add3A_428, %bitcast_convert_type3A_448 : vector<16xf32>
        %get3A_450 = arith.index_cast %add3A_156 : i32 to index
        %get3A_451 = arith.constant 224 : index
        %get3A_452 = tpu.vector_load %arg10[%get3A_450, %get3A_451] {strides = array<i32>} : memref<320x256xf32, #tpu.memory_space<vmem>>, vector<16xf32>,
        %eq3A_453 = arith.constant 0.000000e+00 : f32
        %eq3A_454 = vector.broadcast %eq3A_453 : f32 to vector<16xf32>
        %eq3A_455 = arith.cmpf oeq, %get3A_452, %eq3A_454 : vector<16xf32>
        %jit3A_456 = arith.constant 1 : i32
        %jit3A_457 = arith.constant 0 : i32
        %broadcast_in_dim3A_458 = vector.broadcast %jit3A_456 : i32 to vector<16xi32>
        %broadcast_in_dim3A_459 = vector.broadcast %jit3A_457 : i32 to vector<16xi32>
        %select_n3A_460 = arith.select %eq3A_455, %broadcast_in_dim3A_458, %broadcast_in_dim3A_459 : vector<16xi1>, vector<16xi32>
        %add3A_461 = arith.addi %add3A_440, %select_n3A_460 : vector<16xi32>
        %convert_element_type3A_462 = arith.fptosi %get3A_452 : vector<16xf32> to vector<16xi32>
        %shift_left3A_463 = arith.constant 23 : i32
        %shift_left3A_464 = vector.broadcast %shift_left3A_463 : i32 to vector<16xi32>
        %shift_left3A_465 = arith.shli %convert_element_type3A_462, %shift_left3A_464 : vector<16xi32>
        %sub3A_466 = arith.constant 1065353216 : i32
        %sub3A_467 = vector.broadcast %sub3A_466 : i32 to vector<16xi32>
        %sub3A_468 = arith.subi %sub3A_467, %shift_left3A_465 : vector<16xi32>
        %bitcast_convert_type3A_469 = tpu.bitcast %sub3A_468 : vector<16xi32> -> vector<16xf32>
        %add3A_470 = arith.addf %add3A_449, %bitcast_convert_type3A_469 : vector<16xf32>
        %get3A_471 = arith.index_cast %add3A_156 : i32 to index
        %get3A_472 = arith.constant 240 : index
        %get3A_473 = tpu.vector_load %arg10[%get3A_471, %get3A_472] {strides = array<i32>} : memref<320x256xf32, #tpu.memory_space<vmem>>, vector<16xf32>,
        %eq3A_474 = arith.constant 0.000000e+00 : f32
        %eq3A_475 = vector.broadcast %eq3A_474 : f32 to vector<16xf32>
        %eq3A_476 = arith.cmpf oeq, %get3A_473, %eq3A_475 : vector<16xf32>
        %jit3A_477 = arith.constant 1 : i32
        %jit3A_478 = arith.constant 0 : i32
        %broadcast_in_dim3A_479 = vector.broadcast %jit3A_477 : i32 to vector<16xi32>
        %broadcast_in_dim3A_480 = vector.broadcast %jit3A_478 : i32 to vector<16xi32>
        %select_n3A_481 = arith.select %eq3A_476, %broadcast_in_dim3A_479, %broadcast_in_dim3A_480 : vector<16xi1>, vector<16xi32>
        %add3A_482 = arith.addi %add3A_461, %select_n3A_481 : vector<16xi32>
        %convert_element_type3A_483 = arith.fptosi %get3A_473 : vector<16xf32> to vector<16xi32>
        %shift_left3A_484 = arith.constant 23 : i32
        %shift_left3A_485 = vector.broadcast %shift_left3A_484 : i32 to vector<16xi32>
        %shift_left3A_486 = arith.shli %convert_element_type3A_483, %shift_left3A_485 : vector<16xi32>
        %sub3A_487 = arith.constant 1065353216 : i32
        %sub3A_488 = vector.broadcast %sub3A_487 : i32 to vector<16xi32>
        %sub3A_489 = arith.subi %sub3A_488, %shift_left3A_486 : vector<16xi32>
        %bitcast_convert_type3A_490 = tpu.bitcast %sub3A_489 : vector<16xi32> -> vector<16xf32>
        %add3A_491 = arith.addf %add3A_470, %bitcast_convert_type3A_490 : vector<16xf32>
        %mul3A_492 = arith.constant 16 : i32
        %mul3A_493 = vector.broadcast %mul3A_492 : i32 to vector<16xi32>
        %mul3A_494 = arith.muli %iota3A, %mul3A_493 : vector<16xi32>
        %add3A_495 = vector.broadcast %scan3A_153 : i32 to vector<16xi32>
        %add3A_496 = arith.addi %mul3A_494, %add3A_495 : vector<16xi32>
        tpu.vector_store_idx %arg20[%add3A_496], %add3A_482 : memref<256xi32, #tpu.memory_space<vmem>>[vector<16xi32>], vector<16xi32>,
        tpu.vector_store_idx %arg21[%add3A_496], %add3A_491 : memref<256xf32, #tpu.memory_space<vmem>>[vector<16xi32>], vector<16xf32>,
      }
      %scan3A_46 = arith.constant 16 : i32
      %get3A = arith.constant 0 : index
      %get3A_47 = tpu.vector_load %arg20[%get3A] {strides = array<i32>} : memref<256xi32, #tpu.memory_space<vmem>>, vector<16xi32>,
      %get3A_48 = arith.constant 0 : index
      %get3A_49 = tpu.vector_load %arg21[%get3A_48] {strides = array<i32>} : memref<256xf32, #tpu.memory_space<vmem>>, vector<16xf32>,
      %get3A_50 = arith.constant 16 : index
      %get3A_51 = tpu.vector_load %arg20[%get3A_50] {strides = array<i32>} : memref<256xi32, #tpu.memory_space<vmem>>, vector<16xi32>,
      %add3A_52 = arith.addi %get3A_47, %get3A_51 : vector<16xi32>
      %get3A_53 = arith.constant 16 : index
      %get3A_54 = tpu.vector_load %arg21[%get3A_53] {strides = array<i32>} : memref<256xf32, #tpu.memory_space<vmem>>, vector<16xf32>,
      %add3A_55 = arith.addf %get3A_49, %get3A_54 : vector<16xf32>
      %get3A_56 = arith.constant 32 : index
      %get3A_57 = tpu.vector_load %arg20[%get3A_56] {strides = array<i32>} : memref<256xi32, #tpu.memory_space<vmem>>, vector<16xi32>,
      %add3A_58 = arith.addi %add3A_52, %get3A_57 : vector<16xi32>
      %get3A_59 = arith.constant 32 : index
      %get3A_60 = tpu.vector_load %arg21[%get3A_59] {strides = array<i32>} : memref<256xf32, #tpu.memory_space<vmem>>, vector<16xf32>,
      %add3A_61 = arith.addf %add3A_55, %get3A_60 : vector<16xf32>
      %get3A_62 = arith.constant 48 : index
      %get3A_63 = tpu.vector_load %arg20[%get3A_62] {strides = array<i32>} : memref<256xi32, #tpu.memory_space<vmem>>, vector<16xi32>,
      %add3A_64 = arith.addi %add3A_58, %get3A_63 : vector<16xi32>
      %get3A_65 = arith.constant 48 : index
      %get3A_66 = tpu.vector_load %arg21[%get3A_65] {strides = array<i32>} : memref<256xf32, #tpu.memory_space<vmem>>, vector<16xf32>,
      %add3A_67 = arith.addf %add3A_61, %get3A_66 : vector<16xf32>
      %get3A_68 = arith.constant 64 : index
      %get3A_69 = tpu.vector_load %arg20[%get3A_68] {strides = array<i32>} : memref<256xi32, #tpu.memory_space<vmem>>, vector<16xi32>,
      %add3A_70 = arith.addi %add3A_64, %get3A_69 : vector<16xi32>
      %get3A_71 = arith.constant 64 : index
      %get3A_72 = tpu.vector_load %arg21[%get3A_71] {strides = array<i32>} : memref<256xf32, #tpu.memory_space<vmem>>, vector<16xf32>,
      %add3A_73 = arith.addf %add3A_67, %get3A_72 : vector<16xf32>
      %get3A_74 = arith.constant 80 : index
      %get3A_75 = tpu.vector_load %arg20[%get3A_74] {strides = array<i32>} : memref<256xi32, #tpu.memory_space<vmem>>, vector<16xi32>,
      %add3A_76 = arith.addi %add3A_70, %get3A_75 : vector<16xi32>
      %get3A_77 = arith.constant 80 : index
      %get3A_78 = tpu.vector_load %arg21[%get3A_77] {strides = array<i32>} : memref<256xf32, #tpu.memory_space<vmem>>, vector<16xf32>,
      %add3A_79 = arith.addf %add3A_73, %get3A_78 : vector<16xf32>
      %get3A_80 = arith.constant 96 : index
      %get3A_81 = tpu.vector_load %arg20[%get3A_80] {strides = array<i32>} : memref<256xi32, #tpu.memory_space<vmem>>, vector<16xi32>,
      %add3A_82 = arith.addi %add3A_76, %get3A_81 : vector<16xi32>
      %get3A_83 = arith.constant 96 : index
      %get3A_84 = tpu.vector_load %arg21[%get3A_83] {strides = array<i32>} : memref<256xf32, #tpu.memory_space<vmem>>, vector<16xf32>,
      %add3A_85 = arith.addf %add3A_79, %get3A_84 : vector<16xf32>
      %get3A_86 = arith.constant 112 : index
      %get3A_87 = tpu.vector_load %arg20[%get3A_86] {strides = array<i32>} : memref<256xi32, #tpu.memory_space<vmem>>, vector<16xi32>,
      %add3A_88 = arith.addi %add3A_82, %get3A_87 : vector<16xi32>
      %get3A_89 = arith.constant 112 : index
      %get3A_90 = tpu.vector_load %arg21[%get3A_89] {strides = array<i32>} : memref<256xf32, #tpu.memory_space<vmem>>, vector<16xf32>,
      %add3A_91 = arith.addf %add3A_85, %get3A_90 : vector<16xf32>
      %get3A_92 = arith.constant 128 : index
      %get3A_93 = tpu.vector_load %arg20[%get3A_92] {strides = array<i32>} : memref<256xi32, #tpu.memory_space<vmem>>, vector<16xi32>,
      %add3A_94 = arith.addi %add3A_88, %get3A_93 : vector<16xi32>
      %get3A_95 = arith.constant 128 : index
      %get3A_96 = tpu.vector_load %arg21[%get3A_95] {strides = array<i32>} : memref<256xf32, #tpu.memory_space<vmem>>, vector<16xf32>,
      %add3A_97 = arith.addf %add3A_91, %get3A_96 : vector<16xf32>
      %get3A_98 = arith.constant 144 : index
      %get3A_99 = tpu.vector_load %arg20[%get3A_98] {strides = array<i32>} : memref<256xi32, #tpu.memory_space<vmem>>, vector<16xi32>,
      %add3A_100 = arith.addi %add3A_94, %get3A_99 : vector<16xi32>
      %get3A_101 = arith.constant 144 : index
      %get3A_102 = tpu.vector_load %arg21[%get3A_101] {strides = array<i32>} : memref<256xf32, #tpu.memory_space<vmem>>, vector<16xf32>,
      %add3A_103 = arith.addf %add3A_97, %get3A_102 : vector<16xf32>
      %get3A_104 = arith.constant 160 : index
      %get3A_105 = tpu.vector_load %arg20[%get3A_104] {strides = array<i32>} : memref<256xi32, #tpu.memory_space<vmem>>, vector<16xi32>,
      %add3A_106 = arith.addi %add3A_100, %get3A_105 : vector<16xi32>
      %get3A_107 = arith.constant 160 : index
      %get3A_108 = tpu.vector_load %arg21[%get3A_107] {strides = array<i32>} : memref<256xf32, #tpu.memory_space<vmem>>, vector<16xf32>,
      %add3A_109 = arith.addf %add3A_103, %get3A_108 : vector<16xf32>
      %get3A_110 = arith.constant 176 : index
      %get3A_111 = tpu.vector_load %arg20[%get3A_110] {strides = array<i32>} : memref<256xi32, #tpu.memory_space<vmem>>, vector<16xi32>,
      %add3A_112 = arith.addi %add3A_106, %get3A_111 : vector<16xi32>
      %get3A_113 = arith.constant 176 : index
      %get3A_114 = tpu.vector_load %arg21[%get3A_113] {strides = array<i32>} : memref<256xf32, #tpu.memory_space<vmem>>, vector<16xf32>,
      %add3A_115 = arith.addf %add3A_109, %get3A_114 : vector<16xf32>
      %get3A_116 = arith.constant 192 : index
      %get3A_117 = tpu.vector_load %arg20[%get3A_116] {strides = array<i32>} : memref<256xi32, #tpu.memory_space<vmem>>, vector<16xi32>,
      %add3A_118 = arith.addi %add3A_112, %get3A_117 : vector<16xi32>
      %get3A_119 = arith.constant 192 : index
      %get3A_120 = tpu.vector_load %arg21[%get3A_119] {strides = array<i32>} : memref<256xf32, #tpu.memory_space<vmem>>, vector<16xf32>,
      %add3A_121 = arith.addf %add3A_115, %get3A_120 : vector<16xf32>
      %get3A_122 = arith.constant 208 : index
      %get3A_123 = tpu.vector_load %arg20[%get3A_122] {strides = array<i32>} : memref<256xi32, #tpu.memory_space<vmem>>, vector<16xi32>,
      %add3A_124 = arith.addi %add3A_118, %get3A_123 : vector<16xi32>
      %get3A_125 = arith.constant 208 : index
      %get3A_126 = tpu.vector_load %arg21[%get3A_125] {strides = array<i32>} : memref<256xf32, #tpu.memory_space<vmem>>, vector<16xf32>,
      %add3A_127 = arith.addf %add3A_121, %get3A_126 : vector<16xf32>
      %get3A_128 = arith.constant 224 : index
      %get3A_129 = tpu.vector_load %arg20[%get3A_128] {strides = array<i32>} : memref<256xi32, #tpu.memory_space<vmem>>, vector<16xi32>,
      %add3A_130 = arith.addi %add3A_124, %get3A_129 : vector<16xi32>
      %get3A_131 = arith.constant 224 : index
      %get3A_132 = tpu.vector_load %arg21[%get3A_131] {strides = array<i32>} : memref<256xf32, #tpu.memory_space<vmem>>, vector<16xf32>,
      %add3A_133 = arith.addf %add3A_127, %get3A_132 : vector<16xf32>
      %get3A_134 = arith.constant 240 : index
      %get3A_135 = tpu.vector_load %arg20[%get3A_134] {strides = array<i32>} : memref<256xi32, #tpu.memory_space<vmem>>, vector<16xi32>,
      %add3A_136 = arith.addi %add3A_130, %get3A_135 : vector<16xi32>
      %get3A_137 = arith.constant 240 : index
      %get3A_138 = tpu.vector_load %arg21[%get3A_137] {strides = array<i32>} : memref<256xf32, #tpu.memory_space<vmem>>, vector<16xf32>,
      %add3A_139 = arith.addf %add3A_133, %get3A_138 : vector<16xf32>
      %gather3A = tpu.vector_load_idx %arg19[%add3A_136] : memref<272xf32, #tpu.memory_space<vmem>>[vector<16xi32>], vector<16xf32>,
      %gt3A = arith.constant 0 : i32
      %gt3A_140 = vector.broadcast %gt3A : i32 to vector<16xi32>
      %gt3A_141 = arith.cmpi sgt, %add3A_136, %gt3A_140 : vector<16xi32>
      %jit3A = arith.constant 2.210000e+02 : f32
      %broadcast_in_dim3A_142 = vector.broadcast %jit3A : f32 to vector<16xf32>
      %select_n3A = arith.select %gt3A_141, %gather3A, %broadcast_in_dim3A_142 : vector<16xi1>, vector<16xf32>
      %gt3A_143 = arith.constant 2.200000e+02 : f32
      %gt3A_144 = vector.broadcast %gt3A_143 : f32 to vector<16xf32>
      %gt3A_145 = arith.cmpf ogt, %select_n3A, %gt3A_144 : vector<16xf32>
      %div3A = arith.constant 47072.7109 : f32
      %div3A_146 = vector.broadcast %div3A : f32 to vector<16xf32>
      %div3A_147 = arith.divf %div3A_146, %add3A_139 : vector<16xf32>
      %select_n3A_148 = arith.select %gt3A_145, %div3A_147, %select_n3A : vector<16xi1>, vector<16xf32>
      %mul3A_149 = arith.constant 16 : i32
      %mul3A_150 = arith.muli %scan3A_40, %mul3A_149 : i32
      %swap3A_151 = arith.index_cast %mul3A_150 : i32 to index
      %swap3A_152 = tpu.vector_load %arg22[%swap3A_151] {strides = array<i32>} : memref<320xf32, #tpu.memory_space<vmem>>, vector<16xf32>,
      tpu.vector_store %arg22[%swap3A_151], %select_n3A_148 {strides = array<i32>} : memref<320xf32, #tpu.memory_space<vmem>>, vector<16xf32>,
    }
    %scan3A_39 = arith.constant 20 : i32
    "tpu.region"() ({
      %run_scoped3A = tpu.sem_alloc : memref<!tpu.dma_semaphore, #tpu.memory_space<semaphore_mem>>
      %dma_start3A_40 = arith.constant 0 : i32
      %dma_start3A_41 = tpu.memref_slice %arg8[%mul3A_2, %dma_start3A_40] : memref<10240x256xf32, #tpu.memory_space<hbm>> -> memref<320x256xf32, #tpu.memory_space<hbm>>
      %dma_start3A_42 = arith.constant 0 : i32
      %dma_start3A_43 = tpu.memref_slice %arg8[%mul3A_2, %dma_start3A_42] : memref<10240x256xf32, #tpu.memory_space<hbm>> -> memref<320x256xf32, #tpu.memory_space<hbm>>
      tpu.enqueue_dma source(%arg10 : memref<320x256xf32, #tpu.memory_space<vmem>>) target(%dma_start3A_43 : memref<320x256xf32, #tpu.memory_space<hbm>>) target_semaphore(%run_scoped3A : memref<!tpu.dma_semaphore, #tpu.memory_space<semaphore_mem>>)
      %dma_wait3A_44 = arith.constant 0 : i32
      %dma_wait3A_45 = tpu.memref_slice %arg8[%mul3A_2, %dma_wait3A_44] : memref<10240x256xf32, #tpu.memory_space<hbm>> -> memref<320x256xf32, #tpu.memory_space<hbm>>
      %dma_wait3A_46 = arith.constant 0 : i32
      %dma_wait3A_47 = tpu.memref_slice %arg8[%mul3A_2, %dma_wait3A_46] : memref<10240x256xf32, #tpu.memory_space<hbm>> -> memref<320x256xf32, #tpu.memory_space<hbm>>
      tpu.wait_dma2 semaphore(%run_scoped3A : memref<!tpu.dma_semaphore, #tpu.memory_space<semaphore_mem>>) src(%arg10 : memref<320x256xf32, #tpu.memory_space<vmem>>) dst(%dma_wait3A_47 : memref<320x256xf32, #tpu.memory_space<hbm>>)
      tpu.yield
    }) : () -> ()
    "tpu.region"() ({
      %run_scoped3A = tpu.sem_alloc : memref<!tpu.dma_semaphore, #tpu.memory_space<semaphore_mem>>
      %dma_start3A_40 = arith.constant 0 : i32
      %dma_start3A_41 = tpu.memref_slice %arg7[%mul3A_2, %dma_start3A_40] : memref<10240x64xi32, #tpu.memory_space<hbm>> -> memref<320x64xi32, #tpu.memory_space<hbm>>
      %dma_start3A_42 = arith.constant 0 : i32
      %dma_start3A_43 = tpu.memref_slice %arg7[%mul3A_2, %dma_start3A_42] : memref<10240x64xi32, #tpu.memory_space<hbm>> -> memref<320x64xi32, #tpu.memory_space<hbm>>
      tpu.enqueue_dma source(%arg11 : memref<320x64xi32, #tpu.memory_space<vmem>>) target(%dma_start3A_43 : memref<320x64xi32, #tpu.memory_space<hbm>>) target_semaphore(%run_scoped3A : memref<!tpu.dma_semaphore, #tpu.memory_space<semaphore_mem>>)
      %dma_wait3A_44 = arith.constant 0 : i32
      %dma_wait3A_45 = tpu.memref_slice %arg7[%mul3A_2, %dma_wait3A_44] : memref<10240x64xi32, #tpu.memory_space<hbm>> -> memref<320x64xi32, #tpu.memory_space<hbm>>
      %dma_wait3A_46 = arith.constant 0 : i32
      %dma_wait3A_47 = tpu.memref_slice %arg7[%mul3A_2, %dma_wait3A_46] : memref<10240x64xi32, #tpu.memory_space<hbm>> -> memref<320x64xi32, #tpu.memory_space<hbm>>
      tpu.wait_dma2 semaphore(%run_scoped3A : memref<!tpu.dma_semaphore, #tpu.memory_space<semaphore_mem>>) src(%arg11 : memref<320x64xi32, #tpu.memory_space<vmem>>) dst(%dma_wait3A_47 : memref<320x64xi32, #tpu.memory_space<hbm>>)
      tpu.yield
    }) : () -> ()
    "tpu.region"() ({
      %run_scoped3A = tpu.sem_alloc : memref<!tpu.dma_semaphore, #tpu.memory_space<semaphore_mem>>
      %dma_start3A_40 = tpu.memref_slice %arg9[%mul3A_2] : memref<10240xf32, #tpu.memory_space<hbm>> -> memref<320xf32, #tpu.memory_space<hbm>>
      %dma_start3A_41 = tpu.memref_slice %arg9[%mul3A_2] : memref<10240xf32, #tpu.memory_space<hbm>> -> memref<320xf32, #tpu.memory_space<hbm>>
      tpu.enqueue_dma source(%arg22 : memref<320xf32, #tpu.memory_space<vmem>>) target(%dma_start3A_41 : memref<320xf32, #tpu.memory_space<hbm>>) target_semaphore(%run_scoped3A : memref<!tpu.dma_semaphore, #tpu.memory_space<semaphore_mem>>)
      %dma_wait3A_42 = tpu.memref_slice %arg9[%mul3A_2] : memref<10240xf32, #tpu.memory_space<hbm>> -> memref<320xf32, #tpu.memory_space<hbm>>
      %dma_wait3A_43 = tpu.memref_slice %arg9[%mul3A_2] : memref<10240xf32, #tpu.memory_space<hbm>> -> memref<320xf32, #tpu.memory_space<hbm>>
      tpu.wait_dma2 semaphore(%run_scoped3A : memref<!tpu.dma_semaphore, #tpu.memory_space<semaphore_mem>>) src(%arg22 : memref<320xf32, #tpu.memory_space<vmem>>) dst(%dma_wait3A_43 : memref<320xf32, #tpu.memory_space<hbm>>)
      tpu.yield
    }) : () -> ()
    return
  }
}

#map = affine_map<(d0, d1) -> (0)>
#map1 = affine_map<(d0, d1) -> (0, 0)>
module attributes {stable_mosaic.version = 14 : i64} {
  func.func @elph_hop(%arg0: i32, %arg1: i32, %arg2: memref<320000xi32, #tpu.memory_space<hbm>>, %arg3: memref<320000xi32, #tpu.memory_space<hbm>>, %arg4: memref<10240x64xi32, #tpu.memory_space<hbm>>, %arg5: memref<10240x256xf32, #tpu.memory_space<hbm>>, %arg6: memref<272xf32, #tpu.memory_space<hbm>>, %arg7: memref<10240x64xi32, #tpu.memory_space<hbm>>, %arg8: memref<10240x256xf32, #tpu.memory_space<hbm>>, %arg9: memref<10240xf32, #tpu.memory_space<hbm>>, %arg10: memref<320x256xf32, #tpu.memory_space<vmem>>, %arg11: memref<320x64xi32, #tpu.memory_space<vmem>>, %arg12: memref<1600xi32, #tpu.memory_space<vmem>>, %arg13: memref<1600xi32, #tpu.memory_space<vmem>>, %arg14: memref<1616xi32, #tpu.memory_space<vmem>>, %arg15: memref<1616xi32, #tpu.memory_space<vmem>>, %arg16: memref<32xi32, #tpu.memory_space<vmem>>, %arg17: memref<64x256xf32, #tpu.memory_space<vmem>>, %arg18: memref<64x64xi32, #tpu.memory_space<vmem>>, %arg19: memref<272xf32, #tpu.memory_space<vmem>>, %arg20: memref<256xi32, #tpu.memory_space<vmem>>, %arg21: memref<256xf32, #tpu.memory_space<vmem>>, %arg22: memref<320xf32, #tpu.memory_space<vmem>>, %arg23: memref<!tpu.dma_semaphore, #tpu.memory_space<semaphore_mem>>, %arg24: memref<!tpu.dma_semaphore, #tpu.memory_space<semaphore_mem>>, %arg25: memref<!tpu.dma_semaphore, #tpu.memory_space<semaphore_mem>>, %arg26: memref<!tpu.dma_semaphore, #tpu.memory_space<semaphore_mem>>) attributes {dimension_semantics = [#tpu.dimension_semantics<core_parallel>, #tpu.dimension_semantics<subcore_parallel>], iteration_bounds = array<i64: 2, 16>, scalar_prefetch = 0 : i64, scratch_operands = 17 : i64, tpu.core_type = #tpu.core_type<sc_vector_subcore>, window_params = [{transform_indices = #map}, {transform_indices = #map}, {transform_indices = #map1}, {transform_indices = #map1}, {transform_indices = #map}, {transform_indices = #map1}, {transform_indices = #map1}, {transform_indices = #map}]} {
    %mul3A = arith.constant 2 : i32
    %mul3A_0 = arith.muli %arg1, %mul3A : i32
    %add3A = arith.addi %mul3A_0, %arg0 : i32
    %mul3A_1 = arith.constant 320 : i32
    %mul3A_2 = arith.muli %add3A, %mul3A_1 : i32
    "tpu.region"() ({
      %run_scoped3A = tpu.sem_alloc : memref<!tpu.dma_semaphore, #tpu.memory_space<semaphore_mem>>
      %dma_start3A_40 = arith.constant 0 : i32
      %dma_start3A_41 = tpu.memref_slice %arg5[%mul3A_2, %dma_start3A_40] : memref<10240x256xf32, #tpu.memory_space<hbm>> -> memref<320x256xf32, #tpu.memory_space<hbm>>
      %dma_start3A_42 = arith.constant 0 : i32
      %dma_start3A_43 = tpu.memref_slice %arg5[%mul3A_2, %dma_start3A_42] : memref<10240x256xf32, #tpu.memory_space<hbm>> -> memref<320x256xf32, #tpu.memory_space<hbm>>
      tpu.enqueue_dma source(%dma_start3A_43 : memref<320x256xf32, #tpu.memory_space<hbm>>) target(%arg10 : memref<320x256xf32, #tpu.memory_space<vmem>>) target_semaphore(%run_scoped3A : memref<!tpu.dma_semaphore, #tpu.memory_space<semaphore_mem>>)
      %dma_wait3A_44 = arith.constant 0 : i32
      %dma_wait3A_45 = tpu.memref_slice %arg5[%mul3A_2, %dma_wait3A_44] : memref<10240x256xf32, #tpu.memory_space<hbm>> -> memref<320x256xf32, #tpu.memory_space<hbm>>
      %dma_wait3A_46 = arith.constant 0 : i32
      %dma_wait3A_47 = tpu.memref_slice %arg5[%mul3A_2, %dma_wait3A_46] : memref<10240x256xf32, #tpu.memory_space<hbm>> -> memref<320x256xf32, #tpu.memory_space<hbm>>
      tpu.wait_dma2 semaphore(%run_scoped3A : memref<!tpu.dma_semaphore, #tpu.memory_space<semaphore_mem>>) src(%dma_wait3A_47 : memref<320x256xf32, #tpu.memory_space<hbm>>) dst(%arg10 : memref<320x256xf32, #tpu.memory_space<vmem>>)
      tpu.yield
    }) : () -> ()
    "tpu.region"() ({
      %run_scoped3A = tpu.sem_alloc : memref<!tpu.dma_semaphore, #tpu.memory_space<semaphore_mem>>
      %dma_start3A_40 = arith.constant 0 : i32
      %dma_start3A_41 = tpu.memref_slice %arg4[%mul3A_2, %dma_start3A_40] : memref<10240x64xi32, #tpu.memory_space<hbm>> -> memref<320x64xi32, #tpu.memory_space<hbm>>
      %dma_start3A_42 = arith.constant 0 : i32
      %dma_start3A_43 = tpu.memref_slice %arg4[%mul3A_2, %dma_start3A_42] : memref<10240x64xi32, #tpu.memory_space<hbm>> -> memref<320x64xi32, #tpu.memory_space<hbm>>
      tpu.enqueue_dma source(%dma_start3A_43 : memref<320x64xi32, #tpu.memory_space<hbm>>) target(%arg11 : memref<320x64xi32, #tpu.memory_space<vmem>>) target_semaphore(%run_scoped3A : memref<!tpu.dma_semaphore, #tpu.memory_space<semaphore_mem>>)
      %dma_wait3A_44 = arith.constant 0 : i32
      %dma_wait3A_45 = tpu.memref_slice %arg4[%mul3A_2, %dma_wait3A_44] : memref<10240x64xi32, #tpu.memory_space<hbm>> -> memref<320x64xi32, #tpu.memory_space<hbm>>
      %dma_wait3A_46 = arith.constant 0 : i32
      %dma_wait3A_47 = tpu.memref_slice %arg4[%mul3A_2, %dma_wait3A_46] : memref<10240x64xi32, #tpu.memory_space<hbm>> -> memref<320x64xi32, #tpu.memory_space<hbm>>
      tpu.wait_dma2 semaphore(%run_scoped3A : memref<!tpu.dma_semaphore, #tpu.memory_space<semaphore_mem>>) src(%dma_wait3A_47 : memref<320x64xi32, #tpu.memory_space<hbm>>) dst(%arg11 : memref<320x64xi32, #tpu.memory_space<vmem>>)
      tpu.yield
    }) : () -> ()
    "tpu.region"() ({
      %run_scoped3A = tpu.sem_alloc : memref<!tpu.dma_semaphore, #tpu.memory_space<semaphore_mem>>
      tpu.enqueue_dma source(%arg6 : memref<272xf32, #tpu.memory_space<hbm>>) target(%arg19 : memref<272xf32, #tpu.memory_space<vmem>>) target_semaphore(%run_scoped3A : memref<!tpu.dma_semaphore, #tpu.memory_space<semaphore_mem>>)
      tpu.wait_dma2 semaphore(%run_scoped3A : memref<!tpu.dma_semaphore, #tpu.memory_space<semaphore_mem>>) src(%arg6 : memref<272xf32, #tpu.memory_space<hbm>>) dst(%arg19 : memref<272xf32, #tpu.memory_space<vmem>>)
      tpu.yield
    }) : () -> ()
    %scan3A = arith.constant 0 : i32
    %scan3A_3 = arith.constant 0 : i32
    %scan3A_4 = arith.constant 101 : i32
    %scan3A_5 = arith.addi %scan3A_3, %scan3A_4 : i32
    %scan3A_6 = arith.constant 1 : i32
    scf.for %scan3A_40 = %scan3A_3 to %scan3A_5 step %scan3A_6  : i32 {
      %broadcast_in_dim3A_41 = arith.constant 0 : i32
      %broadcast_in_dim3A_42 = vector.broadcast %broadcast_in_dim3A_41 : i32 to vector<16xi32>
      %mul3A_43 = arith.constant 16 : i32
      %mul3A_44 = arith.muli %scan3A_40, %mul3A_43 : i32
      %swap3A_45 = arith.index_cast %mul3A_44 : i32 to index
      %swap3A_46 = tpu.vector_load %arg14[%swap3A_45] {strides = array<i32>} : memref<1616xi32, #tpu.memory_space<vmem>>, vector<16xi32>,
      tpu.vector_store %arg14[%swap3A_45], %broadcast_in_dim3A_42 {strides = array<i32>} : memref<1616xi32, #tpu.memory_space<vmem>>, vector<16xi32>,
    }
    %scan3A_7 = arith.constant 101 : i32
    %broadcast_in_dim3A = arith.constant 0 : i32
    %broadcast_in_dim3A_8 = vector.broadcast %broadcast_in_dim3A : i32 to vector<16xi32>
    %swap3A = arith.constant 0 : index
    %swap3A_9 = tpu.vector_load %arg16[%swap3A] {strides = array<i32>} : memref<32xi32, #tpu.memory_space<vmem>>, vector<16xi32>,
    tpu.vector_store %arg16[%swap3A], %broadcast_in_dim3A_8 {strides = array<i32>} : memref<32xi32, #tpu.memory_space<vmem>>, vector<16xi32>,
    %broadcast_in_dim3A_10 = arith.constant 0 : i32
    %broadcast_in_dim3A_11 = vector.broadcast %broadcast_in_dim3A_10 : i32 to vector<16xi32>
    %swap3A_12 = arith.constant 16 : index
    %swap3A_13 = tpu.vector_load %arg16[%swap3A_12] {strides = array<i32>} : memref<32xi32, #tpu.memory_space<vmem>>, vector<16xi32>,
    tpu.vector_store %arg16[%swap3A_12], %broadcast_in_dim3A_11 {strides = array<i32>} : memref<32xi32, #tpu.memory_space<vmem>>, vector<16xi32>,
    %dma_start3A = arith.constant 0 : i32
    %dma_start3A_14 = tpu.memref_slice %arg2[%dma_start3A] : memref<320000xi32, #tpu.memory_space<hbm>> -> memref<1600xi32, #tpu.memory_space<hbm>>
    %dma_start3A_15 = arith.constant 0 : i32
    %dma_start3A_16 = tpu.memref_slice %arg2[%dma_start3A_15] : memref<320000xi32, #tpu.memory_space<hbm>> -> memref<1600xi32, #tpu.memory_space<hbm>>
    tpu.enqueue_dma source(%dma_start3A_16 : memref<1600xi32, #tpu.memory_space<hbm>>) target(%arg12 : memref<1600xi32, #tpu.memory_space<vmem>>) target_semaphore(%arg25 : memref<!tpu.dma_semaphore, #tpu.memory_space<semaphore_mem>>)
    %dma_start3A_17 = arith.constant 0 : i32
    %dma_start3A_18 = tpu.memref_slice %arg3[%dma_start3A_17] : memref<320000xi32, #tpu.memory_space<hbm>> -> memref<1600xi32, #tpu.memory_space<hbm>>
    %dma_start3A_19 = arith.constant 0 : i32
    %dma_start3A_20 = tpu.memref_slice %arg3[%dma_start3A_19] : memref<320000xi32, #tpu.memory_space<hbm>> -> memref<1600xi32, #tpu.memory_space<hbm>>
    tpu.enqueue_dma source(%dma_start3A_20 : memref<1600xi32, #tpu.memory_space<hbm>>) target(%arg13 : memref<1600xi32, #tpu.memory_space<vmem>>) target_semaphore(%arg26 : memref<!tpu.dma_semaphore, #tpu.memory_space<semaphore_mem>>)
    %scan3A_21 = arith.constant 0 : i32
    %scan3A_22 = arith.constant 0 : i32
    %scan3A_23 = arith.constant 200 : i32
    %scan3A_24 = arith.addi %scan3A_22, %scan3A_23 : i32
    %scan3A_25 = arith.constant 1 : i32
    scf.for %scan3A_40 = %scan3A_22 to %scan3A_24 step %scan3A_25  : i32 {
      %dma_wait3A_41 = arith.constant 0 : i32
      %dma_wait3A_42 = tpu.memref_slice %arg2[%dma_wait3A_41] : memref<320000xi32, #tpu.memory_space<hbm>> -> memref<1600xi32, #tpu.memory_space<hbm>>
      %dma_wait3A_43 = arith.constant 0 : i32
      %dma_wait3A_44 = tpu.memref_slice %arg2[%dma_wait3A_43] : memref<320000xi32, #tpu.memory_space<hbm>> -> memref<1600xi32, #tpu.memory_space<hbm>>
      tpu.wait_dma2 semaphore(%arg25 : memref<!tpu.dma_semaphore, #tpu.memory_space<semaphore_mem>>) src(%dma_wait3A_44 : memref<1600xi32, #tpu.memory_space<hbm>>) dst(%arg12 : memref<1600xi32, #tpu.memory_space<vmem>>)
      %dma_wait3A_45 = arith.constant 0 : i32
      %dma_wait3A_46 = tpu.memref_slice %arg3[%dma_wait3A_45] : memref<320000xi32, #tpu.memory_space<hbm>> -> memref<1600xi32, #tpu.memory_space<hbm>>
      %dma_wait3A_47 = arith.constant 0 : i32
      %dma_wait3A_48 = tpu.memref_slice %arg3[%dma_wait3A_47] : memref<320000xi32, #tpu.memory_space<hbm>> -> memref<1600xi32, #tpu.memory_space<hbm>>
      tpu.wait_dma2 semaphore(%arg26 : memref<!tpu.dma_semaphore, #tpu.memory_space<semaphore_mem>>) src(%dma_wait3A_48 : memref<1600xi32, #tpu.memory_space<hbm>>) dst(%arg13 : memref<1600xi32, #tpu.memory_space<vmem>>)
      %scan3A_49 = arith.constant 0 : i32
      %scan3A_50 = arith.constant 0 : i32
      %scan3A_51 = arith.constant 100 : i32
      %scan3A_52 = arith.addi %scan3A_50, %scan3A_51 : i32
      %scan3A_53 = arith.constant 1 : i32
      %scan3A_54 = scf.for %scan3A_92 = %scan3A_50 to %scan3A_52 step %scan3A_53 iter_args(%scan3A_93 = %scan3A_49) -> (i32)  : i32 {
        %mul3A_94 = arith.constant 16 : i32
        %mul3A_95 = arith.muli %scan3A_92, %mul3A_94 : i32
        %get3A = arith.index_cast %mul3A_95 : i32 to index
        %get3A_96 = tpu.vector_load %arg12[%get3A] {strides = array<i32>} : memref<1600xi32, #tpu.memory_space<vmem>>, vector<16xi32>,
        %mul3A_97 = arith.constant 16 : i32
        %mul3A_98 = arith.muli %scan3A_92, %mul3A_97 : i32
        %get3A_99 = arith.index_cast %mul3A_98 : i32 to index
        %get3A_100 = tpu.vector_load %arg13[%get3A_99] {strides = array<i32>} : memref<1600xi32, #tpu.memory_space<vmem>>, vector<16xi32>,
        %ge3A = vector.broadcast %mul3A_2 : i32 to vector<16xi32>
        %ge3A_101 = arith.cmpi sge, %get3A_100, %ge3A : vector<16xi32>
        %add3A_102 = arith.constant 320 : i32
        %add3A_103 = arith.addi %mul3A_2, %add3A_102 : i32
        %lt3A = vector.broadcast %add3A_103 : i32 to vector<16xi32>
        %lt3A_104 = arith.cmpi slt, %get3A_100, %lt3A : vector<16xi32>
        %and3A_105 = arith.andi %ge3A_101, %lt3A_104 : vector<16xi1>
        %jit3A_106 = arith.constant 1 : i32
        %jit3A_107 = arith.constant 0 : i32
        %broadcast_in_dim3A_108 = vector.broadcast %jit3A_106 : i32 to vector<16xi32>
        %broadcast_in_dim3A_109 = vector.broadcast %jit3A_107 : i32 to vector<16xi32>
        %select_n3A_110 = arith.select %and3A_105, %broadcast_in_dim3A_108, %broadcast_in_dim3A_109 : vector<16xi1>, vector<16xi32>
        %swap3A_111 = arith.constant 16 : index
        %swap3A_112 = tpu.vector_load %arg16[%swap3A_111] {strides = array<i32>} : memref<32xi32, #tpu.memory_space<vmem>>, vector<16xi32>,
        tpu.vector_store %arg16[%swap3A_111], %select_n3A_110 {strides = array<i32>} : memref<32xi32, #tpu.memory_space<vmem>>, vector<16xi32>,
        %get3A_113 = arith.constant 15 : index
        %get3A_114 = tpu.vector_load %arg16[%get3A_113] {strides = array<i32>} : memref<32xi32, #tpu.memory_space<vmem>>, vector<16xi32>,
        %add3A_115 = arith.addi %select_n3A_110, %get3A_114 : vector<16xi32>
        %swap3A_116 = arith.constant 16 : index
        %swap3A_117 = tpu.vector_load %arg16[%swap3A_116] {strides = array<i32>} : memref<32xi32, #tpu.memory_space<vmem>>, vector<16xi32>,
        tpu.vector_store %arg16[%swap3A_116], %add3A_115 {strides = array<i32>} : memref<32xi32, #tpu.memory_space<vmem>>, vector<16xi32>,
        %get3A_118 = arith.constant 14 : index
        %get3A_119 = tpu.vector_load %arg16[%get3A_118] {strides = array<i32>} : memref<32xi32, #tpu.memory_space<vmem>>, vector<16xi32>,
        %add3A_120 = arith.addi %add3A_115, %get3A_119 : vector<16xi32>
        %swap3A_121 = arith.constant 16 : index
        %swap3A_122 = tpu.vector_load %arg16[%swap3A_121] {strides = array<i32>} : memref<32xi32, #tpu.memory_space<vmem>>, vector<16xi32>,
        tpu.vector_store %arg16[%swap3A_121], %add3A_120 {strides = array<i32>} : memref<32xi32, #tpu.memory_space<vmem>>, vector<16xi32>,
        %get3A_123 = arith.constant 12 : index
        %get3A_124 = tpu.vector_load %arg16[%get3A_123] {strides = array<i32>} : memref<32xi32, #tpu.memory_space<vmem>>, vector<16xi32>,
        %add3A_125 = arith.addi %add3A_120, %get3A_124 : vector<16xi32>
        %swap3A_126 = arith.constant 16 : index
        %swap3A_127 = tpu.vector_load %arg16[%swap3A_126] {strides = array<i32>} : memref<32xi32, #tpu.memory_space<vmem>>, vector<16xi32>,
        tpu.vector_store %arg16[%swap3A_126], %add3A_125 {strides = array<i32>} : memref<32xi32, #tpu.memory_space<vmem>>, vector<16xi32>,
        %get3A_128 = arith.constant 8 : index
        %get3A_129 = tpu.vector_load %arg16[%get3A_128] {strides = array<i32>} : memref<32xi32, #tpu.memory_space<vmem>>, vector<16xi32>,
        %add3A_130 = arith.addi %add3A_125, %get3A_129 : vector<16xi32>
        %add3A_131 = vector.broadcast %scan3A_93 : i32 to vector<16xi32>
        %add3A_132 = arith.addi %add3A_131, %add3A_130 : vector<16xi32>
        %sub3A_133 = arith.constant 1 : i32
        %sub3A_134 = vector.broadcast %sub3A_133 : i32 to vector<16xi32>
        %sub3A_135 = arith.subi %add3A_132, %sub3A_134 : vector<16xi32>
        tpu.vector_store_idx %arg14[%sub3A_135], %get3A_96 masked %and3A_105 : memref<1616xi32, #tpu.memory_space<vmem>>[vector<16xi32>], vector<16xi32>, vector<16xi1>
        %sub3A_136 = vector.broadcast %mul3A_2 : i32 to vector<16xi32>
        %sub3A_137 = arith.subi %get3A_100, %sub3A_136 : vector<16xi32>
        tpu.vector_store_idx %arg15[%sub3A_135], %sub3A_137 masked %and3A_105 : memref<1616xi32, #tpu.memory_space<vmem>>[vector<16xi32>], vector<16xi32>, vector<16xi1>
        %slice3A = vector.extract_strided_slice %add3A_130 {offsets = [15], sizes = [1], strides = [1]} : vector<16xi32> to vector<1xi32>
        %squeeze3A = vector.extract %slice3A[0] : i32 from vector<1xi32>
        %add3A_138 = arith.addi %scan3A_93, %squeeze3A : i32
        scf.yield %add3A_138 : i32
      }
      %scan3A_55 = arith.constant 100 : i32
      %add3A_56 = arith.constant 1 : i32
      %add3A_57 = arith.addi %scan3A_40, %add3A_56 : i32
      %min3A = arith.constant 199 : i32
      %min3A_58 = arith.minsi %add3A_57, %min3A : i32
      %mul3A_59 = arith.constant 1600 : i32
      %mul3A_60 = arith.muli %min3A_58, %mul3A_59 : i32
      %dma_start3A_61 = tpu.memref_slice %arg2[%mul3A_60] : memref<320000xi32, #tpu.memory_space<hbm>> -> memref<1600xi32, #tpu.memory_space<hbm>>
      %dma_start3A_62 = tpu.memref_slice %arg2[%mul3A_60] : memref<320000xi32, #tpu.memory_space<hbm>> -> memref<1600xi32, #tpu.memory_space<hbm>>
      tpu.enqueue_dma source(%dma_start3A_62 : memref<1600xi32, #tpu.memory_space<hbm>>) target(%arg12 : memref<1600xi32, #tpu.memory_space<vmem>>) target_semaphore(%arg25 : memref<!tpu.dma_semaphore, #tpu.memory_space<semaphore_mem>>)
      %dma_start3A_63 = tpu.memref_slice %arg3[%mul3A_60] : memref<320000xi32, #tpu.memory_space<hbm>> -> memref<1600xi32, #tpu.memory_space<hbm>>
      %dma_start3A_64 = tpu.memref_slice %arg3[%mul3A_60] : memref<320000xi32, #tpu.memory_space<hbm>> -> memref<1600xi32, #tpu.memory_space<hbm>>
      tpu.enqueue_dma source(%dma_start3A_64 : memref<1600xi32, #tpu.memory_space<hbm>>) target(%arg13 : memref<1600xi32, #tpu.memory_space<vmem>>) target_semaphore(%arg26 : memref<!tpu.dma_semaphore, #tpu.memory_space<semaphore_mem>>)
      %add3A_65 = arith.constant 63 : i32
      %add3A_66 = arith.addi %scan3A_54, %add3A_65 : i32
      %jit3A = arith.constant 64 : i32
      %div3A = arith.divsi %add3A_66, %jit3A : i32
      %sign3A = arith.constant 0 : i32
      %sign3A_67 = arith.cmpi sgt, %add3A_66, %sign3A : i32
      %sign3A_68 = arith.extui %sign3A_67 : i1 to i32
      %sign3A_69 = arith.constant 0 : i32
      %sign3A_70 = arith.cmpi slt, %add3A_66, %sign3A_69 : i32
      %sign3A_71 = arith.extui %sign3A_70 : i1 to i32
      %sign3A_72 = arith.subi %sign3A_68, %sign3A_71 : i32
      %sign3A_73 = arith.constant 0 : i32
      %sign3A_74 = arith.cmpi sgt, %jit3A, %sign3A_73 : i32
      %sign3A_75 = arith.extui %sign3A_74 : i1 to i32
      %sign3A_76 = arith.constant 0 : i32
      %sign3A_77 = arith.cmpi slt, %jit3A, %sign3A_76 : i32
      %sign3A_78 = arith.extui %sign3A_77 : i1 to i32
      %sign3A_79 = arith.subi %sign3A_75, %sign3A_78 : i32
      %ne3A = arith.cmpi ne, %sign3A_72, %sign3A_79 : i32
      %rem3A = arith.remsi %add3A_66, %jit3A : i32
      %ne3A_80 = arith.constant 0 : i32
      %ne3A_81 = arith.cmpi ne, %rem3A, %ne3A_80 : i32
      %and3A = arith.andi %ne3A, %ne3A_81 : i1
      %sub3A = arith.constant 1 : i32
      %sub3A_82 = arith.subi %div3A, %sub3A : i32
      %select_n3A = arith.select %and3A, %sub3A_82, %div3A : i32
      %while3A = arith.constant 0 : i32
      %while3A_83 = arith.constant 0 : i32
      %while3A_84 = arith.subi %select_n3A, %while3A_83 : i32
      %while3A_85 = arith.addi %while3A_83, %while3A_84 : i32
      %while3A_86 = arith.constant 1 : i32
      %while3A_87 = arith.divsi %while3A_84, %while3A_86 : i32
      %while3A_88 = arith.muli %while3A_87, %while3A_86 : i32
      %while3A_89 = arith.addi %while3A_83, %while3A_88 : i32
      %while3A_90 = arith.constant 1 : i32
      scf.for %while3A_92 = %while3A_83 to %while3A_89 step %while3A_90  : i32 {
        %mul3A_93 = arith.constant 64 : i32
        %mul3A_94 = arith.muli %while3A_92, %mul3A_93 : i32
        %dma_start3A_95 = tpu.memref_slice %arg14[%mul3A_94] : memref<1616xi32, #tpu.memory_space<vmem>> -> memref<64xi32, #tpu.memory_space<vmem>>
        %dma_start3A_96 = arith.constant 0 : i32
        %dma_start3A_97 = arith.constant 0 : i32
        %dma_start3A_98 = tpu.memref_slice %arg5[%dma_start3A_96, %dma_start3A_97] : memref<10240x256xf32, #tpu.memory_space<hbm>> -> memref<10240x256xf32, #tpu.memory_space<hbm>>
        tpu.enqueue_indirect_dma source(%dma_start3A_98 : memref<10240x256xf32, #tpu.memory_space<hbm>>) target(%arg17 : memref<64x256xf32, #tpu.memory_space<vmem>>) offsets(%dma_start3A_95 : memref<64xi32, #tpu.memory_space<vmem>>) semaphore(%arg23 : memref<!tpu.dma_semaphore, #tpu.memory_space<semaphore_mem>>)
        %dma_start3A_99 = tpu.memref_slice %arg14[%mul3A_94] : memref<1616xi32, #tpu.memory_space<vmem>> -> memref<64xi32, #tpu.memory_space<vmem>>
        %dma_start3A_100 = arith.constant 0 : i32
        %dma_start3A_101 = arith.constant 0 : i32
        %dma_start3A_102 = tpu.memref_slice %arg4[%dma_start3A_100, %dma_start3A_101] : memref<10240x64xi32, #tpu.memory_space<hbm>> -> memref<10240x64xi32, #tpu.memory_space<hbm>>
        tpu.enqueue_indirect_dma source(%dma_start3A_102 : memref<10240x64xi32, #tpu.memory_space<hbm>>) target(%arg18 : memref<64x64xi32, #tpu.memory_space<vmem>>) offsets(%dma_start3A_99 : memref<64xi32, #tpu.memory_space<vmem>>) semaphore(%arg24 : memref<!tpu.dma_semaphore, #tpu.memory_space<semaphore_mem>>)
        %dma_wait3A_103 = tpu.memref_slice %arg14[%mul3A_94] : memref<1616xi32, #tpu.memory_space<vmem>> -> memref<64xi32, #tpu.memory_space<vmem>>
        %dma_wait3A_104 = arith.constant 0 : i32
        %dma_wait3A_105 = arith.constant 0 : i32
        %dma_wait3A_106 = tpu.memref_slice %arg5[%dma_wait3A_104, %dma_wait3A_105] : memref<10240x256xf32, #tpu.memory_space<hbm>> -> memref<10240x256xf32, #tpu.memory_space<hbm>>
        tpu.wait_indirect_dma semaphore(%arg23 : memref<!tpu.dma_semaphore, #tpu.memory_space<semaphore_mem>>) src(%dma_wait3A_106 : memref<10240x256xf32, #tpu.memory_space<hbm>>) dst(%arg17 : memref<64x256xf32, #tpu.memory_space<vmem>>)
        %dma_wait3A_107 = tpu.memref_slice %arg14[%mul3A_94] : memref<1616xi32, #tpu.memory_space<vmem>> -> memref<64xi32, #tpu.memory_space<vmem>>
        %dma_wait3A_108 = arith.constant 0 : i32
        %dma_wait3A_109 = arith.constant 0 : i32
        %dma_wait3A_110 = tpu.memref_slice %arg4[%dma_wait3A_108, %dma_wait3A_109] : memref<10240x64xi32, #tpu.memory_space<hbm>> -> memref<10240x64xi32, #tpu.memory_space<hbm>>
        tpu.wait_indirect_dma semaphore(%arg24 : memref<!tpu.dma_semaphore, #tpu.memory_space<semaphore_mem>>) src(%dma_wait3A_110 : memref<10240x64xi32, #tpu.memory_space<hbm>>) dst(%arg18 : memref<64x64xi32, #tpu.memory_space<vmem>>)
        %sub3A_111 = arith.subi %scan3A_54, %mul3A_94 : i32
        %min3A_112 = arith.constant 64 : i32
        %min3A_113 = arith.minsi %min3A_112, %sub3A_111 : i32
        %while3A_114 = arith.constant 0 : i32
        %while3A_115 = arith.constant 0 : i32
        %while3A_116 = arith.subi %min3A_113, %while3A_115 : i32
        %while3A_117 = arith.addi %while3A_115, %while3A_116 : i32
        %while3A_118 = arith.constant 1 : i32
        %while3A_119 = arith.divsi %while3A_116, %while3A_118 : i32
        %while3A_120 = arith.muli %while3A_119, %while3A_118 : i32
        %while3A_121 = arith.addi %while3A_115, %while3A_120 : i32
        %while3A_122 = arith.constant 1 : i32
        scf.for %while3A_124 = %while3A_115 to %while3A_121 step %while3A_122  : i32 {
          %add3A_125 = arith.addi %mul3A_94, %while3A_124 : i32
          %get3A = arith.index_cast %add3A_125 : i32 to index
          %get3A_126 = tpu.vector_load %arg15[%get3A] {strides = array<i32>} : memref<1616xi32, #tpu.memory_space<vmem>>, vector<16xi32>,
          %slice3A = vector.extract_strided_slice %get3A_126 {offsets = [0], sizes = [1], strides = [1]} : vector<16xi32> to vector<1xi32>
          %squeeze3A = vector.extract %slice3A[0] : i32 from vector<1xi32>
          %get3A_127 = arith.index_cast %squeeze3A : i32 to index
          %get3A_128 = arith.constant 0 : index
          %get3A_129 = tpu.vector_load %arg10[%get3A_127, %get3A_128] {strides = array<i32>} : memref<320x256xf32, #tpu.memory_space<vmem>>, vector<16xf32>,
          %get3A_130 = arith.index_cast %while3A_124 : i32 to index
          %get3A_131 = arith.constant 0 : index
          %get3A_132 = tpu.vector_load %arg17[%get3A_130, %get3A_131] {strides = array<i32>} : memref<64x256xf32, #tpu.memory_space<vmem>>, vector<16xf32>,
          %max3A = arith.maximumf %get3A_129, %get3A_132 : vector<16xf32>
          %swap3A_133 = arith.index_cast %squeeze3A : i32 to index
          %swap3A_134 = arith.constant 0 : index
          %swap3A_135 = tpu.vector_load %arg10[%swap3A_133, %swap3A_134] {strides = array<i32>} : memref<320x256xf32, #tpu.memory_space<vmem>>, vector<16xf32>,
          tpu.vector_store %arg10[%swap3A_133, %swap3A_134], %max3A {strides = array<i32>} : memref<320x256xf32, #tpu.memory_space<vmem>>, vector<16xf32>,
          %get3A_136 = arith.index_cast %squeeze3A : i32 to index
          %get3A_137 = arith.constant 16 : index
          %get3A_138 = tpu.vector_load %arg10[%get3A_136, %get3A_137] {strides = array<i32>} : memref<320x256xf32, #tpu.memory_space<vmem>>, vector<16xf32>,
          %get3A_139 = arith.index_cast %while3A_124 : i32 to index
          %get3A_140 = arith.constant 16 : index
          %get3A_141 = tpu.vector_load %arg17[%get3A_139, %get3A_140] {strides = array<i32>} : memref<64x256xf32, #tpu.memory_space<vmem>>, vector<16xf32>,
          %max3A_142 = arith.maximumf %get3A_138, %get3A_141 : vector<16xf32>
          %swap3A_143 = arith.index_cast %squeeze3A : i32 to index
          %swap3A_144 = arith.constant 16 : index
          %swap3A_145 = tpu.vector_load %arg10[%swap3A_143, %swap3A_144] {strides = array<i32>} : memref<320x256xf32, #tpu.memory_space<vmem>>, vector<16xf32>,
          tpu.vector_store %arg10[%swap3A_143, %swap3A_144], %max3A_142 {strides = array<i32>} : memref<320x256xf32, #tpu.memory_space<vmem>>, vector<16xf32>,
          %get3A_146 = arith.index_cast %squeeze3A : i32 to index
          %get3A_147 = arith.constant 32 : index
          %get3A_148 = tpu.vector_load %arg10[%get3A_146, %get3A_147] {strides = array<i32>} : memref<320x256xf32, #tpu.memory_space<vmem>>, vector<16xf32>,
          %get3A_149 = arith.index_cast %while3A_124 : i32 to index
          %get3A_150 = arith.constant 32 : index
          %get3A_151 = tpu.vector_load %arg17[%get3A_149, %get3A_150] {strides = array<i32>} : memref<64x256xf32, #tpu.memory_space<vmem>>, vector<16xf32>,
          %max3A_152 = arith.maximumf %get3A_148, %get3A_151 : vector<16xf32>
          %swap3A_153 = arith.index_cast %squeeze3A : i32 to index
          %swap3A_154 = arith.constant 32 : index
          %swap3A_155 = tpu.vector_load %arg10[%swap3A_153, %swap3A_154] {strides = array<i32>} : memref<320x256xf32, #tpu.memory_space<vmem>>, vector<16xf32>,
          tpu.vector_store %arg10[%swap3A_153, %swap3A_154], %max3A_152 {strides = array<i32>} : memref<320x256xf32, #tpu.memory_space<vmem>>, vector<16xf32>,
          %get3A_156 = arith.index_cast %squeeze3A : i32 to index
          %get3A_157 = arith.constant 48 : index
          %get3A_158 = tpu.vector_load %arg10[%get3A_156, %get3A_157] {strides = array<i32>} : memref<320x256xf32, #tpu.memory_space<vmem>>, vector<16xf32>,
          %get3A_159 = arith.index_cast %while3A_124 : i32 to index
          %get3A_160 = arith.constant 48 : index
          %get3A_161 = tpu.vector_load %arg17[%get3A_159, %get3A_160] {strides = array<i32>} : memref<64x256xf32, #tpu.memory_space<vmem>>, vector<16xf32>,
          %max3A_162 = arith.maximumf %get3A_158, %get3A_161 : vector<16xf32>
          %swap3A_163 = arith.index_cast %squeeze3A : i32 to index
          %swap3A_164 = arith.constant 48 : index
          %swap3A_165 = tpu.vector_load %arg10[%swap3A_163, %swap3A_164] {strides = array<i32>} : memref<320x256xf32, #tpu.memory_space<vmem>>, vector<16xf32>,
          tpu.vector_store %arg10[%swap3A_163, %swap3A_164], %max3A_162 {strides = array<i32>} : memref<320x256xf32, #tpu.memory_space<vmem>>, vector<16xf32>,
          %get3A_166 = arith.index_cast %squeeze3A : i32 to index
          %get3A_167 = arith.constant 64 : index
          %get3A_168 = tpu.vector_load %arg10[%get3A_166, %get3A_167] {strides = array<i32>} : memref<320x256xf32, #tpu.memory_space<vmem>>, vector<16xf32>,
          %get3A_169 = arith.index_cast %while3A_124 : i32 to index
          %get3A_170 = arith.constant 64 : index
          %get3A_171 = tpu.vector_load %arg17[%get3A_169, %get3A_170] {strides = array<i32>} : memref<64x256xf32, #tpu.memory_space<vmem>>, vector<16xf32>,
          %max3A_172 = arith.maximumf %get3A_168, %get3A_171 : vector<16xf32>
          %swap3A_173 = arith.index_cast %squeeze3A : i32 to index
          %swap3A_174 = arith.constant 64 : index
          %swap3A_175 = tpu.vector_load %arg10[%swap3A_173, %swap3A_174] {strides = array<i32>} : memref<320x256xf32, #tpu.memory_space<vmem>>, vector<16xf32>,
          tpu.vector_store %arg10[%swap3A_173, %swap3A_174], %max3A_172 {strides = array<i32>} : memref<320x256xf32, #tpu.memory_space<vmem>>, vector<16xf32>,
          %get3A_176 = arith.index_cast %squeeze3A : i32 to index
          %get3A_177 = arith.constant 80 : index
          %get3A_178 = tpu.vector_load %arg10[%get3A_176, %get3A_177] {strides = array<i32>} : memref<320x256xf32, #tpu.memory_space<vmem>>, vector<16xf32>,
          %get3A_179 = arith.index_cast %while3A_124 : i32 to index
          %get3A_180 = arith.constant 80 : index
          %get3A_181 = tpu.vector_load %arg17[%get3A_179, %get3A_180] {strides = array<i32>} : memref<64x256xf32, #tpu.memory_space<vmem>>, vector<16xf32>,
          %max3A_182 = arith.maximumf %get3A_178, %get3A_181 : vector<16xf32>
          %swap3A_183 = arith.index_cast %squeeze3A : i32 to index
          %swap3A_184 = arith.constant 80 : index
          %swap3A_185 = tpu.vector_load %arg10[%swap3A_183, %swap3A_184] {strides = array<i32>} : memref<320x256xf32, #tpu.memory_space<vmem>>, vector<16xf32>,
          tpu.vector_store %arg10[%swap3A_183, %swap3A_184], %max3A_182 {strides = array<i32>} : memref<320x256xf32, #tpu.memory_space<vmem>>, vector<16xf32>,
          %get3A_186 = arith.index_cast %squeeze3A : i32 to index
          %get3A_187 = arith.constant 96 : index
          %get3A_188 = tpu.vector_load %arg10[%get3A_186, %get3A_187] {strides = array<i32>} : memref<320x256xf32, #tpu.memory_space<vmem>>, vector<16xf32>,
          %get3A_189 = arith.index_cast %while3A_124 : i32 to index
          %get3A_190 = arith.constant 96 : index
          %get3A_191 = tpu.vector_load %arg17[%get3A_189, %get3A_190] {strides = array<i32>} : memref<64x256xf32, #tpu.memory_space<vmem>>, vector<16xf32>,
          %max3A_192 = arith.maximumf %get3A_188, %get3A_191 : vector<16xf32>
          %swap3A_193 = arith.index_cast %squeeze3A : i32 to index
          %swap3A_194 = arith.constant 96 : index
          %swap3A_195 = tpu.vector_load %arg10[%swap3A_193, %swap3A_194] {strides = array<i32>} : memref<320x256xf32, #tpu.memory_space<vmem>>, vector<16xf32>,
          tpu.vector_store %arg10[%swap3A_193, %swap3A_194], %max3A_192 {strides = array<i32>} : memref<320x256xf32, #tpu.memory_space<vmem>>, vector<16xf32>,
          %get3A_196 = arith.index_cast %squeeze3A : i32 to index
          %get3A_197 = arith.constant 112 : index
          %get3A_198 = tpu.vector_load %arg10[%get3A_196, %get3A_197] {strides = array<i32>} : memref<320x256xf32, #tpu.memory_space<vmem>>, vector<16xf32>,
          %get3A_199 = arith.index_cast %while3A_124 : i32 to index
          %get3A_200 = arith.constant 112 : index
          %get3A_201 = tpu.vector_load %arg17[%get3A_199, %get3A_200] {strides = array<i32>} : memref<64x256xf32, #tpu.memory_space<vmem>>, vector<16xf32>,
          %max3A_202 = arith.maximumf %get3A_198, %get3A_201 : vector<16xf32>
          %swap3A_203 = arith.index_cast %squeeze3A : i32 to index
          %swap3A_204 = arith.constant 112 : index
          %swap3A_205 = tpu.vector_load %arg10[%swap3A_203, %swap3A_204] {strides = array<i32>} : memref<320x256xf32, #tpu.memory_space<vmem>>, vector<16xf32>,
          tpu.vector_store %arg10[%swap3A_203, %swap3A_204], %max3A_202 {strides = array<i32>} : memref<320x256xf32, #tpu.memory_space<vmem>>, vector<16xf32>,
          %get3A_206 = arith.index_cast %squeeze3A : i32 to index
          %get3A_207 = arith.constant 128 : index
          %get3A_208 = tpu.vector_load %arg10[%get3A_206, %get3A_207] {strides = array<i32>} : memref<320x256xf32, #tpu.memory_space<vmem>>, vector<16xf32>,
          %get3A_209 = arith.index_cast %while3A_124 : i32 to index
          %get3A_210 = arith.constant 128 : index
          %get3A_211 = tpu.vector_load %arg17[%get3A_209, %get3A_210] {strides = array<i32>} : memref<64x256xf32, #tpu.memory_space<vmem>>, vector<16xf32>,
          %max3A_212 = arith.maximumf %get3A_208, %get3A_211 : vector<16xf32>
          %swap3A_213 = arith.index_cast %squeeze3A : i32 to index
          %swap3A_214 = arith.constant 128 : index
          %swap3A_215 = tpu.vector_load %arg10[%swap3A_213, %swap3A_214] {strides = array<i32>} : memref<320x256xf32, #tpu.memory_space<vmem>>, vector<16xf32>,
          tpu.vector_store %arg10[%swap3A_213, %swap3A_214], %max3A_212 {strides = array<i32>} : memref<320x256xf32, #tpu.memory_space<vmem>>, vector<16xf32>,
          %get3A_216 = arith.index_cast %squeeze3A : i32 to index
          %get3A_217 = arith.constant 144 : index
          %get3A_218 = tpu.vector_load %arg10[%get3A_216, %get3A_217] {strides = array<i32>} : memref<320x256xf32, #tpu.memory_space<vmem>>, vector<16xf32>,
          %get3A_219 = arith.index_cast %while3A_124 : i32 to index
          %get3A_220 = arith.constant 144 : index
          %get3A_221 = tpu.vector_load %arg17[%get3A_219, %get3A_220] {strides = array<i32>} : memref<64x256xf32, #tpu.memory_space<vmem>>, vector<16xf32>,
          %max3A_222 = arith.maximumf %get3A_218, %get3A_221 : vector<16xf32>
          %swap3A_223 = arith.index_cast %squeeze3A : i32 to index
          %swap3A_224 = arith.constant 144 : index
          %swap3A_225 = tpu.vector_load %arg10[%swap3A_223, %swap3A_224] {strides = array<i32>} : memref<320x256xf32, #tpu.memory_space<vmem>>, vector<16xf32>,
          tpu.vector_store %arg10[%swap3A_223, %swap3A_224], %max3A_222 {strides = array<i32>} : memref<320x256xf32, #tpu.memory_space<vmem>>, vector<16xf32>,
          %get3A_226 = arith.index_cast %squeeze3A : i32 to index
          %get3A_227 = arith.constant 160 : index
          %get3A_228 = tpu.vector_load %arg10[%get3A_226, %get3A_227] {strides = array<i32>} : memref<320x256xf32, #tpu.memory_space<vmem>>, vector<16xf32>,
          %get3A_229 = arith.index_cast %while3A_124 : i32 to index
          %get3A_230 = arith.constant 160 : index
          %get3A_231 = tpu.vector_load %arg17[%get3A_229, %get3A_230] {strides = array<i32>} : memref<64x256xf32, #tpu.memory_space<vmem>>, vector<16xf32>,
          %max3A_232 = arith.maximumf %get3A_228, %get3A_231 : vector<16xf32>
          %swap3A_233 = arith.index_cast %squeeze3A : i32 to index
          %swap3A_234 = arith.constant 160 : index
          %swap3A_235 = tpu.vector_load %arg10[%swap3A_233, %swap3A_234] {strides = array<i32>} : memref<320x256xf32, #tpu.memory_space<vmem>>, vector<16xf32>,
          tpu.vector_store %arg10[%swap3A_233, %swap3A_234], %max3A_232 {strides = array<i32>} : memref<320x256xf32, #tpu.memory_space<vmem>>, vector<16xf32>,
          %get3A_236 = arith.index_cast %squeeze3A : i32 to index
          %get3A_237 = arith.constant 176 : index
          %get3A_238 = tpu.vector_load %arg10[%get3A_236, %get3A_237] {strides = array<i32>} : memref<320x256xf32, #tpu.memory_space<vmem>>, vector<16xf32>,
          %get3A_239 = arith.index_cast %while3A_124 : i32 to index
          %get3A_240 = arith.constant 176 : index
          %get3A_241 = tpu.vector_load %arg17[%get3A_239, %get3A_240] {strides = array<i32>} : memref<64x256xf32, #tpu.memory_space<vmem>>, vector<16xf32>,
          %max3A_242 = arith.maximumf %get3A_238, %get3A_241 : vector<16xf32>
          %swap3A_243 = arith.index_cast %squeeze3A : i32 to index
          %swap3A_244 = arith.constant 176 : index
          %swap3A_245 = tpu.vector_load %arg10[%swap3A_243, %swap3A_244] {strides = array<i32>} : memref<320x256xf32, #tpu.memory_space<vmem>>, vector<16xf32>,
          tpu.vector_store %arg10[%swap3A_243, %swap3A_244], %max3A_242 {strides = array<i32>} : memref<320x256xf32, #tpu.memory_space<vmem>>, vector<16xf32>,
          %get3A_246 = arith.index_cast %squeeze3A : i32 to index
          %get3A_247 = arith.constant 192 : index
          %get3A_248 = tpu.vector_load %arg10[%get3A_246, %get3A_247] {strides = array<i32>} : memref<320x256xf32, #tpu.memory_space<vmem>>, vector<16xf32>,
          %get3A_249 = arith.index_cast %while3A_124 : i32 to index
          %get3A_250 = arith.constant 192 : index
          %get3A_251 = tpu.vector_load %arg17[%get3A_249, %get3A_250] {strides = array<i32>} : memref<64x256xf32, #tpu.memory_space<vmem>>, vector<16xf32>,
          %max3A_252 = arith.maximumf %get3A_248, %get3A_251 : vector<16xf32>
          %swap3A_253 = arith.index_cast %squeeze3A : i32 to index
          %swap3A_254 = arith.constant 192 : index
          %swap3A_255 = tpu.vector_load %arg10[%swap3A_253, %swap3A_254] {strides = array<i32>} : memref<320x256xf32, #tpu.memory_space<vmem>>, vector<16xf32>,
          tpu.vector_store %arg10[%swap3A_253, %swap3A_254], %max3A_252 {strides = array<i32>} : memref<320x256xf32, #tpu.memory_space<vmem>>, vector<16xf32>,
          %get3A_256 = arith.index_cast %squeeze3A : i32 to index
          %get3A_257 = arith.constant 208 : index
          %get3A_258 = tpu.vector_load %arg10[%get3A_256, %get3A_257] {strides = array<i32>} : memref<320x256xf32, #tpu.memory_space<vmem>>, vector<16xf32>,
          %get3A_259 = arith.index_cast %while3A_124 : i32 to index
          %get3A_260 = arith.constant 208 : index
          %get3A_261 = tpu.vector_load %arg17[%get3A_259, %get3A_260] {strides = array<i32>} : memref<64x256xf32, #tpu.memory_space<vmem>>, vector<16xf32>,
          %max3A_262 = arith.maximumf %get3A_258, %get3A_261 : vector<16xf32>
          %swap3A_263 = arith.index_cast %squeeze3A : i32 to index
          %swap3A_264 = arith.constant 208 : index
          %swap3A_265 = tpu.vector_load %arg10[%swap3A_263, %swap3A_264] {strides = array<i32>} : memref<320x256xf32, #tpu.memory_space<vmem>>, vector<16xf32>,
          tpu.vector_store %arg10[%swap3A_263, %swap3A_264], %max3A_262 {strides = array<i32>} : memref<320x256xf32, #tpu.memory_space<vmem>>, vector<16xf32>,
          %get3A_266 = arith.index_cast %squeeze3A : i32 to index
          %get3A_267 = arith.constant 224 : index
          %get3A_268 = tpu.vector_load %arg10[%get3A_266, %get3A_267] {strides = array<i32>} : memref<320x256xf32, #tpu.memory_space<vmem>>, vector<16xf32>,
          %get3A_269 = arith.index_cast %while3A_124 : i32 to index
          %get3A_270 = arith.constant 224 : index
          %get3A_271 = tpu.vector_load %arg17[%get3A_269, %get3A_270] {strides = array<i32>} : memref<64x256xf32, #tpu.memory_space<vmem>>, vector<16xf32>,
          %max3A_272 = arith.maximumf %get3A_268, %get3A_271 : vector<16xf32>
          %swap3A_273 = arith.index_cast %squeeze3A : i32 to index
          %swap3A_274 = arith.constant 224 : index
          %swap3A_275 = tpu.vector_load %arg10[%swap3A_273, %swap3A_274] {strides = array<i32>} : memref<320x256xf32, #tpu.memory_space<vmem>>, vector<16xf32>,
          tpu.vector_store %arg10[%swap3A_273, %swap3A_274], %max3A_272 {strides = array<i32>} : memref<320x256xf32, #tpu.memory_space<vmem>>, vector<16xf32>,
          %get3A_276 = arith.index_cast %squeeze3A : i32 to index
          %get3A_277 = arith.constant 240 : index
          %get3A_278 = tpu.vector_load %arg10[%get3A_276, %get3A_277] {strides = array<i32>} : memref<320x256xf32, #tpu.memory_space<vmem>>, vector<16xf32>,
          %get3A_279 = arith.index_cast %while3A_124 : i32 to index
          %get3A_280 = arith.constant 240 : index
          %get3A_281 = tpu.vector_load %arg17[%get3A_279, %get3A_280] {strides = array<i32>} : memref<64x256xf32, #tpu.memory_space<vmem>>, vector<16xf32>,
          %max3A_282 = arith.maximumf %get3A_278, %get3A_281 : vector<16xf32>
          %swap3A_283 = arith.index_cast %squeeze3A : i32 to index
          %swap3A_284 = arith.constant 240 : index
          %swap3A_285 = tpu.vector_load %arg10[%swap3A_283, %swap3A_284] {strides = array<i32>} : memref<320x256xf32, #tpu.memory_space<vmem>>, vector<16xf32>,
          tpu.vector_store %arg10[%swap3A_283, %swap3A_284], %max3A_282 {strides = array<i32>} : memref<320x256xf32, #tpu.memory_space<vmem>>, vector<16xf32>,
          %get3A_286 = arith.index_cast %squeeze3A : i32 to index
          %get3A_287 = arith.constant 0 : index
          %get3A_288 = tpu.vector_load %arg11[%get3A_286, %get3A_287] {strides = array<i32>} : memref<320x64xi32, #tpu.memory_space<vmem>>, vector<16xi32>,
          %get3A_289 = arith.index_cast %while3A_124 : i32 to index
          %get3A_290 = arith.constant 0 : index
          %get3A_291 = tpu.vector_load %arg18[%get3A_289, %get3A_290] {strides = array<i32>} : memref<64x64xi32, #tpu.memory_space<vmem>>, vector<16xi32>,
          %min3A_292 = arith.minsi %get3A_288, %get3A_291 : vector<16xi32>
          %swap3A_293 = arith.index_cast %squeeze3A : i32 to index
          %swap3A_294 = arith.constant 0 : index
          %swap3A_295 = tpu.vector_load %arg11[%swap3A_293, %swap3A_294] {strides = array<i32>} : memref<320x64xi32, #tpu.memory_space<vmem>>, vector<16xi32>,
          tpu.vector_store %arg11[%swap3A_293, %swap3A_294], %min3A_292 {strides = array<i32>} : memref<320x64xi32, #tpu.memory_space<vmem>>, vector<16xi32>,
          %get3A_296 = arith.index_cast %squeeze3A : i32 to index
          %get3A_297 = arith.constant 16 : index
          %get3A_298 = tpu.vector_load %arg11[%get3A_296, %get3A_297] {strides = array<i32>} : memref<320x64xi32, #tpu.memory_space<vmem>>, vector<16xi32>,
          %get3A_299 = arith.index_cast %while3A_124 : i32 to index
          %get3A_300 = arith.constant 16 : index
          %get3A_301 = tpu.vector_load %arg18[%get3A_299, %get3A_300] {strides = array<i32>} : memref<64x64xi32, #tpu.memory_space<vmem>>, vector<16xi32>,
          %min3A_302 = arith.minsi %get3A_298, %get3A_301 : vector<16xi32>
          %swap3A_303 = arith.index_cast %squeeze3A : i32 to index
          %swap3A_304 = arith.constant 16 : index
          %swap3A_305 = tpu.vector_load %arg11[%swap3A_303, %swap3A_304] {strides = array<i32>} : memref<320x64xi32, #tpu.memory_space<vmem>>, vector<16xi32>,
          tpu.vector_store %arg11[%swap3A_303, %swap3A_304], %min3A_302 {strides = array<i32>} : memref<320x64xi32, #tpu.memory_space<vmem>>, vector<16xi32>,
          %get3A_306 = arith.index_cast %squeeze3A : i32 to index
          %get3A_307 = arith.constant 32 : index
          %get3A_308 = tpu.vector_load %arg11[%get3A_306, %get3A_307] {strides = array<i32>} : memref<320x64xi32, #tpu.memory_space<vmem>>, vector<16xi32>,
          %get3A_309 = arith.index_cast %while3A_124 : i32 to index
          %get3A_310 = arith.constant 32 : index
          %get3A_311 = tpu.vector_load %arg18[%get3A_309, %get3A_310] {strides = array<i32>} : memref<64x64xi32, #tpu.memory_space<vmem>>, vector<16xi32>,
          %min3A_312 = arith.minsi %get3A_308, %get3A_311 : vector<16xi32>
          %swap3A_313 = arith.index_cast %squeeze3A : i32 to index
          %swap3A_314 = arith.constant 32 : index
          %swap3A_315 = tpu.vector_load %arg11[%swap3A_313, %swap3A_314] {strides = array<i32>} : memref<320x64xi32, #tpu.memory_space<vmem>>, vector<16xi32>,
          tpu.vector_store %arg11[%swap3A_313, %swap3A_314], %min3A_312 {strides = array<i32>} : memref<320x64xi32, #tpu.memory_space<vmem>>, vector<16xi32>,
          %get3A_316 = arith.index_cast %squeeze3A : i32 to index
          %get3A_317 = arith.constant 48 : index
          %get3A_318 = tpu.vector_load %arg11[%get3A_316, %get3A_317] {strides = array<i32>} : memref<320x64xi32, #tpu.memory_space<vmem>>, vector<16xi32>,
          %get3A_319 = arith.index_cast %while3A_124 : i32 to index
          %get3A_320 = arith.constant 48 : index
          %get3A_321 = tpu.vector_load %arg18[%get3A_319, %get3A_320] {strides = array<i32>} : memref<64x64xi32, #tpu.memory_space<vmem>>, vector<16xi32>,
          %min3A_322 = arith.minsi %get3A_318, %get3A_321 : vector<16xi32>
          %swap3A_323 = arith.index_cast %squeeze3A : i32 to index
          %swap3A_324 = arith.constant 48 : index
          %swap3A_325 = tpu.vector_load %arg11[%swap3A_323, %swap3A_324] {strides = array<i32>} : memref<320x64xi32, #tpu.memory_space<vmem>>, vector<16xi32>,
          tpu.vector_store %arg11[%swap3A_323, %swap3A_324], %min3A_322 {strides = array<i32>} : memref<320x64xi32, #tpu.memory_space<vmem>>, vector<16xi32>,
        }
        %while3A_123 = arith.constant 1 : i32
        scf.for %while3A_124 = %while3A_121 to %while3A_117 step %while3A_123  : i32 {
          %add3A_125 = arith.addi %mul3A_94, %while3A_124 : i32
          %get3A = arith.index_cast %add3A_125 : i32 to index
          %get3A_126 = tpu.vector_load %arg15[%get3A] {strides = array<i32>} : memref<1616xi32, #tpu.memory_space<vmem>>, vector<16xi32>,
          %slice3A = vector.extract_strided_slice %get3A_126 {offsets = [0], sizes = [1], strides = [1]} : vector<16xi32> to vector<1xi32>
          %squeeze3A = vector.extract %slice3A[0] : i32 from vector<1xi32>
          %get3A_127 = arith.index_cast %squeeze3A : i32 to index
          %get3A_128 = arith.constant 0 : index
          %get3A_129 = tpu.vector_load %arg10[%get3A_127, %get3A_128] {strides = array<i32>} : memref<320x256xf32, #tpu.memory_space<vmem>>, vector<16xf32>,
          %get3A_130 = arith.index_cast %while3A_124 : i32 to index
          %get3A_131 = arith.constant 0 : index
          %get3A_132 = tpu.vector_load %arg17[%get3A_130, %get3A_131] {strides = array<i32>} : memref<64x256xf32, #tpu.memory_space<vmem>>, vector<16xf32>,
          %max3A = arith.maximumf %get3A_129, %get3A_132 : vector<16xf32>
          %swap3A_133 = arith.index_cast %squeeze3A : i32 to index
          %swap3A_134 = arith.constant 0 : index
          %swap3A_135 = tpu.vector_load %arg10[%swap3A_133, %swap3A_134] {strides = array<i32>} : memref<320x256xf32, #tpu.memory_space<vmem>>, vector<16xf32>,
          tpu.vector_store %arg10[%swap3A_133, %swap3A_134], %max3A {strides = array<i32>} : memref<320x256xf32, #tpu.memory_space<vmem>>, vector<16xf32>,
          %get3A_136 = arith.index_cast %squeeze3A : i32 to index
          %get3A_137 = arith.constant 16 : index
          %get3A_138 = tpu.vector_load %arg10[%get3A_136, %get3A_137] {strides = array<i32>} : memref<320x256xf32, #tpu.memory_space<vmem>>, vector<16xf32>,
          %get3A_139 = arith.index_cast %while3A_124 : i32 to index
          %get3A_140 = arith.constant 16 : index
          %get3A_141 = tpu.vector_load %arg17[%get3A_139, %get3A_140] {strides = array<i32>} : memref<64x256xf32, #tpu.memory_space<vmem>>, vector<16xf32>,
          %max3A_142 = arith.maximumf %get3A_138, %get3A_141 : vector<16xf32>
          %swap3A_143 = arith.index_cast %squeeze3A : i32 to index
          %swap3A_144 = arith.constant 16 : index
          %swap3A_145 = tpu.vector_load %arg10[%swap3A_143, %swap3A_144] {strides = array<i32>} : memref<320x256xf32, #tpu.memory_space<vmem>>, vector<16xf32>,
          tpu.vector_store %arg10[%swap3A_143, %swap3A_144], %max3A_142 {strides = array<i32>} : memref<320x256xf32, #tpu.memory_space<vmem>>, vector<16xf32>,
          %get3A_146 = arith.index_cast %squeeze3A : i32 to index
          %get3A_147 = arith.constant 32 : index
          %get3A_148 = tpu.vector_load %arg10[%get3A_146, %get3A_147] {strides = array<i32>} : memref<320x256xf32, #tpu.memory_space<vmem>>, vector<16xf32>,
          %get3A_149 = arith.index_cast %while3A_124 : i32 to index
          %get3A_150 = arith.constant 32 : index
          %get3A_151 = tpu.vector_load %arg17[%get3A_149, %get3A_150] {strides = array<i32>} : memref<64x256xf32, #tpu.memory_space<vmem>>, vector<16xf32>,
          %max3A_152 = arith.maximumf %get3A_148, %get3A_151 : vector<16xf32>
          %swap3A_153 = arith.index_cast %squeeze3A : i32 to index
          %swap3A_154 = arith.constant 32 : index
          %swap3A_155 = tpu.vector_load %arg10[%swap3A_153, %swap3A_154] {strides = array<i32>} : memref<320x256xf32, #tpu.memory_space<vmem>>, vector<16xf32>,
          tpu.vector_store %arg10[%swap3A_153, %swap3A_154], %max3A_152 {strides = array<i32>} : memref<320x256xf32, #tpu.memory_space<vmem>>, vector<16xf32>,
          %get3A_156 = arith.index_cast %squeeze3A : i32 to index
          %get3A_157 = arith.constant 48 : index
          %get3A_158 = tpu.vector_load %arg10[%get3A_156, %get3A_157] {strides = array<i32>} : memref<320x256xf32, #tpu.memory_space<vmem>>, vector<16xf32>,
          %get3A_159 = arith.index_cast %while3A_124 : i32 to index
          %get3A_160 = arith.constant 48 : index
          %get3A_161 = tpu.vector_load %arg17[%get3A_159, %get3A_160] {strides = array<i32>} : memref<64x256xf32, #tpu.memory_space<vmem>>, vector<16xf32>,
          %max3A_162 = arith.maximumf %get3A_158, %get3A_161 : vector<16xf32>
          %swap3A_163 = arith.index_cast %squeeze3A : i32 to index
          %swap3A_164 = arith.constant 48 : index
          %swap3A_165 = tpu.vector_load %arg10[%swap3A_163, %swap3A_164] {strides = array<i32>} : memref<320x256xf32, #tpu.memory_space<vmem>>, vector<16xf32>,
          tpu.vector_store %arg10[%swap3A_163, %swap3A_164], %max3A_162 {strides = array<i32>} : memref<320x256xf32, #tpu.memory_space<vmem>>, vector<16xf32>,
          %get3A_166 = arith.index_cast %squeeze3A : i32 to index
          %get3A_167 = arith.constant 64 : index
          %get3A_168 = tpu.vector_load %arg10[%get3A_166, %get3A_167] {strides = array<i32>} : memref<320x256xf32, #tpu.memory_space<vmem>>, vector<16xf32>,
          %get3A_169 = arith.index_cast %while3A_124 : i32 to index
          %get3A_170 = arith.constant 64 : index
          %get3A_171 = tpu.vector_load %arg17[%get3A_169, %get3A_170] {strides = array<i32>} : memref<64x256xf32, #tpu.memory_space<vmem>>, vector<16xf32>,
          %max3A_172 = arith.maximumf %get3A_168, %get3A_171 : vector<16xf32>
          %swap3A_173 = arith.index_cast %squeeze3A : i32 to index
          %swap3A_174 = arith.constant 64 : index
          %swap3A_175 = tpu.vector_load %arg10[%swap3A_173, %swap3A_174] {strides = array<i32>} : memref<320x256xf32, #tpu.memory_space<vmem>>, vector<16xf32>,
          tpu.vector_store %arg10[%swap3A_173, %swap3A_174], %max3A_172 {strides = array<i32>} : memref<320x256xf32, #tpu.memory_space<vmem>>, vector<16xf32>,
          %get3A_176 = arith.index_cast %squeeze3A : i32 to index
          %get3A_177 = arith.constant 80 : index
          %get3A_178 = tpu.vector_load %arg10[%get3A_176, %get3A_177] {strides = array<i32>} : memref<320x256xf32, #tpu.memory_space<vmem>>, vector<16xf32>,
          %get3A_179 = arith.index_cast %while3A_124 : i32 to index
          %get3A_180 = arith.constant 80 : index
          %get3A_181 = tpu.vector_load %arg17[%get3A_179, %get3A_180] {strides = array<i32>} : memref<64x256xf32, #tpu.memory_space<vmem>>, vector<16xf32>,
          %max3A_182 = arith.maximumf %get3A_178, %get3A_181 : vector<16xf32>
          %swap3A_183 = arith.index_cast %squeeze3A : i32 to index
          %swap3A_184 = arith.constant 80 : index
          %swap3A_185 = tpu.vector_load %arg10[%swap3A_183, %swap3A_184] {strides = array<i32>} : memref<320x256xf32, #tpu.memory_space<vmem>>, vector<16xf32>,
          tpu.vector_store %arg10[%swap3A_183, %swap3A_184], %max3A_182 {strides = array<i32>} : memref<320x256xf32, #tpu.memory_space<vmem>>, vector<16xf32>,
          %get3A_186 = arith.index_cast %squeeze3A : i32 to index
          %get3A_187 = arith.constant 96 : index
          %get3A_188 = tpu.vector_load %arg10[%get3A_186, %get3A_187] {strides = array<i32>} : memref<320x256xf32, #tpu.memory_space<vmem>>, vector<16xf32>,
          %get3A_189 = arith.index_cast %while3A_124 : i32 to index
          %get3A_190 = arith.constant 96 : index
          %get3A_191 = tpu.vector_load %arg17[%get3A_189, %get3A_190] {strides = array<i32>} : memref<64x256xf32, #tpu.memory_space<vmem>>, vector<16xf32>,
          %max3A_192 = arith.maximumf %get3A_188, %get3A_191 : vector<16xf32>
          %swap3A_193 = arith.index_cast %squeeze3A : i32 to index
          %swap3A_194 = arith.constant 96 : index
          %swap3A_195 = tpu.vector_load %arg10[%swap3A_193, %swap3A_194] {strides = array<i32>} : memref<320x256xf32, #tpu.memory_space<vmem>>, vector<16xf32>,
          tpu.vector_store %arg10[%swap3A_193, %swap3A_194], %max3A_192 {strides = array<i32>} : memref<320x256xf32, #tpu.memory_space<vmem>>, vector<16xf32>,
          %get3A_196 = arith.index_cast %squeeze3A : i32 to index
          %get3A_197 = arith.constant 112 : index
          %get3A_198 = tpu.vector_load %arg10[%get3A_196, %get3A_197] {strides = array<i32>} : memref<320x256xf32, #tpu.memory_space<vmem>>, vector<16xf32>,
          %get3A_199 = arith.index_cast %while3A_124 : i32 to index
          %get3A_200 = arith.constant 112 : index
          %get3A_201 = tpu.vector_load %arg17[%get3A_199, %get3A_200] {strides = array<i32>} : memref<64x256xf32, #tpu.memory_space<vmem>>, vector<16xf32>,
          %max3A_202 = arith.maximumf %get3A_198, %get3A_201 : vector<16xf32>
          %swap3A_203 = arith.index_cast %squeeze3A : i32 to index
          %swap3A_204 = arith.constant 112 : index
          %swap3A_205 = tpu.vector_load %arg10[%swap3A_203, %swap3A_204] {strides = array<i32>} : memref<320x256xf32, #tpu.memory_space<vmem>>, vector<16xf32>,
          tpu.vector_store %arg10[%swap3A_203, %swap3A_204], %max3A_202 {strides = array<i32>} : memref<320x256xf32, #tpu.memory_space<vmem>>, vector<16xf32>,
          %get3A_206 = arith.index_cast %squeeze3A : i32 to index
          %get3A_207 = arith.constant 128 : index
          %get3A_208 = tpu.vector_load %arg10[%get3A_206, %get3A_207] {strides = array<i32>} : memref<320x256xf32, #tpu.memory_space<vmem>>, vector<16xf32>,
          %get3A_209 = arith.index_cast %while3A_124 : i32 to index
          %get3A_210 = arith.constant 128 : index
          %get3A_211 = tpu.vector_load %arg17[%get3A_209, %get3A_210] {strides = array<i32>} : memref<64x256xf32, #tpu.memory_space<vmem>>, vector<16xf32>,
          %max3A_212 = arith.maximumf %get3A_208, %get3A_211 : vector<16xf32>
          %swap3A_213 = arith.index_cast %squeeze3A : i32 to index
          %swap3A_214 = arith.constant 128 : index
          %swap3A_215 = tpu.vector_load %arg10[%swap3A_213, %swap3A_214] {strides = array<i32>} : memref<320x256xf32, #tpu.memory_space<vmem>>, vector<16xf32>,
          tpu.vector_store %arg10[%swap3A_213, %swap3A_214], %max3A_212 {strides = array<i32>} : memref<320x256xf32, #tpu.memory_space<vmem>>, vector<16xf32>,
          %get3A_216 = arith.index_cast %squeeze3A : i32 to index
          %get3A_217 = arith.constant 144 : index
          %get3A_218 = tpu.vector_load %arg10[%get3A_216, %get3A_217] {strides = array<i32>} : memref<320x256xf32, #tpu.memory_space<vmem>>, vector<16xf32>,
          %get3A_219 = arith.index_cast %while3A_124 : i32 to index
          %get3A_220 = arith.constant 144 : index
          %get3A_221 = tpu.vector_load %arg17[%get3A_219, %get3A_220] {strides = array<i32>} : memref<64x256xf32, #tpu.memory_space<vmem>>, vector<16xf32>,
          %max3A_222 = arith.maximumf %get3A_218, %get3A_221 : vector<16xf32>
          %swap3A_223 = arith.index_cast %squeeze3A : i32 to index
          %swap3A_224 = arith.constant 144 : index
          %swap3A_225 = tpu.vector_load %arg10[%swap3A_223, %swap3A_224] {strides = array<i32>} : memref<320x256xf32, #tpu.memory_space<vmem>>, vector<16xf32>,
          tpu.vector_store %arg10[%swap3A_223, %swap3A_224], %max3A_222 {strides = array<i32>} : memref<320x256xf32, #tpu.memory_space<vmem>>, vector<16xf32>,
          %get3A_226 = arith.index_cast %squeeze3A : i32 to index
          %get3A_227 = arith.constant 160 : index
          %get3A_228 = tpu.vector_load %arg10[%get3A_226, %get3A_227] {strides = array<i32>} : memref<320x256xf32, #tpu.memory_space<vmem>>, vector<16xf32>,
          %get3A_229 = arith.index_cast %while3A_124 : i32 to index
          %get3A_230 = arith.constant 160 : index
          %get3A_231 = tpu.vector_load %arg17[%get3A_229, %get3A_230] {strides = array<i32>} : memref<64x256xf32, #tpu.memory_space<vmem>>, vector<16xf32>,
          %max3A_232 = arith.maximumf %get3A_228, %get3A_231 : vector<16xf32>
          %swap3A_233 = arith.index_cast %squeeze3A : i32 to index
          %swap3A_234 = arith.constant 160 : index
          %swap3A_235 = tpu.vector_load %arg10[%swap3A_233, %swap3A_234] {strides = array<i32>} : memref<320x256xf32, #tpu.memory_space<vmem>>, vector<16xf32>,
          tpu.vector_store %arg10[%swap3A_233, %swap3A_234], %max3A_232 {strides = array<i32>} : memref<320x256xf32, #tpu.memory_space<vmem>>, vector<16xf32>,
          %get3A_236 = arith.index_cast %squeeze3A : i32 to index
          %get3A_237 = arith.constant 176 : index
          %get3A_238 = tpu.vector_load %arg10[%get3A_236, %get3A_237] {strides = array<i32>} : memref<320x256xf32, #tpu.memory_space<vmem>>, vector<16xf32>,
          %get3A_239 = arith.index_cast %while3A_124 : i32 to index
          %get3A_240 = arith.constant 176 : index
          %get3A_241 = tpu.vector_load %arg17[%get3A_239, %get3A_240] {strides = array<i32>} : memref<64x256xf32, #tpu.memory_space<vmem>>, vector<16xf32>,
          %max3A_242 = arith.maximumf %get3A_238, %get3A_241 : vector<16xf32>
          %swap3A_243 = arith.index_cast %squeeze3A : i32 to index
          %swap3A_244 = arith.constant 176 : index
          %swap3A_245 = tpu.vector_load %arg10[%swap3A_243, %swap3A_244] {strides = array<i32>} : memref<320x256xf32, #tpu.memory_space<vmem>>, vector<16xf32>,
          tpu.vector_store %arg10[%swap3A_243, %swap3A_244], %max3A_242 {strides = array<i32>} : memref<320x256xf32, #tpu.memory_space<vmem>>, vector<16xf32>,
          %get3A_246 = arith.index_cast %squeeze3A : i32 to index
          %get3A_247 = arith.constant 192 : index
          %get3A_248 = tpu.vector_load %arg10[%get3A_246, %get3A_247] {strides = array<i32>} : memref<320x256xf32, #tpu.memory_space<vmem>>, vector<16xf32>,
          %get3A_249 = arith.index_cast %while3A_124 : i32 to index
          %get3A_250 = arith.constant 192 : index
          %get3A_251 = tpu.vector_load %arg17[%get3A_249, %get3A_250] {strides = array<i32>} : memref<64x256xf32, #tpu.memory_space<vmem>>, vector<16xf32>,
          %max3A_252 = arith.maximumf %get3A_248, %get3A_251 : vector<16xf32>
          %swap3A_253 = arith.index_cast %squeeze3A : i32 to index
          %swap3A_254 = arith.constant 192 : index
          %swap3A_255 = tpu.vector_load %arg10[%swap3A_253, %swap3A_254] {strides = array<i32>} : memref<320x256xf32, #tpu.memory_space<vmem>>, vector<16xf32>,
          tpu.vector_store %arg10[%swap3A_253, %swap3A_254], %max3A_252 {strides = array<i32>} : memref<320x256xf32, #tpu.memory_space<vmem>>, vector<16xf32>,
          %get3A_256 = arith.index_cast %squeeze3A : i32 to index
          %get3A_257 = arith.constant 208 : index
          %get3A_258 = tpu.vector_load %arg10[%get3A_256, %get3A_257] {strides = array<i32>} : memref<320x256xf32, #tpu.memory_space<vmem>>, vector<16xf32>,
          %get3A_259 = arith.index_cast %while3A_124 : i32 to index
          %get3A_260 = arith.constant 208 : index
          %get3A_261 = tpu.vector_load %arg17[%get3A_259, %get3A_260] {strides = array<i32>} : memref<64x256xf32, #tpu.memory_space<vmem>>, vector<16xf32>,
          %max3A_262 = arith.maximumf %get3A_258, %get3A_261 : vector<16xf32>
          %swap3A_263 = arith.index_cast %squeeze3A : i32 to index
          %swap3A_264 = arith.constant 208 : index
          %swap3A_265 = tpu.vector_load %arg10[%swap3A_263, %swap3A_264] {strides = array<i32>} : memref<320x256xf32, #tpu.memory_space<vmem>>, vector<16xf32>,
          tpu.vector_store %arg10[%swap3A_263, %swap3A_264], %max3A_262 {strides = array<i32>} : memref<320x256xf32, #tpu.memory_space<vmem>>, vector<16xf32>,
          %get3A_266 = arith.index_cast %squeeze3A : i32 to index
          %get3A_267 = arith.constant 224 : index
          %get3A_268 = tpu.vector_load %arg10[%get3A_266, %get3A_267] {strides = array<i32>} : memref<320x256xf32, #tpu.memory_space<vmem>>, vector<16xf32>,
          %get3A_269 = arith.index_cast %while3A_124 : i32 to index
          %get3A_270 = arith.constant 224 : index
          %get3A_271 = tpu.vector_load %arg17[%get3A_269, %get3A_270] {strides = array<i32>} : memref<64x256xf32, #tpu.memory_space<vmem>>, vector<16xf32>,
          %max3A_272 = arith.maximumf %get3A_268, %get3A_271 : vector<16xf32>
          %swap3A_273 = arith.index_cast %squeeze3A : i32 to index
          %swap3A_274 = arith.constant 224 : index
          %swap3A_275 = tpu.vector_load %arg10[%swap3A_273, %swap3A_274] {strides = array<i32>} : memref<320x256xf32, #tpu.memory_space<vmem>>, vector<16xf32>,
          tpu.vector_store %arg10[%swap3A_273, %swap3A_274], %max3A_272 {strides = array<i32>} : memref<320x256xf32, #tpu.memory_space<vmem>>, vector<16xf32>,
          %get3A_276 = arith.index_cast %squeeze3A : i32 to index
          %get3A_277 = arith.constant 240 : index
          %get3A_278 = tpu.vector_load %arg10[%get3A_276, %get3A_277] {strides = array<i32>} : memref<320x256xf32, #tpu.memory_space<vmem>>, vector<16xf32>,
          %get3A_279 = arith.index_cast %while3A_124 : i32 to index
          %get3A_280 = arith.constant 240 : index
          %get3A_281 = tpu.vector_load %arg17[%get3A_279, %get3A_280] {strides = array<i32>} : memref<64x256xf32, #tpu.memory_space<vmem>>, vector<16xf32>,
          %max3A_282 = arith.maximumf %get3A_278, %get3A_281 : vector<16xf32>
          %swap3A_283 = arith.index_cast %squeeze3A : i32 to index
          %swap3A_284 = arith.constant 240 : index
          %swap3A_285 = tpu.vector_load %arg10[%swap3A_283, %swap3A_284] {strides = array<i32>} : memref<320x256xf32, #tpu.memory_space<vmem>>, vector<16xf32>,
          tpu.vector_store %arg10[%swap3A_283, %swap3A_284], %max3A_282 {strides = array<i32>} : memref<320x256xf32, #tpu.memory_space<vmem>>, vector<16xf32>,
          %get3A_286 = arith.index_cast %squeeze3A : i32 to index
          %get3A_287 = arith.constant 0 : index
          %get3A_288 = tpu.vector_load %arg11[%get3A_286, %get3A_287] {strides = array<i32>} : memref<320x64xi32, #tpu.memory_space<vmem>>, vector<16xi32>,
          %get3A_289 = arith.index_cast %while3A_124 : i32 to index
          %get3A_290 = arith.constant 0 : index
          %get3A_291 = tpu.vector_load %arg18[%get3A_289, %get3A_290] {strides = array<i32>} : memref<64x64xi32, #tpu.memory_space<vmem>>, vector<16xi32>,
          %min3A_292 = arith.minsi %get3A_288, %get3A_291 : vector<16xi32>
          %swap3A_293 = arith.index_cast %squeeze3A : i32 to index
          %swap3A_294 = arith.constant 0 : index
          %swap3A_295 = tpu.vector_load %arg11[%swap3A_293, %swap3A_294] {strides = array<i32>} : memref<320x64xi32, #tpu.memory_space<vmem>>, vector<16xi32>,
          tpu.vector_store %arg11[%swap3A_293, %swap3A_294], %min3A_292 {strides = array<i32>} : memref<320x64xi32, #tpu.memory_space<vmem>>, vector<16xi32>,
          %get3A_296 = arith.index_cast %squeeze3A : i32 to index
          %get3A_297 = arith.constant 16 : index
          %get3A_298 = tpu.vector_load %arg11[%get3A_296, %get3A_297] {strides = array<i32>} : memref<320x64xi32, #tpu.memory_space<vmem>>, vector<16xi32>,
          %get3A_299 = arith.index_cast %while3A_124 : i32 to index
          %get3A_300 = arith.constant 16 : index
          %get3A_301 = tpu.vector_load %arg18[%get3A_299, %get3A_300] {strides = array<i32>} : memref<64x64xi32, #tpu.memory_space<vmem>>, vector<16xi32>,
          %min3A_302 = arith.minsi %get3A_298, %get3A_301 : vector<16xi32>
          %swap3A_303 = arith.index_cast %squeeze3A : i32 to index
          %swap3A_304 = arith.constant 16 : index
          %swap3A_305 = tpu.vector_load %arg11[%swap3A_303, %swap3A_304] {strides = array<i32>} : memref<320x64xi32, #tpu.memory_space<vmem>>, vector<16xi32>,
          tpu.vector_store %arg11[%swap3A_303, %swap3A_304], %min3A_302 {strides = array<i32>} : memref<320x64xi32, #tpu.memory_space<vmem>>, vector<16xi32>,
          %get3A_306 = arith.index_cast %squeeze3A : i32 to index
          %get3A_307 = arith.constant 32 : index
          %get3A_308 = tpu.vector_load %arg11[%get3A_306, %get3A_307] {strides = array<i32>} : memref<320x64xi32, #tpu.memory_space<vmem>>, vector<16xi32>,
          %get3A_309 = arith.index_cast %while3A_124 : i32 to index
          %get3A_310 = arith.constant 32 : index
          %get3A_311 = tpu.vector_load %arg18[%get3A_309, %get3A_310] {strides = array<i32>} : memref<64x64xi32, #tpu.memory_space<vmem>>, vector<16xi32>,
          %min3A_312 = arith.minsi %get3A_308, %get3A_311 : vector<16xi32>
          %swap3A_313 = arith.index_cast %squeeze3A : i32 to index
          %swap3A_314 = arith.constant 32 : index
          %swap3A_315 = tpu.vector_load %arg11[%swap3A_313, %swap3A_314] {strides = array<i32>} : memref<320x64xi32, #tpu.memory_space<vmem>>, vector<16xi32>,
          tpu.vector_store %arg11[%swap3A_313, %swap3A_314], %min3A_312 {strides = array<i32>} : memref<320x64xi32, #tpu.memory_space<vmem>>, vector<16xi32>,
          %get3A_316 = arith.index_cast %squeeze3A : i32 to index
          %get3A_317 = arith.constant 48 : index
          %get3A_318 = tpu.vector_load %arg11[%get3A_316, %get3A_317] {strides = array<i32>} : memref<320x64xi32, #tpu.memory_space<vmem>>, vector<16xi32>,
          %get3A_319 = arith.index_cast %while3A_124 : i32 to index
          %get3A_320 = arith.constant 48 : index
          %get3A_321 = tpu.vector_load %arg18[%get3A_319, %get3A_320] {strides = array<i32>} : memref<64x64xi32, #tpu.memory_space<vmem>>, vector<16xi32>,
          %min3A_322 = arith.minsi %get3A_318, %get3A_321 : vector<16xi32>
          %swap3A_323 = arith.index_cast %squeeze3A : i32 to index
          %swap3A_324 = arith.constant 48 : index
          %swap3A_325 = tpu.vector_load %arg11[%swap3A_323, %swap3A_324] {strides = array<i32>} : memref<320x64xi32, #tpu.memory_space<vmem>>, vector<16xi32>,
          tpu.vector_store %arg11[%swap3A_323, %swap3A_324], %min3A_322 {strides = array<i32>} : memref<320x64xi32, #tpu.memory_space<vmem>>, vector<16xi32>,
        }
      }
      %while3A_91 = arith.constant 1 : i32
      scf.for %while3A_92 = %while3A_89 to %while3A_85 step %while3A_91  : i32 {
        %mul3A_93 = arith.constant 64 : i32
        %mul3A_94 = arith.muli %while3A_92, %mul3A_93 : i32
        %dma_start3A_95 = tpu.memref_slice %arg14[%mul3A_94] : memref<1616xi32, #tpu.memory_space<vmem>> -> memref<64xi32, #tpu.memory_space<vmem>>
        %dma_start3A_96 = arith.constant 0 : i32
        %dma_start3A_97 = arith.constant 0 : i32
        %dma_start3A_98 = tpu.memref_slice %arg5[%dma_start3A_96, %dma_start3A_97] : memref<10240x256xf32, #tpu.memory_space<hbm>> -> memref<10240x256xf32, #tpu.memory_space<hbm>>
        tpu.enqueue_indirect_dma source(%dma_start3A_98 : memref<10240x256xf32, #tpu.memory_space<hbm>>) target(%arg17 : memref<64x256xf32, #tpu.memory_space<vmem>>) offsets(%dma_start3A_95 : memref<64xi32, #tpu.memory_space<vmem>>) semaphore(%arg23 : memref<!tpu.dma_semaphore, #tpu.memory_space<semaphore_mem>>)
        %dma_start3A_99 = tpu.memref_slice %arg14[%mul3A_94] : memref<1616xi32, #tpu.memory_space<vmem>> -> memref<64xi32, #tpu.memory_space<vmem>>
        %dma_start3A_100 = arith.constant 0 : i32
        %dma_start3A_101 = arith.constant 0 : i32
        %dma_start3A_102 = tpu.memref_slice %arg4[%dma_start3A_100, %dma_start3A_101] : memref<10240x64xi32, #tpu.memory_space<hbm>> -> memref<10240x64xi32, #tpu.memory_space<hbm>>
        tpu.enqueue_indirect_dma source(%dma_start3A_102 : memref<10240x64xi32, #tpu.memory_space<hbm>>) target(%arg18 : memref<64x64xi32, #tpu.memory_space<vmem>>) offsets(%dma_start3A_99 : memref<64xi32, #tpu.memory_space<vmem>>) semaphore(%arg24 : memref<!tpu.dma_semaphore, #tpu.memory_space<semaphore_mem>>)
        %dma_wait3A_103 = tpu.memref_slice %arg14[%mul3A_94] : memref<1616xi32, #tpu.memory_space<vmem>> -> memref<64xi32, #tpu.memory_space<vmem>>
        %dma_wait3A_104 = arith.constant 0 : i32
        %dma_wait3A_105 = arith.constant 0 : i32
        %dma_wait3A_106 = tpu.memref_slice %arg5[%dma_wait3A_104, %dma_wait3A_105] : memref<10240x256xf32, #tpu.memory_space<hbm>> -> memref<10240x256xf32, #tpu.memory_space<hbm>>
        tpu.wait_indirect_dma semaphore(%arg23 : memref<!tpu.dma_semaphore, #tpu.memory_space<semaphore_mem>>) src(%dma_wait3A_106 : memref<10240x256xf32, #tpu.memory_space<hbm>>) dst(%arg17 : memref<64x256xf32, #tpu.memory_space<vmem>>)
        %dma_wait3A_107 = tpu.memref_slice %arg14[%mul3A_94] : memref<1616xi32, #tpu.memory_space<vmem>> -> memref<64xi32, #tpu.memory_space<vmem>>
        %dma_wait3A_108 = arith.constant 0 : i32
        %dma_wait3A_109 = arith.constant 0 : i32
        %dma_wait3A_110 = tpu.memref_slice %arg4[%dma_wait3A_108, %dma_wait3A_109] : memref<10240x64xi32, #tpu.memory_space<hbm>> -> memref<10240x64xi32, #tpu.memory_space<hbm>>
        tpu.wait_indirect_dma semaphore(%arg24 : memref<!tpu.dma_semaphore, #tpu.memory_space<semaphore_mem>>) src(%dma_wait3A_110 : memref<10240x64xi32, #tpu.memory_space<hbm>>) dst(%arg18 : memref<64x64xi32, #tpu.memory_space<vmem>>)
        %sub3A_111 = arith.subi %scan3A_54, %mul3A_94 : i32
        %min3A_112 = arith.constant 64 : i32
        %min3A_113 = arith.minsi %min3A_112, %sub3A_111 : i32
        %while3A_114 = arith.constant 0 : i32
        %while3A_115 = arith.constant 0 : i32
        %while3A_116 = arith.subi %min3A_113, %while3A_115 : i32
        %while3A_117 = arith.addi %while3A_115, %while3A_116 : i32
        %while3A_118 = arith.constant 1 : i32
        %while3A_119 = arith.divsi %while3A_116, %while3A_118 : i32
        %while3A_120 = arith.muli %while3A_119, %while3A_118 : i32
        %while3A_121 = arith.addi %while3A_115, %while3A_120 : i32
        %while3A_122 = arith.constant 1 : i32
        scf.for %while3A_124 = %while3A_115 to %while3A_121 step %while3A_122  : i32 {
          %add3A_125 = arith.addi %mul3A_94, %while3A_124 : i32
          %get3A = arith.index_cast %add3A_125 : i32 to index
          %get3A_126 = tpu.vector_load %arg15[%get3A] {strides = array<i32>} : memref<1616xi32, #tpu.memory_space<vmem>>, vector<16xi32>,
          %slice3A = vector.extract_strided_slice %get3A_126 {offsets = [0], sizes = [1], strides = [1]} : vector<16xi32> to vector<1xi32>
          %squeeze3A = vector.extract %slice3A[0] : i32 from vector<1xi32>
          %get3A_127 = arith.index_cast %squeeze3A : i32 to index
          %get3A_128 = arith.constant 0 : index
          %get3A_129 = tpu.vector_load %arg10[%get3A_127, %get3A_128] {strides = array<i32>} : memref<320x256xf32, #tpu.memory_space<vmem>>, vector<16xf32>,
          %get3A_130 = arith.index_cast %while3A_124 : i32 to index
          %get3A_131 = arith.constant 0 : index
          %get3A_132 = tpu.vector_load %arg17[%get3A_130, %get3A_131] {strides = array<i32>} : memref<64x256xf32, #tpu.memory_space<vmem>>, vector<16xf32>,
          %max3A = arith.maximumf %get3A_129, %get3A_132 : vector<16xf32>
          %swap3A_133 = arith.index_cast %squeeze3A : i32 to index
          %swap3A_134 = arith.constant 0 : index
          %swap3A_135 = tpu.vector_load %arg10[%swap3A_133, %swap3A_134] {strides = array<i32>} : memref<320x256xf32, #tpu.memory_space<vmem>>, vector<16xf32>,
          tpu.vector_store %arg10[%swap3A_133, %swap3A_134], %max3A {strides = array<i32>} : memref<320x256xf32, #tpu.memory_space<vmem>>, vector<16xf32>,
          %get3A_136 = arith.index_cast %squeeze3A : i32 to index
          %get3A_137 = arith.constant 16 : index
          %get3A_138 = tpu.vector_load %arg10[%get3A_136, %get3A_137] {strides = array<i32>} : memref<320x256xf32, #tpu.memory_space<vmem>>, vector<16xf32>,
          %get3A_139 = arith.index_cast %while3A_124 : i32 to index
          %get3A_140 = arith.constant 16 : index
          %get3A_141 = tpu.vector_load %arg17[%get3A_139, %get3A_140] {strides = array<i32>} : memref<64x256xf32, #tpu.memory_space<vmem>>, vector<16xf32>,
          %max3A_142 = arith.maximumf %get3A_138, %get3A_141 : vector<16xf32>
          %swap3A_143 = arith.index_cast %squeeze3A : i32 to index
          %swap3A_144 = arith.constant 16 : index
          %swap3A_145 = tpu.vector_load %arg10[%swap3A_143, %swap3A_144] {strides = array<i32>} : memref<320x256xf32, #tpu.memory_space<vmem>>, vector<16xf32>,
          tpu.vector_store %arg10[%swap3A_143, %swap3A_144], %max3A_142 {strides = array<i32>} : memref<320x256xf32, #tpu.memory_space<vmem>>, vector<16xf32>,
          %get3A_146 = arith.index_cast %squeeze3A : i32 to index
          %get3A_147 = arith.constant 32 : index
          %get3A_148 = tpu.vector_load %arg10[%get3A_146, %get3A_147] {strides = array<i32>} : memref<320x256xf32, #tpu.memory_space<vmem>>, vector<16xf32>,
          %get3A_149 = arith.index_cast %while3A_124 : i32 to index
          %get3A_150 = arith.constant 32 : index
          %get3A_151 = tpu.vector_load %arg17[%get3A_149, %get3A_150] {strides = array<i32>} : memref<64x256xf32, #tpu.memory_space<vmem>>, vector<16xf32>,
          %max3A_152 = arith.maximumf %get3A_148, %get3A_151 : vector<16xf32>
          %swap3A_153 = arith.index_cast %squeeze3A : i32 to index
          %swap3A_154 = arith.constant 32 : index
          %swap3A_155 = tpu.vector_load %arg10[%swap3A_153, %swap3A_154] {strides = array<i32>} : memref<320x256xf32, #tpu.memory_space<vmem>>, vector<16xf32>,
          tpu.vector_store %arg10[%swap3A_153, %swap3A_154], %max3A_152 {strides = array<i32>} : memref<320x256xf32, #tpu.memory_space<vmem>>, vector<16xf32>,
          %get3A_156 = arith.index_cast %squeeze3A : i32 to index
          %get3A_157 = arith.constant 48 : index
          %get3A_158 = tpu.vector_load %arg10[%get3A_156, %get3A_157] {strides = array<i32>} : memref<320x256xf32, #tpu.memory_space<vmem>>, vector<16xf32>,
          %get3A_159 = arith.index_cast %while3A_124 : i32 to index
          %get3A_160 = arith.constant 48 : index
          %get3A_161 = tpu.vector_load %arg17[%get3A_159, %get3A_160] {strides = array<i32>} : memref<64x256xf32, #tpu.memory_space<vmem>>, vector<16xf32>,
          %max3A_162 = arith.maximumf %get3A_158, %get3A_161 : vector<16xf32>
          %swap3A_163 = arith.index_cast %squeeze3A : i32 to index
          %swap3A_164 = arith.constant 48 : index
          %swap3A_165 = tpu.vector_load %arg10[%swap3A_163, %swap3A_164] {strides = array<i32>} : memref<320x256xf32, #tpu.memory_space<vmem>>, vector<16xf32>,
          tpu.vector_store %arg10[%swap3A_163, %swap3A_164], %max3A_162 {strides = array<i32>} : memref<320x256xf32, #tpu.memory_space<vmem>>, vector<16xf32>,
          %get3A_166 = arith.index_cast %squeeze3A : i32 to index
          %get3A_167 = arith.constant 64 : index
          %get3A_168 = tpu.vector_load %arg10[%get3A_166, %get3A_167] {strides = array<i32>} : memref<320x256xf32, #tpu.memory_space<vmem>>, vector<16xf32>,
          %get3A_169 = arith.index_cast %while3A_124 : i32 to index
          %get3A_170 = arith.constant 64 : index
          %get3A_171 = tpu.vector_load %arg17[%get3A_169, %get3A_170] {strides = array<i32>} : memref<64x256xf32, #tpu.memory_space<vmem>>, vector<16xf32>,
          %max3A_172 = arith.maximumf %get3A_168, %get3A_171 : vector<16xf32>
          %swap3A_173 = arith.index_cast %squeeze3A : i32 to index
          %swap3A_174 = arith.constant 64 : index
          %swap3A_175 = tpu.vector_load %arg10[%swap3A_173, %swap3A_174] {strides = array<i32>} : memref<320x256xf32, #tpu.memory_space<vmem>>, vector<16xf32>,
          tpu.vector_store %arg10[%swap3A_173, %swap3A_174], %max3A_172 {strides = array<i32>} : memref<320x256xf32, #tpu.memory_space<vmem>>, vector<16xf32>,
          %get3A_176 = arith.index_cast %squeeze3A : i32 to index
          %get3A_177 = arith.constant 80 : index
          %get3A_178 = tpu.vector_load %arg10[%get3A_176, %get3A_177] {strides = array<i32>} : memref<320x256xf32, #tpu.memory_space<vmem>>, vector<16xf32>,
          %get3A_179 = arith.index_cast %while3A_124 : i32 to index
          %get3A_180 = arith.constant 80 : index
          %get3A_181 = tpu.vector_load %arg17[%get3A_179, %get3A_180] {strides = array<i32>} : memref<64x256xf32, #tpu.memory_space<vmem>>, vector<16xf32>,
          %max3A_182 = arith.maximumf %get3A_178, %get3A_181 : vector<16xf32>
          %swap3A_183 = arith.index_cast %squeeze3A : i32 to index
          %swap3A_184 = arith.constant 80 : index
          %swap3A_185 = tpu.vector_load %arg10[%swap3A_183, %swap3A_184] {strides = array<i32>} : memref<320x256xf32, #tpu.memory_space<vmem>>, vector<16xf32>,
          tpu.vector_store %arg10[%swap3A_183, %swap3A_184], %max3A_182 {strides = array<i32>} : memref<320x256xf32, #tpu.memory_space<vmem>>, vector<16xf32>,
          %get3A_186 = arith.index_cast %squeeze3A : i32 to index
          %get3A_187 = arith.constant 96 : index
          %get3A_188 = tpu.vector_load %arg10[%get3A_186, %get3A_187] {strides = array<i32>} : memref<320x256xf32, #tpu.memory_space<vmem>>, vector<16xf32>,
          %get3A_189 = arith.index_cast %while3A_124 : i32 to index
          %get3A_190 = arith.constant 96 : index
          %get3A_191 = tpu.vector_load %arg17[%get3A_189, %get3A_190] {strides = array<i32>} : memref<64x256xf32, #tpu.memory_space<vmem>>, vector<16xf32>,
          %max3A_192 = arith.maximumf %get3A_188, %get3A_191 : vector<16xf32>
          %swap3A_193 = arith.index_cast %squeeze3A : i32 to index
          %swap3A_194 = arith.constant 96 : index
          %swap3A_195 = tpu.vector_load %arg10[%swap3A_193, %swap3A_194] {strides = array<i32>} : memref<320x256xf32, #tpu.memory_space<vmem>>, vector<16xf32>,
          tpu.vector_store %arg10[%swap3A_193, %swap3A_194], %max3A_192 {strides = array<i32>} : memref<320x256xf32, #tpu.memory_space<vmem>>, vector<16xf32>,
          %get3A_196 = arith.index_cast %squeeze3A : i32 to index
          %get3A_197 = arith.constant 112 : index
          %get3A_198 = tpu.vector_load %arg10[%get3A_196, %get3A_197] {strides = array<i32>} : memref<320x256xf32, #tpu.memory_space<vmem>>, vector<16xf32>,
          %get3A_199 = arith.index_cast %while3A_124 : i32 to index
          %get3A_200 = arith.constant 112 : index
          %get3A_201 = tpu.vector_load %arg17[%get3A_199, %get3A_200] {strides = array<i32>} : memref<64x256xf32, #tpu.memory_space<vmem>>, vector<16xf32>,
          %max3A_202 = arith.maximumf %get3A_198, %get3A_201 : vector<16xf32>
          %swap3A_203 = arith.index_cast %squeeze3A : i32 to index
          %swap3A_204 = arith.constant 112 : index
          %swap3A_205 = tpu.vector_load %arg10[%swap3A_203, %swap3A_204] {strides = array<i32>} : memref<320x256xf32, #tpu.memory_space<vmem>>, vector<16xf32>,
          tpu.vector_store %arg10[%swap3A_203, %swap3A_204], %max3A_202 {strides = array<i32>} : memref<320x256xf32, #tpu.memory_space<vmem>>, vector<16xf32>,
          %get3A_206 = arith.index_cast %squeeze3A : i32 to index
          %get3A_207 = arith.constant 128 : index
          %get3A_208 = tpu.vector_load %arg10[%get3A_206, %get3A_207] {strides = array<i32>} : memref<320x256xf32, #tpu.memory_space<vmem>>, vector<16xf32>,
          %get3A_209 = arith.index_cast %while3A_124 : i32 to index
          %get3A_210 = arith.constant 128 : index
          %get3A_211 = tpu.vector_load %arg17[%get3A_209, %get3A_210] {strides = array<i32>} : memref<64x256xf32, #tpu.memory_space<vmem>>, vector<16xf32>,
          %max3A_212 = arith.maximumf %get3A_208, %get3A_211 : vector<16xf32>
          %swap3A_213 = arith.index_cast %squeeze3A : i32 to index
          %swap3A_214 = arith.constant 128 : index
          %swap3A_215 = tpu.vector_load %arg10[%swap3A_213, %swap3A_214] {strides = array<i32>} : memref<320x256xf32, #tpu.memory_space<vmem>>, vector<16xf32>,
          tpu.vector_store %arg10[%swap3A_213, %swap3A_214], %max3A_212 {strides = array<i32>} : memref<320x256xf32, #tpu.memory_space<vmem>>, vector<16xf32>,
          %get3A_216 = arith.index_cast %squeeze3A : i32 to index
          %get3A_217 = arith.constant 144 : index
          %get3A_218 = tpu.vector_load %arg10[%get3A_216, %get3A_217] {strides = array<i32>} : memref<320x256xf32, #tpu.memory_space<vmem>>, vector<16xf32>,
          %get3A_219 = arith.index_cast %while3A_124 : i32 to index
          %get3A_220 = arith.constant 144 : index
          %get3A_221 = tpu.vector_load %arg17[%get3A_219, %get3A_220] {strides = array<i32>} : memref<64x256xf32, #tpu.memory_space<vmem>>, vector<16xf32>,
          %max3A_222 = arith.maximumf %get3A_218, %get3A_221 : vector<16xf32>
          %swap3A_223 = arith.index_cast %squeeze3A : i32 to index
          %swap3A_224 = arith.constant 144 : index
          %swap3A_225 = tpu.vector_load %arg10[%swap3A_223, %swap3A_224] {strides = array<i32>} : memref<320x256xf32, #tpu.memory_space<vmem>>, vector<16xf32>,
          tpu.vector_store %arg10[%swap3A_223, %swap3A_224], %max3A_222 {strides = array<i32>} : memref<320x256xf32, #tpu.memory_space<vmem>>, vector<16xf32>,
          %get3A_226 = arith.index_cast %squeeze3A : i32 to index
          %get3A_227 = arith.constant 160 : index
          %get3A_228 = tpu.vector_load %arg10[%get3A_226, %get3A_227] {strides = array<i32>} : memref<320x256xf32, #tpu.memory_space<vmem>>, vector<16xf32>,
          %get3A_229 = arith.index_cast %while3A_124 : i32 to index
          %get3A_230 = arith.constant 160 : index
          %get3A_231 = tpu.vector_load %arg17[%get3A_229, %get3A_230] {strides = array<i32>} : memref<64x256xf32, #tpu.memory_space<vmem>>, vector<16xf32>,
          %max3A_232 = arith.maximumf %get3A_228, %get3A_231 : vector<16xf32>
          %swap3A_233 = arith.index_cast %squeeze3A : i32 to index
          %swap3A_234 = arith.constant 160 : index
          %swap3A_235 = tpu.vector_load %arg10[%swap3A_233, %swap3A_234] {strides = array<i32>} : memref<320x256xf32, #tpu.memory_space<vmem>>, vector<16xf32>,
          tpu.vector_store %arg10[%swap3A_233, %swap3A_234], %max3A_232 {strides = array<i32>} : memref<320x256xf32, #tpu.memory_space<vmem>>, vector<16xf32>,
          %get3A_236 = arith.index_cast %squeeze3A : i32 to index
          %get3A_237 = arith.constant 176 : index
          %get3A_238 = tpu.vector_load %arg10[%get3A_236, %get3A_237] {strides = array<i32>} : memref<320x256xf32, #tpu.memory_space<vmem>>, vector<16xf32>,
          %get3A_239 = arith.index_cast %while3A_124 : i32 to index
          %get3A_240 = arith.constant 176 : index
          %get3A_241 = tpu.vector_load %arg17[%get3A_239, %get3A_240] {strides = array<i32>} : memref<64x256xf32, #tpu.memory_space<vmem>>, vector<16xf32>,
          %max3A_242 = arith.maximumf %get3A_238, %get3A_241 : vector<16xf32>
          %swap3A_243 = arith.index_cast %squeeze3A : i32 to index
          %swap3A_244 = arith.constant 176 : index
          %swap3A_245 = tpu.vector_load %arg10[%swap3A_243, %swap3A_244] {strides = array<i32>} : memref<320x256xf32, #tpu.memory_space<vmem>>, vector<16xf32>,
          tpu.vector_store %arg10[%swap3A_243, %swap3A_244], %max3A_242 {strides = array<i32>} : memref<320x256xf32, #tpu.memory_space<vmem>>, vector<16xf32>,
          %get3A_246 = arith.index_cast %squeeze3A : i32 to index
          %get3A_247 = arith.constant 192 : index
          %get3A_248 = tpu.vector_load %arg10[%get3A_246, %get3A_247] {strides = array<i32>} : memref<320x256xf32, #tpu.memory_space<vmem>>, vector<16xf32>,
          %get3A_249 = arith.index_cast %while3A_124 : i32 to index
          %get3A_250 = arith.constant 192 : index
          %get3A_251 = tpu.vector_load %arg17[%get3A_249, %get3A_250] {strides = array<i32>} : memref<64x256xf32, #tpu.memory_space<vmem>>, vector<16xf32>,
          %max3A_252 = arith.maximumf %get3A_248, %get3A_251 : vector<16xf32>
          %swap3A_253 = arith.index_cast %squeeze3A : i32 to index
          %swap3A_254 = arith.constant 192 : index
          %swap3A_255 = tpu.vector_load %arg10[%swap3A_253, %swap3A_254] {strides = array<i32>} : memref<320x256xf32, #tpu.memory_space<vmem>>, vector<16xf32>,
          tpu.vector_store %arg10[%swap3A_253, %swap3A_254], %max3A_252 {strides = array<i32>} : memref<320x256xf32, #tpu.memory_space<vmem>>, vector<16xf32>,
          %get3A_256 = arith.index_cast %squeeze3A : i32 to index
          %get3A_257 = arith.constant 208 : index
          %get3A_258 = tpu.vector_load %arg10[%get3A_256, %get3A_257] {strides = array<i32>} : memref<320x256xf32, #tpu.memory_space<vmem>>, vector<16xf32>,
          %get3A_259 = arith.index_cast %while3A_124 : i32 to index
          %get3A_260 = arith.constant 208 : index
          %get3A_261 = tpu.vector_load %arg17[%get3A_259, %get3A_260] {strides = array<i32>} : memref<64x256xf32, #tpu.memory_space<vmem>>, vector<16xf32>,
          %max3A_262 = arith.maximumf %get3A_258, %get3A_261 : vector<16xf32>
          %swap3A_263 = arith.index_cast %squeeze3A : i32 to index
          %swap3A_264 = arith.constant 208 : index
          %swap3A_265 = tpu.vector_load %arg10[%swap3A_263, %swap3A_264] {strides = array<i32>} : memref<320x256xf32, #tpu.memory_space<vmem>>, vector<16xf32>,
          tpu.vector_store %arg10[%swap3A_263, %swap3A_264], %max3A_262 {strides = array<i32>} : memref<320x256xf32, #tpu.memory_space<vmem>>, vector<16xf32>,
          %get3A_266 = arith.index_cast %squeeze3A : i32 to index
          %get3A_267 = arith.constant 224 : index
          %get3A_268 = tpu.vector_load %arg10[%get3A_266, %get3A_267] {strides = array<i32>} : memref<320x256xf32, #tpu.memory_space<vmem>>, vector<16xf32>,
          %get3A_269 = arith.index_cast %while3A_124 : i32 to index
          %get3A_270 = arith.constant 224 : index
          %get3A_271 = tpu.vector_load %arg17[%get3A_269, %get3A_270] {strides = array<i32>} : memref<64x256xf32, #tpu.memory_space<vmem>>, vector<16xf32>,
          %max3A_272 = arith.maximumf %get3A_268, %get3A_271 : vector<16xf32>
          %swap3A_273 = arith.index_cast %squeeze3A : i32 to index
          %swap3A_274 = arith.constant 224 : index
          %swap3A_275 = tpu.vector_load %arg10[%swap3A_273, %swap3A_274] {strides = array<i32>} : memref<320x256xf32, #tpu.memory_space<vmem>>, vector<16xf32>,
          tpu.vector_store %arg10[%swap3A_273, %swap3A_274], %max3A_272 {strides = array<i32>} : memref<320x256xf32, #tpu.memory_space<vmem>>, vector<16xf32>,
          %get3A_276 = arith.index_cast %squeeze3A : i32 to index
          %get3A_277 = arith.constant 240 : index
          %get3A_278 = tpu.vector_load %arg10[%get3A_276, %get3A_277] {strides = array<i32>} : memref<320x256xf32, #tpu.memory_space<vmem>>, vector<16xf32>,
          %get3A_279 = arith.index_cast %while3A_124 : i32 to index
          %get3A_280 = arith.constant 240 : index
          %get3A_281 = tpu.vector_load %arg17[%get3A_279, %get3A_280] {strides = array<i32>} : memref<64x256xf32, #tpu.memory_space<vmem>>, vector<16xf32>,
          %max3A_282 = arith.maximumf %get3A_278, %get3A_281 : vector<16xf32>
          %swap3A_283 = arith.index_cast %squeeze3A : i32 to index
          %swap3A_284 = arith.constant 240 : index
          %swap3A_285 = tpu.vector_load %arg10[%swap3A_283, %swap3A_284] {strides = array<i32>} : memref<320x256xf32, #tpu.memory_space<vmem>>, vector<16xf32>,
          tpu.vector_store %arg10[%swap3A_283, %swap3A_284], %max3A_282 {strides = array<i32>} : memref<320x256xf32, #tpu.memory_space<vmem>>, vector<16xf32>,
          %get3A_286 = arith.index_cast %squeeze3A : i32 to index
          %get3A_287 = arith.constant 0 : index
          %get3A_288 = tpu.vector_load %arg11[%get3A_286, %get3A_287] {strides = array<i32>} : memref<320x64xi32, #tpu.memory_space<vmem>>, vector<16xi32>,
          %get3A_289 = arith.index_cast %while3A_124 : i32 to index
          %get3A_290 = arith.constant 0 : index
          %get3A_291 = tpu.vector_load %arg18[%get3A_289, %get3A_290] {strides = array<i32>} : memref<64x64xi32, #tpu.memory_space<vmem>>, vector<16xi32>,
          %min3A_292 = arith.minsi %get3A_288, %get3A_291 : vector<16xi32>
          %swap3A_293 = arith.index_cast %squeeze3A : i32 to index
          %swap3A_294 = arith.constant 0 : index
          %swap3A_295 = tpu.vector_load %arg11[%swap3A_293, %swap3A_294] {strides = array<i32>} : memref<320x64xi32, #tpu.memory_space<vmem>>, vector<16xi32>,
          tpu.vector_store %arg11[%swap3A_293, %swap3A_294], %min3A_292 {strides = array<i32>} : memref<320x64xi32, #tpu.memory_space<vmem>>, vector<16xi32>,
          %get3A_296 = arith.index_cast %squeeze3A : i32 to index
          %get3A_297 = arith.constant 16 : index
          %get3A_298 = tpu.vector_load %arg11[%get3A_296, %get3A_297] {strides = array<i32>} : memref<320x64xi32, #tpu.memory_space<vmem>>, vector<16xi32>,
          %get3A_299 = arith.index_cast %while3A_124 : i32 to index
          %get3A_300 = arith.constant 16 : index
          %get3A_301 = tpu.vector_load %arg18[%get3A_299, %get3A_300] {strides = array<i32>} : memref<64x64xi32, #tpu.memory_space<vmem>>, vector<16xi32>,
          %min3A_302 = arith.minsi %get3A_298, %get3A_301 : vector<16xi32>
          %swap3A_303 = arith.index_cast %squeeze3A : i32 to index
          %swap3A_304 = arith.constant 16 : index
          %swap3A_305 = tpu.vector_load %arg11[%swap3A_303, %swap3A_304] {strides = array<i32>} : memref<320x64xi32, #tpu.memory_space<vmem>>, vector<16xi32>,
          tpu.vector_store %arg11[%swap3A_303, %swap3A_304], %min3A_302 {strides = array<i32>} : memref<320x64xi32, #tpu.memory_space<vmem>>, vector<16xi32>,
          %get3A_306 = arith.index_cast %squeeze3A : i32 to index
          %get3A_307 = arith.constant 32 : index
          %get3A_308 = tpu.vector_load %arg11[%get3A_306, %get3A_307] {strides = array<i32>} : memref<320x64xi32, #tpu.memory_space<vmem>>, vector<16xi32>,
          %get3A_309 = arith.index_cast %while3A_124 : i32 to index
          %get3A_310 = arith.constant 32 : index
          %get3A_311 = tpu.vector_load %arg18[%get3A_309, %get3A_310] {strides = array<i32>} : memref<64x64xi32, #tpu.memory_space<vmem>>, vector<16xi32>,
          %min3A_312 = arith.minsi %get3A_308, %get3A_311 : vector<16xi32>
          %swap3A_313 = arith.index_cast %squeeze3A : i32 to index
          %swap3A_314 = arith.constant 32 : index
          %swap3A_315 = tpu.vector_load %arg11[%swap3A_313, %swap3A_314] {strides = array<i32>} : memref<320x64xi32, #tpu.memory_space<vmem>>, vector<16xi32>,
          tpu.vector_store %arg11[%swap3A_313, %swap3A_314], %min3A_312 {strides = array<i32>} : memref<320x64xi32, #tpu.memory_space<vmem>>, vector<16xi32>,
          %get3A_316 = arith.index_cast %squeeze3A : i32 to index
          %get3A_317 = arith.constant 48 : index
          %get3A_318 = tpu.vector_load %arg11[%get3A_316, %get3A_317] {strides = array<i32>} : memref<320x64xi32, #tpu.memory_space<vmem>>, vector<16xi32>,
          %get3A_319 = arith.index_cast %while3A_124 : i32 to index
          %get3A_320 = arith.constant 48 : index
          %get3A_321 = tpu.vector_load %arg18[%get3A_319, %get3A_320] {strides = array<i32>} : memref<64x64xi32, #tpu.memory_space<vmem>>, vector<16xi32>,
          %min3A_322 = arith.minsi %get3A_318, %get3A_321 : vector<16xi32>
          %swap3A_323 = arith.index_cast %squeeze3A : i32 to index
          %swap3A_324 = arith.constant 48 : index
          %swap3A_325 = tpu.vector_load %arg11[%swap3A_323, %swap3A_324] {strides = array<i32>} : memref<320x64xi32, #tpu.memory_space<vmem>>, vector<16xi32>,
          tpu.vector_store %arg11[%swap3A_323, %swap3A_324], %min3A_322 {strides = array<i32>} : memref<320x64xi32, #tpu.memory_space<vmem>>, vector<16xi32>,
        }
        %while3A_123 = arith.constant 1 : i32
        scf.for %while3A_124 = %while3A_121 to %while3A_117 step %while3A_123  : i32 {
          %add3A_125 = arith.addi %mul3A_94, %while3A_124 : i32
          %get3A = arith.index_cast %add3A_125 : i32 to index
          %get3A_126 = tpu.vector_load %arg15[%get3A] {strides = array<i32>} : memref<1616xi32, #tpu.memory_space<vmem>>, vector<16xi32>,
          %slice3A = vector.extract_strided_slice %get3A_126 {offsets = [0], sizes = [1], strides = [1]} : vector<16xi32> to vector<1xi32>
          %squeeze3A = vector.extract %slice3A[0] : i32 from vector<1xi32>
          %get3A_127 = arith.index_cast %squeeze3A : i32 to index
          %get3A_128 = arith.constant 0 : index
          %get3A_129 = tpu.vector_load %arg10[%get3A_127, %get3A_128] {strides = array<i32>} : memref<320x256xf32, #tpu.memory_space<vmem>>, vector<16xf32>,
          %get3A_130 = arith.index_cast %while3A_124 : i32 to index
          %get3A_131 = arith.constant 0 : index
          %get3A_132 = tpu.vector_load %arg17[%get3A_130, %get3A_131] {strides = array<i32>} : memref<64x256xf32, #tpu.memory_space<vmem>>, vector<16xf32>,
          %max3A = arith.maximumf %get3A_129, %get3A_132 : vector<16xf32>
          %swap3A_133 = arith.index_cast %squeeze3A : i32 to index
          %swap3A_134 = arith.constant 0 : index
          %swap3A_135 = tpu.vector_load %arg10[%swap3A_133, %swap3A_134] {strides = array<i32>} : memref<320x256xf32, #tpu.memory_space<vmem>>, vector<16xf32>,
          tpu.vector_store %arg10[%swap3A_133, %swap3A_134], %max3A {strides = array<i32>} : memref<320x256xf32, #tpu.memory_space<vmem>>, vector<16xf32>,
          %get3A_136 = arith.index_cast %squeeze3A : i32 to index
          %get3A_137 = arith.constant 16 : index
          %get3A_138 = tpu.vector_load %arg10[%get3A_136, %get3A_137] {strides = array<i32>} : memref<320x256xf32, #tpu.memory_space<vmem>>, vector<16xf32>,
          %get3A_139 = arith.index_cast %while3A_124 : i32 to index
          %get3A_140 = arith.constant 16 : index
          %get3A_141 = tpu.vector_load %arg17[%get3A_139, %get3A_140] {strides = array<i32>} : memref<64x256xf32, #tpu.memory_space<vmem>>, vector<16xf32>,
          %max3A_142 = arith.maximumf %get3A_138, %get3A_141 : vector<16xf32>
          %swap3A_143 = arith.index_cast %squeeze3A : i32 to index
          %swap3A_144 = arith.constant 16 : index
          %swap3A_145 = tpu.vector_load %arg10[%swap3A_143, %swap3A_144] {strides = array<i32>} : memref<320x256xf32, #tpu.memory_space<vmem>>, vector<16xf32>,
          tpu.vector_store %arg10[%swap3A_143, %swap3A_144], %max3A_142 {strides = array<i32>} : memref<320x256xf32, #tpu.memory_space<vmem>>, vector<16xf32>,
          %get3A_146 = arith.index_cast %squeeze3A : i32 to index
          %get3A_147 = arith.constant 32 : index
          %get3A_148 = tpu.vector_load %arg10[%get3A_146, %get3A_147] {strides = array<i32>} : memref<320x256xf32, #tpu.memory_space<vmem>>, vector<16xf32>,
          %get3A_149 = arith.index_cast %while3A_124 : i32 to index
          %get3A_150 = arith.constant 32 : index
          %get3A_151 = tpu.vector_load %arg17[%get3A_149, %get3A_150] {strides = array<i32>} : memref<64x256xf32, #tpu.memory_space<vmem>>, vector<16xf32>,
          %max3A_152 = arith.maximumf %get3A_148, %get3A_151 : vector<16xf32>
          %swap3A_153 = arith.index_cast %squeeze3A : i32 to index
          %swap3A_154 = arith.constant 32 : index
          %swap3A_155 = tpu.vector_load %arg10[%swap3A_153, %swap3A_154] {strides = array<i32>} : memref<320x256xf32, #tpu.memory_space<vmem>>, vector<16xf32>,
          tpu.vector_store %arg10[%swap3A_153, %swap3A_154], %max3A_152 {strides = array<i32>} : memref<320x256xf32, #tpu.memory_space<vmem>>, vector<16xf32>,
          %get3A_156 = arith.index_cast %squeeze3A : i32 to index
          %get3A_157 = arith.constant 48 : index
          %get3A_158 = tpu.vector_load %arg10[%get3A_156, %get3A_157] {strides = array<i32>} : memref<320x256xf32, #tpu.memory_space<vmem>>, vector<16xf32>,
          %get3A_159 = arith.index_cast %while3A_124 : i32 to index
          %get3A_160 = arith.constant 48 : index
          %get3A_161 = tpu.vector_load %arg17[%get3A_159, %get3A_160] {strides = array<i32>} : memref<64x256xf32, #tpu.memory_space<vmem>>, vector<16xf32>,
          %max3A_162 = arith.maximumf %get3A_158, %get3A_161 : vector<16xf32>
          %swap3A_163 = arith.index_cast %squeeze3A : i32 to index
          %swap3A_164 = arith.constant 48 : index
          %swap3A_165 = tpu.vector_load %arg10[%swap3A_163, %swap3A_164] {strides = array<i32>} : memref<320x256xf32, #tpu.memory_space<vmem>>, vector<16xf32>,
          tpu.vector_store %arg10[%swap3A_163, %swap3A_164], %max3A_162 {strides = array<i32>} : memref<320x256xf32, #tpu.memory_space<vmem>>, vector<16xf32>,
          %get3A_166 = arith.index_cast %squeeze3A : i32 to index
          %get3A_167 = arith.constant 64 : index
          %get3A_168 = tpu.vector_load %arg10[%get3A_166, %get3A_167] {strides = array<i32>} : memref<320x256xf32, #tpu.memory_space<vmem>>, vector<16xf32>,
          %get3A_169 = arith.index_cast %while3A_124 : i32 to index
          %get3A_170 = arith.constant 64 : index
          %get3A_171 = tpu.vector_load %arg17[%get3A_169, %get3A_170] {strides = array<i32>} : memref<64x256xf32, #tpu.memory_space<vmem>>, vector<16xf32>,
          %max3A_172 = arith.maximumf %get3A_168, %get3A_171 : vector<16xf32>
          %swap3A_173 = arith.index_cast %squeeze3A : i32 to index
          %swap3A_174 = arith.constant 64 : index
          %swap3A_175 = tpu.vector_load %arg10[%swap3A_173, %swap3A_174] {strides = array<i32>} : memref<320x256xf32, #tpu.memory_space<vmem>>, vector<16xf32>,
          tpu.vector_store %arg10[%swap3A_173, %swap3A_174], %max3A_172 {strides = array<i32>} : memref<320x256xf32, #tpu.memory_space<vmem>>, vector<16xf32>,
          %get3A_176 = arith.index_cast %squeeze3A : i32 to index
          %get3A_177 = arith.constant 80 : index
          %get3A_178 = tpu.vector_load %arg10[%get3A_176, %get3A_177] {strides = array<i32>} : memref<320x256xf32, #tpu.memory_space<vmem>>, vector<16xf32>,
          %get3A_179 = arith.index_cast %while3A_124 : i32 to index
          %get3A_180 = arith.constant 80 : index
          %get3A_181 = tpu.vector_load %arg17[%get3A_179, %get3A_180] {strides = array<i32>} : memref<64x256xf32, #tpu.memory_space<vmem>>, vector<16xf32>,
          %max3A_182 = arith.maximumf %get3A_178, %get3A_181 : vector<16xf32>
          %swap3A_183 = arith.index_cast %squeeze3A : i32 to index
          %swap3A_184 = arith.constant 80 : index
          %swap3A_185 = tpu.vector_load %arg10[%swap3A_183, %swap3A_184] {strides = array<i32>} : memref<320x256xf32, #tpu.memory_space<vmem>>, vector<16xf32>,
          tpu.vector_store %arg10[%swap3A_183, %swap3A_184], %max3A_182 {strides = array<i32>} : memref<320x256xf32, #tpu.memory_space<vmem>>, vector<16xf32>,
          %get3A_186 = arith.index_cast %squeeze3A : i32 to index
          %get3A_187 = arith.constant 96 : index
          %get3A_188 = tpu.vector_load %arg10[%get3A_186, %get3A_187] {strides = array<i32>} : memref<320x256xf32, #tpu.memory_space<vmem>>, vector<16xf32>,
          %get3A_189 = arith.index_cast %while3A_124 : i32 to index
          %get3A_190 = arith.constant 96 : index
          %get3A_191 = tpu.vector_load %arg17[%get3A_189, %get3A_190] {strides = array<i32>} : memref<64x256xf32, #tpu.memory_space<vmem>>, vector<16xf32>,
          %max3A_192 = arith.maximumf %get3A_188, %get3A_191 : vector<16xf32>
          %swap3A_193 = arith.index_cast %squeeze3A : i32 to index
          %swap3A_194 = arith.constant 96 : index
          %swap3A_195 = tpu.vector_load %arg10[%swap3A_193, %swap3A_194] {strides = array<i32>} : memref<320x256xf32, #tpu.memory_space<vmem>>, vector<16xf32>,
          tpu.vector_store %arg10[%swap3A_193, %swap3A_194], %max3A_192 {strides = array<i32>} : memref<320x256xf32, #tpu.memory_space<vmem>>, vector<16xf32>,
          %get3A_196 = arith.index_cast %squeeze3A : i32 to index
          %get3A_197 = arith.constant 112 : index
          %get3A_198 = tpu.vector_load %arg10[%get3A_196, %get3A_197] {strides = array<i32>} : memref<320x256xf32, #tpu.memory_space<vmem>>, vector<16xf32>,
          %get3A_199 = arith.index_cast %while3A_124 : i32 to index
          %get3A_200 = arith.constant 112 : index
          %get3A_201 = tpu.vector_load %arg17[%get3A_199, %get3A_200] {strides = array<i32>} : memref<64x256xf32, #tpu.memory_space<vmem>>, vector<16xf32>,
          %max3A_202 = arith.maximumf %get3A_198, %get3A_201 : vector<16xf32>
          %swap3A_203 = arith.index_cast %squeeze3A : i32 to index
          %swap3A_204 = arith.constant 112 : index
          %swap3A_205 = tpu.vector_load %arg10[%swap3A_203, %swap3A_204] {strides = array<i32>} : memref<320x256xf32, #tpu.memory_space<vmem>>, vector<16xf32>,
          tpu.vector_store %arg10[%swap3A_203, %swap3A_204], %max3A_202 {strides = array<i32>} : memref<320x256xf32, #tpu.memory_space<vmem>>, vector<16xf32>,
          %get3A_206 = arith.index_cast %squeeze3A : i32 to index
          %get3A_207 = arith.constant 128 : index
          %get3A_208 = tpu.vector_load %arg10[%get3A_206, %get3A_207] {strides = array<i32>} : memref<320x256xf32, #tpu.memory_space<vmem>>, vector<16xf32>,
          %get3A_209 = arith.index_cast %while3A_124 : i32 to index
          %get3A_210 = arith.constant 128 : index
          %get3A_211 = tpu.vector_load %arg17[%get3A_209, %get3A_210] {strides = array<i32>} : memref<64x256xf32, #tpu.memory_space<vmem>>, vector<16xf32>,
          %max3A_212 = arith.maximumf %get3A_208, %get3A_211 : vector<16xf32>
          %swap3A_213 = arith.index_cast %squeeze3A : i32 to index
          %swap3A_214 = arith.constant 128 : index
          %swap3A_215 = tpu.vector_load %arg10[%swap3A_213, %swap3A_214] {strides = array<i32>} : memref<320x256xf32, #tpu.memory_space<vmem>>, vector<16xf32>,
          tpu.vector_store %arg10[%swap3A_213, %swap3A_214], %max3A_212 {strides = array<i32>} : memref<320x256xf32, #tpu.memory_space<vmem>>, vector<16xf32>,
          %get3A_216 = arith.index_cast %squeeze3A : i32 to index
          %get3A_217 = arith.constant 144 : index
          %get3A_218 = tpu.vector_load %arg10[%get3A_216, %get3A_217] {strides = array<i32>} : memref<320x256xf32, #tpu.memory_space<vmem>>, vector<16xf32>,
          %get3A_219 = arith.index_cast %while3A_124 : i32 to index
          %get3A_220 = arith.constant 144 : index
          %get3A_221 = tpu.vector_load %arg17[%get3A_219, %get3A_220] {strides = array<i32>} : memref<64x256xf32, #tpu.memory_space<vmem>>, vector<16xf32>,
          %max3A_222 = arith.maximumf %get3A_218, %get3A_221 : vector<16xf32>
          %swap3A_223 = arith.index_cast %squeeze3A : i32 to index
          %swap3A_224 = arith.constant 144 : index
          %swap3A_225 = tpu.vector_load %arg10[%swap3A_223, %swap3A_224] {strides = array<i32>} : memref<320x256xf32, #tpu.memory_space<vmem>>, vector<16xf32>,
          tpu.vector_store %arg10[%swap3A_223, %swap3A_224], %max3A_222 {strides = array<i32>} : memref<320x256xf32, #tpu.memory_space<vmem>>, vector<16xf32>,
          %get3A_226 = arith.index_cast %squeeze3A : i32 to index
          %get3A_227 = arith.constant 160 : index
          %get3A_228 = tpu.vector_load %arg10[%get3A_226, %get3A_227] {strides = array<i32>} : memref<320x256xf32, #tpu.memory_space<vmem>>, vector<16xf32>,
          %get3A_229 = arith.index_cast %while3A_124 : i32 to index
          %get3A_230 = arith.constant 160 : index
          %get3A_231 = tpu.vector_load %arg17[%get3A_229, %get3A_230] {strides = array<i32>} : memref<64x256xf32, #tpu.memory_space<vmem>>, vector<16xf32>,
          %max3A_232 = arith.maximumf %get3A_228, %get3A_231 : vector<16xf32>
          %swap3A_233 = arith.index_cast %squeeze3A : i32 to index
          %swap3A_234 = arith.constant 160 : index
          %swap3A_235 = tpu.vector_load %arg10[%swap3A_233, %swap3A_234] {strides = array<i32>} : memref<320x256xf32, #tpu.memory_space<vmem>>, vector<16xf32>,
          tpu.vector_store %arg10[%swap3A_233, %swap3A_234], %max3A_232 {strides = array<i32>} : memref<320x256xf32, #tpu.memory_space<vmem>>, vector<16xf32>,
          %get3A_236 = arith.index_cast %squeeze3A : i32 to index
          %get3A_237 = arith.constant 176 : index
          %get3A_238 = tpu.vector_load %arg10[%get3A_236, %get3A_237] {strides = array<i32>} : memref<320x256xf32, #tpu.memory_space<vmem>>, vector<16xf32>,
          %get3A_239 = arith.index_cast %while3A_124 : i32 to index
          %get3A_240 = arith.constant 176 : index
          %get3A_241 = tpu.vector_load %arg17[%get3A_239, %get3A_240] {strides = array<i32>} : memref<64x256xf32, #tpu.memory_space<vmem>>, vector<16xf32>,
          %max3A_242 = arith.maximumf %get3A_238, %get3A_241 : vector<16xf32>
          %swap3A_243 = arith.index_cast %squeeze3A : i32 to index
          %swap3A_244 = arith.constant 176 : index
          %swap3A_245 = tpu.vector_load %arg10[%swap3A_243, %swap3A_244] {strides = array<i32>} : memref<320x256xf32, #tpu.memory_space<vmem>>, vector<16xf32>,
          tpu.vector_store %arg10[%swap3A_243, %swap3A_244], %max3A_242 {strides = array<i32>} : memref<320x256xf32, #tpu.memory_space<vmem>>, vector<16xf32>,
          %get3A_246 = arith.index_cast %squeeze3A : i32 to index
          %get3A_247 = arith.constant 192 : index
          %get3A_248 = tpu.vector_load %arg10[%get3A_246, %get3A_247] {strides = array<i32>} : memref<320x256xf32, #tpu.memory_space<vmem>>, vector<16xf32>,
          %get3A_249 = arith.index_cast %while3A_124 : i32 to index
          %get3A_250 = arith.constant 192 : index
          %get3A_251 = tpu.vector_load %arg17[%get3A_249, %get3A_250] {strides = array<i32>} : memref<64x256xf32, #tpu.memory_space<vmem>>, vector<16xf32>,
          %max3A_252 = arith.maximumf %get3A_248, %get3A_251 : vector<16xf32>
          %swap3A_253 = arith.index_cast %squeeze3A : i32 to index
          %swap3A_254 = arith.constant 192 : index
          %swap3A_255 = tpu.vector_load %arg10[%swap3A_253, %swap3A_254] {strides = array<i32>} : memref<320x256xf32, #tpu.memory_space<vmem>>, vector<16xf32>,
          tpu.vector_store %arg10[%swap3A_253, %swap3A_254], %max3A_252 {strides = array<i32>} : memref<320x256xf32, #tpu.memory_space<vmem>>, vector<16xf32>,
          %get3A_256 = arith.index_cast %squeeze3A : i32 to index
          %get3A_257 = arith.constant 208 : index
          %get3A_258 = tpu.vector_load %arg10[%get3A_256, %get3A_257] {strides = array<i32>} : memref<320x256xf32, #tpu.memory_space<vmem>>, vector<16xf32>,
          %get3A_259 = arith.index_cast %while3A_124 : i32 to index
          %get3A_260 = arith.constant 208 : index
          %get3A_261 = tpu.vector_load %arg17[%get3A_259, %get3A_260] {strides = array<i32>} : memref<64x256xf32, #tpu.memory_space<vmem>>, vector<16xf32>,
          %max3A_262 = arith.maximumf %get3A_258, %get3A_261 : vector<16xf32>
          %swap3A_263 = arith.index_cast %squeeze3A : i32 to index
          %swap3A_264 = arith.constant 208 : index
          %swap3A_265 = tpu.vector_load %arg10[%swap3A_263, %swap3A_264] {strides = array<i32>} : memref<320x256xf32, #tpu.memory_space<vmem>>, vector<16xf32>,
          tpu.vector_store %arg10[%swap3A_263, %swap3A_264], %max3A_262 {strides = array<i32>} : memref<320x256xf32, #tpu.memory_space<vmem>>, vector<16xf32>,
          %get3A_266 = arith.index_cast %squeeze3A : i32 to index
          %get3A_267 = arith.constant 224 : index
          %get3A_268 = tpu.vector_load %arg10[%get3A_266, %get3A_267] {strides = array<i32>} : memref<320x256xf32, #tpu.memory_space<vmem>>, vector<16xf32>,
          %get3A_269 = arith.index_cast %while3A_124 : i32 to index
          %get3A_270 = arith.constant 224 : index
          %get3A_271 = tpu.vector_load %arg17[%get3A_269, %get3A_270] {strides = array<i32>} : memref<64x256xf32, #tpu.memory_space<vmem>>, vector<16xf32>,
          %max3A_272 = arith.maximumf %get3A_268, %get3A_271 : vector<16xf32>
          %swap3A_273 = arith.index_cast %squeeze3A : i32 to index
          %swap3A_274 = arith.constant 224 : index
          %swap3A_275 = tpu.vector_load %arg10[%swap3A_273, %swap3A_274] {strides = array<i32>} : memref<320x256xf32, #tpu.memory_space<vmem>>, vector<16xf32>,
          tpu.vector_store %arg10[%swap3A_273, %swap3A_274], %max3A_272 {strides = array<i32>} : memref<320x256xf32, #tpu.memory_space<vmem>>, vector<16xf32>,
          %get3A_276 = arith.index_cast %squeeze3A : i32 to index
          %get3A_277 = arith.constant 240 : index
          %get3A_278 = tpu.vector_load %arg10[%get3A_276, %get3A_277] {strides = array<i32>} : memref<320x256xf32, #tpu.memory_space<vmem>>, vector<16xf32>,
          %get3A_279 = arith.index_cast %while3A_124 : i32 to index
          %get3A_280 = arith.constant 240 : index
          %get3A_281 = tpu.vector_load %arg17[%get3A_279, %get3A_280] {strides = array<i32>} : memref<64x256xf32, #tpu.memory_space<vmem>>, vector<16xf32>,
          %max3A_282 = arith.maximumf %get3A_278, %get3A_281 : vector<16xf32>
          %swap3A_283 = arith.index_cast %squeeze3A : i32 to index
          %swap3A_284 = arith.constant 240 : index
          %swap3A_285 = tpu.vector_load %arg10[%swap3A_283, %swap3A_284] {strides = array<i32>} : memref<320x256xf32, #tpu.memory_space<vmem>>, vector<16xf32>,
          tpu.vector_store %arg10[%swap3A_283, %swap3A_284], %max3A_282 {strides = array<i32>} : memref<320x256xf32, #tpu.memory_space<vmem>>, vector<16xf32>,
          %get3A_286 = arith.index_cast %squeeze3A : i32 to index
          %get3A_287 = arith.constant 0 : index
          %get3A_288 = tpu.vector_load %arg11[%get3A_286, %get3A_287] {strides = array<i32>} : memref<320x64xi32, #tpu.memory_space<vmem>>, vector<16xi32>,
          %get3A_289 = arith.index_cast %while3A_124 : i32 to index
          %get3A_290 = arith.constant 0 : index
          %get3A_291 = tpu.vector_load %arg18[%get3A_289, %get3A_290] {strides = array<i32>} : memref<64x64xi32, #tpu.memory_space<vmem>>, vector<16xi32>,
          %min3A_292 = arith.minsi %get3A_288, %get3A_291 : vector<16xi32>
          %swap3A_293 = arith.index_cast %squeeze3A : i32 to index
          %swap3A_294 = arith.constant 0 : index
          %swap3A_295 = tpu.vector_load %arg11[%swap3A_293, %swap3A_294] {strides = array<i32>} : memref<320x64xi32, #tpu.memory_space<vmem>>, vector<16xi32>,
          tpu.vector_store %arg11[%swap3A_293, %swap3A_294], %min3A_292 {strides = array<i32>} : memref<320x64xi32, #tpu.memory_space<vmem>>, vector<16xi32>,
          %get3A_296 = arith.index_cast %squeeze3A : i32 to index
          %get3A_297 = arith.constant 16 : index
          %get3A_298 = tpu.vector_load %arg11[%get3A_296, %get3A_297] {strides = array<i32>} : memref<320x64xi32, #tpu.memory_space<vmem>>, vector<16xi32>,
          %get3A_299 = arith.index_cast %while3A_124 : i32 to index
          %get3A_300 = arith.constant 16 : index
          %get3A_301 = tpu.vector_load %arg18[%get3A_299, %get3A_300] {strides = array<i32>} : memref<64x64xi32, #tpu.memory_space<vmem>>, vector<16xi32>,
          %min3A_302 = arith.minsi %get3A_298, %get3A_301 : vector<16xi32>
          %swap3A_303 = arith.index_cast %squeeze3A : i32 to index
          %swap3A_304 = arith.constant 16 : index
          %swap3A_305 = tpu.vector_load %arg11[%swap3A_303, %swap3A_304] {strides = array<i32>} : memref<320x64xi32, #tpu.memory_space<vmem>>, vector<16xi32>,
          tpu.vector_store %arg11[%swap3A_303, %swap3A_304], %min3A_302 {strides = array<i32>} : memref<320x64xi32, #tpu.memory_space<vmem>>, vector<16xi32>,
          %get3A_306 = arith.index_cast %squeeze3A : i32 to index
          %get3A_307 = arith.constant 32 : index
          %get3A_308 = tpu.vector_load %arg11[%get3A_306, %get3A_307] {strides = array<i32>} : memref<320x64xi32, #tpu.memory_space<vmem>>, vector<16xi32>,
          %get3A_309 = arith.index_cast %while3A_124 : i32 to index
          %get3A_310 = arith.constant 32 : index
          %get3A_311 = tpu.vector_load %arg18[%get3A_309, %get3A_310] {strides = array<i32>} : memref<64x64xi32, #tpu.memory_space<vmem>>, vector<16xi32>,
          %min3A_312 = arith.minsi %get3A_308, %get3A_311 : vector<16xi32>
          %swap3A_313 = arith.index_cast %squeeze3A : i32 to index
          %swap3A_314 = arith.constant 32 : index
          %swap3A_315 = tpu.vector_load %arg11[%swap3A_313, %swap3A_314] {strides = array<i32>} : memref<320x64xi32, #tpu.memory_space<vmem>>, vector<16xi32>,
          tpu.vector_store %arg11[%swap3A_313, %swap3A_314], %min3A_312 {strides = array<i32>} : memref<320x64xi32, #tpu.memory_space<vmem>>, vector<16xi32>,
          %get3A_316 = arith.index_cast %squeeze3A : i32 to index
          %get3A_317 = arith.constant 48 : index
          %get3A_318 = tpu.vector_load %arg11[%get3A_316, %get3A_317] {strides = array<i32>} : memref<320x64xi32, #tpu.memory_space<vmem>>, vector<16xi32>,
          %get3A_319 = arith.index_cast %while3A_124 : i32 to index
          %get3A_320 = arith.constant 48 : index
          %get3A_321 = tpu.vector_load %arg18[%get3A_319, %get3A_320] {strides = array<i32>} : memref<64x64xi32, #tpu.memory_space<vmem>>, vector<16xi32>,
          %min3A_322 = arith.minsi %get3A_318, %get3A_321 : vector<16xi32>
          %swap3A_323 = arith.index_cast %squeeze3A : i32 to index
          %swap3A_324 = arith.constant 48 : index
          %swap3A_325 = tpu.vector_load %arg11[%swap3A_323, %swap3A_324] {strides = array<i32>} : memref<320x64xi32, #tpu.memory_space<vmem>>, vector<16xi32>,
          tpu.vector_store %arg11[%swap3A_323, %swap3A_324], %min3A_322 {strides = array<i32>} : memref<320x64xi32, #tpu.memory_space<vmem>>, vector<16xi32>,
        }
      }
    }
    %scan3A_26 = arith.constant 200 : i32
    %dma_wait3A = arith.constant 0 : i32
    %dma_wait3A_27 = tpu.memref_slice %arg2[%dma_wait3A] : memref<320000xi32, #tpu.memory_space<hbm>> -> memref<1600xi32, #tpu.memory_space<hbm>>
    %dma_wait3A_28 = arith.constant 0 : i32
    %dma_wait3A_29 = tpu.memref_slice %arg2[%dma_wait3A_28] : memref<320000xi32, #tpu.memory_space<hbm>> -> memref<1600xi32, #tpu.memory_space<hbm>>
    tpu.wait_dma2 semaphore(%arg25 : memref<!tpu.dma_semaphore, #tpu.memory_space<semaphore_mem>>) src(%dma_wait3A_29 : memref<1600xi32, #tpu.memory_space<hbm>>) dst(%arg12 : memref<1600xi32, #tpu.memory_space<vmem>>)
    %dma_wait3A_30 = arith.constant 0 : i32
    %dma_wait3A_31 = tpu.memref_slice %arg3[%dma_wait3A_30] : memref<320000xi32, #tpu.memory_space<hbm>> -> memref<1600xi32, #tpu.memory_space<hbm>>
    %dma_wait3A_32 = arith.constant 0 : i32
    %dma_wait3A_33 = tpu.memref_slice %arg3[%dma_wait3A_32] : memref<320000xi32, #tpu.memory_space<hbm>> -> memref<1600xi32, #tpu.memory_space<hbm>>
    tpu.wait_dma2 semaphore(%arg26 : memref<!tpu.dma_semaphore, #tpu.memory_space<semaphore_mem>>) src(%dma_wait3A_33 : memref<1600xi32, #tpu.memory_space<hbm>>) dst(%arg13 : memref<1600xi32, #tpu.memory_space<vmem>>)
    %iota3A = tpu.iota {dimensions = array<i32: 0>} : vector<16xi32>
    %scan3A_34 = arith.constant 0 : i32
    %scan3A_35 = arith.constant 0 : i32
    %scan3A_36 = arith.constant 20 : i32
    %scan3A_37 = arith.addi %scan3A_35, %scan3A_36 : i32
    %scan3A_38 = arith.constant 1 : i32
    scf.for %scan3A_40 = %scan3A_35 to %scan3A_37 step %scan3A_38  : i32 {
      %scan3A_41 = arith.constant 0 : i32
      %scan3A_42 = arith.constant 0 : i32
      %scan3A_43 = arith.constant 16 : i32
      %scan3A_44 = arith.addi %scan3A_42, %scan3A_43 : i32
      %scan3A_45 = arith.constant 1 : i32
      scf.for %scan3A_153 = %scan3A_42 to %scan3A_44 step %scan3A_45  : i32 {
        %mul3A_154 = arith.constant 16 : i32
        %mul3A_155 = arith.muli %scan3A_40, %mul3A_154 : i32
        %add3A_156 = arith.addi %mul3A_155, %scan3A_153 : i32
        %broadcast_in_dim3A_157 = arith.constant 0 : i32
        %broadcast_in_dim3A_158 = vector.broadcast %broadcast_in_dim3A_157 : i32 to vector<16xi32>
        %broadcast_in_dim3A_159 = arith.constant 0.000000e+00 : f32
        %broadcast_in_dim3A_160 = vector.broadcast %broadcast_in_dim3A_159 : f32 to vector<16xf32>
        %get3A_161 = arith.index_cast %add3A_156 : i32 to index
        %get3A_162 = arith.constant 0 : index
        %get3A_163 = tpu.vector_load %arg10[%get3A_161, %get3A_162] {strides = array<i32>} : memref<320x256xf32, #tpu.memory_space<vmem>>, vector<16xf32>,
        %eq3A = arith.constant 0.000000e+00 : f32
        %eq3A_164 = vector.broadcast %eq3A : f32 to vector<16xf32>
        %eq3A_165 = arith.cmpf oeq, %get3A_163, %eq3A_164 : vector<16xf32>
        %jit3A_166 = arith.constant 1 : i32
        %jit3A_167 = arith.constant 0 : i32
        %broadcast_in_dim3A_168 = vector.broadcast %jit3A_166 : i32 to vector<16xi32>
        %broadcast_in_dim3A_169 = vector.broadcast %jit3A_167 : i32 to vector<16xi32>
        %select_n3A_170 = arith.select %eq3A_165, %broadcast_in_dim3A_168, %broadcast_in_dim3A_169 : vector<16xi1>, vector<16xi32>
        %add3A_171 = arith.addi %broadcast_in_dim3A_158, %select_n3A_170 : vector<16xi32>
        %convert_element_type3A = arith.fptosi %get3A_163 : vector<16xf32> to vector<16xi32>
        %shift_left3A = arith.constant 23 : i32
        %shift_left3A_172 = vector.broadcast %shift_left3A : i32 to vector<16xi32>
        %shift_left3A_173 = arith.shli %convert_element_type3A, %shift_left3A_172 : vector<16xi32>
        %sub3A = arith.constant 1065353216 : i32
        %sub3A_174 = vector.broadcast %sub3A : i32 to vector<16xi32>
        %sub3A_175 = arith.subi %sub3A_174, %shift_left3A_173 : vector<16xi32>
        %bitcast_convert_type3A = tpu.bitcast %sub3A_175 : vector<16xi32> -> vector<16xf32>
        %add3A_176 = arith.addf %broadcast_in_dim3A_160, %bitcast_convert_type3A : vector<16xf32>
        %get3A_177 = arith.index_cast %add3A_156 : i32 to index
        %get3A_178 = arith.constant 16 : index
        %get3A_179 = tpu.vector_load %arg10[%get3A_177, %get3A_178] {strides = array<i32>} : memref<320x256xf32, #tpu.memory_space<vmem>>, vector<16xf32>,
        %eq3A_180 = arith.constant 0.000000e+00 : f32
        %eq3A_181 = vector.broadcast %eq3A_180 : f32 to vector<16xf32>
        %eq3A_182 = arith.cmpf oeq, %get3A_179, %eq3A_181 : vector<16xf32>
        %jit3A_183 = arith.constant 1 : i32
        %jit3A_184 = arith.constant 0 : i32
        %broadcast_in_dim3A_185 = vector.broadcast %jit3A_183 : i32 to vector<16xi32>
        %broadcast_in_dim3A_186 = vector.broadcast %jit3A_184 : i32 to vector<16xi32>
        %select_n3A_187 = arith.select %eq3A_182, %broadcast_in_dim3A_185, %broadcast_in_dim3A_186 : vector<16xi1>, vector<16xi32>
        %add3A_188 = arith.addi %add3A_171, %select_n3A_187 : vector<16xi32>
        %convert_element_type3A_189 = arith.fptosi %get3A_179 : vector<16xf32> to vector<16xi32>
        %shift_left3A_190 = arith.constant 23 : i32
        %shift_left3A_191 = vector.broadcast %shift_left3A_190 : i32 to vector<16xi32>
        %shift_left3A_192 = arith.shli %convert_element_type3A_189, %shift_left3A_191 : vector<16xi32>
        %sub3A_193 = arith.constant 1065353216 : i32
        %sub3A_194 = vector.broadcast %sub3A_193 : i32 to vector<16xi32>
        %sub3A_195 = arith.subi %sub3A_194, %shift_left3A_192 : vector<16xi32>
        %bitcast_convert_type3A_196 = tpu.bitcast %sub3A_195 : vector<16xi32> -> vector<16xf32>
        %add3A_197 = arith.addf %add3A_176, %bitcast_convert_type3A_196 : vector<16xf32>
        %get3A_198 = arith.index_cast %add3A_156 : i32 to index
        %get3A_199 = arith.constant 32 : index
        %get3A_200 = tpu.vector_load %arg10[%get3A_198, %get3A_199] {strides = array<i32>} : memref<320x256xf32, #tpu.memory_space<vmem>>, vector<16xf32>,
        %eq3A_201 = arith.constant 0.000000e+00 : f32
        %eq3A_202 = vector.broadcast %eq3A_201 : f32 to vector<16xf32>
        %eq3A_203 = arith.cmpf oeq, %get3A_200, %eq3A_202 : vector<16xf32>
        %jit3A_204 = arith.constant 1 : i32
        %jit3A_205 = arith.constant 0 : i32
        %broadcast_in_dim3A_206 = vector.broadcast %jit3A_204 : i32 to vector<16xi32>
        %broadcast_in_dim3A_207 = vector.broadcast %jit3A_205 : i32 to vector<16xi32>
        %select_n3A_208 = arith.select %eq3A_203, %broadcast_in_dim3A_206, %broadcast_in_dim3A_207 : vector<16xi1>, vector<16xi32>
        %add3A_209 = arith.addi %add3A_188, %select_n3A_208 : vector<16xi32>
        %convert_element_type3A_210 = arith.fptosi %get3A_200 : vector<16xf32> to vector<16xi32>
        %shift_left3A_211 = arith.constant 23 : i32
        %shift_left3A_212 = vector.broadcast %shift_left3A_211 : i32 to vector<16xi32>
        %shift_left3A_213 = arith.shli %convert_element_type3A_210, %shift_left3A_212 : vector<16xi32>
        %sub3A_214 = arith.constant 1065353216 : i32
        %sub3A_215 = vector.broadcast %sub3A_214 : i32 to vector<16xi32>
        %sub3A_216 = arith.subi %sub3A_215, %shift_left3A_213 : vector<16xi32>
        %bitcast_convert_type3A_217 = tpu.bitcast %sub3A_216 : vector<16xi32> -> vector<16xf32>
        %add3A_218 = arith.addf %add3A_197, %bitcast_convert_type3A_217 : vector<16xf32>
        %get3A_219 = arith.index_cast %add3A_156 : i32 to index
        %get3A_220 = arith.constant 48 : index
        %get3A_221 = tpu.vector_load %arg10[%get3A_219, %get3A_220] {strides = array<i32>} : memref<320x256xf32, #tpu.memory_space<vmem>>, vector<16xf32>,
        %eq3A_222 = arith.constant 0.000000e+00 : f32
        %eq3A_223 = vector.broadcast %eq3A_222 : f32 to vector<16xf32>
        %eq3A_224 = arith.cmpf oeq, %get3A_221, %eq3A_223 : vector<16xf32>
        %jit3A_225 = arith.constant 1 : i32
        %jit3A_226 = arith.constant 0 : i32
        %broadcast_in_dim3A_227 = vector.broadcast %jit3A_225 : i32 to vector<16xi32>
        %broadcast_in_dim3A_228 = vector.broadcast %jit3A_226 : i32 to vector<16xi32>
        %select_n3A_229 = arith.select %eq3A_224, %broadcast_in_dim3A_227, %broadcast_in_dim3A_228 : vector<16xi1>, vector<16xi32>
        %add3A_230 = arith.addi %add3A_209, %select_n3A_229 : vector<16xi32>
        %convert_element_type3A_231 = arith.fptosi %get3A_221 : vector<16xf32> to vector<16xi32>
        %shift_left3A_232 = arith.constant 23 : i32
        %shift_left3A_233 = vector.broadcast %shift_left3A_232 : i32 to vector<16xi32>
        %shift_left3A_234 = arith.shli %convert_element_type3A_231, %shift_left3A_233 : vector<16xi32>
        %sub3A_235 = arith.constant 1065353216 : i32
        %sub3A_236 = vector.broadcast %sub3A_235 : i32 to vector<16xi32>
        %sub3A_237 = arith.subi %sub3A_236, %shift_left3A_234 : vector<16xi32>
        %bitcast_convert_type3A_238 = tpu.bitcast %sub3A_237 : vector<16xi32> -> vector<16xf32>
        %add3A_239 = arith.addf %add3A_218, %bitcast_convert_type3A_238 : vector<16xf32>
        %get3A_240 = arith.index_cast %add3A_156 : i32 to index
        %get3A_241 = arith.constant 64 : index
        %get3A_242 = tpu.vector_load %arg10[%get3A_240, %get3A_241] {strides = array<i32>} : memref<320x256xf32, #tpu.memory_space<vmem>>, vector<16xf32>,
        %eq3A_243 = arith.constant 0.000000e+00 : f32
        %eq3A_244 = vector.broadcast %eq3A_243 : f32 to vector<16xf32>
        %eq3A_245 = arith.cmpf oeq, %get3A_242, %eq3A_244 : vector<16xf32>
        %jit3A_246 = arith.constant 1 : i32
        %jit3A_247 = arith.constant 0 : i32
        %broadcast_in_dim3A_248 = vector.broadcast %jit3A_246 : i32 to vector<16xi32>
        %broadcast_in_dim3A_249 = vector.broadcast %jit3A_247 : i32 to vector<16xi32>
        %select_n3A_250 = arith.select %eq3A_245, %broadcast_in_dim3A_248, %broadcast_in_dim3A_249 : vector<16xi1>, vector<16xi32>
        %add3A_251 = arith.addi %add3A_230, %select_n3A_250 : vector<16xi32>
        %convert_element_type3A_252 = arith.fptosi %get3A_242 : vector<16xf32> to vector<16xi32>
        %shift_left3A_253 = arith.constant 23 : i32
        %shift_left3A_254 = vector.broadcast %shift_left3A_253 : i32 to vector<16xi32>
        %shift_left3A_255 = arith.shli %convert_element_type3A_252, %shift_left3A_254 : vector<16xi32>
        %sub3A_256 = arith.constant 1065353216 : i32
        %sub3A_257 = vector.broadcast %sub3A_256 : i32 to vector<16xi32>
        %sub3A_258 = arith.subi %sub3A_257, %shift_left3A_255 : vector<16xi32>
        %bitcast_convert_type3A_259 = tpu.bitcast %sub3A_258 : vector<16xi32> -> vector<16xf32>
        %add3A_260 = arith.addf %add3A_239, %bitcast_convert_type3A_259 : vector<16xf32>
        %get3A_261 = arith.index_cast %add3A_156 : i32 to index
        %get3A_262 = arith.constant 80 : index
        %get3A_263 = tpu.vector_load %arg10[%get3A_261, %get3A_262] {strides = array<i32>} : memref<320x256xf32, #tpu.memory_space<vmem>>, vector<16xf32>,
        %eq3A_264 = arith.constant 0.000000e+00 : f32
        %eq3A_265 = vector.broadcast %eq3A_264 : f32 to vector<16xf32>
        %eq3A_266 = arith.cmpf oeq, %get3A_263, %eq3A_265 : vector<16xf32>
        %jit3A_267 = arith.constant 1 : i32
        %jit3A_268 = arith.constant 0 : i32
        %broadcast_in_dim3A_269 = vector.broadcast %jit3A_267 : i32 to vector<16xi32>
        %broadcast_in_dim3A_270 = vector.broadcast %jit3A_268 : i32 to vector<16xi32>
        %select_n3A_271 = arith.select %eq3A_266, %broadcast_in_dim3A_269, %broadcast_in_dim3A_270 : vector<16xi1>, vector<16xi32>
        %add3A_272 = arith.addi %add3A_251, %select_n3A_271 : vector<16xi32>
        %convert_element_type3A_273 = arith.fptosi %get3A_263 : vector<16xf32> to vector<16xi32>
        %shift_left3A_274 = arith.constant 23 : i32
        %shift_left3A_275 = vector.broadcast %shift_left3A_274 : i32 to vector<16xi32>
        %shift_left3A_276 = arith.shli %convert_element_type3A_273, %shift_left3A_275 : vector<16xi32>
        %sub3A_277 = arith.constant 1065353216 : i32
        %sub3A_278 = vector.broadcast %sub3A_277 : i32 to vector<16xi32>
        %sub3A_279 = arith.subi %sub3A_278, %shift_left3A_276 : vector<16xi32>
        %bitcast_convert_type3A_280 = tpu.bitcast %sub3A_279 : vector<16xi32> -> vector<16xf32>
        %add3A_281 = arith.addf %add3A_260, %bitcast_convert_type3A_280 : vector<16xf32>
        %get3A_282 = arith.index_cast %add3A_156 : i32 to index
        %get3A_283 = arith.constant 96 : index
        %get3A_284 = tpu.vector_load %arg10[%get3A_282, %get3A_283] {strides = array<i32>} : memref<320x256xf32, #tpu.memory_space<vmem>>, vector<16xf32>,
        %eq3A_285 = arith.constant 0.000000e+00 : f32
        %eq3A_286 = vector.broadcast %eq3A_285 : f32 to vector<16xf32>
        %eq3A_287 = arith.cmpf oeq, %get3A_284, %eq3A_286 : vector<16xf32>
        %jit3A_288 = arith.constant 1 : i32
        %jit3A_289 = arith.constant 0 : i32
        %broadcast_in_dim3A_290 = vector.broadcast %jit3A_288 : i32 to vector<16xi32>
        %broadcast_in_dim3A_291 = vector.broadcast %jit3A_289 : i32 to vector<16xi32>
        %select_n3A_292 = arith.select %eq3A_287, %broadcast_in_dim3A_290, %broadcast_in_dim3A_291 : vector<16xi1>, vector<16xi32>
        %add3A_293 = arith.addi %add3A_272, %select_n3A_292 : vector<16xi32>
        %convert_element_type3A_294 = arith.fptosi %get3A_284 : vector<16xf32> to vector<16xi32>
        %shift_left3A_295 = arith.constant 23 : i32
        %shift_left3A_296 = vector.broadcast %shift_left3A_295 : i32 to vector<16xi32>
        %shift_left3A_297 = arith.shli %convert_element_type3A_294, %shift_left3A_296 : vector<16xi32>
        %sub3A_298 = arith.constant 1065353216 : i32
        %sub3A_299 = vector.broadcast %sub3A_298 : i32 to vector<16xi32>
        %sub3A_300 = arith.subi %sub3A_299, %shift_left3A_297 : vector<16xi32>
        %bitcast_convert_type3A_301 = tpu.bitcast %sub3A_300 : vector<16xi32> -> vector<16xf32>
        %add3A_302 = arith.addf %add3A_281, %bitcast_convert_type3A_301 : vector<16xf32>
        %get3A_303 = arith.index_cast %add3A_156 : i32 to index
        %get3A_304 = arith.constant 112 : index
        %get3A_305 = tpu.vector_load %arg10[%get3A_303, %get3A_304] {strides = array<i32>} : memref<320x256xf32, #tpu.memory_space<vmem>>, vector<16xf32>,
        %eq3A_306 = arith.constant 0.000000e+00 : f32
        %eq3A_307 = vector.broadcast %eq3A_306 : f32 to vector<16xf32>
        %eq3A_308 = arith.cmpf oeq, %get3A_305, %eq3A_307 : vector<16xf32>
        %jit3A_309 = arith.constant 1 : i32
        %jit3A_310 = arith.constant 0 : i32
        %broadcast_in_dim3A_311 = vector.broadcast %jit3A_309 : i32 to vector<16xi32>
        %broadcast_in_dim3A_312 = vector.broadcast %jit3A_310 : i32 to vector<16xi32>
        %select_n3A_313 = arith.select %eq3A_308, %broadcast_in_dim3A_311, %broadcast_in_dim3A_312 : vector<16xi1>, vector<16xi32>
        %add3A_314 = arith.addi %add3A_293, %select_n3A_313 : vector<16xi32>
        %convert_element_type3A_315 = arith.fptosi %get3A_305 : vector<16xf32> to vector<16xi32>
        %shift_left3A_316 = arith.constant 23 : i32
        %shift_left3A_317 = vector.broadcast %shift_left3A_316 : i32 to vector<16xi32>
        %shift_left3A_318 = arith.shli %convert_element_type3A_315, %shift_left3A_317 : vector<16xi32>
        %sub3A_319 = arith.constant 1065353216 : i32
        %sub3A_320 = vector.broadcast %sub3A_319 : i32 to vector<16xi32>
        %sub3A_321 = arith.subi %sub3A_320, %shift_left3A_318 : vector<16xi32>
        %bitcast_convert_type3A_322 = tpu.bitcast %sub3A_321 : vector<16xi32> -> vector<16xf32>
        %add3A_323 = arith.addf %add3A_302, %bitcast_convert_type3A_322 : vector<16xf32>
        %get3A_324 = arith.index_cast %add3A_156 : i32 to index
        %get3A_325 = arith.constant 128 : index
        %get3A_326 = tpu.vector_load %arg10[%get3A_324, %get3A_325] {strides = array<i32>} : memref<320x256xf32, #tpu.memory_space<vmem>>, vector<16xf32>,
        %eq3A_327 = arith.constant 0.000000e+00 : f32
        %eq3A_328 = vector.broadcast %eq3A_327 : f32 to vector<16xf32>
        %eq3A_329 = arith.cmpf oeq, %get3A_326, %eq3A_328 : vector<16xf32>
        %jit3A_330 = arith.constant 1 : i32
        %jit3A_331 = arith.constant 0 : i32
        %broadcast_in_dim3A_332 = vector.broadcast %jit3A_330 : i32 to vector<16xi32>
        %broadcast_in_dim3A_333 = vector.broadcast %jit3A_331 : i32 to vector<16xi32>
        %select_n3A_334 = arith.select %eq3A_329, %broadcast_in_dim3A_332, %broadcast_in_dim3A_333 : vector<16xi1>, vector<16xi32>
        %add3A_335 = arith.addi %add3A_314, %select_n3A_334 : vector<16xi32>
        %convert_element_type3A_336 = arith.fptosi %get3A_326 : vector<16xf32> to vector<16xi32>
        %shift_left3A_337 = arith.constant 23 : i32
        %shift_left3A_338 = vector.broadcast %shift_left3A_337 : i32 to vector<16xi32>
        %shift_left3A_339 = arith.shli %convert_element_type3A_336, %shift_left3A_338 : vector<16xi32>
        %sub3A_340 = arith.constant 1065353216 : i32
        %sub3A_341 = vector.broadcast %sub3A_340 : i32 to vector<16xi32>
        %sub3A_342 = arith.subi %sub3A_341, %shift_left3A_339 : vector<16xi32>
        %bitcast_convert_type3A_343 = tpu.bitcast %sub3A_342 : vector<16xi32> -> vector<16xf32>
        %add3A_344 = arith.addf %add3A_323, %bitcast_convert_type3A_343 : vector<16xf32>
        %get3A_345 = arith.index_cast %add3A_156 : i32 to index
        %get3A_346 = arith.constant 144 : index
        %get3A_347 = tpu.vector_load %arg10[%get3A_345, %get3A_346] {strides = array<i32>} : memref<320x256xf32, #tpu.memory_space<vmem>>, vector<16xf32>,
        %eq3A_348 = arith.constant 0.000000e+00 : f32
        %eq3A_349 = vector.broadcast %eq3A_348 : f32 to vector<16xf32>
        %eq3A_350 = arith.cmpf oeq, %get3A_347, %eq3A_349 : vector<16xf32>
        %jit3A_351 = arith.constant 1 : i32
        %jit3A_352 = arith.constant 0 : i32
        %broadcast_in_dim3A_353 = vector.broadcast %jit3A_351 : i32 to vector<16xi32>
        %broadcast_in_dim3A_354 = vector.broadcast %jit3A_352 : i32 to vector<16xi32>
        %select_n3A_355 = arith.select %eq3A_350, %broadcast_in_dim3A_353, %broadcast_in_dim3A_354 : vector<16xi1>, vector<16xi32>
        %add3A_356 = arith.addi %add3A_335, %select_n3A_355 : vector<16xi32>
        %convert_element_type3A_357 = arith.fptosi %get3A_347 : vector<16xf32> to vector<16xi32>
        %shift_left3A_358 = arith.constant 23 : i32
        %shift_left3A_359 = vector.broadcast %shift_left3A_358 : i32 to vector<16xi32>
        %shift_left3A_360 = arith.shli %convert_element_type3A_357, %shift_left3A_359 : vector<16xi32>
        %sub3A_361 = arith.constant 1065353216 : i32
        %sub3A_362 = vector.broadcast %sub3A_361 : i32 to vector<16xi32>
        %sub3A_363 = arith.subi %sub3A_362, %shift_left3A_360 : vector<16xi32>
        %bitcast_convert_type3A_364 = tpu.bitcast %sub3A_363 : vector<16xi32> -> vector<16xf32>
        %add3A_365 = arith.addf %add3A_344, %bitcast_convert_type3A_364 : vector<16xf32>
        %get3A_366 = arith.index_cast %add3A_156 : i32 to index
        %get3A_367 = arith.constant 160 : index
        %get3A_368 = tpu.vector_load %arg10[%get3A_366, %get3A_367] {strides = array<i32>} : memref<320x256xf32, #tpu.memory_space<vmem>>, vector<16xf32>,
        %eq3A_369 = arith.constant 0.000000e+00 : f32
        %eq3A_370 = vector.broadcast %eq3A_369 : f32 to vector<16xf32>
        %eq3A_371 = arith.cmpf oeq, %get3A_368, %eq3A_370 : vector<16xf32>
        %jit3A_372 = arith.constant 1 : i32
        %jit3A_373 = arith.constant 0 : i32
        %broadcast_in_dim3A_374 = vector.broadcast %jit3A_372 : i32 to vector<16xi32>
        %broadcast_in_dim3A_375 = vector.broadcast %jit3A_373 : i32 to vector<16xi32>
        %select_n3A_376 = arith.select %eq3A_371, %broadcast_in_dim3A_374, %broadcast_in_dim3A_375 : vector<16xi1>, vector<16xi32>
        %add3A_377 = arith.addi %add3A_356, %select_n3A_376 : vector<16xi32>
        %convert_element_type3A_378 = arith.fptosi %get3A_368 : vector<16xf32> to vector<16xi32>
        %shift_left3A_379 = arith.constant 23 : i32
        %shift_left3A_380 = vector.broadcast %shift_left3A_379 : i32 to vector<16xi32>
        %shift_left3A_381 = arith.shli %convert_element_type3A_378, %shift_left3A_380 : vector<16xi32>
        %sub3A_382 = arith.constant 1065353216 : i32
        %sub3A_383 = vector.broadcast %sub3A_382 : i32 to vector<16xi32>
        %sub3A_384 = arith.subi %sub3A_383, %shift_left3A_381 : vector<16xi32>
        %bitcast_convert_type3A_385 = tpu.bitcast %sub3A_384 : vector<16xi32> -> vector<16xf32>
        %add3A_386 = arith.addf %add3A_365, %bitcast_convert_type3A_385 : vector<16xf32>
        %get3A_387 = arith.index_cast %add3A_156 : i32 to index
        %get3A_388 = arith.constant 176 : index
        %get3A_389 = tpu.vector_load %arg10[%get3A_387, %get3A_388] {strides = array<i32>} : memref<320x256xf32, #tpu.memory_space<vmem>>, vector<16xf32>,
        %eq3A_390 = arith.constant 0.000000e+00 : f32
        %eq3A_391 = vector.broadcast %eq3A_390 : f32 to vector<16xf32>
        %eq3A_392 = arith.cmpf oeq, %get3A_389, %eq3A_391 : vector<16xf32>
        %jit3A_393 = arith.constant 1 : i32
        %jit3A_394 = arith.constant 0 : i32
        %broadcast_in_dim3A_395 = vector.broadcast %jit3A_393 : i32 to vector<16xi32>
        %broadcast_in_dim3A_396 = vector.broadcast %jit3A_394 : i32 to vector<16xi32>
        %select_n3A_397 = arith.select %eq3A_392, %broadcast_in_dim3A_395, %broadcast_in_dim3A_396 : vector<16xi1>, vector<16xi32>
        %add3A_398 = arith.addi %add3A_377, %select_n3A_397 : vector<16xi32>
        %convert_element_type3A_399 = arith.fptosi %get3A_389 : vector<16xf32> to vector<16xi32>
        %shift_left3A_400 = arith.constant 23 : i32
        %shift_left3A_401 = vector.broadcast %shift_left3A_400 : i32 to vector<16xi32>
        %shift_left3A_402 = arith.shli %convert_element_type3A_399, %shift_left3A_401 : vector<16xi32>
        %sub3A_403 = arith.constant 1065353216 : i32
        %sub3A_404 = vector.broadcast %sub3A_403 : i32 to vector<16xi32>
        %sub3A_405 = arith.subi %sub3A_404, %shift_left3A_402 : vector<16xi32>
        %bitcast_convert_type3A_406 = tpu.bitcast %sub3A_405 : vector<16xi32> -> vector<16xf32>
        %add3A_407 = arith.addf %add3A_386, %bitcast_convert_type3A_406 : vector<16xf32>
        %get3A_408 = arith.index_cast %add3A_156 : i32 to index
        %get3A_409 = arith.constant 192 : index
        %get3A_410 = tpu.vector_load %arg10[%get3A_408, %get3A_409] {strides = array<i32>} : memref<320x256xf32, #tpu.memory_space<vmem>>, vector<16xf32>,
        %eq3A_411 = arith.constant 0.000000e+00 : f32
        %eq3A_412 = vector.broadcast %eq3A_411 : f32 to vector<16xf32>
        %eq3A_413 = arith.cmpf oeq, %get3A_410, %eq3A_412 : vector<16xf32>
        %jit3A_414 = arith.constant 1 : i32
        %jit3A_415 = arith.constant 0 : i32
        %broadcast_in_dim3A_416 = vector.broadcast %jit3A_414 : i32 to vector<16xi32>
        %broadcast_in_dim3A_417 = vector.broadcast %jit3A_415 : i32 to vector<16xi32>
        %select_n3A_418 = arith.select %eq3A_413, %broadcast_in_dim3A_416, %broadcast_in_dim3A_417 : vector<16xi1>, vector<16xi32>
        %add3A_419 = arith.addi %add3A_398, %select_n3A_418 : vector<16xi32>
        %convert_element_type3A_420 = arith.fptosi %get3A_410 : vector<16xf32> to vector<16xi32>
        %shift_left3A_421 = arith.constant 23 : i32
        %shift_left3A_422 = vector.broadcast %shift_left3A_421 : i32 to vector<16xi32>
        %shift_left3A_423 = arith.shli %convert_element_type3A_420, %shift_left3A_422 : vector<16xi32>
        %sub3A_424 = arith.constant 1065353216 : i32
        %sub3A_425 = vector.broadcast %sub3A_424 : i32 to vector<16xi32>
        %sub3A_426 = arith.subi %sub3A_425, %shift_left3A_423 : vector<16xi32>
        %bitcast_convert_type3A_427 = tpu.bitcast %sub3A_426 : vector<16xi32> -> vector<16xf32>
        %add3A_428 = arith.addf %add3A_407, %bitcast_convert_type3A_427 : vector<16xf32>
        %get3A_429 = arith.index_cast %add3A_156 : i32 to index
        %get3A_430 = arith.constant 208 : index
        %get3A_431 = tpu.vector_load %arg10[%get3A_429, %get3A_430] {strides = array<i32>} : memref<320x256xf32, #tpu.memory_space<vmem>>, vector<16xf32>,
        %eq3A_432 = arith.constant 0.000000e+00 : f32
        %eq3A_433 = vector.broadcast %eq3A_432 : f32 to vector<16xf32>
        %eq3A_434 = arith.cmpf oeq, %get3A_431, %eq3A_433 : vector<16xf32>
        %jit3A_435 = arith.constant 1 : i32
        %jit3A_436 = arith.constant 0 : i32
        %broadcast_in_dim3A_437 = vector.broadcast %jit3A_435 : i32 to vector<16xi32>
        %broadcast_in_dim3A_438 = vector.broadcast %jit3A_436 : i32 to vector<16xi32>
        %select_n3A_439 = arith.select %eq3A_434, %broadcast_in_dim3A_437, %broadcast_in_dim3A_438 : vector<16xi1>, vector<16xi32>
        %add3A_440 = arith.addi %add3A_419, %select_n3A_439 : vector<16xi32>
        %convert_element_type3A_441 = arith.fptosi %get3A_431 : vector<16xf32> to vector<16xi32>
        %shift_left3A_442 = arith.constant 23 : i32
        %shift_left3A_443 = vector.broadcast %shift_left3A_442 : i32 to vector<16xi32>
        %shift_left3A_444 = arith.shli %convert_element_type3A_441, %shift_left3A_443 : vector<16xi32>
        %sub3A_445 = arith.constant 1065353216 : i32
        %sub3A_446 = vector.broadcast %sub3A_445 : i32 to vector<16xi32>
        %sub3A_447 = arith.subi %sub3A_446, %shift_left3A_444 : vector<16xi32>
        %bitcast_convert_type3A_448 = tpu.bitcast %sub3A_447 : vector<16xi32> -> vector<16xf32>
        %add3A_449 = arith.addf %add3A_428, %bitcast_convert_type3A_448 : vector<16xf32>
        %get3A_450 = arith.index_cast %add3A_156 : i32 to index
        %get3A_451 = arith.constant 224 : index
        %get3A_452 = tpu.vector_load %arg10[%get3A_450, %get3A_451] {strides = array<i32>} : memref<320x256xf32, #tpu.memory_space<vmem>>, vector<16xf32>,
        %eq3A_453 = arith.constant 0.000000e+00 : f32
        %eq3A_454 = vector.broadcast %eq3A_453 : f32 to vector<16xf32>
        %eq3A_455 = arith.cmpf oeq, %get3A_452, %eq3A_454 : vector<16xf32>
        %jit3A_456 = arith.constant 1 : i32
        %jit3A_457 = arith.constant 0 : i32
        %broadcast_in_dim3A_458 = vector.broadcast %jit3A_456 : i32 to vector<16xi32>
        %broadcast_in_dim3A_459 = vector.broadcast %jit3A_457 : i32 to vector<16xi32>
        %select_n3A_460 = arith.select %eq3A_455, %broadcast_in_dim3A_458, %broadcast_in_dim3A_459 : vector<16xi1>, vector<16xi32>
        %add3A_461 = arith.addi %add3A_440, %select_n3A_460 : vector<16xi32>
        %convert_element_type3A_462 = arith.fptosi %get3A_452 : vector<16xf32> to vector<16xi32>
        %shift_left3A_463 = arith.constant 23 : i32
        %shift_left3A_464 = vector.broadcast %shift_left3A_463 : i32 to vector<16xi32>
        %shift_left3A_465 = arith.shli %convert_element_type3A_462, %shift_left3A_464 : vector<16xi32>
        %sub3A_466 = arith.constant 1065353216 : i32
        %sub3A_467 = vector.broadcast %sub3A_466 : i32 to vector<16xi32>
        %sub3A_468 = arith.subi %sub3A_467, %shift_left3A_465 : vector<16xi32>
        %bitcast_convert_type3A_469 = tpu.bitcast %sub3A_468 : vector<16xi32> -> vector<16xf32>
        %add3A_470 = arith.addf %add3A_449, %bitcast_convert_type3A_469 : vector<16xf32>
        %get3A_471 = arith.index_cast %add3A_156 : i32 to index
        %get3A_472 = arith.constant 240 : index
        %get3A_473 = tpu.vector_load %arg10[%get3A_471, %get3A_472] {strides = array<i32>} : memref<320x256xf32, #tpu.memory_space<vmem>>, vector<16xf32>,
        %eq3A_474 = arith.constant 0.000000e+00 : f32
        %eq3A_475 = vector.broadcast %eq3A_474 : f32 to vector<16xf32>
        %eq3A_476 = arith.cmpf oeq, %get3A_473, %eq3A_475 : vector<16xf32>
        %jit3A_477 = arith.constant 1 : i32
        %jit3A_478 = arith.constant 0 : i32
        %broadcast_in_dim3A_479 = vector.broadcast %jit3A_477 : i32 to vector<16xi32>
        %broadcast_in_dim3A_480 = vector.broadcast %jit3A_478 : i32 to vector<16xi32>
        %select_n3A_481 = arith.select %eq3A_476, %broadcast_in_dim3A_479, %broadcast_in_dim3A_480 : vector<16xi1>, vector<16xi32>
        %add3A_482 = arith.addi %add3A_461, %select_n3A_481 : vector<16xi32>
        %convert_element_type3A_483 = arith.fptosi %get3A_473 : vector<16xf32> to vector<16xi32>
        %shift_left3A_484 = arith.constant 23 : i32
        %shift_left3A_485 = vector.broadcast %shift_left3A_484 : i32 to vector<16xi32>
        %shift_left3A_486 = arith.shli %convert_element_type3A_483, %shift_left3A_485 : vector<16xi32>
        %sub3A_487 = arith.constant 1065353216 : i32
        %sub3A_488 = vector.broadcast %sub3A_487 : i32 to vector<16xi32>
        %sub3A_489 = arith.subi %sub3A_488, %shift_left3A_486 : vector<16xi32>
        %bitcast_convert_type3A_490 = tpu.bitcast %sub3A_489 : vector<16xi32> -> vector<16xf32>
        %add3A_491 = arith.addf %add3A_470, %bitcast_convert_type3A_490 : vector<16xf32>
        %mul3A_492 = arith.constant 16 : i32
        %mul3A_493 = vector.broadcast %mul3A_492 : i32 to vector<16xi32>
        %mul3A_494 = arith.muli %iota3A, %mul3A_493 : vector<16xi32>
        %add3A_495 = vector.broadcast %scan3A_153 : i32 to vector<16xi32>
        %add3A_496 = arith.addi %mul3A_494, %add3A_495 : vector<16xi32>
        tpu.vector_store_idx %arg20[%add3A_496], %add3A_482 : memref<256xi32, #tpu.memory_space<vmem>>[vector<16xi32>], vector<16xi32>,
        tpu.vector_store_idx %arg21[%add3A_496], %add3A_491 : memref<256xf32, #tpu.memory_space<vmem>>[vector<16xi32>], vector<16xf32>,
      }
      %scan3A_46 = arith.constant 16 : i32
      %get3A = arith.constant 0 : index
      %get3A_47 = tpu.vector_load %arg20[%get3A] {strides = array<i32>} : memref<256xi32, #tpu.memory_space<vmem>>, vector<16xi32>,
      %get3A_48 = arith.constant 0 : index
      %get3A_49 = tpu.vector_load %arg21[%get3A_48] {strides = array<i32>} : memref<256xf32, #tpu.memory_space<vmem>>, vector<16xf32>,
      %get3A_50 = arith.constant 16 : index
      %get3A_51 = tpu.vector_load %arg20[%get3A_50] {strides = array<i32>} : memref<256xi32, #tpu.memory_space<vmem>>, vector<16xi32>,
      %add3A_52 = arith.addi %get3A_47, %get3A_51 : vector<16xi32>
      %get3A_53 = arith.constant 16 : index
      %get3A_54 = tpu.vector_load %arg21[%get3A_53] {strides = array<i32>} : memref<256xf32, #tpu.memory_space<vmem>>, vector<16xf32>,
      %add3A_55 = arith.addf %get3A_49, %get3A_54 : vector<16xf32>
      %get3A_56 = arith.constant 32 : index
      %get3A_57 = tpu.vector_load %arg20[%get3A_56] {strides = array<i32>} : memref<256xi32, #tpu.memory_space<vmem>>, vector<16xi32>,
      %add3A_58 = arith.addi %add3A_52, %get3A_57 : vector<16xi32>
      %get3A_59 = arith.constant 32 : index
      %get3A_60 = tpu.vector_load %arg21[%get3A_59] {strides = array<i32>} : memref<256xf32, #tpu.memory_space<vmem>>, vector<16xf32>,
      %add3A_61 = arith.addf %add3A_55, %get3A_60 : vector<16xf32>
      %get3A_62 = arith.constant 48 : index
      %get3A_63 = tpu.vector_load %arg20[%get3A_62] {strides = array<i32>} : memref<256xi32, #tpu.memory_space<vmem>>, vector<16xi32>,
      %add3A_64 = arith.addi %add3A_58, %get3A_63 : vector<16xi32>
      %get3A_65 = arith.constant 48 : index
      %get3A_66 = tpu.vector_load %arg21[%get3A_65] {strides = array<i32>} : memref<256xf32, #tpu.memory_space<vmem>>, vector<16xf32>,
      %add3A_67 = arith.addf %add3A_61, %get3A_66 : vector<16xf32>
      %get3A_68 = arith.constant 64 : index
      %get3A_69 = tpu.vector_load %arg20[%get3A_68] {strides = array<i32>} : memref<256xi32, #tpu.memory_space<vmem>>, vector<16xi32>,
      %add3A_70 = arith.addi %add3A_64, %get3A_69 : vector<16xi32>
      %get3A_71 = arith.constant 64 : index
      %get3A_72 = tpu.vector_load %arg21[%get3A_71] {strides = array<i32>} : memref<256xf32, #tpu.memory_space<vmem>>, vector<16xf32>,
      %add3A_73 = arith.addf %add3A_67, %get3A_72 : vector<16xf32>
      %get3A_74 = arith.constant 80 : index
      %get3A_75 = tpu.vector_load %arg20[%get3A_74] {strides = array<i32>} : memref<256xi32, #tpu.memory_space<vmem>>, vector<16xi32>,
      %add3A_76 = arith.addi %add3A_70, %get3A_75 : vector<16xi32>
      %get3A_77 = arith.constant 80 : index
      %get3A_78 = tpu.vector_load %arg21[%get3A_77] {strides = array<i32>} : memref<256xf32, #tpu.memory_space<vmem>>, vector<16xf32>,
      %add3A_79 = arith.addf %add3A_73, %get3A_78 : vector<16xf32>
      %get3A_80 = arith.constant 96 : index
      %get3A_81 = tpu.vector_load %arg20[%get3A_80] {strides = array<i32>} : memref<256xi32, #tpu.memory_space<vmem>>, vector<16xi32>,
      %add3A_82 = arith.addi %add3A_76, %get3A_81 : vector<16xi32>
      %get3A_83 = arith.constant 96 : index
      %get3A_84 = tpu.vector_load %arg21[%get3A_83] {strides = array<i32>} : memref<256xf32, #tpu.memory_space<vmem>>, vector<16xf32>,
      %add3A_85 = arith.addf %add3A_79, %get3A_84 : vector<16xf32>
      %get3A_86 = arith.constant 112 : index
      %get3A_87 = tpu.vector_load %arg20[%get3A_86] {strides = array<i32>} : memref<256xi32, #tpu.memory_space<vmem>>, vector<16xi32>,
      %add3A_88 = arith.addi %add3A_82, %get3A_87 : vector<16xi32>
      %get3A_89 = arith.constant 112 : index
      %get3A_90 = tpu.vector_load %arg21[%get3A_89] {strides = array<i32>} : memref<256xf32, #tpu.memory_space<vmem>>, vector<16xf32>,
      %add3A_91 = arith.addf %add3A_85, %get3A_90 : vector<16xf32>
      %get3A_92 = arith.constant 128 : index
      %get3A_93 = tpu.vector_load %arg20[%get3A_92] {strides = array<i32>} : memref<256xi32, #tpu.memory_space<vmem>>, vector<16xi32>,
      %add3A_94 = arith.addi %add3A_88, %get3A_93 : vector<16xi32>
      %get3A_95 = arith.constant 128 : index
      %get3A_96 = tpu.vector_load %arg21[%get3A_95] {strides = array<i32>} : memref<256xf32, #tpu.memory_space<vmem>>, vector<16xf32>,
      %add3A_97 = arith.addf %add3A_91, %get3A_96 : vector<16xf32>
      %get3A_98 = arith.constant 144 : index
      %get3A_99 = tpu.vector_load %arg20[%get3A_98] {strides = array<i32>} : memref<256xi32, #tpu.memory_space<vmem>>, vector<16xi32>,
      %add3A_100 = arith.addi %add3A_94, %get3A_99 : vector<16xi32>
      %get3A_101 = arith.constant 144 : index
      %get3A_102 = tpu.vector_load %arg21[%get3A_101] {strides = array<i32>} : memref<256xf32, #tpu.memory_space<vmem>>, vector<16xf32>,
      %add3A_103 = arith.addf %add3A_97, %get3A_102 : vector<16xf32>
      %get3A_104 = arith.constant 160 : index
      %get3A_105 = tpu.vector_load %arg20[%get3A_104] {strides = array<i32>} : memref<256xi32, #tpu.memory_space<vmem>>, vector<16xi32>,
      %add3A_106 = arith.addi %add3A_100, %get3A_105 : vector<16xi32>
      %get3A_107 = arith.constant 160 : index
      %get3A_108 = tpu.vector_load %arg21[%get3A_107] {strides = array<i32>} : memref<256xf32, #tpu.memory_space<vmem>>, vector<16xf32>,
      %add3A_109 = arith.addf %add3A_103, %get3A_108 : vector<16xf32>
      %get3A_110 = arith.constant 176 : index
      %get3A_111 = tpu.vector_load %arg20[%get3A_110] {strides = array<i32>} : memref<256xi32, #tpu.memory_space<vmem>>, vector<16xi32>,
      %add3A_112 = arith.addi %add3A_106, %get3A_111 : vector<16xi32>
      %get3A_113 = arith.constant 176 : index
      %get3A_114 = tpu.vector_load %arg21[%get3A_113] {strides = array<i32>} : memref<256xf32, #tpu.memory_space<vmem>>, vector<16xf32>,
      %add3A_115 = arith.addf %add3A_109, %get3A_114 : vector<16xf32>
      %get3A_116 = arith.constant 192 : index
      %get3A_117 = tpu.vector_load %arg20[%get3A_116] {strides = array<i32>} : memref<256xi32, #tpu.memory_space<vmem>>, vector<16xi32>,
      %add3A_118 = arith.addi %add3A_112, %get3A_117 : vector<16xi32>
      %get3A_119 = arith.constant 192 : index
      %get3A_120 = tpu.vector_load %arg21[%get3A_119] {strides = array<i32>} : memref<256xf32, #tpu.memory_space<vmem>>, vector<16xf32>,
      %add3A_121 = arith.addf %add3A_115, %get3A_120 : vector<16xf32>
      %get3A_122 = arith.constant 208 : index
      %get3A_123 = tpu.vector_load %arg20[%get3A_122] {strides = array<i32>} : memref<256xi32, #tpu.memory_space<vmem>>, vector<16xi32>,
      %add3A_124 = arith.addi %add3A_118, %get3A_123 : vector<16xi32>
      %get3A_125 = arith.constant 208 : index
      %get3A_126 = tpu.vector_load %arg21[%get3A_125] {strides = array<i32>} : memref<256xf32, #tpu.memory_space<vmem>>, vector<16xf32>,
      %add3A_127 = arith.addf %add3A_121, %get3A_126 : vector<16xf32>
      %get3A_128 = arith.constant 224 : index
      %get3A_129 = tpu.vector_load %arg20[%get3A_128] {strides = array<i32>} : memref<256xi32, #tpu.memory_space<vmem>>, vector<16xi32>,
      %add3A_130 = arith.addi %add3A_124, %get3A_129 : vector<16xi32>
      %get3A_131 = arith.constant 224 : index
      %get3A_132 = tpu.vector_load %arg21[%get3A_131] {strides = array<i32>} : memref<256xf32, #tpu.memory_space<vmem>>, vector<16xf32>,
      %add3A_133 = arith.addf %add3A_127, %get3A_132 : vector<16xf32>
      %get3A_134 = arith.constant 240 : index
      %get3A_135 = tpu.vector_load %arg20[%get3A_134] {strides = array<i32>} : memref<256xi32, #tpu.memory_space<vmem>>, vector<16xi32>,
      %add3A_136 = arith.addi %add3A_130, %get3A_135 : vector<16xi32>
      %get3A_137 = arith.constant 240 : index
      %get3A_138 = tpu.vector_load %arg21[%get3A_137] {strides = array<i32>} : memref<256xf32, #tpu.memory_space<vmem>>, vector<16xf32>,
      %add3A_139 = arith.addf %add3A_133, %get3A_138 : vector<16xf32>
      %gather3A = tpu.vector_load_idx %arg19[%add3A_136] : memref<272xf32, #tpu.memory_space<vmem>>[vector<16xi32>], vector<16xf32>,
      %gt3A = arith.constant 0 : i32
      %gt3A_140 = vector.broadcast %gt3A : i32 to vector<16xi32>
      %gt3A_141 = arith.cmpi sgt, %add3A_136, %gt3A_140 : vector<16xi32>
      %jit3A = arith.constant 2.210000e+02 : f32
      %broadcast_in_dim3A_142 = vector.broadcast %jit3A : f32 to vector<16xf32>
      %select_n3A = arith.select %gt3A_141, %gather3A, %broadcast_in_dim3A_142 : vector<16xi1>, vector<16xf32>
      %gt3A_143 = arith.constant 2.200000e+02 : f32
      %gt3A_144 = vector.broadcast %gt3A_143 : f32 to vector<16xf32>
      %gt3A_145 = arith.cmpf ogt, %select_n3A, %gt3A_144 : vector<16xf32>
      %div3A = arith.constant 47072.7109 : f32
      %div3A_146 = vector.broadcast %div3A : f32 to vector<16xf32>
      %div3A_147 = arith.divf %div3A_146, %add3A_139 : vector<16xf32>
      %select_n3A_148 = arith.select %gt3A_145, %div3A_147, %select_n3A : vector<16xi1>, vector<16xf32>
      %mul3A_149 = arith.constant 16 : i32
      %mul3A_150 = arith.muli %scan3A_40, %mul3A_149 : i32
      %swap3A_151 = arith.index_cast %mul3A_150 : i32 to index
      %swap3A_152 = tpu.vector_load %arg22[%swap3A_151] {strides = array<i32>} : memref<320xf32, #tpu.memory_space<vmem>>, vector<16xf32>,
      tpu.vector_store %arg22[%swap3A_151], %select_n3A_148 {strides = array<i32>} : memref<320xf32, #tpu.memory_space<vmem>>, vector<16xf32>,
    }
    %scan3A_39 = arith.constant 20 : i32
    "tpu.region"() ({
      %run_scoped3A = tpu.sem_alloc : memref<!tpu.dma_semaphore, #tpu.memory_space<semaphore_mem>>
      %dma_start3A_40 = arith.constant 0 : i32
      %dma_start3A_41 = tpu.memref_slice %arg8[%mul3A_2, %dma_start3A_40] : memref<10240x256xf32, #tpu.memory_space<hbm>> -> memref<320x256xf32, #tpu.memory_space<hbm>>
      %dma_start3A_42 = arith.constant 0 : i32
      %dma_start3A_43 = tpu.memref_slice %arg8[%mul3A_2, %dma_start3A_42] : memref<10240x256xf32, #tpu.memory_space<hbm>> -> memref<320x256xf32, #tpu.memory_space<hbm>>
      tpu.enqueue_dma source(%arg10 : memref<320x256xf32, #tpu.memory_space<vmem>>) target(%dma_start3A_43 : memref<320x256xf32, #tpu.memory_space<hbm>>) target_semaphore(%run_scoped3A : memref<!tpu.dma_semaphore, #tpu.memory_space<semaphore_mem>>)
      %dma_wait3A_44 = arith.constant 0 : i32
      %dma_wait3A_45 = tpu.memref_slice %arg8[%mul3A_2, %dma_wait3A_44] : memref<10240x256xf32, #tpu.memory_space<hbm>> -> memref<320x256xf32, #tpu.memory_space<hbm>>
      %dma_wait3A_46 = arith.constant 0 : i32
      %dma_wait3A_47 = tpu.memref_slice %arg8[%mul3A_2, %dma_wait3A_46] : memref<10240x256xf32, #tpu.memory_space<hbm>> -> memref<320x256xf32, #tpu.memory_space<hbm>>
      tpu.wait_dma2 semaphore(%run_scoped3A : memref<!tpu.dma_semaphore, #tpu.memory_space<semaphore_mem>>) src(%arg10 : memref<320x256xf32, #tpu.memory_space<vmem>>) dst(%dma_wait3A_47 : memref<320x256xf32, #tpu.memory_space<hbm>>)
      tpu.yield
    }) : () -> ()
    "tpu.region"() ({
      %run_scoped3A = tpu.sem_alloc : memref<!tpu.dma_semaphore, #tpu.memory_space<semaphore_mem>>
      %dma_start3A_40 = arith.constant 0 : i32
      %dma_start3A_41 = tpu.memref_slice %arg7[%mul3A_2, %dma_start3A_40] : memref<10240x64xi32, #tpu.memory_space<hbm>> -> memref<320x64xi32, #tpu.memory_space<hbm>>
      %dma_start3A_42 = arith.constant 0 : i32
      %dma_start3A_43 = tpu.memref_slice %arg7[%mul3A_2, %dma_start3A_42] : memref<10240x64xi32, #tpu.memory_space<hbm>> -> memref<320x64xi32, #tpu.memory_space<hbm>>
      tpu.enqueue_dma source(%arg11 : memref<320x64xi32, #tpu.memory_space<vmem>>) target(%dma_start3A_43 : memref<320x64xi32, #tpu.memory_space<hbm>>) target_semaphore(%run_scoped3A : memref<!tpu.dma_semaphore, #tpu.memory_space<semaphore_mem>>)
      %dma_wait3A_44 = arith.constant 0 : i32
      %dma_wait3A_45 = tpu.memref_slice %arg7[%mul3A_2, %dma_wait3A_44] : memref<10240x64xi32, #tpu.memory_space<hbm>> -> memref<320x64xi32, #tpu.memory_space<hbm>>
      %dma_wait3A_46 = arith.constant 0 : i32
      %dma_wait3A_47 = tpu.memref_slice %arg7[%mul3A_2, %dma_wait3A_46] : memref<10240x64xi32, #tpu.memory_space<hbm>> -> memref<320x64xi32, #tpu.memory_space<hbm>>
      tpu.wait_dma2 semaphore(%run_scoped3A : memref<!tpu.dma_semaphore, #tpu.memory_space<semaphore_mem>>) src(%arg11 : memref<320x64xi32, #tpu.memory_space<vmem>>) dst(%dma_wait3A_47 : memref<320x64xi32, #tpu.memory_space<hbm>>)
      tpu.yield
    }) : () -> ()
    "tpu.region"() ({
      %run_scoped3A = tpu.sem_alloc : memref<!tpu.dma_semaphore, #tpu.memory_space<semaphore_mem>>
      %dma_start3A_40 = tpu.memref_slice %arg9[%mul3A_2] : memref<10240xf32, #tpu.memory_space<hbm>> -> memref<320xf32, #tpu.memory_space<hbm>>
      %dma_start3A_41 = tpu.memref_slice %arg9[%mul3A_2] : memref<10240xf32, #tpu.memory_space<hbm>> -> memref<320xf32, #tpu.memory_space<hbm>>
      tpu.enqueue_dma source(%arg22 : memref<320xf32, #tpu.memory_space<vmem>>) target(%dma_start3A_41 : memref<320xf32, #tpu.memory_space<hbm>>) target_semaphore(%run_scoped3A : memref<!tpu.dma_semaphore, #tpu.memory_space<semaphore_mem>>)
      %dma_wait3A_42 = tpu.memref_slice %arg9[%mul3A_2] : memref<10240xf32, #tpu.memory_space<hbm>> -> memref<320xf32, #tpu.memory_space<hbm>>
      %dma_wait3A_43 = tpu.memref_slice %arg9[%mul3A_2] : memref<10240xf32, #tpu.memory_space<hbm>> -> memref<320xf32, #tpu.memory_space<hbm>>
      tpu.wait_dma2 semaphore(%run_scoped3A : memref<!tpu.dma_semaphore, #tpu.memory_space<semaphore_mem>>) src(%arg22 : memref<320xf32, #tpu.memory_space<vmem>>) dst(%dma_wait3A_43 : memref<320xf32, #tpu.memory_space<hbm>>)
      tpu.yield
    }) : () -> ()
    return
  }
}

</mosaic_0001>

<sc_bundles>
// kernel: elph_hop.4.cloned.1.call-start
scs
__scs_entry_jumppad:
0x0: {  	(pc) =	sbr.rel $0x88, $3  }
0x1: {  	(tag) =	ssettag $0x0;
	lr =	simm.s32 $0x1  }
0x2: {  	[smem:$0x3F9E] =	sst lr;
	_ =	strace $0xD0000000  }
0x3: {  	_ = 	snop  }
0x4: {  	_ = 	snop  }
0x5: {  	_ = 	snop  }
0x6: {  	_ = 	snop  }
0x7: {  	_ = 	snop  }
__scs_overlays_trampoline_lowered:
0x8: {  	[smem:$0x3FAD] =	sst s0  }
0x9: {  	[smem:$0x3FAE] =	sst s1  }
0xa: {  	[smem:$0x3FAF] =	sst s2  }
0xb: {  	[smem:$0x3FB0] =	sst s3  }
0xc: {  	[smem:$0x3FB1] =	sst s4  }
0xd: {  	[smem:$0x3FB2] =	sst s5  }
0xe: {  	[smem:$0x3FB3] =	sst s6  }
0xf: {  	[smem:$0x3FB4] =	sst s7  }
0x10: {  	[smem:$0x3FB5] =	sst s8  }
0x11: {  	[smem:$0x3FB6] =	sst s9;
	s0 =	simm.s32 @!p0 $0x0  }
0x12: {  	s1 =	sld [smem:$0x3F9C];
	s0 =	simm.s32 @p0 $0x1  }
0x13: {  	[smem:$0x3FB7] =	sst s0;
	s0 =	simm.s32 @!p1 $0x0  }
0x14: {  	s2 =	sld [smem:$0x3F9B];
	s0 =	simm.s32 @p1 $0x1  }
0x15: {  	[smem:$0x3FB8] =	sst s0;
	s0 =	simm.s32 @!p2 $0x0  }
0x16: {  	s3 =	sld [smem:$0x3FDB];
	s0 =	simm.s32 @p2 $0x1  }
0x17: {  	s4 =	simm.s32 $0x1BF5;
	[smem:$0x3FBA] =	sst s0  }
0x18: {  	s0 =	sld [smem:$0x3F9D];
	_ =	swait.ge [sflag:s4], $0x0  }
0x19: {  	s7 =	sld [smem:$0x3F9E]  }
0x1a: {  	s8 =	sadd.s32 $0xFFFFE003, lr  }
0x1b: {  	s9 =	sadd.s32 $0xFFFFFEF7, lr;
	s5 =	simm.s32 $0xFFFFFFFF;
	p2 =	slt.u32 s8, $0xFFFFF086  }
0x1c: {  	p1 =	slt.u32 s9, $0xF7A;
	s5 =	simm.s32 @!p2 $0x0  }
0x1d: {  	s5 =	simm.s32 @p1 $0x1;
	p0 =	seq.s32 s7, s2  }
0x1e: {  	s7 =	smul.u32 @!p0 $0xF7A, s2;
	p2 =	seq.s32 @!p0 s5, $0x0  }
0x1f: {  	s9 =	smul.u32 $0xF7A, s1;
	s8 =	simm.s32 @!p0 $0x1BF5;
	p2 =	por !p2, p0  }
0x20: {  	[sflag:s8] =	ssyncset.s32 @!p0 $0xFFFFF086;
	s6 =	sadd.s32 @!p0 s3, s7;
	s7 =	simm.s32 @!p0 $0x108  }
0x21: {  	s3 =	sadd.s32 s3, s9;
	s6 =	sadd.s32 @!p0 $0x88, s6;
	s7 =	simm.s32 @p2 $0x1082  }
0x22: {  	[simem:s7], [sflag:s8] =	dma.local @!p0 [hbm:s6], $0xF7A  }
0x23: {  	s9 =	sor.u32 $0xD0000000, s2;
	s6 =	simm.s32 $0x108;
	_ =	swait.ge @!p0 [sflag:s8], $0x0  }
0x24: {  	s3 =	sadd.s32 $0x88, s3;
	s6 =	simm.s32 @!p1 $0x1082;
	[sflag:s4] =	ssyncset.s32 $0xFFFFF086  }
0x25: {  	[simem:s6], [sflag:s4] =	dma.local [hbm:s3], $0xF7A  }
0x26: {  	[smem:$0x3F9E] =	sst s1;
	(tag) =	ssettag s2;
	_ =	strace s9  }
0x27: {  	s1 =	sld [smem:$0x3FAE]  }
0x28: {  	s2 =	sld [smem:$0x3FAF]  }
0x29: {  	s4 =	sld [smem:$0x3FB1]  }
0x2a: {  	p0 =	seq.s32 s5, $0x0;
	s5 =	sld [smem:$0x3FB2]  }
0x2b: {  	s6 =	sld [smem:$0x3FB3]  }
0x2c: {  	s7 =	sld [smem:$0x3FB4]  }
0x2d: {  	s3 =	simm.s32 $0x108;
	s8 =	sld [smem:$0x3FB5]  }
0x2e: {  	s3 =	simm.s32 @!p0 $0x1082;
	s9 =	sld [smem:$0x3FB6]  }
0x2f: {  	lr =	sadd.s32 s0, s3;
	s0 =	sld [smem:$0x3FAD]  }
0x30: {  	s3 =	sld [smem:$0x3FB0]  }
0x31: {  	[smem:$0x3FB9] =	sst s10  }
0x32: {  	s10 =	sld [smem:$0x3FB7];
	_ =	sdelay $0x3  }
0x33: {  	p0 =	seq.s32 s10, $0x1;
	s10 =	sld [smem:$0x3FB9];
	_ =	sdelay $0x3  }
0x34: {  	[smem:$0x3FB9] =	sst s10  }
0x35: {  	s10 =	sld [smem:$0x3FB8];
	_ =	sdelay $0x3  }
0x36: {  	p1 =	seq.s32 s10, $0x1;
	s10 =	sld [smem:$0x3FB9];
	_ =	sdelay $0x3  }
0x37: {  	[smem:$0x3FB9] =	sst s10  }
0x38: {  	s10 =	sld [smem:$0x3FBA]  }
0x39: {  	_ = 	snop;
	(pc) =	sbr.ind lr, $3  }
0x3a: {  	_ = 	snop  }
0x3b: {  	_ = 	snop  }
0x3c: {  	p2 =	seq.s32 s10, $0x1;
	s10 =	sld [smem:$0x3FB9]  }
0x3d: {  	_ =	shalt  }
0x3e: {  	_ =	shalt  }
0x3f: {  	_ =	shalt  }
0x40: {  	_ =	shalt  }
0x41: {  	_ =	shalt  }
0x42: {  	_ =	shalt  }
0x43: {  	_ =	shalt  }
0x44: {  	_ =	shalt  }
0x45: {  	_ =	shalt  }
0x46: {  	_ =	shalt  }
0x47: {  	_ =	shalt  }
0x48: {  	_ =	shalt  }
0x49: {  	_ =	shalt  }
0x4a: {  	_ =	shalt  }
0x4b: {  	_ =	shalt  }
0x4c: {  	_ =	shalt  }
0x4d: {  	_ =	shalt  }
0x4e: {  	_ =	shalt  }
0x4f: {  	_ =	shalt  }
0x50: {  	_ =	shalt  }
0x51: {  	_ =	shalt  }
0x52: {  	_ =	shalt  }
0x53: {  	_ =	shalt  }
0x54: {  	_ =	shalt  }
0x55: {  	_ =	shalt  }
0x56: {  	_ =	shalt  }
0x57: {  	_ =	shalt  }
0x58: {  	_ =	shalt  }
0x59: {  	_ =	shalt  }
0x5a: {  	_ =	shalt  }
0x5b: {  	_ =	shalt  }
0x5c: {  	_ =	shalt  }
0x5d: {  	_ =	shalt  }
0x5e: {  	_ =	shalt  }
0x5f: {  	_ =	shalt  }
0x60: {  	_ =	shalt  }
0x61: {  	_ =	shalt  }
0x62: {  	_ =	shalt  }
0x63: {  	_ =	shalt  }
0x64: {  	_ =	shalt  }
0x65: {  	_ =	shalt  }
0x66: {  	_ =	shalt  }
0x67: {  	_ =	shalt  }
0x68: {  	_ =	shalt  }
0x69: {  	_ =	shalt  }
0x6a: {  	_ =	shalt  }
0x6b: {  	_ =	shalt  }
0x6c: {  	_ =	shalt  }
0x6d: {  	_ =	shalt  }
0x6e: {  	_ =	shalt  }
0x6f: {  	_ =	shalt  }
0x70: {  	_ =	shalt  }
0x71: {  	_ =	shalt  }
0x72: {  	_ =	shalt  }
0x73: {  	_ =	shalt  }
0x74: {  	_ =	shalt  }
0x75: {  	_ =	shalt  }
0x76: {  	_ =	shalt  }
0x77: {  	_ =	shalt  }
0x78: {  	_ =	shalt  }
0x79: {  	_ =	shalt  }
0x7a: {  	_ =	shalt  }
0x7b: {  	_ =	shalt  }
0x7c: {  	_ =	shalt  }
0x7d: {  	_ =	shalt  }
0x7e: {  	_ =	shalt  }
0x7f: {  	_ =	shalt  }
0x80: {  	_ =	shalt  }
0x81: {  	_ =	shalt  }
0x82: {  	_ =	shalt  }
0x83: {  	_ =	shalt  }
0x84: {  	_ =	shalt  }
0x85: {  	_ =	shalt  }
0x86: {  	_ =	shalt  }
0x87: {  	_ =	shalt  }
.Lfunc_end0:
.L_simem_size_0:
called_computation_lowered:
.L_overlay_start_0:
0x88: {  	s2 =	sld [smem:$0x3FD9]  }
0x89: {  	s3 =	sld [smem:$0x3FFE];
	_ =	sdelay $0x1  }
0x8a: {  	s1 =	srdreg.scid  }
0x8b: {  	s0 =	sand.u32 $0x1, s1  }
0x8c: {  	s14 =	sshll.u32 s0, $0xA;
	s2 =	sadd.s32 s3, s2  }
0x8d: {  	s2 =	sadd.s32 s2, s14  }
0x8e: {  	[smem:$0x3FC5] =	sst s2  }
0x8f: {  	_ = 	snop  }
0x90: {  	s2 =	sld [smem:$0x3FD0];
	_ =	sdelay $0x2  }
0x91: {  	s15 =	simm.s32 $0xA;
	s4 =	simm.s32 $0x10  }
0x92: {  	[smem:s4], [sflag:s15] =	dma.local [hbm:s2], $0x1  }
0x93: {  	_ =	swait.eq [sflag:s15], $0x1  }
0x94: {  	s16 =	sld [smem:$0x10];
	[sflag:s15] =	ssyncset.done $0x0  }
0x95: {  	s17 =	sld [smem:$0x11];
	[sflag:s15] =	ssyncadd.s32 $0xFFFFFFFF  }
0x96: {  	s18 =	sld [smem:$0x12];
	(tm) =	ssettm $0x1  }
0x97: {  	s5 =	sld [smem:$0x3FFB];
	_ =	sdelay $0x3  }
0x98: {  	_ =	strace s5  }
0x99: {  	s5 =	sld [smem:$0x3FFC];
	_ =	sdelay $0x3  }
0x9a: {  	_ =	strace s5  }
0x9b: {  	s5 =	sld [smem:$0x3FFD];
	_ =	sdelay $0x3  }
0x9c: {  	_ =	strace s5  }
0x9d: {  	_ =	strace $0x8FFFFFFF  }
0x9e: {  	s19 =	sld [smem:$0x3FDB];
	_ =	sdelay $0x1  }
0x9f: {  	s6 =	simm.s32 $_scs_section_size  }
0xa0: {  	s7 =	simm.s32 $_size__tile_overlayer_lowered;
	s8 =	simm.s32 $_tile_overlayer_lowered  }
0xa1: {  	s22 =	simm.s32 $0x1BFF;
	s21 =	sshll.u32 s8, $0x1;
	s5 =	sadd.s32 s6, s19  }
0xa2: {  	s9 =	simm.s32 $0x0;
	s20 =	sshll.u32 s7, $0x1;
	s7 =	sadd.s32 s21, s5  }
0xa3: {  	[timem:s9], [sflag:s22] =	dma.local [hbm:s7], s20  }
0xa4: {  	_ =	swait.ge [sflag:s22], s20  }
0xa5: {  	s6 =	ssub.s32 $0x0, s20;
	[sflag:s22] =	ssyncset.done $0x0  }
0xa6: {  	[sflag:s22] =	ssyncadd.s32 s6;
	_ =	sdelay $0x1  }
0xa7: {  	s23 =	simm.s32 $0x1B8B  }
0xa8: {  	_ =	swait.ge [sflag:s23], $0x1  }
0xa9: {  	[sflag:s23] =	ssyncset.done $0x0  }
0xaa: {  	s25 =	simm.s32 $0x1B8E;
	s24 =	sld [smem:$0x3FFE];
	[sflag:s23] =	ssyncadd.s32 $0xFFFFFFFF  }
0xab: {  	s26 =	simm.s32 $execute0_lowered;
	[smem:$0x3FD2] =	sst s25  }
0xac: {  	s7 =	sshll.u32 s26, $0x1;
	_ =	strace $0x80000046;
	[dreg:$0x1] =	wrdreg $0xFFFFFFFF  }
0xad: {  	s28 =	simm.s32 $_size_execute0_lowered;
	s5 =	sadd.s32 s5, s7;
	[dreg:$0x0] =	wrdreg $0x0  }
0xae: {  	s7 =	sshll.u32 s28, $0x1;
	[dreg:$0x2] =	wrdreg s5  }
0xaf: {  	[dreg:$0x3] =	wrdreg s7  }
0xb0: {  	[dreg:$0x4] =	wrdreg $0xC0  }
0xb1: {  	_ =	task [dreg:s9], $0x5FFFF  }
0xb2: {  	[dreg:$0x1] =	wrdreg $0xFFFFFFFF  }
0xb3: {  	[dreg:$0x0] =	wrdreg $0x60  }
0xb4: {  	[dreg:$0x2] =	wrdreg s24  }
0xb5: {  	[dreg:$0x3] =	wrdreg s16  }
0xb6: {  	[dreg:$0x4] =	wrdreg s17  }
0xb7: {  	[dreg:$0x5] =	wrdreg s18  }
0xb8: {  	[dreg:$0x6] =	wrdreg $0x9  }
0xb9: {  	_ =	task.clear_ibuf [dreg:s9], $0x7FFFF;
	_ =	strace $0x90000046  }
0xba: {  	s29 =	simm.s32 $0x9;
	_ =	strace $0x80000048  }
0xbb: {  	_ =	swait.ge [sflag:s29], $0x1  }
0xbc: {  	[sflag:s29] =	ssyncadd.s32 $0xFFFFFFFF  }
0xbd: {  	_ =	strace $0x90000048  }
0xbe: {  	_ =	sfence  }
0xbf: {  	s30 =	sld [smem:$0x0];
	_ =	sdelay $0x2  }
0xc0: {  	s31 =	sshll.u32 s1, $0xD;
	s1 =	sshrl.u32 s1, $0x2  }
0xc1: {  	s3 =	sand.u32 $0x4000, s31;
	s1 =	sadd.s32 s1, s30  }
0xc2: {  	s0 =	sor.u32 s3, s0;
	s1 =	sshll.u32 s1, $0x11  }
0xc3: {  	s0 =	sor.u32 s1, s0  }
0xc4: {  	s0 =	sadd.s32 $0x8F2B, s0  }
0xc5: {  	[sflag:s0] =	ssyncadd.remote.s32 $0x1  }
0xc6: {  	_ =	sfence.sel $0xFFFF  }
0xc7: {  	[dreg:$0x0] =	wrdreg $0xFFFFFFFF;
	(pc) =	sbr.abs _section_cstart, $3  }
0xc8: {  	[dreg:$0x1] =	wrdreg $0xFFFFFFFF  }
0xc9: {  	_ =	task.clear_ibuf [dreg:s9], $0x2FFFF;
	_ =	strace $0x9FFFFFFF  }
0xca: {  	(tm) =	ssettm $0x7FFFFFFF  }
0xcb: {  	_ =	shalt  }
tec
execute0_lowered:
.L_overlay_start_1:
0x0: {  	(tag) =	ssettag $0x1  }
0x1: {  	s0 =	rddreg [dreg:$0x0]  }
0x2: {  	s1 =	rddreg [dreg:$0x1];
	s2 =	srdreg.scid  }
0x3: {  	s4 =	stileid.u32;
	s3 =	rddreg [dreg:$0x2]  }
0x4: {  	s13 =	simm.s32 $0x0;
	s16 =	simm.s32 $0x1F940;
	s17 =	simm.s32 $0x19000  }
0x5: {  	s18 =	simm.s32 $0x19640;
	s19 =	simm.s32 $0x3;
	s20 =	simm.s32 $0x4  }
0x6: {  	s21 =	simm.s32 $0x19C80;
	s22 =	simm.s32 $0x1A2D0;
	s23 =	simm.s32 $0x1  }
0x7: {  	s24 =	simm.s32 $0x40;
	s2 =	sand.u32 $0x1, s2;
	s4 =	sshll.u32 s4, $0x1  }
0x8: {  	s28 =	simm.s32 $0x2;
	s29 =	simm.s32 $0x1FA50;
	s4 =	sor.u32 s2, s4  }
0x9: {  	s30 =	simm.s32 $0x1FB50;
	[smem:$0x7FF] =	sst s13;
	s5 =	smul.u32 $0xA00, s4  }
0xa: {  	s6 =	sadd.s32 $0x1E00, s0;
	s2 =	ssub.s32 $0x2, s2;
	s8 =	smul.u32 $0x2800, s4  }
0xb: {  	s7 =	sadd.s32 $0xBC00, s0;
	s4 =	smul.u32 $0x140, s4;
	s12 =	sshrl.u32 s2, $0x1  }
0xc: {  	_ =	strace $0x80000047;
	s2 =	ssub.s32 s2, s12;
	s9 =	sadd.s32 s5, s0  }
0xd: {  	s10 =	sadd.s32 s8, s0;
	s11 =	sshrl.u32 s4, $0x3;
	s8 =	sadd.s32 s7, s8  }
0xe: {  	s5 =	sadd.s32 s3, s5;
	s15 =	sadd.s32 $0x140, s4;
	[dreg:$0x5] =	wrdreg s8  }
0xf: {  	s31 =	smax.u32 s2, $0x1;
	s2 =	simm.s32 $0x5;
	[dreg:$0x6] =	wrdreg s5  }
0x10: {  	v0 =	vmov s4;
	s4 =	simm.s32 $0x0;
	s25 =	sadd.s32 $0x70400, s10;
	[dreg:$0xa] =	wrdreg s31  }
0x11: {  	s0 =	sadd.s32 s11, s0;
	s26 =	sadd.s32 $0x5C400, s9;
	[dreg:$0x7] =	wrdreg s25  }
0x12: {  	v3 =	vlaneseq.u32;
	s8 =	simm.s32 $0x14000;
	[dreg:$0x8] =	wrdreg s26;
	s0 =	sadd.s32 $0x5BE00, s0  }
0x13: {  	v2 =	vimm.s32 $0x0;
	v3 =	vmul.u32 $0x10, v3;
	v1 =	vmov s15;
	s25 =	simm.s32 $0x1A940;
	s26 =	simm.s32 $0x1E940;
	[dreg:$0x9] =	wrdreg s0  }
.LBB2_1:
0x14: {  	[dreg:$0xb] =	wrdreg s4  }
0x15: {  	s0 =	rddreg [dreg:$0x5]  }
0x16: {  	[tilespmem:s13], [sflag:$0x5] =	stream.linear.gather [hbm4b:s0+s13], $0x14000, $0x38;
	[tilespmem:$0x1FD90] =	vst v63  }
0x17: {  	_ =	swait.ge [sflag:s2], $0x14000  }
0x18: {  	[sflag:s2] =	ssyncset.done $0x0  }
0x19: {  	s15 =	rddreg [dreg:$0x6];
	[sflag:s2] =	ssyncadd.s32 $0xFFFEC000  }
0x1a: {  	[tilespmem:s8], [sflag:$0x5] =	stream.linear.gather [hbm4b:s15+s13], $0x5000, $0x38;
	[tilespmem:$0x1FD90] =	vst v63  }
0x1b: {  	_ =	swait.ge [sflag:s2], $0x5000  }
0x1c: {  	[sflag:s2] =	ssyncset.done $0x0  }
0x1d: {  	[sflag:s2] =	ssyncadd.s32 $0xFFFFB000  }
0x1e: {  	s31 =	rddreg [dreg:$0x3]  }
0x1f: {  	[tilespmem:s16], [sflag:$0x5] =	stream.linear.gather [hbm4b:s31+s13], $0x110, $0x38;
	[tilespmem:$0x1FD90] =	vst v63  }
0x20: {  	_ =	swait.ge [sflag:s2], $0x110  }
0x21: {  	[sflag:s2] =	ssyncset.done $0x0  }
0x22: {  	s0 =	simm.s32 $0x40;
	[sflag:s2] =	ssyncadd.s32 $0xFFFFFEF0;
	s2 =	simm.s32 $0x0  }
.LBB2_2:
0x23: {  	p0 =	sne.s32 s0, $0x1900;
	[tilespmem:s2+$0x19C80] =	vst v2;
	s2 =	smov.u32 s0;
	s0 =	sadd.s32 $0x40, s0  }
.Ltmp0:
0x24: {  	(pc) =	sbr.rel @p0 .LBB2_2-.Ltmp0, $2  }
0x25: {  	_ =	sdelay $0x2  }
0x26: {  	s2 =	sshra.s32 s2, $0x2  }
0x27: {  	[tilespmem:s2+$0x19C80] =	vst v2  }
.Ltmp1:
0x28: {  	[tilespmem:$0x1A920] =	vst v2;
	(pc) =	sbr.rel .LBB2_5-.Ltmp1, $4  }
0x29: {  	s0 =	simm.s32 $0x0;
	[tilespmem:$0x1A930] =	vst v2  }
0x2a: {  	[tilespmem:s17], [sflag:$0x3] =	stream.linear.gather [hbm4b:s6+s0], $0x640, $0x38;
	[tilespmem:$0x1FD90] =	vst v63  }
0x2b: {  	s4 =	simm.s32 $0x0  }
0x2c: {  	[tilespmem:s18], [sflag:$0x4] =	stream.linear.gather [hbm4b:s1+s0], $0x640, $0x38;
	[tilespmem:$0x1FD90] =	vst v63  }
.LBB2_4:
0x2d: {  	p0 =	seq.s32 s4, $0xC8  }
.Ltmp2:
0x2e: {  	_ = 	snop;
	(pc) =	sbr.rel @p0 .LBB2_13-.Ltmp2, $1  }
0x2f: {  	_ =	sdelay $0x3  }
.LBB2_5:
0x30: {  	_ =	swait.ge [sflag:s19], $0x640  }
0x31: {  	[sflag:s19] =	ssyncset.done $0x0  }
0x32: {  	[sflag:s19] =	ssyncadd.s32 $0xFFFFF9C0  }
0x33: {  	_ =	swait.ge [sflag:s20], $0x640  }
0x34: {  	[sflag:s20] =	ssyncset.done $0x0  }
0x35: {  	s2 =	simm.s32 $0x0;
	[sflag:s20] =	ssyncadd.s32 $0xFFFFF9C0  }
0x36: {  	v4 =	vld [tilespmem:s2+$0x19640];
	_ =	sdelay $0x4  }
0x37: {  	vm0 =	vge.s32 v4, v0;
	vm1 =	vlt.s32 v4, v1  }
0x38: {  	vm0 =	vmand vm0, vm1  }
0x39: {  	v6 =	vsel vm0, $0x1, v2  }
0x3a: {  	v5 =	vld [tilespmem:s2+$0x19000];
	[tilespmem:$0x1A930] =	vst v6  }
0x3b: {  	v7 =	vld [tilespmem:$0x1A92F];
	_ =	sdelay $0x4  }
0x3c: {  	v6 =	vadd.s32 v6, v7  }
0x3d: {  	[tilespmem:$0x1A930] =	vst v6  }
0x3e: {  	v7 =	vld [tilespmem:$0x1A92E];
	_ =	sdelay $0x4  }
0x3f: {  	v6 =	vadd.s32 v7, v6  }
0x40: {  	[tilespmem:$0x1A930] =	vst v6  }
0x41: {  	v7 =	vld [tilespmem:$0x1A92C];
	_ =	sdelay $0x4  }
0x42: {  	v6 =	vadd.s32 v6, v7  }
0x43: {  	[tilespmem:$0x1A930] =	vst v6  }
0x44: {  	v7 =	vld [tilespmem:$0x1A928];
	_ =	sdelay $0x1  }
0x45: {  	v8 =	vmov s0  }
0x46: {  	v8 =	vadd.s32 $0xFFFFFFFF, v8  }
0x47: {  	v8 =	vbroadcast v8, $0x0  }
0x48: {  	v6 =	vadd.s32 v6, v7  }
0x49: {  	v7 =	vadd.s32 v6, v8;
	(v2sf) =	vpush v6, $0xF;
	_ =	sdelay $0x4  }
0x4a: {  	v4 =	vsub.s32 v4, v0;
	[tilespmem:v7+s21+$0x0] =	vst.idx.msk vm0, v5  }
0x4b: {  	s31 =	simm.s32 $0x10;
	[tilespmem:v7+s22+$0x0] =	vst.idx.msk vm0, v4  }
0x4c: {  	v4 =	vld [tilespmem:s31+$0x19640];
	_ =	sdelay $0x4  }
0x4d: {  	vm0 =	vge.s32 v4, v0;
	vm1 =	vlt.s32 v4, v1  }
0x4e: {  	vm0 =	vmand vm0, vm1  }
0x4f: {  	v6 =	vsel vm0, $0x1, v2  }
0x50: {  	s5 =	simm.s32 $0x80;
	s2 =	simm.s32 $0x0;
	v5 =	vld [tilespmem:s31+$0x19000];
	[tilespmem:$0x1A930] =	vst v6;
	s8 =	spop (v2sf)  }
.LBB2_6:
0x51: {  	p0 =	sne.s32 s5, $0x18C0  }
0x52: {  	v7 =	vld [tilespmem:$0x1A92F];
	s2 =	sadd.s32 s2, s8;
	s8 =	smov.u32 s5;
	s5 =	sadd.s32 $0x40, s5  }
0x53: {  	v8 =	vmov s2  }
0x54: {  	v8 =	vadd.s32 $0xFFFFFFFF, v8;
	_ =	sdelay $0x2  }
0x55: {  	v6 =	vadd.s32 v6, v7  }
0x56: {  	[tilespmem:$0x1A930] =	vst v6  }
0x57: {  	v7 =	vld [tilespmem:$0x1A92E];
	_ =	sdelay $0x4  }
0x58: {  	v6 =	vadd.s32 v7, v6  }
0x59: {  	[tilespmem:$0x1A930] =	vst v6  }
0x5a: {  	v7 =	vld [tilespmem:$0x1A92C];
	_ =	sdelay $0x4  }
0x5b: {  	v6 =	vadd.s32 v6, v7  }
0x5c: {  	[tilespmem:$0x1A930] =	vst v6  }
0x5d: {  	v7 =	vld [tilespmem:$0x1A928];
	_ =	sdelay $0x3  }
0x5e: {  	v8 =	vbroadcast v8, $0x0  }
0x5f: {  	v6 =	vadd.s32 v6, v7  }
0x60: {  	v7 =	vadd.s32 v6, v8;
	(v2sf) =	vpush v6, $0xF;
	_ =	sdelay $0x4  }
0x61: {  	v4 =	vsub.s32 v4, v0;
	[tilespmem:v7+s21+$0x0] =	vst.idx.msk vm0, v5  }
0x62: {  	s8 =	sshra.s32 s8, $0x2;
	[tilespmem:v7+s22+$0x0] =	vst.idx.msk vm0, v4  }
0x63: {  	v4 =	vld [tilespmem:s8+$0x19640];
	_ =	sdelay $0x3  }
.Ltmp3:
0x64: {  	(pc) =	sbr.rel @p0 .LBB2_6-.Ltmp3, $4  }
0x65: {  	vm0 =	vge.s32 v4, v0;
	vm1 =	vlt.s32 v4, v1  }
0x66: {  	vm0 =	vmand vm0, vm1  }
0x67: {  	v5 =	vld [tilespmem:s8+$0x19000];
	v6 =	vsel vm0, $0x1, v2  }
0x68: {  	[tilespmem:$0x1A930] =	vst v6;
	s8 =	spop (v2sf)  }
0x69: {  	v7 =	vld [tilespmem:$0x1A92F];
	_ =	sdelay $0x4  }
0x6a: {  	v6 =	vadd.s32 v6, v7  }
0x6b: {  	[tilespmem:$0x1A930] =	vst v6  }
0x6c: {  	v60 =	vld [tilespmem:$0x1A92E];
	_ =	sdelay $0x4  }
0x6d: {  	v6 =	vadd.s32 v60, v6  }
0x6e: {  	[tilespmem:$0x1A930] =	vst v6  }
0x6f: {  	v61 =	vld [tilespmem:$0x1A92C];
	_ =	sdelay $0x4  }
0x70: {  	v6 =	vadd.s32 v6, v61  }
0x71: {  	[tilespmem:$0x1A930] =	vst v6  }
0x72: {  	v62 =	vld [tilespmem:$0x1A928];
	_ =	sdelay $0x4  }
0x73: {  	v6 =	vadd.s32 v6, v62  }
0x74: {  	(v2sf) =	vpush v6, $0xF;
	_ =	sdelay $0x1  }
0x75: {  	s2 =	sadd.s32 s2, s8  }
0x76: {  	v63 =	vmov s2  }
0x77: {  	v7 =	vadd.s32 $0xFFFFFFFF, v63  }
0x78: {  	v7 =	vbroadcast v7, $0x0;
	_ =	sdelay $0x1  }
0x79: {  	v6 =	vadd.s32 v6, v7  }
0x7a: {  	s4 =	sadd.s32 $0x1, s4  }
0x7b: {  	p0 =	slt.s32 s4, $0xC7;
	s5 =	smov.u32 s4  }
0x7c: {  	s5 =	simm.s32 @!p0 $0xC7  }
0x7d: {  	s5 =	smul.u32 $0xC8, s5  }
0x7e: {  	v4 =	vsub.s32 v4, v0;
	[tilespmem:v6+s21+$0x0] =	vst.idx.msk vm0, v5  }
0x7f: {  	s31 =	simm.s32 $0x0;
	s9 =	sadd.s32 s6, s5;
	[tilespmem:v6+s22+$0x0] =	vst.idx.msk vm0, v4  }
0x80: {  	[tilespmem:s17], [sflag:$0x3] =	stream.linear.gather [hbm4b:s9+s31], $0x640, $0x38;
	[tilespmem:$0x1FD90] =	vst v63  }
0x81: {  	s10 =	spop (v2sf)  }
0x82: {  	s10 =	sadd.s32 s2, s10  }
0x83: {  	s12 =	sadd.s32 $0x3F, s10  }
0x84: {  	s13 =	sand.u32 $0x3F, s12  }
0x85: {  	s14 =	sshra.s32 s12, $0x1F;
	p6 =	slt.s32 s12, $0x1;
	p1 =	sne.s32 s13, $0x0  }
0x86: {  	s11 =	sadd.s32 s1, s5;
	s15 =	sshrl.u32 s14, $0x1A;
	p0 =	por !p6, !p1  }
0x87: {  	s5 =	simm.s32 $0x1;
	s2 =	sadd.s32 s15, s12;
	p0 =	por !p0, !p0  }
0x88: {  	s2 =	sshra.s32 s2, $0x6;
	s5 =	simm.s32 @!p0 $0x0  }
0x89: {  	s8 =	ssub.s32 s2, s5  }
0x8a: {  	p0 =	slt.s32 s8, $0x1  }
.Ltmp4:
0x8b: {  	_ = 	snop;
	(pc) =	sbr.rel @!p0 .LBB2_8-.Ltmp4, $4  }
.Ltmp5:
0x8c: {  	_ = 	snop;
	(pc) =	sbr.rel @p0 .LBB2_4-.Ltmp5, $4  }
0x8d: {  	_ = 	snop  }
0x8e: {  	[tilespmem:s18], [sflag:$0x4] =	stream.linear.gather [hbm4b:s11+s31], $0x640, $0x38;
	[tilespmem:$0x1FD90] =	vst v63  }
0x8f: {  	s15 =	smov.u32 s10;
	s5 =	simm.s32 $0x1A2D0  }
0x90: {  	_ = 	snop  }
.LBB2_11:
0x91: {  	v4 =	vsel vm0, v4, v5  }
0x92: {  	[tilespmem:s2+$0x14030] =	vst v4  }
.LBB2_12:
0x93: {  	s31 =	sadd.s32 $0x1, s31  }
0x94: {  	p0 =	seq.s32 s31, s8  }
.Ltmp6:
0x95: {  	_ = 	snop;
	(pc) =	sbr.rel @p0 .LBB2_4-.Ltmp6, $2  }
0x96: {  	_ =	sdelay $0x2  }
0x97: {  	s15 =	sadd.s32 $0xFFFFFFC0, s15;
	s5 =	sadd.s32 $0x40, s5  }
.LBB2_8:
0x98: {  	s2 =	sshll.u32 s31, $0x6  }
0x99: {  	s9 =	sadd.s32 $0x19C80, s2  }
0x9a: {  	[tilespmem:s25], [sflag:$0x1] =	stream.indirect.gather [hbm4b:s7+s24], $0x100, s9, s24, $0xb8;
	[tilespmem:$0x1FD90] =	vst v63  }
0x9b: {  	s2 =	ssub.s32 s10, s2  }
0x9c: {  	[tilespmem:s26], [sflag:$0x2] =	stream.indirect.gather [hbm4b:s3+s24], $0x40, s9, s24, $0xb8;
	[tilespmem:$0x1FD90] =	vst v63  }
0x9d: {  	p0 =	slt.s32 s2, $0x1;
	_ =	swait.ge [sflag:s23], $0x4000  }
.Ltmp7:
0x9e: {  	[sflag:s23] =	ssyncset.done $0x0;
	(pc) =	sbr.rel @p0 .LBB2_12-.Ltmp7, $4  }
0x9f: {  	[sflag:s23] =	ssyncadd.s32 $0xFFFFC000  }
0xa0: {  	_ =	swait.ge [sflag:s28], $0x1000  }
0xa1: {  	[sflag:s28] =	ssyncset.done $0x0  }
0xa2: {  	[sflag:s28] =	ssyncadd.s32 $0xFFFFF000  }
0xa3: {  	v4 =	vld [tilespmem:s5+$0x0];
	_ =	sdelay $0x4  }
0xa4: {  	(v2sf) =	vpush v4, $0x0;
	_ =	sdelay $0xe  }
0xa5: {  	s2 =	spop (v2sf)  }
0xa6: {  	s11 =	simm.s32 $0x1A9C0;
	s9 =	sshll.u32 s2, $0xA  }
0xa7: {  	v4 =	vld [tilespmem:s11+$0xFFFFFF80];
	s9 =	sshra.s32 s9, $0x2  }
0xa8: {  	v5 =	vld [tilespmem:s9+$0x0];
	_ =	sdelay $0x4  }
0xa9: {  	v4 =	vmax.f32 v5, v4  }
0xaa: {  	[tilespmem:s9+$0x0] =	vst v4;
	v4 =	vld [tilespmem:s9+$0x10]  }
0xab: {  	v5 =	vld [tilespmem:s11+$0xFFFFFF90];
	_ =	sdelay $0x4  }
0xac: {  	v4 =	vmax.f32 v4, v5  }
0xad: {  	[tilespmem:s9+$0x10] =	vst v4;
	v4 =	vld [tilespmem:s9+$0x20]  }
0xae: {  	v5 =	vld [tilespmem:s11+$0xFFFFFFA0];
	_ =	sdelay $0x4  }
0xaf: {  	v4 =	vmax.f32 v4, v5  }
0xb0: {  	[tilespmem:s9+$0x20] =	vst v4;
	v4 =	vld [tilespmem:s9+$0x30]  }
0xb1: {  	v5 =	vld [tilespmem:s11+$0xFFFFFFB0];
	_ =	sdelay $0x4  }
0xb2: {  	v4 =	vmax.f32 v4, v5  }
0xb3: {  	[tilespmem:s9+$0x30] =	vst v4;
	v4 =	vld [tilespmem:s9+$0x40]  }
0xb4: {  	v5 =	vld [tilespmem:s11+$0xFFFFFFC0];
	_ =	sdelay $0x4  }
0xb5: {  	v4 =	vmax.f32 v4, v5  }
0xb6: {  	[tilespmem:s9+$0x40] =	vst v4;
	v4 =	vld [tilespmem:s9+$0x50]  }
0xb7: {  	v5 =	vld [tilespmem:s11+$0xFFFFFFD0];
	_ =	sdelay $0x4  }
0xb8: {  	v4 =	vmax.f32 v4, v5  }
0xb9: {  	[tilespmem:s9+$0x50] =	vst v4;
	v4 =	vld [tilespmem:s9+$0x60]  }
0xba: {  	v5 =	vld [tilespmem:s11+$0xFFFFFFE0];
	_ =	sdelay $0x4  }
0xbb: {  	v4 =	vmax.f32 v4, v5  }
0xbc: {  	[tilespmem:s9+$0x60] =	vst v4;
	v4 =	vld [tilespmem:s9+$0x70]  }
0xbd: {  	v5 =	vld [tilespmem:s11+$0xFFFFFFF0];
	_ =	sdelay $0x4  }
0xbe: {  	v4 =	vmax.f32 v4, v5  }
0xbf: {  	[tilespmem:s9+$0x70] =	vst v4;
	v4 =	vld [tilespmem:s9+$0x80]  }
0xc0: {  	v5 =	vld [tilespmem:s11+$0x0];
	_ =	sdelay $0x4  }
0xc1: {  	v4 =	vmax.f32 v4, v5  }
0xc2: {  	[tilespmem:s9+$0x80] =	vst v4;
	v4 =	vld [tilespmem:s9+$0x90]  }
0xc3: {  	v5 =	vld [tilespmem:s11+$0x10];
	_ =	sdelay $0x4  }
0xc4: {  	v4 =	vmax.f32 v4, v5  }
0xc5: {  	[tilespmem:s9+$0x90] =	vst v4;
	v4 =	vld [tilespmem:s9+$0xA0]  }
0xc6: {  	v5 =	vld [tilespmem:s11+$0x20];
	_ =	sdelay $0x4  }
0xc7: {  	v4 =	vmax.f32 v4, v5  }
0xc8: {  	[tilespmem:s9+$0xA0] =	vst v4;
	v4 =	vld [tilespmem:s9+$0xB0]  }
0xc9: {  	v5 =	vld [tilespmem:s11+$0x30];
	_ =	sdelay $0x4  }
0xca: {  	v4 =	vmax.f32 v4, v5  }
0xcb: {  	[tilespmem:s9+$0xB0] =	vst v4;
	v4 =	vld [tilespmem:s9+$0xC0]  }
0xcc: {  	v5 =	vld [tilespmem:s11+$0x40];
	_ =	sdelay $0x4  }
0xcd: {  	v4 =	vmax.f32 v4, v5  }
0xce: {  	[tilespmem:s9+$0xC0] =	vst v4;
	v4 =	vld [tilespmem:s9+$0xD0]  }
0xcf: {  	v5 =	vld [tilespmem:s11+$0x50];
	_ =	sdelay $0x4  }
0xd0: {  	v4 =	vmax.f32 v4, v5  }
0xd1: {  	[tilespmem:s9+$0xD0] =	vst v4;
	v4 =	vld [tilespmem:s9+$0xE0]  }
0xd2: {  	v5 =	vld [tilespmem:s11+$0x60];
	_ =	sdelay $0x4  }
0xd3: {  	v4 =	vmax.f32 v4, v5  }
0xd4: {  	[tilespmem:s9+$0xE0] =	vst v4;
	v4 =	vld [tilespmem:s9+$0xF0]  }
0xd5: {  	v5 =	vld [tilespmem:s11+$0x70];
	_ =	sdelay $0x4  }
0xd6: {  	s2 =	sshll.u32 s2, $0x8;
	v4 =	vmax.f32 v4, v5  }
0xd7: {  	s2 =	sshra.s32 s2, $0x2;
	[tilespmem:s9+$0xF0] =	vst v4  }
0xd8: {  	s12 =	simm.s32 $0x1E960;
	v5 =	vld [tilespmem:s2+$0x14000]  }
0xd9: {  	v6 =	vld [tilespmem:s12+$0xFFFFFFE0];
	_ =	sdelay $0x4  }
0xda: {  	vm0 =	vlt.s32 v5, v6  }
0xdb: {  	v5 =	vsel vm0, v5, v6  }
0xdc: {  	v7 =	vld [tilespmem:s2+$0x14010];
	[tilespmem:s2+$0x14000] =	vst v5  }
0xdd: {  	v5 =	vld [tilespmem:s12+$0xFFFFFFF0];
	_ =	sdelay $0x4  }
0xde: {  	vm0 =	vlt.s32 v7, v5  }
0xdf: {  	v5 =	vsel vm0, v7, v5  }
0xe0: {  	v8 =	vld [tilespmem:s2+$0x14020];
	[tilespmem:s2+$0x14010] =	vst v5  }
0xe1: {  	v5 =	vld [tilespmem:s12+$0x0];
	_ =	sdelay $0x4  }
0xe2: {  	p0 =	sgt.s32 s15, $0x1;
	s9 =	smov.u32 s15;
	vm0 =	vlt.s32 v8, v5  }
0xe3: {  	s9 =	simm.s32 @!p0 $0x1;
	v5 =	vsel vm0, v8, v5  }
0xe4: {  	v4 =	vld [tilespmem:s2+$0x14030];
	s9 =	smin.u32 s9, $0x40;
	[tilespmem:s2+$0x14020] =	vst v5  }
0xe5: {  	p0 =	sne.s32 s9, $0x1;
	v5 =	vld [tilespmem:s12+$0x10]  }
.Ltmp8:
0xe6: {  	_ = 	snop;
	(pc) =	sbr.rel @!p0 .LBB2_11-.Ltmp8, $2  }
0xe7: {  	_ =	sdelay $0x2  }
0xe8: {  	s13 =	sadd.s32 $0xFFFFFFFF, s9;
	s9 =	smov.u32 s5;
	vm0 =	vlt.s32 v4, v5  }
.LBB2_10:
0xe9: {  	v4 =	vsel vm0, v4, v5;
	s9 =	sadd.s32 $0x1, s9;
	s12 =	sadd.s32 $0x40, s12;
	s11 =	sadd.s32 $0x100, s11  }
0xea: {  	p0 =	sne.s32 s13, $0x1;
	s13 =	sadd.s32 $0xFFFFFFFF, s13;
	[tilespmem:s2+$0x14030] =	vst v4  }
0xeb: {  	v4 =	vld [tilespmem:s9+$0x0];
	_ =	sdelay $0x4  }
0xec: {  	(v2sf) =	vpush v4, $0x0;
	_ =	sdelay $0xe  }
0xed: {  	s2 =	spop (v2sf)  }
0xee: {  	s14 =	sshll.u32 s2, $0xA;
	s2 =	sshll.u32 s2, $0x8  }
0xef: {  	s14 =	sshra.s32 s14, $0x2;
	v4 =	vld [tilespmem:s11+$0xFFFFFF80]  }
0xf0: {  	v5 =	vld [tilespmem:s14+$0x0];
	_ =	sdelay $0x4  }
0xf1: {  	v4 =	vmax.f32 v5, v4  }
0xf2: {  	[tilespmem:s14+$0x0] =	vst v4;
	v4 =	vld [tilespmem:s14+$0x10]  }
0xf3: {  	v5 =	vld [tilespmem:s11+$0xFFFFFF90];
	_ =	sdelay $0x4  }
0xf4: {  	v4 =	vmax.f32 v4, v5  }
0xf5: {  	[tilespmem:s14+$0x10] =	vst v4;
	v4 =	vld [tilespmem:s14+$0x20]  }
0xf6: {  	v5 =	vld [tilespmem:s11+$0xFFFFFFA0];
	_ =	sdelay $0x4  }
0xf7: {  	v4 =	vmax.f32 v4, v5  }
0xf8: {  	[tilespmem:s14+$0x20] =	vst v4;
	v4 =	vld [tilespmem:s14+$0x30]  }
0xf9: {  	v5 =	vld [tilespmem:s11+$0xFFFFFFB0];
	_ =	sdelay $0x4  }
0xfa: {  	v4 =	vmax.f32 v4, v5  }
0xfb: {  	[tilespmem:s14+$0x30] =	vst v4;
	v4 =	vld [tilespmem:s14+$0x40]  }
0xfc: {  	v5 =	vld [tilespmem:s11+$0xFFFFFFC0];
	_ =	sdelay $0x4  }
0xfd: {  	v4 =	vmax.f32 v4, v5  }
0xfe: {  	[tilespmem:s14+$0x40] =	vst v4;
	v4 =	vld [tilespmem:s14+$0x50]  }
0xff: {  	v5 =	vld [tilespmem:s11+$0xFFFFFFD0];
	_ =	sdelay $0x4  }
0x100: {  	v4 =	vmax.f32 v4, v5  }
0x101: {  	[tilespmem:s14+$0x50] =	vst v4;
	v4 =	vld [tilespmem:s14+$0x60]  }
0x102: {  	v5 =	vld [tilespmem:s11+$0xFFFFFFE0];
	_ =	sdelay $0x4  }
0x103: {  	v4 =	vmax.f32 v4, v5  }
0x104: {  	[tilespmem:s14+$0x60] =	vst v4;
	v4 =	vld [tilespmem:s14+$0x70]  }
0x105: {  	v5 =	vld [tilespmem:s11+$0xFFFFFFF0];
	_ =	sdelay $0x4  }
0x106: {  	v4 =	vmax.f32 v4, v5  }
0x107: {  	[tilespmem:s14+$0x70] =	vst v4;
	v4 =	vld [tilespmem:s14+$0x80]  }
0x108: {  	v5 =	vld [tilespmem:s11+$0x0];
	_ =	sdelay $0x4  }
0x109: {  	v4 =	vmax.f32 v4, v5  }
0x10a: {  	[tilespmem:s14+$0x80] =	vst v4;
	v4 =	vld [tilespmem:s14+$0x90]  }
0x10b: {  	v5 =	vld [tilespmem:s11+$0x10];
	_ =	sdelay $0x4  }
0x10c: {  	v4 =	vmax.f32 v4, v5  }
0x10d: {  	[tilespmem:s14+$0x90] =	vst v4;
	v4 =	vld [tilespmem:s14+$0xA0]  }
0x10e: {  	v5 =	vld [tilespmem:s11+$0x20];
	_ =	sdelay $0x4  }
0x10f: {  	v4 =	vmax.f32 v4, v5  }
0x110: {  	[tilespmem:s14+$0xA0] =	vst v4;
	v4 =	vld [tilespmem:s14+$0xB0]  }
0x111: {  	v5 =	vld [tilespmem:s11+$0x30];
	_ =	sdelay $0x4  }
0x112: {  	v4 =	vmax.f32 v4, v5  }
0x113: {  	[tilespmem:s14+$0xB0] =	vst v4;
	v4 =	vld [tilespmem:s14+$0xC0]  }
0x114: {  	v5 =	vld [tilespmem:s11+$0x40];
	_ =	sdelay $0x4  }
0x115: {  	v4 =	vmax.f32 v4, v5  }
0x116: {  	[tilespmem:s14+$0xC0] =	vst v4;
	v4 =	vld [tilespmem:s14+$0xD0]  }
0x117: {  	v5 =	vld [tilespmem:s11+$0x50];
	_ =	sdelay $0x4  }
0x118: {  	v4 =	vmax.f32 v4, v5  }
0x119: {  	[tilespmem:s14+$0xD0] =	vst v4;
	v4 =	vld [tilespmem:s14+$0xE0]  }
0x11a: {  	v5 =	vld [tilespmem:s11+$0x60];
	_ =	sdelay $0x4  }
0x11b: {  	v4 =	vmax.f32 v4, v5  }
0x11c: {  	[tilespmem:s14+$0xE0] =	vst v4;
	v4 =	vld [tilespmem:s14+$0xF0]  }
0x11d: {  	v5 =	vld [tilespmem:s11+$0x70];
	_ =	sdelay $0x4  }
0x11e: {  	v4 =	vmax.f32 v4, v5  }
0x11f: {  	s2 =	sshra.s32 s2, $0x2;
	[tilespmem:s14+$0xF0] =	vst v4  }
0x120: {  	v5 =	vld [tilespmem:s2+$0x14000]  }
0x121: {  	v6 =	vld [tilespmem:s12+$0xFFFFFFE0]  }
0x122: {  	v7 =	vld [tilespmem:s2+$0x14010]  }
0x123: {  	v8 =	vld [tilespmem:s2+$0x14020]  }
0x124: {  	v4 =	vld [tilespmem:s2+$0x14030];
	_ =	sdelay $0x1  }
0x125: {  	vm0 =	vlt.s32 v5, v6  }
0x126: {  	v5 =	vsel vm0, v5, v6  }
0x127: {  	[tilespmem:s2+$0x14000] =	vst v5  }
0x128: {  	v5 =	vld [tilespmem:s12+$0xFFFFFFF0];
	_ =	sdelay $0x4  }
0x129: {  	vm0 =	vlt.s32 v7, v5  }
0x12a: {  	v5 =	vsel vm0, v7, v5  }
0x12b: {  	[tilespmem:s2+$0x14010] =	vst v5  }
0x12c: {  	v5 =	vld [tilespmem:s12+$0x0];
	_ =	sdelay $0x4  }
0x12d: {  	vm0 =	vlt.s32 v8, v5  }
0x12e: {  	v5 =	vsel vm0, v8, v5  }
0x12f: {  	[tilespmem:s2+$0x14020] =	vst v5  }
0x130: {  	v5 =	vld [tilespmem:s12+$0x10]  }
.Ltmp9:
0x131: {  	(pc) =	sbr.rel @p0 .LBB2_10-.Ltmp9, $2  }
0x132: {  	_ =	sdelay $0x2  }
0x133: {  	vm0 =	vlt.s32 v4, v5  }
.Ltmp10:
0x134: {  	_ = 	snop;
	(pc) =	sbr.rel .LBB2_11-.Ltmp10, $1  }
0x135: {  	_ =	sdelay $0x3  }
.LBB2_13:
0x136: {  	_ =	swait.ge [sflag:s19], $0x640  }
0x137: {  	[sflag:s19] =	ssyncset.done $0x0  }
0x138: {  	[sflag:s19] =	ssyncadd.s32 $0xFFFFF9C0  }
0x139: {  	_ =	swait.ge [sflag:s20], $0x640  }
0x13a: {  	s0 =	simm.s32 $0x0;
	[sflag:s20] =	ssyncset.done $0x0  }
0x13b: {  	s4 =	simm.s32 $0x80;
	s13 =	simm.s32 $0x0;
	[sflag:s20] =	ssyncadd.s32 $0xFFFFF9C0  }
.LBB2_14:
0x13c: {  	v4 =	vld [tilespmem:s4+$0x10]  }
0x13d: {  	v5 =	vld [tilespmem:s4+$0x30]  }
0x13e: {  	v6 =	vld [tilespmem:s4+$0xFFFFFF90]  }
0x13f: {  	v9 =	vld [tilespmem:s4+$0xFFFFFFA0]  }
0x140: {  	v11 =	vld [tilespmem:s4+$0x50]  }
0x141: {  	v12 =	vld [tilespmem:s4+$0xFFFFFF80];
	_ =	sdelay $0x2  }
0x142: {  	vm0 =	veq.f32 v4, $0.0e+00;
	v4 =	vtrunc.f32 v4  }
0x143: {  	vm1 =	veq.f32 v5, $0.0e+00;
	vm2 =	veq.f32 v6, $0.0e+00;
	v14 =	vtrunc.f32 v9  }
0x144: {  	vm3 =	veq.f32 v12, $0.0e+00;
	v15 =	vtrunc.f32 v11;
	v7 =	vcvt.f32.s32 v4  }
0x145: {  	v4 =	vtrunc.f32 v5;
	v5 =	vtrunc.f32 v6;
	v13 =	vsel vm2, $0x1, v2  }
0x146: {  	v6 =	vld [tilespmem:s4+$0xFFFFFFC0];
	vm2 =	veq.f32 v9, $0.0e+00;
	v9 =	vtrunc.f32 v12;
	v14 =	vcvt.f32.s32 v14  }
0x147: {  	v12 =	vsel vm3, $0x1, v2;
	v5 =	vcvt.f32.s32 v5;
	v9 =	vcvt.f32.s32 v9  }
0x148: {  	v8 =	vcvt.f32.s32 v4;
	v10 =	vsel vm2, $0x1, v2;
	vm2 =	veq.f32 v11, $0.0e+00  }
0x149: {  	v11 =	vshll.u32 v5, $0x17;
	v5 =	vcvt.f32.s32 v15;
	v9 =	vshll.u32 v9, $0x17  }
0x14a: {  	v13 =	vadd.s32 v12, v13;
	v12 =	vld [tilespmem:s4+$0xFFFFFFD0];
	v4 =	vsel vm2, $0x1, v2;
	v16 =	vsub.s32 $0x3F800000, v9  }
0x14b: {  	s9 =	simm.s32 $0x1;
	v9 =	vld [tilespmem:s4+$0xFFFFFFB0];
	vm2 =	veq.f32 v6, $0.0e+00;
	v15 =	vtrunc.f32 v6;
	v5 =	vshll.u32 v5, $0x17  }
0x14c: {  	s10 =	smov.u32 s4;
	s8 =	smov.u32 s4;
	s5 =	simm.s32 $0x0;
	v16 =	vadd.f32 $0.0e+00, v16;
	v6 =	vsel vm2, $0x1, v2;
	v15 =	vcvt.f32.s32 v15  }
.LBB2_15:
0x14d: {  	p0 =	sne.s32 s9, $0xF  }
0x14e: {  	v10 =	vadd.s32 v10, v13;
	v7 =	vshll.u32 v7, $0x17;
	v8 =	vshll.u32 v8, $0x17;
	s10 =	sadd.s32 $0x100, s10;
	s2 =	smov.u32 s9;
	s9 =	sadd.s32 $0x1, s9  }
0x14f: {  	v11 =	vsub.s32 $0x3F800000, v11;
	vm2 =	veq.f32 v12, $0.0e+00;
	v12 =	vtrunc.f32 v12  }
0x150: {  	v11 =	vadd.f32 v11, v16;
	v13 =	vtrunc.f32 v9;
	v12 =	vcvt.f32.s32 v12  }
0x151: {  	v14 =	vshll.u32 v14, $0x17;
	v15 =	vshll.u32 v15, $0x17;
	v16 =	vsel vm2, $0x1, v2;
	v17 =	vld [tilespmem:s8+$0xFFFFFFE0]  }
0x152: {  	v14 =	vsub.s32 $0x3F800000, v14;
	v13 =	vcvt.f32.s32 v13;
	v12 =	vshll.u32 v12, $0x17;
	v18 =	vld [tilespmem:s8+$0xFFFFFFF0]  }
0x153: {  	vm2 =	veq.f32 v9, $0.0e+00;
	v9 =	vsub.s32 $0x3F800000, v12;
	v12 =	vor.u32 s5, v3;
	s5 =	smov.u32 s2  }
0x154: {  	v11 =	vadd.f32 v14, v11;
	v14 =	vsel vm2, $0x1, v2;
	v13 =	vshll.u32 v13, $0x17  }
0x155: {  	v10 =	vadd.s32 v14, v10;
	v14 =	vsel vm1, $0x1, v2;
	v13 =	vsub.s32 $0x3F800000, v13  }
0x156: {  	v6 =	vadd.s32 v6, v10;
	v10 =	vsub.s32 $0x3F800000, v15;
	v11 =	vadd.f32 v13, v11;
	v13 =	vld [tilespmem:s8+$0x0]  }
0x157: {  	v6 =	vadd.s32 v16, v6;
	vm1 =	veq.f32 v17, $0.0e+00;
	v15 =	vtrunc.f32 v17  }
0x158: {  	v10 =	vadd.f32 v10, v11;
	v11 =	vcvt.f32.s32 v15;
	v15 =	vtrunc.f32 v18  }
0x159: {  	v16 =	vsel vm1, $0x1, v2;
	vm1 =	veq.f32 v18, $0.0e+00;
	v15 =	vcvt.f32.s32 v15  }
0x15a: {  	v6 =	vadd.s32 v16, v6;
	v9 =	vadd.f32 v9, v10;
	v10 =	vshll.u32 v11, $0x17;
	v11 =	vld [tilespmem:s8+$0x20]  }
0x15b: {  	v10 =	vsub.s32 $0x3F800000, v10;
	v15 =	vshll.u32 v15, $0x17;
	vm2 =	veq.f32 v13, $0.0e+00  }
0x15c: {  	v9 =	vadd.f32 v10, v9;
	v13 =	vtrunc.f32 v13;
	v10 =	vsel vm2, $0x1, v2  }
0x15d: {  	v16 =	vsel vm1, $0x1, v2;
	v15 =	vsub.s32 $0x3F800000, v15;
	v13 =	vcvt.f32.s32 v13;
	v17 =	vld [tilespmem:s8+$0x40]  }
0x15e: {  	v6 =	vadd.s32 v16, v6;
	v9 =	vadd.f32 v15, v9;
	v15 =	vsel vm0, $0x1, v2  }
0x15f: {  	v6 =	vadd.s32 v10, v6;
	v10 =	vshll.u32 v13, $0x17;
	v13 =	vtrunc.f32 v11  }
0x160: {  	v6 =	vadd.s32 v15, v6;
	v10 =	vsub.s32 $0x3F800000, v10;
	vm0 =	veq.f32 v11, $0.0e+00;
	v11 =	vld [tilespmem:s8+$0x60]  }
0x161: {  	v9 =	vadd.f32 v10, v9;
	v10 =	vsel vm0, $0x1, v2;
	v13 =	vcvt.f32.s32 v13;
	v15 =	vld [tilespmem:s8+$0x70];
	s8 =	smov.u32 s10  }
0x162: {  	v7 =	vsub.s32 $0x3F800000, v7;
	v6 =	vadd.s32 v10, v6;
	vm0 =	veq.f32 v17, $0.0e+00  }
0x163: {  	v7 =	vadd.f32 v7, v9;
	v9 =	vshll.u32 v13, $0x17;
	v6 =	vadd.s32 v14, v6  }
0x164: {  	v13 =	vtrunc.f32 v17;
	v9 =	vsub.s32 $0x3F800000, v9;
	v10 =	vsel vm0, $0x1, v2  }
0x165: {  	v7 =	vadd.f32 v9, v7;
	v6 =	vadd.s32 v10, v6;
	v9 =	vcvt.f32.s32 v13  }
0x166: {  	v8 =	vsub.s32 $0x3F800000, v8;
	v4 =	vadd.s32 v4, v6;
	v6 =	vtrunc.f32 v15  }
0x167: {  	v7 =	vadd.f32 v8, v7;
	v8 =	vshll.u32 v9, $0x17;
	v6 =	vcvt.f32.s32 v6  }
0x168: {  	vm0 =	veq.f32 v11, $0.0e+00;
	v9 =	vtrunc.f32 v11;
	v8 =	vsub.s32 $0x3F800000, v8  }
0x169: {  	vm1 =	veq.f32 v15, $0.0e+00;
	v7 =	vadd.f32 v8, v7;
	v8 =	vcvt.f32.s32 v9  }
0x16a: {  	v5 =	vsub.s32 $0x3F800000, v5;
	v9 =	vsel vm1, $0x1, v2;
	v6 =	vshll.u32 v6, $0x17  }
0x16b: {  	v5 =	vadd.f32 v5, v7;
	v7 =	vsel vm0, $0x1, v2;
	v8 =	vshll.u32 v8, $0x17  }
0x16c: {  	v4 =	vadd.s32 v7, v4;
	v7 =	vsub.s32 $0x3F800000, v8  }
0x16d: {  	v5 =	vadd.f32 v7, v5;
	v4 =	vadd.s32 v9, v4  }
0x16e: {  	v6 =	vsub.s32 $0x3F800000, v6;
	[tilespmem:v12+s29+$0x0] =	vst.idx.msk $0xffff, v4  }
0x16f: {  	v4 =	vadd.f32 v6, v5;
	_ =	sdelay $0x1  }
0x170: {  	[tilespmem:v12+s30+$0x0] =	vst.idx.msk $0xffff, v4  }
0x171: {  	v4 =	vld [tilespmem:s10+$0x10]  }
0x172: {  	v5 =	vld [tilespmem:s10+$0x30]  }
0x173: {  	v6 =	vld [tilespmem:s10+$0xFFFFFF90]  }
0x174: {  	v9 =	vld [tilespmem:s10+$0xFFFFFFA0]  }
0x175: {  	v11 =	vld [tilespmem:s10+$0x50]  }
0x176: {  	v12 =	vld [tilespmem:s10+$0xFFFFFF80];
	vm0 =	veq.f32 v4, $0.0e+00;
	v4 =	vtrunc.f32 v4  }
0x177: {  	v14 =	vld [tilespmem:s10+$0xFFFFFFC0];
	v7 =	vcvt.f32.s32 v4;
	vm1 =	veq.f32 v5, $0.0e+00;
	v4 =	vtrunc.f32 v5  }
0x178: {  	vm2 =	veq.f32 v6, $0.0e+00;
	v5 =	vtrunc.f32 v6;
	v8 =	vcvt.f32.s32 v4  }
0x179: {  	v6 =	vsel vm2, $0x1, v2;
	v5 =	vcvt.f32.s32 v5;
	vm2 =	veq.f32 v9, $0.0e+00  }
0x17a: {  	v15 =	vtrunc.f32 v9;
	v10 =	vsel vm2, $0x1, v2;
	vm2 =	veq.f32 v11, $0.0e+00  }
0x17b: {  	vm3 =	veq.f32 v12, $0.0e+00;
	v9 =	vtrunc.f32 v12;
	v4 =	vsel vm2, $0x1, v2  }
.Ltmp11:
0x17c: {  	v16 =	vtrunc.f32 v11;
	v12 =	vsel vm3, $0x1, v2;
	v9 =	vcvt.f32.s32 v9;
	(pc) =	sbr.rel @p0 .LBB2_15-.Ltmp11, $4  }
0x17d: {  	v11 =	vshll.u32 v5, $0x17;
	v5 =	vcvt.f32.s32 v16;
	v13 =	vadd.s32 v12, v6;
	v12 =	vld [tilespmem:s10+$0xFFFFFFD0]  }
0x17e: {  	vm2 =	veq.f32 v14, $0.0e+00;
	v17 =	vtrunc.f32 v14;
	v6 =	vshll.u32 v9, $0x17;
	v9 =	vld [tilespmem:s10+$0xFFFFFFB0]  }
0x17f: {  	v5 =	vshll.u32 v5, $0x17;
	v14 =	vsub.s32 $0x3F800000, v6;
	v6 =	vsel vm2, $0x1, v2  }
0x180: {  	v16 =	vadd.f32 $0.0e+00, v14;
	v14 =	vcvt.f32.s32 v15;
	v15 =	vcvt.f32.s32 v17  }
0x181: {  	v10 =	vadd.s32 v10, v13  }
0x182: {  	v7 =	vshll.u32 v7, $0x17;
	v8 =	vshll.u32 v8, $0x17;
	v11 =	vsub.s32 $0x3F800000, v11  }
0x183: {  	v49 =	vor.u32 s5, v3;
	v50 =	vsel vm1, $0x1, v2;
	v22 =	vsel vm0, $0x1, v2  }
0x184: {  	v5 =	vsub.s32 $0x3F800000, v5;
	vm2 =	veq.f32 v12, $0.0e+00;
	v46 =	vtrunc.f32 v9  }
0x185: {  	v17 =	vld [tilespmem:s8+$0xFFFFFFE0];
	v11 =	vadd.f32 v11, v16;
	v14 =	vshll.u32 v14, $0x17;
	v13 =	vcvt.f32.s32 v46  }
0x186: {  	v45 =	vtrunc.f32 v12;
	v15 =	vshll.u32 v15, $0x17;
	v14 =	vsub.s32 $0x3F800000, v14  }
0x187: {  	v48 =	vld [tilespmem:s8+$0xFFFFFFF0];
	v7 =	vsub.s32 $0x3F800000, v7;
	v11 =	vadd.f32 v14, v11;
	v13 =	vshll.u32 v13, $0x17  }
0x188: {  	v12 =	vcvt.f32.s32 v45;
	vm7 =	veq.f32 v9, $0.0e+00;
	v13 =	vsub.s32 $0x3F800000, v13  }
0x189: {  	v51 =	vld [tilespmem:s8+$0x0];
	v52 =	vsub.s32 $0x3F800000, v15;
	v18 =	vsel vm7, $0x1, v2;
	v11 =	vadd.f32 v13, v11  }
0x18a: {  	v12 =	vshll.u32 v12, $0x17;
	v10 =	vadd.s32 v18, v10;
	v53 =	vtrunc.f32 v17  }
0x18b: {  	v6 =	vadd.s32 v6, v10;
	v54 =	vcvt.f32.s32 v53;
	v10 =	vadd.f32 v52, v11  }
0x18c: {  	v8 =	vsub.s32 $0x3F800000, v8;
	v12 =	vsub.s32 $0x3F800000, v12;
	v55 =	vtrunc.f32 v48  }
0x18d: {  	v57 =	vld [tilespmem:s8+$0x20];
	v15 =	vcvt.f32.s32 v55;
	v11 =	vshll.u32 v54, $0x17;
	v10 =	vadd.f32 v12, v10  }
0x18e: {  	v62 =	vld [tilespmem:s8+$0x40];
	v47 =	vsel vm2, $0x1, v2;
	v59 =	vtrunc.f32 v51;
	v58 =	vsub.s32 $0x3F800000, v11  }
0x18f: {  	v60 =	vcvt.f32.s32 v59;
	v15 =	vshll.u32 v15, $0x17;
	v9 =	vadd.f32 v58, v10  }
0x190: {  	vm8 =	veq.f32 v17, $0.0e+00;
	vm9 =	veq.f32 v48, $0.0e+00;
	v61 =	vsub.s32 $0x3F800000, v15  }
0x191: {  	vm10 =	veq.f32 v51, $0.0e+00;
	v10 =	vshll.u32 v60, $0x17;
	v9 =	vadd.f32 v61, v9  }
0x192: {  	v20 =	vtrunc.f32 v57;
	vm11 =	veq.f32 v57, $0.0e+00;
	v10 =	vsub.s32 $0x3F800000, v10  }
0x193: {  	v23 =	vld [tilespmem:s8+$0x60];
	v25 =	vtrunc.f32 v62;
	v21 =	vcvt.f32.s32 v20;
	v9 =	vadd.f32 v10, v9  }
0x194: {  	vm12 =	veq.f32 v62, $0.0e+00;
	v6 =	vadd.s32 v47, v6;
	v56 =	vsel vm8, $0x1, v2  }
0x195: {  	v63 =	vsel vm9, $0x1, v2;
	v24 =	vshll.u32 v21, $0x17;
	v7 =	vadd.f32 v7, v9  }
0x196: {  	v27 =	vcvt.f32.s32 v25;
	v6 =	vadd.s32 v56, v6;
	v9 =	vsub.s32 $0x3F800000, v24  }
0x197: {  	v26 =	vld [tilespmem:s8+$0x70];
	v13 =	vsel vm10, $0x1, v2;
	v6 =	vadd.s32 v63, v6;
	v7 =	vadd.f32 v9, v7  }
0x198: {  	v30 =	vtrunc.f32 v23;
	v28 =	vshll.u32 v27, $0x17;
	v6 =	vadd.s32 v13, v6  }
0x199: {  	v6 =	vadd.s32 v22, v6;
	v12 =	vsel vm11, $0x1, v2;
	v7 =	vadd.f32 v8, v7  }
0x19a: {  	v31 =	vcvt.f32.s32 v30;
	v6 =	vadd.s32 v12, v6;
	v8 =	vsub.s32 $0x3F800000, v28  }
0x19b: {  	v29 =	vsel vm12, $0x1, v2;
	v6 =	vadd.s32 v50, v6;
	v7 =	vadd.f32 v8, v7  }
0x19c: {  	v32 =	vtrunc.f32 v26;
	v33 =	vshll.u32 v31, $0x17;
	v6 =	vadd.s32 v29, v6  }
0x19d: {  	v4 =	vadd.s32 v4, v6;
	v6 =	vcvt.f32.s32 v32;
	v5 =	vadd.f32 v5, v7  }
0x19e: {  	vm13 =	veq.f32 v23, $0.0e+00;
	vm14 =	veq.f32 v26, $0.0e+00;
	v7 =	vsub.s32 $0x3F800000, v33  }
0x19f: {  	v34 =	vsel vm13, $0x1, v2;
	v6 =	vshll.u32 v6, $0x17;
	v5 =	vadd.f32 v7, v5  }
0x1a0: {  	v35 =	vsel vm14, $0x1, v2;
	v4 =	vadd.s32 v34, v4;
	v6 =	vsub.s32 $0x3F800000, v6  }
0x1a1: {  	v4 =	vadd.s32 v35, v4;
	v5 =	vadd.f32 v6, v5  }
0x1a2: {  	[tilespmem:v49+s29+$0x0] =	vst.idx.msk $0xffff, v4  }
0x1a3: {  	[tilespmem:v49+s30+$0x0] =	vst.idx.msk $0xffff, v5  }
0x1a4: {  	v4 =	vld [tilespmem:$0x1FB50]  }
0x1a5: {  	v5 =	vld [tilespmem:$0x1FB60]  }
0x1a6: {  	v36 =	vld [tilespmem:$0x1FA50]  }
0x1a7: {  	v37 =	vld [tilespmem:$0x1FB70]  }
0x1a8: {  	v38 =	vld [tilespmem:$0x1FA60]  }
0x1a9: {  	v39 =	vld [tilespmem:$0x1FB80]  }
0x1aa: {  	v40 =	vld [tilespmem:$0x1FB90];
	v4 =	vadd.f32 v5, v4  }
0x1ab: {  	v41 =	vld [tilespmem:$0x1FA80]  }
0x1ac: {  	v42 =	vld [tilespmem:$0x1FBA0];
	v4 =	vadd.f32 v37, v4  }
0x1ad: {  	v43 =	vld [tilespmem:$0x1FA90]  }
0x1ae: {  	v44 =	vld [tilespmem:$0x1FBB0];
	v4 =	vadd.f32 v39, v4  }
0x1af: {  	v45 =	vld [tilespmem:$0x1FAA0]  }
0x1b0: {  	v46 =	vld [tilespmem:$0x1FBC0];
	v4 =	vadd.f32 v40, v4  }
0x1b1: {  	v47 =	vld [tilespmem:$0x1FAB0]  }
0x1b2: {  	v14 =	vld [tilespmem:$0x1FBD0];
	v4 =	vadd.f32 v42, v4  }
0x1b3: {  	v48 =	vld [tilespmem:$0x1FAC0]  }
0x1b4: {  	v49 =	vld [tilespmem:$0x1FBE0];
	v4 =	vadd.f32 v44, v4  }
0x1b5: {  	v50 =	vld [tilespmem:$0x1FAD0]  }
0x1b6: {  	v5 =	vld [tilespmem:$0x1FA70];
	v4 =	vadd.f32 v46, v4  }
0x1b7: {  	v51 =	vld [tilespmem:$0x1FBF0]  }
0x1b8: {  	v52 =	vld [tilespmem:$0x1FAE0];
	v4 =	vadd.f32 v14, v4  }
0x1b9: {  	v53 =	vld [tilespmem:$0x1FC00]  }
0x1ba: {  	v54 =	vld [tilespmem:$0x1FAF0];
	v6 =	vadd.s32 v36, v38;
	v4 =	vadd.f32 v49, v4  }
0x1bb: {  	v55 =	vld [tilespmem:$0x1FC10];
	v5 =	vadd.s32 v5, v6  }
0x1bc: {  	v56 =	vld [tilespmem:$0x1FB00];
	v5 =	vadd.s32 v41, v5;
	v4 =	vadd.f32 v51, v4  }
0x1bd: {  	v57 =	vld [tilespmem:$0x1FC20];
	v5 =	vadd.s32 v43, v5  }
0x1be: {  	v58 =	vld [tilespmem:$0x1FB10];
	v5 =	vadd.s32 v45, v5;
	v4 =	vadd.f32 v53, v4  }
0x1bf: {  	v59 =	vld [tilespmem:$0x1FC30];
	v5 =	vadd.s32 v47, v5  }
0x1c0: {  	v60 =	vld [tilespmem:$0x1FB20];
	v5 =	vadd.s32 v48, v5;
	v4 =	vadd.f32 v55, v4  }
0x1c1: {  	v61 =	vld [tilespmem:$0x1FC40];
	v5 =	vadd.s32 v50, v5  }
0x1c2: {  	v62 =	vld [tilespmem:$0x1FB30];
	v5 =	vadd.s32 v52, v5;
	v4 =	vadd.f32 v57, v4  }
0x1c3: {  	v63 =	vld [tilespmem:$0x1FB40];
	v5 =	vadd.s32 v54, v5  }
0x1c4: {  	v5 =	vadd.s32 v56, v5;
	v4 =	vadd.f32 v59, v4  }
0x1c5: {  	v5 =	vadd.s32 v58, v5  }
0x1c6: {  	v5 =	vadd.s32 v60, v5;
	v4 =	vadd.f32 v61, v4  }
0x1c7: {  	v5 =	vadd.s32 v62, v5  }
0x1c8: {  	v5 =	vadd.s32 v63, v5;
	(erf) = vrcp.f32 v4;
	_ =	sdelay $0x4  }
0x1c9: {  	v4 =	vld.idx.msk [tilespmem:v5+s16+$0x0], $0xffff;
	_ =	sdelay $0x1  }
0x1ca: {  	s2 =	sshll.u32 s0, $0x4;
	s0 =	sadd.s32 $0x1, s0  }
0x1cb: {  	p0 =	sne.s32 s0, $0x14  }
.Ltmp12:
0x1cc: {  	vm15 =	vgt.s32 v5, $0x0;
	v5 =	vpop (erf);
	(pc) =	sbr.rel @p0 .LBB2_14-.Ltmp12, $4  }
0x1cd: {  	v4 =	vnsel vm15, $0x435D0000, v4;
	v5 =	vmul.f32 $4.707271090e+04, v5  }
0x1ce: {  	vm0 =	vgt.f32 v4, $2.200000000e+02  }
0x1cf: {  	s2 =	sand.u32 $0x3FFFFFF0, s2;
	v4 =	vsel vm0, v5, v4  }
0x1d0: {  	s4 =	sadd.s32 $0x1000, s4;
	[tilespmem:s2+$0x1FC50] =	vst v4  }
0x1d1: {  	s0 =	rddreg [dreg:$0x7];
	s2 =	simm.s32 $0x5  }
0x1d2: {  	[hbm4b:s0+s13] =	stream.linear.scatter [tilespmem:s13], [sflag:$0x5], $0x14000, $0x38;
	[tilespmem:$0x1FD90] =	vst v63  }
0x1d3: {  	_ =	swait.ge [sflag:s2], $0x14000  }
0x1d4: {  	[sflag:s2] =	ssyncset.done $0x0  }
0x1d5: {  	s8 =	simm.s32 $0x14000;
	s12 =	rddreg [dreg:$0x8];
	[sflag:s2] =	ssyncadd.s32 $0xFFFEC000  }
0x1d6: {  	[hbm4b:s12+s13] =	stream.linear.scatter [tilespmem:s8], [sflag:$0x5], $0x5000, $0x38;
	[tilespmem:$0x1FD90] =	vst v63  }
0x1d7: {  	_ =	swait.ge [sflag:s2], $0x5000  }
0x1d8: {  	[sflag:s2] =	ssyncset.done $0x0  }
0x1d9: {  	s4 =	simm.s32 $0x1FC50;
	s14 =	rddreg [dreg:$0x9];
	[sflag:s2] =	ssyncadd.s32 $0xFFFFB000  }
0x1da: {  	[hbm4b:s14+s13] =	stream.linear.scatter [tilespmem:s4], [sflag:$0x5], $0x140, $0x38;
	[tilespmem:$0x1FD90] =	vst v63  }
0x1db: {  	_ =	swait.ge [sflag:s2], $0x140  }
0x1dc: {  	s15 =	rddreg [dreg:$0xb]  }
0x1dd: {  	s31 =	rddreg [dreg:$0xa];
	s4 =	sadd.s32 $0x1, s15  }
0x1de: {  	p0 =	sne.s32 s4, s31  }
.Ltmp13:
0x1df: {  	_ = 	snop;
	(pc) =	sbr.rel @p0 .LBB2_1-.Ltmp13, $3  }
0x1e0: {  	_ =	sdelay $0x1  }
0x1e1: {  	[sflag:s2] =	ssyncset.done $0x0  }
0x1e2: {  	[sflag:s2] =	ssyncadd.s32 $0xFFFFFEC0  }
0x1e3: {  	_ =	sfence.sel $0x180000  }
0x1e4: {  	[bflag:$0x0] =	sbarrier.arrive $0xFFFF  }
0x1e5: {  	_ =	strace $0x90000047  }
0x1e6: {  	s0 =	stileid.u32;
	[bflag:$0x2] =	sbarrier.arrive $0xFFFF  }
0x1e7: {  	p0 =	sne.s32 s0, $0x0;
	s0 =	rddreg [dreg:$0x4]  }
0x1e8: {  	s0 =	sadd.s32 @!p0 $0x100000, s0  }
0x1e9: {  	[sflag:s0] =	ssyncadd.tile.s32 @!p0 $0x1;
	_ =	shalt  }
.Lfunc_end2:
_tile_overlayer_lowered:
.L_overlay_start_2:
0x1ea: {  	(tag) =	ssettag $0x2  }
0x1eb: {  	s0 =	rddreg [dreg:$0x0];
	s2 =	stileid.u32  }
0x1ec: {  	s1 =	rddreg [dreg:$0x1];
	p0 =	sne.s32 s2, $0x0  }
0x1ed: {  	s3 =	rddreg [dreg:$0x2];
	[bflag:$0x3] =	sbarrier.arrive $0xFFFF;
	s2 =	simm.s32 @!p0 $0x1C05  }
0x1ee: {  	[timem:s3], [sflag:s2] =	dma.local @!p0 [hbm:s0], s1  }
0x1ef: {  	s0 =	simm.s32 @!p0 $0x5  }
0x1f0: {  	_ =	swait.ge @!p0 [sflag:s0], s1  }
0x1f1: {  	s1 =	ssub.s32 @!p0 $0x0, s1;
	[sflag:s0] =	ssyncset.done @!p0 $0x0  }
0x1f2: {  	[sflag:s0] =	ssyncadd.s32 @!p0 s1  }
0x1f3: {  	[bflag:$0x3] =	sbarrier.arrive $0xFFFF  }
0x1f4: {  	_ =	shalt  }

// kernel: elph_hop.7.cloned.1.call-start
scs
__scs_entry_jumppad:
0x0: {  	(pc) =	sbr.rel $0x88, $3  }
0x1: {  	(tag) =	ssettag $0x0;
	lr =	simm.s32 $0x1  }
0x2: {  	[smem:$0x3F9E] =	sst lr;
	_ =	strace $0xD0000000  }
0x3: {  	_ = 	snop  }
0x4: {  	_ = 	snop  }
0x5: {  	_ = 	snop  }
0x6: {  	_ = 	snop  }
0x7: {  	_ = 	snop  }
__scs_overlays_trampoline_lowered:
0x8: {  	[smem:$0x3FAD] =	sst s0  }
0x9: {  	[smem:$0x3FAE] =	sst s1  }
0xa: {  	[smem:$0x3FAF] =	sst s2  }
0xb: {  	[smem:$0x3FB0] =	sst s3  }
0xc: {  	[smem:$0x3FB1] =	sst s4  }
0xd: {  	[smem:$0x3FB2] =	sst s5  }
0xe: {  	[smem:$0x3FB3] =	sst s6  }
0xf: {  	[smem:$0x3FB4] =	sst s7  }
0x10: {  	[smem:$0x3FB5] =	sst s8  }
0x11: {  	[smem:$0x3FB6] =	sst s9;
	s0 =	simm.s32 @!p0 $0x0  }
0x12: {  	s1 =	sld [smem:$0x3F9C];
	s0 =	simm.s32 @p0 $0x1  }
0x13: {  	[smem:$0x3FB7] =	sst s0;
	s0 =	simm.s32 @!p1 $0x0  }
0x14: {  	s2 =	sld [smem:$0x3F9B];
	s0 =	simm.s32 @p1 $0x1  }
0x15: {  	[smem:$0x3FB8] =	sst s0;
	s0 =	simm.s32 @!p2 $0x0  }
0x16: {  	s3 =	sld [smem:$0x3FDB];
	s0 =	simm.s32 @p2 $0x1  }
0x17: {  	s4 =	simm.s32 $0x1BF5;
	[smem:$0x3FBA] =	sst s0  }
0x18: {  	s0 =	sld [smem:$0x3F9D];
	_ =	swait.ge [sflag:s4], $0x0  }
0x19: {  	s7 =	sld [smem:$0x3F9E]  }
0x1a: {  	s8 =	sadd.s32 $0xFFFFE003, lr  }
0x1b: {  	s9 =	sadd.s32 $0xFFFFFEF7, lr;
	s5 =	simm.s32 $0xFFFFFFFF;
	p2 =	slt.u32 s8, $0xFFFFF086  }
0x1c: {  	p1 =	slt.u32 s9, $0xF7A;
	s5 =	simm.s32 @!p2 $0x0  }
0x1d: {  	s5 =	simm.s32 @p1 $0x1;
	p0 =	seq.s32 s7, s2  }
0x1e: {  	s7 =	smul.u32 @!p0 $0xF7A, s2;
	p2 =	seq.s32 @!p0 s5, $0x0  }
0x1f: {  	s9 =	smul.u32 $0xF7A, s1;
	s8 =	simm.s32 @!p0 $0x1BF5;
	p2 =	por !p2, p0  }
0x20: {  	[sflag:s8] =	ssyncset.s32 @!p0 $0xFFFFF086;
	s6 =	sadd.s32 @!p0 s3, s7;
	s7 =	simm.s32 @!p0 $0x108  }
0x21: {  	s3 =	sadd.s32 s3, s9;
	s6 =	sadd.s32 @!p0 $0x88, s6;
	s7 =	simm.s32 @p2 $0x1082  }
0x22: {  	[simem:s7], [sflag:s8] =	dma.local @!p0 [hbm:s6], $0xF7A  }
0x23: {  	s9 =	sor.u32 $0xD0000000, s2;
	s6 =	simm.s32 $0x108;
	_ =	swait.ge @!p0 [sflag:s8], $0x0  }
0x24: {  	s3 =	sadd.s32 $0x88, s3;
	s6 =	simm.s32 @!p1 $0x1082;
	[sflag:s4] =	ssyncset.s32 $0xFFFFF086  }
0x25: {  	[simem:s6], [sflag:s4] =	dma.local [hbm:s3], $0xF7A  }
0x26: {  	[smem:$0x3F9E] =	sst s1;
	(tag) =	ssettag s2;
	_ =	strace s9  }
0x27: {  	s1 =	sld [smem:$0x3FAE]  }
0x28: {  	s2 =	sld [smem:$0x3FAF]  }
0x29: {  	s4 =	sld [smem:$0x3FB1]  }
0x2a: {  	p0 =	seq.s32 s5, $0x0;
	s5 =	sld [smem:$0x3FB2]  }
0x2b: {  	s6 =	sld [smem:$0x3FB3]  }
0x2c: {  	s7 =	sld [smem:$0x3FB4]  }
0x2d: {  	s3 =	simm.s32 $0x108;
	s8 =	sld [smem:$0x3FB5]  }
0x2e: {  	s3 =	simm.s32 @!p0 $0x1082;
	s9 =	sld [smem:$0x3FB6]  }
0x2f: {  	lr =	sadd.s32 s0, s3;
	s0 =	sld [smem:$0x3FAD]  }
0x30: {  	s3 =	sld [smem:$0x3FB0]  }
0x31: {  	[smem:$0x3FB9] =	sst s10  }
0x32: {  	s10 =	sld [smem:$0x3FB7];
	_ =	sdelay $0x3  }
0x33: {  	p0 =	seq.s32 s10, $0x1;
	s10 =	sld [smem:$0x3FB9];
	_ =	sdelay $0x3  }
0x34: {  	[smem:$0x3FB9] =	sst s10  }
0x35: {  	s10 =	sld [smem:$0x3FB8];
	_ =	sdelay $0x3  }
0x36: {  	p1 =	seq.s32 s10, $0x1;
	s10 =	sld [smem:$0x3FB9];
	_ =	sdelay $0x3  }
0x37: {  	[smem:$0x3FB9] =	sst s10  }
0x38: {  	s10 =	sld [smem:$0x3FBA]  }
0x39: {  	_ = 	snop;
	(pc) =	sbr.ind lr, $3  }
0x3a: {  	_ = 	snop  }
0x3b: {  	_ = 	snop  }
0x3c: {  	p2 =	seq.s32 s10, $0x1;
	s10 =	sld [smem:$0x3FB9]  }
0x3d: {  	_ =	shalt  }
0x3e: {  	_ =	shalt  }
0x3f: {  	_ =	shalt  }
0x40: {  	_ =	shalt  }
0x41: {  	_ =	shalt  }
0x42: {  	_ =	shalt  }
0x43: {  	_ =	shalt  }
0x44: {  	_ =	shalt  }
0x45: {  	_ =	shalt  }
0x46: {  	_ =	shalt  }
0x47: {  	_ =	shalt  }
0x48: {  	_ =	shalt  }
0x49: {  	_ =	shalt  }
0x4a: {  	_ =	shalt  }
0x4b: {  	_ =	shalt  }
0x4c: {  	_ =	shalt  }
0x4d: {  	_ =	shalt  }
0x4e: {  	_ =	shalt  }
0x4f: {  	_ =	shalt  }
0x50: {  	_ =	shalt  }
0x51: {  	_ =	shalt  }
0x52: {  	_ =	shalt  }
0x53: {  	_ =	shalt  }
0x54: {  	_ =	shalt  }
0x55: {  	_ =	shalt  }
0x56: {  	_ =	shalt  }
0x57: {  	_ =	shalt  }
0x58: {  	_ =	shalt  }
0x59: {  	_ =	shalt  }
0x5a: {  	_ =	shalt  }
0x5b: {  	_ =	shalt  }
0x5c: {  	_ =	shalt  }
0x5d: {  	_ =	shalt  }
0x5e: {  	_ =	shalt  }
0x5f: {  	_ =	shalt  }
0x60: {  	_ =	shalt  }
0x61: {  	_ =	shalt  }
0x62: {  	_ =	shalt  }
0x63: {  	_ =	shalt  }
0x64: {  	_ =	shalt  }
0x65: {  	_ =	shalt  }
0x66: {  	_ =	shalt  }
0x67: {  	_ =	shalt  }
0x68: {  	_ =	shalt  }
0x69: {  	_ =	shalt  }
0x6a: {  	_ =	shalt  }
0x6b: {  	_ =	shalt  }
0x6c: {  	_ =	shalt  }
0x6d: {  	_ =	shalt  }
0x6e: {  	_ =	shalt  }
0x6f: {  	_ =	shalt  }
0x70: {  	_ =	shalt  }
0x71: {  	_ =	shalt  }
0x72: {  	_ =	shalt  }
0x73: {  	_ =	shalt  }
0x74: {  	_ =	shalt  }
0x75: {  	_ =	shalt  }
0x76: {  	_ =	shalt  }
0x77: {  	_ =	shalt  }
0x78: {  	_ =	shalt  }
0x79: {  	_ =	shalt  }
0x7a: {  	_ =	shalt  }
0x7b: {  	_ =	shalt  }
0x7c: {  	_ =	shalt  }
0x7d: {  	_ =	shalt  }
0x7e: {  	_ =	shalt  }
0x7f: {  	_ =	shalt  }
0x80: {  	_ =	shalt  }
0x81: {  	_ =	shalt  }
0x82: {  	_ =	shalt  }
0x83: {  	_ =	shalt  }
0x84: {  	_ =	shalt  }
0x85: {  	_ =	shalt  }
0x86: {  	_ =	shalt  }
0x87: {  	_ =	shalt  }
.Lfunc_end0:
.L_simem_size_0:
called_computation.1_lowered:
.L_overlay_start_0:
0x88: {  	s2 =	sld [smem:$0x3FD9]  }
0x89: {  	s3 =	sld [smem:$0x3FFE];
	_ =	sdelay $0x1  }
0x8a: {  	s1 =	srdreg.scid  }
0x8b: {  	s0 =	sand.u32 $0x1, s1  }
0x8c: {  	s14 =	sshll.u32 s0, $0xA;
	s2 =	sadd.s32 s3, s2  }
0x8d: {  	s2 =	sadd.s32 s2, s14  }
0x8e: {  	[smem:$0x3FC5] =	sst s2  }
0x8f: {  	_ = 	snop  }
0x90: {  	s2 =	sld [smem:$0x3FD0];
	_ =	sdelay $0x2  }
0x91: {  	s15 =	simm.s32 $0xA;
	s4 =	simm.s32 $0x10  }
0x92: {  	[smem:s4], [sflag:s15] =	dma.local [hbm:s2], $0x1  }
0x93: {  	_ =	swait.eq [sflag:s15], $0x1  }
0x94: {  	[sflag:s15] =	ssyncset.done $0x0  }
0x95: {  	s16 =	sld [smem:$0x10];
	[sflag:s15] =	ssyncadd.s32 $0xFFFFFFFF  }
0x96: {  	s17 =	sld [smem:$0x12];
	(tm) =	ssettm $0x1  }
0x97: {  	s18 =	sld [smem:$0x3FFB];
	_ =	sdelay $0x3  }
0x98: {  	_ =	strace s18  }
0x99: {  	s4 =	sld [smem:$0x3FFC];
	_ =	sdelay $0x3  }
0x9a: {  	_ =	strace s4  }
0x9b: {  	s4 =	sld [smem:$0x3FFD];
	_ =	sdelay $0x3  }
0x9c: {  	_ =	strace s4  }
0x9d: {  	_ =	strace $0x8FFFFFFF  }
0x9e: {  	s19 =	sld [smem:$0x3FDB];
	_ =	sdelay $0x1  }
0x9f: {  	s5 =	simm.s32 $_scs_section_size  }
0xa0: {  	s6 =	simm.s32 $_size__tile_overlayer_lowered;
	s7 =	simm.s32 $_tile_overlayer_lowered  }
0xa1: {  	s22 =	simm.s32 $0x1BFF;
	s21 =	sshll.u32 s7, $0x1;
	s4 =	sadd.s32 s5, s19  }
0xa2: {  	s8 =	simm.s32 $0x0;
	s20 =	sshll.u32 s6, $0x1;
	s6 =	sadd.s32 s21, s4  }
0xa3: {  	[timem:s8], [sflag:s22] =	dma.local [hbm:s6], s20  }
0xa4: {  	_ =	swait.ge [sflag:s22], s20  }
0xa5: {  	s5 =	ssub.s32 $0x0, s20;
	[sflag:s22] =	ssyncset.done $0x0  }
0xa6: {  	[sflag:s22] =	ssyncadd.s32 s5;
	_ =	sdelay $0x1  }
0xa7: {  	s23 =	simm.s32 $0x1B8B  }
0xa8: {  	_ =	swait.ge [sflag:s23], $0x1  }
0xa9: {  	[sflag:s23] =	ssyncset.done $0x0  }
0xaa: {  	s25 =	simm.s32 $0x1B8E;
	s24 =	sld [smem:$0x3FFE];
	[sflag:s23] =	ssyncadd.s32 $0xFFFFFFFF  }
0xab: {  	s26 =	simm.s32 $execute0_lowered;
	[smem:$0x3FD2] =	sst s25  }
0xac: {  	s6 =	sshll.u32 s26, $0x1;
	_ =	strace $0x80000049;
	[dreg:$0x1] =	wrdreg $0xFFFFFFFF  }
0xad: {  	s28 =	simm.s32 $_size_execute0_lowered;
	s4 =	sadd.s32 s4, s6;
	[dreg:$0x0] =	wrdreg $0x0  }
0xae: {  	s6 =	sshll.u32 s28, $0x1;
	[dreg:$0x2] =	wrdreg s4  }
0xaf: {  	[dreg:$0x3] =	wrdreg s6  }
0xb0: {  	[dreg:$0x4] =	wrdreg $0xC0  }
0xb1: {  	_ =	task [dreg:s8], $0x5FFFF  }
0xb2: {  	[dreg:$0x1] =	wrdreg $0xFFFFFFFF  }
0xb3: {  	[dreg:$0x0] =	wrdreg $0x60  }
0xb4: {  	[dreg:$0x2] =	wrdreg s24  }
0xb5: {  	[dreg:$0x3] =	wrdreg s16  }
0xb6: {  	[dreg:$0x4] =	wrdreg s17  }
0xb7: {  	[dreg:$0x5] =	wrdreg $0x9  }
0xb8: {  	_ =	task.clear_ibuf [dreg:s8], $0x6FFFF;
	_ =	strace $0x90000049  }
0xb9: {  	s29 =	simm.s32 $0x9;
	_ =	strace $0x8000004B  }
0xba: {  	_ =	swait.ge [sflag:s29], $0x1  }
0xbb: {  	[sflag:s29] =	ssyncadd.s32 $0xFFFFFFFF  }
0xbc: {  	_ =	strace $0x9000004B  }
0xbd: {  	_ =	sfence  }
0xbe: {  	s30 =	sld [smem:$0x0];
	_ =	sdelay $0x2  }
0xbf: {  	s31 =	sshll.u32 s1, $0xD;
	s1 =	sshrl.u32 s1, $0x2  }
0xc0: {  	s3 =	sand.u32 $0x4000, s31;
	s1 =	sadd.s32 s1, s30  }
0xc1: {  	s0 =	sor.u32 s3, s0;
	s1 =	sshll.u32 s1, $0x11  }
0xc2: {  	s0 =	sor.u32 s1, s0  }
0xc3: {  	s0 =	sadd.s32 $0x8F2B, s0  }
0xc4: {  	[sflag:s0] =	ssyncadd.remote.s32 $0x1  }
0xc5: {  	_ =	sfence.sel $0xFFFF  }
0xc6: {  	[dreg:$0x0] =	wrdreg $0xFFFFFFFF;
	(pc) =	sbr.abs _section_cstart, $3  }
0xc7: {  	[dreg:$0x1] =	wrdreg $0xFFFFFFFF  }
0xc8: {  	_ =	task.clear_ibuf [dreg:s8], $0x2FFFF;
	_ =	strace $0x9FFFFFFF  }
0xc9: {  	(tm) =	ssettm $0x7FFFFFFF  }
tec
execute0_lowered:
.L_overlay_start_1:
0x0: {  	(tag) =	ssettag $0x1  }
0x1: {  	s0 =	rddreg [dreg:$0x0]  }
0x2: {  	s2 =	rddreg [dreg:$0x1]  }
0x3: {  	s1 =	rddreg [dreg:$0x2];
	s3 =	srdreg.scid  }
0x4: {  	s4 =	stileid.u32;
	s12 =	simm.s32 $0x0;
	s16 =	simm.s32 $0x1F940  }
0x5: {  	s17 =	simm.s32 $0x19000;
	s18 =	simm.s32 $0x19640;
	s19 =	simm.s32 $0x3  }
0x6: {  	s20 =	simm.s32 $0x4;
	s21 =	simm.s32 $0x19C80;
	s22 =	simm.s32 $0x1A2D0  }
0x7: {  	s23 =	simm.s32 $0x1;
	s24 =	simm.s32 $0x40;
	s28 =	simm.s32 $0x2  }
0x8: {  	s29 =	simm.s32 $0x1FA50;
	s30 =	simm.s32 $0x1FB50;
	s3 =	sand.u32 $0x1, s3  }
0x9: {  	s4 =	sshll.u32 s4, $0x1;
	[smem:$0x7FF] =	sst s12;
	s5 =	sadd.s32 $0x5C400, s0  }
0xa: {  	s6 =	sadd.s32 $0x70400, s0;
	s10 =	sadd.s32 $0x5BC00, s0;
	s7 =	sor.u32 s3, s4  }
0xb: {  	_ =	strace $0x8000004A;
	s3 =	ssub.s32 $0x2, s3;
	s8 =	smul.u32 $0xA00, s7  }
0xc: {  	s4 =	sadd.s32 $0x1E00, s0;
	s9 =	smul.u32 $0x2800, s7;
	s11 =	sshrl.u32 s3, $0x1  }
0xd: {  	[dreg:$0x4] =	wrdreg s10;
	s7 =	smul.u32 $0x140, s7;
	s3 =	ssub.s32 s3, s11  }
0xe: {  	s14 =	sadd.s32 s8, s0;
	s0 =	sadd.s32 s9, s0;
	s9 =	sadd.s32 s6, s9  }
0xf: {  	s8 =	sadd.s32 s5, s8;
	s15 =	sadd.s32 $0x140, s7;
	[dreg:$0x5] =	wrdreg s9  }
0x10: {  	s25 =	sshrl.u32 s7, $0x3;
	s31 =	smax.u32 s3, $0x1;
	[dreg:$0x6] =	wrdreg s8  }
0x11: {  	s3 =	simm.s32 $0x14000;
	s0 =	sadd.s32 $0xBC00, s0;
	[dreg:$0xa] =	wrdreg s31  }
0x12: {  	v0 =	vmov s7;
	s7 =	simm.s32 $0x0;
	s26 =	sadd.s32 $0xC0400, s14;
	[dreg:$0x7] =	wrdreg s0  }
0x13: {  	v3 =	vlaneseq.u32;
	[dreg:$0x8] =	wrdreg s26;
	s0 =	sadd.s32 s1, s25;
	s1 =	simm.s32 $0x5  }
0x14: {  	v2 =	vimm.s32 $0x0;
	v3 =	vmul.u32 $0x10, v3;
	v1 =	vmov s15;
	s25 =	simm.s32 $0x1A940;
	s26 =	simm.s32 $0x1E940;
	[dreg:$0x9] =	wrdreg s0  }
.LBB2_1:
0x15: {  	[dreg:$0xb] =	wrdreg s7  }
0x16: {  	s0 =	rddreg [dreg:$0x5]  }
0x17: {  	[tilespmem:s12], [sflag:$0x5] =	stream.linear.gather [hbm4b:s0+s12], $0x14000, $0x38;
	[tilespmem:$0x1FD90] =	vst v63  }
0x18: {  	_ =	swait.ge [sflag:s1], $0x14000  }
0x19: {  	[sflag:s1] =	ssyncset.done $0x0  }
0x1a: {  	s15 =	rddreg [dreg:$0x6];
	[sflag:s1] =	ssyncadd.s32 $0xFFFEC000  }
0x1b: {  	[tilespmem:s3], [sflag:$0x5] =	stream.linear.gather [hbm4b:s15+s12], $0x5000, $0x38;
	[tilespmem:$0x1FD90] =	vst v63  }
0x1c: {  	_ =	swait.ge [sflag:s1], $0x5000  }
0x1d: {  	[sflag:s1] =	ssyncset.done $0x0  }
0x1e: {  	s31 =	rddreg [dreg:$0x4];
	[sflag:s1] =	ssyncadd.s32 $0xFFFFB000  }
0x1f: {  	[tilespmem:s16], [sflag:$0x5] =	stream.linear.gather [hbm4b:s31+s12], $0x110, $0x38;
	[tilespmem:$0x1FD90] =	vst v63  }
0x20: {  	_ =	swait.ge [sflag:s1], $0x110  }
0x21: {  	[sflag:s1] =	ssyncset.done $0x0  }
0x22: {  	s0 =	simm.s32 $0x40;
	[sflag:s1] =	ssyncadd.s32 $0xFFFFFEF0;
	s1 =	simm.s32 $0x0  }
.LBB2_2:
0x23: {  	p0 =	sne.s32 s0, $0x1900;
	[tilespmem:s1+$0x19C80] =	vst v2;
	s1 =	smov.u32 s0;
	s0 =	sadd.s32 $0x40, s0  }
.Ltmp0:
0x24: {  	(pc) =	sbr.rel @p0 .LBB2_2-.Ltmp0, $2  }
0x25: {  	_ =	sdelay $0x2  }
0x26: {  	s1 =	sshra.s32 s1, $0x2  }
0x27: {  	[tilespmem:s1+$0x19C80] =	vst v2  }
.Ltmp1:
0x28: {  	[tilespmem:$0x1A920] =	vst v2;
	(pc) =	sbr.rel .LBB2_5-.Ltmp1, $4  }
0x29: {  	s1 =	simm.s32 $0x0;
	[tilespmem:$0x1A930] =	vst v2  }
0x2a: {  	[tilespmem:s17], [sflag:$0x3] =	stream.linear.gather [hbm4b:s4+s1], $0x640, $0x38;
	[tilespmem:$0x1FD90] =	vst v63  }
0x2b: {  	s31 =	simm.s32 $0x0  }
0x2c: {  	[tilespmem:s18], [sflag:$0x4] =	stream.linear.gather [hbm4b:s2+s1], $0x640, $0x38;
	[tilespmem:$0x1FD90] =	vst v63  }
.LBB2_4:
0x2d: {  	p0 =	seq.s32 s31, $0xC8  }
.Ltmp2:
0x2e: {  	_ = 	snop;
	(pc) =	sbr.rel @p0 .LBB2_13-.Ltmp2, $1  }
0x2f: {  	_ =	sdelay $0x3  }
.LBB2_5:
0x30: {  	_ =	swait.ge [sflag:s19], $0x640  }
0x31: {  	[sflag:s19] =	ssyncset.done $0x0  }
0x32: {  	[sflag:s19] =	ssyncadd.s32 $0xFFFFF9C0  }
0x33: {  	_ =	swait.ge [sflag:s20], $0x640  }
0x34: {  	[sflag:s20] =	ssyncset.done $0x0  }
0x35: {  	s0 =	simm.s32 $0x0;
	[sflag:s20] =	ssyncadd.s32 $0xFFFFF9C0  }
0x36: {  	v4 =	vld [tilespmem:s0+$0x19640];
	_ =	sdelay $0x4  }
0x37: {  	vm0 =	vge.s32 v4, v0;
	vm1 =	vlt.s32 v4, v1  }
0x38: {  	vm0 =	vmand vm0, vm1  }
0x39: {  	v6 =	vsel vm0, $0x1, v2  }
0x3a: {  	v5 =	vld [tilespmem:s0+$0x19000];
	[tilespmem:$0x1A930] =	vst v6  }
0x3b: {  	v7 =	vld [tilespmem:$0x1A92F];
	_ =	sdelay $0x4  }
0x3c: {  	v6 =	vadd.s32 v6, v7  }
0x3d: {  	[tilespmem:$0x1A930] =	vst v6  }
0x3e: {  	v7 =	vld [tilespmem:$0x1A92E];
	_ =	sdelay $0x4  }
0x3f: {  	v6 =	vadd.s32 v7, v6  }
0x40: {  	[tilespmem:$0x1A930] =	vst v6  }
0x41: {  	v7 =	vld [tilespmem:$0x1A92C];
	_ =	sdelay $0x4  }
0x42: {  	v6 =	vadd.s32 v6, v7  }
0x43: {  	[tilespmem:$0x1A930] =	vst v6  }
0x44: {  	v7 =	vld [tilespmem:$0x1A928];
	_ =	sdelay $0x1  }
0x45: {  	v8 =	vmov s1  }
0x46: {  	v8 =	vadd.s32 $0xFFFFFFFF, v8  }
0x47: {  	v8 =	vbroadcast v8, $0x0  }
0x48: {  	v6 =	vadd.s32 v6, v7  }
0x49: {  	v7 =	vadd.s32 v6, v8;
	(v2sf) =	vpush v6, $0xF;
	_ =	sdelay $0x4  }
0x4a: {  	v4 =	vsub.s32 v4, v0;
	[tilespmem:v7+s21+$0x0] =	vst.idx.msk vm0, v5  }
0x4b: {  	s15 =	simm.s32 $0x10;
	[tilespmem:v7+s22+$0x0] =	vst.idx.msk vm0, v4  }
0x4c: {  	v4 =	vld [tilespmem:s15+$0x19640];
	_ =	sdelay $0x4  }
0x4d: {  	vm0 =	vge.s32 v4, v0;
	vm1 =	vlt.s32 v4, v1  }
0x4e: {  	vm0 =	vmand vm0, vm1  }
0x4f: {  	v6 =	vsel vm0, $0x1, v2  }
0x50: {  	s3 =	simm.s32 $0x80;
	s0 =	simm.s32 $0x0;
	v5 =	vld [tilespmem:s15+$0x19000];
	[tilespmem:$0x1A930] =	vst v6;
	s7 =	spop (v2sf)  }
.LBB2_6:
0x51: {  	p0 =	sne.s32 s3, $0x18C0  }
0x52: {  	v7 =	vld [tilespmem:$0x1A92F];
	s0 =	sadd.s32 s0, s7;
	s7 =	smov.u32 s3;
	s3 =	sadd.s32 $0x40, s3  }
0x53: {  	v8 =	vmov s0  }
0x54: {  	v8 =	vadd.s32 $0xFFFFFFFF, v8;
	_ =	sdelay $0x2  }
0x55: {  	v6 =	vadd.s32 v6, v7  }
0x56: {  	[tilespmem:$0x1A930] =	vst v6  }
0x57: {  	v7 =	vld [tilespmem:$0x1A92E];
	_ =	sdelay $0x4  }
0x58: {  	v6 =	vadd.s32 v7, v6  }
0x59: {  	[tilespmem:$0x1A930] =	vst v6  }
0x5a: {  	v7 =	vld [tilespmem:$0x1A92C];
	_ =	sdelay $0x4  }
0x5b: {  	v6 =	vadd.s32 v6, v7  }
0x5c: {  	[tilespmem:$0x1A930] =	vst v6  }
0x5d: {  	v7 =	vld [tilespmem:$0x1A928];
	_ =	sdelay $0x3  }
0x5e: {  	v8 =	vbroadcast v8, $0x0  }
0x5f: {  	v6 =	vadd.s32 v6, v7  }
0x60: {  	v7 =	vadd.s32 v6, v8;
	(v2sf) =	vpush v6, $0xF;
	_ =	sdelay $0x4  }
0x61: {  	v4 =	vsub.s32 v4, v0;
	[tilespmem:v7+s21+$0x0] =	vst.idx.msk vm0, v5  }
0x62: {  	s7 =	sshra.s32 s7, $0x2;
	[tilespmem:v7+s22+$0x0] =	vst.idx.msk vm0, v4  }
0x63: {  	v4 =	vld [tilespmem:s7+$0x19640];
	_ =	sdelay $0x3  }
.Ltmp3:
0x64: {  	(pc) =	sbr.rel @p0 .LBB2_6-.Ltmp3, $4  }
0x65: {  	vm0 =	vge.s32 v4, v0;
	vm1 =	vlt.s32 v4, v1  }
0x66: {  	vm0 =	vmand vm0, vm1  }
0x67: {  	v5 =	vld [tilespmem:s7+$0x19000];
	v6 =	vsel vm0, $0x1, v2  }
0x68: {  	[tilespmem:$0x1A930] =	vst v6;
	s7 =	spop (v2sf)  }
0x69: {  	v7 =	vld [tilespmem:$0x1A92F];
	_ =	sdelay $0x4  }
0x6a: {  	v6 =	vadd.s32 v6, v7  }
0x6b: {  	[tilespmem:$0x1A930] =	vst v6  }
0x6c: {  	v60 =	vld [tilespmem:$0x1A92E];
	_ =	sdelay $0x4  }
0x6d: {  	v6 =	vadd.s32 v60, v6  }
0x6e: {  	[tilespmem:$0x1A930] =	vst v6  }
0x6f: {  	v61 =	vld [tilespmem:$0x1A92C];
	_ =	sdelay $0x4  }
0x70: {  	v6 =	vadd.s32 v6, v61  }
0x71: {  	[tilespmem:$0x1A930] =	vst v6  }
0x72: {  	v62 =	vld [tilespmem:$0x1A928];
	_ =	sdelay $0x4  }
0x73: {  	v6 =	vadd.s32 v6, v62  }
0x74: {  	(v2sf) =	vpush v6, $0xF;
	_ =	sdelay $0x1  }
0x75: {  	s0 =	sadd.s32 s0, s7  }
0x76: {  	v63 =	vmov s0  }
0x77: {  	v7 =	vadd.s32 $0xFFFFFFFF, v63  }
0x78: {  	v7 =	vbroadcast v7, $0x0;
	_ =	sdelay $0x1  }
0x79: {  	v6 =	vadd.s32 v6, v7  }
0x7a: {  	s31 =	sadd.s32 $0x1, s31  }
0x7b: {  	p0 =	slt.s32 s31, $0xC7;
	s3 =	smov.u32 s31  }
0x7c: {  	s3 =	simm.s32 @!p0 $0xC7  }
0x7d: {  	s3 =	smul.u32 $0xC8, s3  }
0x7e: {  	v4 =	vsub.s32 v4, v0;
	[tilespmem:v6+s21+$0x0] =	vst.idx.msk vm0, v5  }
0x7f: {  	s15 =	simm.s32 $0x0;
	s8 =	sadd.s32 s4, s3;
	[tilespmem:v6+s22+$0x0] =	vst.idx.msk vm0, v4  }
0x80: {  	[tilespmem:s17], [sflag:$0x3] =	stream.linear.gather [hbm4b:s8+s15], $0x640, $0x38;
	[tilespmem:$0x1FD90] =	vst v63  }
0x81: {  	s14 =	spop (v2sf)  }
0x82: {  	s10 =	sadd.s32 s0, s14  }
0x83: {  	s11 =	sadd.s32 $0x3F, s10  }
0x84: {  	s12 =	sand.u32 $0x3F, s11  }
0x85: {  	s13 =	sshra.s32 s11, $0x1F;
	p6 =	slt.s32 s11, $0x1;
	p1 =	sne.s32 s12, $0x0  }
0x86: {  	s9 =	sadd.s32 s2, s3;
	s14 =	sshrl.u32 s13, $0x1A;
	p0 =	por !p6, !p1  }
0x87: {  	s3 =	simm.s32 $0x1;
	s0 =	sadd.s32 s14, s11;
	p0 =	por !p0, !p0  }
0x88: {  	s0 =	sshra.s32 s0, $0x6;
	s3 =	simm.s32 @!p0 $0x0  }
0x89: {  	s8 =	ssub.s32 s0, s3  }
0x8a: {  	p0 =	slt.s32 s8, $0x1  }
.Ltmp4:
0x8b: {  	_ = 	snop;
	(pc) =	sbr.rel @!p0 .LBB2_8-.Ltmp4, $4  }
.Ltmp5:
0x8c: {  	_ = 	snop;
	(pc) =	sbr.rel @p0 .LBB2_4-.Ltmp5, $4  }
0x8d: {  	_ = 	snop  }
0x8e: {  	[tilespmem:s18], [sflag:$0x4] =	stream.linear.gather [hbm4b:s9+s15], $0x640, $0x38;
	[tilespmem:$0x1FD90] =	vst v63  }
0x8f: {  	s7 =	smov.u32 s10;
	s3 =	simm.s32 $0x1A2D0  }
0x90: {  	_ = 	snop  }
.LBB2_11:
0x91: {  	v4 =	vsel vm0, v4, v5  }
0x92: {  	[tilespmem:s0+$0x14030] =	vst v4  }
.LBB2_12:
0x93: {  	s15 =	sadd.s32 $0x1, s15  }
0x94: {  	p0 =	seq.s32 s15, s8  }
.Ltmp6:
0x95: {  	_ = 	snop;
	(pc) =	sbr.rel @p0 .LBB2_4-.Ltmp6, $2  }
0x96: {  	_ =	sdelay $0x2  }
0x97: {  	s7 =	sadd.s32 $0xFFFFFFC0, s7;
	s3 =	sadd.s32 $0x40, s3  }
.LBB2_8:
0x98: {  	s0 =	sshll.u32 s15, $0x6  }
0x99: {  	s9 =	sadd.s32 $0x19C80, s0  }
0x9a: {  	[tilespmem:s25], [sflag:$0x1] =	stream.indirect.gather [hbm4b:s6+s24], $0x100, s9, s24, $0xb8;
	[tilespmem:$0x1FD90] =	vst v63  }
0x9b: {  	s0 =	ssub.s32 s10, s0  }
0x9c: {  	[tilespmem:s26], [sflag:$0x2] =	stream.indirect.gather [hbm4b:s5+s24], $0x40, s9, s24, $0xb8;
	[tilespmem:$0x1FD90] =	vst v63  }
0x9d: {  	p0 =	slt.s32 s0, $0x1;
	_ =	swait.ge [sflag:s23], $0x4000  }
.Ltmp7:
0x9e: {  	[sflag:s23] =	ssyncset.done $0x0;
	(pc) =	sbr.rel @p0 .LBB2_12-.Ltmp7, $4  }
0x9f: {  	[sflag:s23] =	ssyncadd.s32 $0xFFFFC000  }
0xa0: {  	_ =	swait.ge [sflag:s28], $0x1000  }
0xa1: {  	[sflag:s28] =	ssyncset.done $0x0  }
0xa2: {  	[sflag:s28] =	ssyncadd.s32 $0xFFFFF000  }
0xa3: {  	v4 =	vld [tilespmem:s3+$0x0];
	_ =	sdelay $0x4  }
0xa4: {  	(v2sf) =	vpush v4, $0x0;
	_ =	sdelay $0xe  }
0xa5: {  	s0 =	spop (v2sf)  }
0xa6: {  	s11 =	simm.s32 $0x1A9C0;
	s9 =	sshll.u32 s0, $0xA  }
0xa7: {  	v4 =	vld [tilespmem:s11+$0xFFFFFF80];
	s9 =	sshra.s32 s9, $0x2  }
0xa8: {  	v5 =	vld [tilespmem:s9+$0x0];
	_ =	sdelay $0x4  }
0xa9: {  	v4 =	vmax.f32 v5, v4  }
0xaa: {  	[tilespmem:s9+$0x0] =	vst v4;
	v4 =	vld [tilespmem:s9+$0x10]  }
0xab: {  	v5 =	vld [tilespmem:s11+$0xFFFFFF90];
	_ =	sdelay $0x4  }
0xac: {  	v4 =	vmax.f32 v4, v5  }
0xad: {  	[tilespmem:s9+$0x10] =	vst v4;
	v4 =	vld [tilespmem:s9+$0x20]  }
0xae: {  	v5 =	vld [tilespmem:s11+$0xFFFFFFA0];
	_ =	sdelay $0x4  }
0xaf: {  	v4 =	vmax.f32 v4, v5  }
0xb0: {  	[tilespmem:s9+$0x20] =	vst v4;
	v4 =	vld [tilespmem:s9+$0x30]  }
0xb1: {  	v5 =	vld [tilespmem:s11+$0xFFFFFFB0];
	_ =	sdelay $0x4  }
0xb2: {  	v4 =	vmax.f32 v4, v5  }
0xb3: {  	[tilespmem:s9+$0x30] =	vst v4;
	v4 =	vld [tilespmem:s9+$0x40]  }
0xb4: {  	v5 =	vld [tilespmem:s11+$0xFFFFFFC0];
	_ =	sdelay $0x4  }
0xb5: {  	v4 =	vmax.f32 v4, v5  }
0xb6: {  	[tilespmem:s9+$0x40] =	vst v4;
	v4 =	vld [tilespmem:s9+$0x50]  }
0xb7: {  	v5 =	vld [tilespmem:s11+$0xFFFFFFD0];
	_ =	sdelay $0x4  }
0xb8: {  	v4 =	vmax.f32 v4, v5  }
0xb9: {  	[tilespmem:s9+$0x50] =	vst v4;
	v4 =	vld [tilespmem:s9+$0x60]  }
0xba: {  	v5 =	vld [tilespmem:s11+$0xFFFFFFE0];
	_ =	sdelay $0x4  }
0xbb: {  	v4 =	vmax.f32 v4, v5  }
0xbc: {  	[tilespmem:s9+$0x60] =	vst v4;
	v4 =	vld [tilespmem:s9+$0x70]  }
0xbd: {  	v5 =	vld [tilespmem:s11+$0xFFFFFFF0];
	_ =	sdelay $0x4  }
0xbe: {  	v4 =	vmax.f32 v4, v5  }
0xbf: {  	[tilespmem:s9+$0x70] =	vst v4;
	v4 =	vld [tilespmem:s9+$0x80]  }
0xc0: {  	v5 =	vld [tilespmem:s11+$0x0];
	_ =	sdelay $0x4  }
0xc1: {  	v4 =	vmax.f32 v4, v5  }
0xc2: {  	[tilespmem:s9+$0x80] =	vst v4;
	v4 =	vld [tilespmem:s9+$0x90]  }
0xc3: {  	v5 =	vld [tilespmem:s11+$0x10];
	_ =	sdelay $0x4  }
0xc4: {  	v4 =	vmax.f32 v4, v5  }
0xc5: {  	[tilespmem:s9+$0x90] =	vst v4;
	v4 =	vld [tilespmem:s9+$0xA0]  }
0xc6: {  	v5 =	vld [tilespmem:s11+$0x20];
	_ =	sdelay $0x4  }
0xc7: {  	v4 =	vmax.f32 v4, v5  }
0xc8: {  	[tilespmem:s9+$0xA0] =	vst v4;
	v4 =	vld [tilespmem:s9+$0xB0]  }
0xc9: {  	v5 =	vld [tilespmem:s11+$0x30];
	_ =	sdelay $0x4  }
0xca: {  	v4 =	vmax.f32 v4, v5  }
0xcb: {  	[tilespmem:s9+$0xB0] =	vst v4;
	v4 =	vld [tilespmem:s9+$0xC0]  }
0xcc: {  	v5 =	vld [tilespmem:s11+$0x40];
	_ =	sdelay $0x4  }
0xcd: {  	v4 =	vmax.f32 v4, v5  }
0xce: {  	[tilespmem:s9+$0xC0] =	vst v4;
	v4 =	vld [tilespmem:s9+$0xD0]  }
0xcf: {  	v5 =	vld [tilespmem:s11+$0x50];
	_ =	sdelay $0x4  }
0xd0: {  	v4 =	vmax.f32 v4, v5  }
0xd1: {  	[tilespmem:s9+$0xD0] =	vst v4;
	v4 =	vld [tilespmem:s9+$0xE0]  }
0xd2: {  	v5 =	vld [tilespmem:s11+$0x60];
	_ =	sdelay $0x4  }
0xd3: {  	v4 =	vmax.f32 v4, v5  }
0xd4: {  	[tilespmem:s9+$0xE0] =	vst v4;
	v4 =	vld [tilespmem:s9+$0xF0]  }
0xd5: {  	v5 =	vld [tilespmem:s11+$0x70];
	_ =	sdelay $0x4  }
0xd6: {  	s0 =	sshll.u32 s0, $0x8;
	v4 =	vmax.f32 v4, v5  }
0xd7: {  	s0 =	sshra.s32 s0, $0x2;
	[tilespmem:s9+$0xF0] =	vst v4  }
0xd8: {  	s12 =	simm.s32 $0x1E960;
	v5 =	vld [tilespmem:s0+$0x14000]  }
0xd9: {  	v6 =	vld [tilespmem:s12+$0xFFFFFFE0];
	_ =	sdelay $0x4  }
0xda: {  	vm0 =	vlt.s32 v5, v6  }
0xdb: {  	v5 =	vsel vm0, v5, v6  }
0xdc: {  	v7 =	vld [tilespmem:s0+$0x14010];
	[tilespmem:s0+$0x14000] =	vst v5  }
0xdd: {  	v5 =	vld [tilespmem:s12+$0xFFFFFFF0];
	_ =	sdelay $0x4  }
0xde: {  	vm0 =	vlt.s32 v7, v5  }
0xdf: {  	v5 =	vsel vm0, v7, v5  }
0xe0: {  	v8 =	vld [tilespmem:s0+$0x14020];
	[tilespmem:s0+$0x14010] =	vst v5  }
0xe1: {  	v5 =	vld [tilespmem:s12+$0x0];
	_ =	sdelay $0x4  }
0xe2: {  	p0 =	sgt.s32 s7, $0x1;
	s9 =	smov.u32 s7;
	vm0 =	vlt.s32 v8, v5  }
0xe3: {  	s9 =	simm.s32 @!p0 $0x1;
	v5 =	vsel vm0, v8, v5  }
0xe4: {  	v4 =	vld [tilespmem:s0+$0x14030];
	s9 =	smin.u32 s9, $0x40;
	[tilespmem:s0+$0x14020] =	vst v5  }
0xe5: {  	p0 =	sne.s32 s9, $0x1;
	v5 =	vld [tilespmem:s12+$0x10]  }
.Ltmp8:
0xe6: {  	_ = 	snop;
	(pc) =	sbr.rel @!p0 .LBB2_11-.Ltmp8, $2  }
0xe7: {  	_ =	sdelay $0x2  }
0xe8: {  	s13 =	sadd.s32 $0xFFFFFFFF, s9;
	s9 =	smov.u32 s3;
	vm0 =	vlt.s32 v4, v5  }
.LBB2_10:
0xe9: {  	v4 =	vsel vm0, v4, v5;
	s9 =	sadd.s32 $0x1, s9;
	s12 =	sadd.s32 $0x40, s12;
	s11 =	sadd.s32 $0x100, s11  }
0xea: {  	p0 =	sne.s32 s13, $0x1;
	s13 =	sadd.s32 $0xFFFFFFFF, s13;
	[tilespmem:s0+$0x14030] =	vst v4  }
0xeb: {  	v4 =	vld [tilespmem:s9+$0x0];
	_ =	sdelay $0x4  }
0xec: {  	(v2sf) =	vpush v4, $0x0;
	_ =	sdelay $0xe  }
0xed: {  	s0 =	spop (v2sf)  }
0xee: {  	s14 =	sshll.u32 s0, $0xA;
	s0 =	sshll.u32 s0, $0x8  }
0xef: {  	s14 =	sshra.s32 s14, $0x2;
	v4 =	vld [tilespmem:s11+$0xFFFFFF80]  }
0xf0: {  	v5 =	vld [tilespmem:s14+$0x0];
	_ =	sdelay $0x4  }
0xf1: {  	v4 =	vmax.f32 v5, v4  }
0xf2: {  	[tilespmem:s14+$0x0] =	vst v4;
	v4 =	vld [tilespmem:s14+$0x10]  }
0xf3: {  	v5 =	vld [tilespmem:s11+$0xFFFFFF90];
	_ =	sdelay $0x4  }
0xf4: {  	v4 =	vmax.f32 v4, v5  }
0xf5: {  	[tilespmem:s14+$0x10] =	vst v4;
	v4 =	vld [tilespmem:s14+$0x20]  }
0xf6: {  	v5 =	vld [tilespmem:s11+$0xFFFFFFA0];
	_ =	sdelay $0x4  }
0xf7: {  	v4 =	vmax.f32 v4, v5  }
0xf8: {  	[tilespmem:s14+$0x20] =	vst v4;
	v4 =	vld [tilespmem:s14+$0x30]  }
0xf9: {  	v5 =	vld [tilespmem:s11+$0xFFFFFFB0];
	_ =	sdelay $0x4  }
0xfa: {  	v4 =	vmax.f32 v4, v5  }
0xfb: {  	[tilespmem:s14+$0x30] =	vst v4;
	v4 =	vld [tilespmem:s14+$0x40]  }
0xfc: {  	v5 =	vld [tilespmem:s11+$0xFFFFFFC0];
	_ =	sdelay $0x4  }
0xfd: {  	v4 =	vmax.f32 v4, v5  }
0xfe: {  	[tilespmem:s14+$0x40] =	vst v4;
	v4 =	vld [tilespmem:s14+$0x50]  }
0xff: {  	v5 =	vld [tilespmem:s11+$0xFFFFFFD0];
	_ =	sdelay $0x4  }
0x100: {  	v4 =	vmax.f32 v4, v5  }
0x101: {  	[tilespmem:s14+$0x50] =	vst v4;
	v4 =	vld [tilespmem:s14+$0x60]  }
0x102: {  	v5 =	vld [tilespmem:s11+$0xFFFFFFE0];
	_ =	sdelay $0x4  }
0x103: {  	v4 =	vmax.f32 v4, v5  }
0x104: {  	[tilespmem:s14+$0x60] =	vst v4;
	v4 =	vld [tilespmem:s14+$0x70]  }
0x105: {  	v5 =	vld [tilespmem:s11+$0xFFFFFFF0];
	_ =	sdelay $0x4  }
0x106: {  	v4 =	vmax.f32 v4, v5  }
0x107: {  	[tilespmem:s14+$0x70] =	vst v4;
	v4 =	vld [tilespmem:s14+$0x80]  }
0x108: {  	v5 =	vld [tilespmem:s11+$0x0];
	_ =	sdelay $0x4  }
0x109: {  	v4 =	vmax.f32 v4, v5  }
0x10a: {  	[tilespmem:s14+$0x80] =	vst v4;
	v4 =	vld [tilespmem:s14+$0x90]  }
0x10b: {  	v5 =	vld [tilespmem:s11+$0x10];
	_ =	sdelay $0x4  }
0x10c: {  	v4 =	vmax.f32 v4, v5  }
0x10d: {  	[tilespmem:s14+$0x90] =	vst v4;
	v4 =	vld [tilespmem:s14+$0xA0]  }
0x10e: {  	v5 =	vld [tilespmem:s11+$0x20];
	_ =	sdelay $0x4  }
0x10f: {  	v4 =	vmax.f32 v4, v5  }
0x110: {  	[tilespmem:s14+$0xA0] =	vst v4;
	v4 =	vld [tilespmem:s14+$0xB0]  }
0x111: {  	v5 =	vld [tilespmem:s11+$0x30];
	_ =	sdelay $0x4  }
0x112: {  	v4 =	vmax.f32 v4, v5  }
0x113: {  	[tilespmem:s14+$0xB0] =	vst v4;
	v4 =	vld [tilespmem:s14+$0xC0]  }
0x114: {  	v5 =	vld [tilespmem:s11+$0x40];
	_ =	sdelay $0x4  }
0x115: {  	v4 =	vmax.f32 v4, v5  }
0x116: {  	[tilespmem:s14+$0xC0] =	vst v4;
	v4 =	vld [tilespmem:s14+$0xD0]  }
0x117: {  	v5 =	vld [tilespmem:s11+$0x50];
	_ =	sdelay $0x4  }
0x118: {  	v4 =	vmax.f32 v4, v5  }
0x119: {  	[tilespmem:s14+$0xD0] =	vst v4;
	v4 =	vld [tilespmem:s14+$0xE0]  }
0x11a: {  	v5 =	vld [tilespmem:s11+$0x60];
	_ =	sdelay $0x4  }
0x11b: {  	v4 =	vmax.f32 v4, v5  }
0x11c: {  	[tilespmem:s14+$0xE0] =	vst v4;
	v4 =	vld [tilespmem:s14+$0xF0]  }
0x11d: {  	v5 =	vld [tilespmem:s11+$0x70];
	_ =	sdelay $0x4  }
0x11e: {  	v4 =	vmax.f32 v4, v5  }
0x11f: {  	s0 =	sshra.s32 s0, $0x2;
	[tilespmem:s14+$0xF0] =	vst v4  }
0x120: {  	v5 =	vld [tilespmem:s0+$0x14000]  }
0x121: {  	v6 =	vld [tilespmem:s12+$0xFFFFFFE0]  }
0x122: {  	v7 =	vld [tilespmem:s0+$0x14010]  }
0x123: {  	v8 =	vld [tilespmem:s0+$0x14020]  }
0x124: {  	v4 =	vld [tilespmem:s0+$0x14030];
	_ =	sdelay $0x1  }
0x125: {  	vm0 =	vlt.s32 v5, v6  }
0x126: {  	v5 =	vsel vm0, v5, v6  }
0x127: {  	[tilespmem:s0+$0x14000] =	vst v5  }
0x128: {  	v5 =	vld [tilespmem:s12+$0xFFFFFFF0];
	_ =	sdelay $0x4  }
0x129: {  	vm0 =	vlt.s32 v7, v5  }
0x12a: {  	v5 =	vsel vm0, v7, v5  }
0x12b: {  	[tilespmem:s0+$0x14010] =	vst v5  }
0x12c: {  	v5 =	vld [tilespmem:s12+$0x0];
	_ =	sdelay $0x4  }
0x12d: {  	vm0 =	vlt.s32 v8, v5  }
0x12e: {  	v5 =	vsel vm0, v8, v5  }
0x12f: {  	[tilespmem:s0+$0x14020] =	vst v5  }
0x130: {  	v5 =	vld [tilespmem:s12+$0x10]  }
.Ltmp9:
0x131: {  	(pc) =	sbr.rel @p0 .LBB2_10-.Ltmp9, $2  }
0x132: {  	_ =	sdelay $0x2  }
0x133: {  	vm0 =	vlt.s32 v4, v5  }
.Ltmp10:
0x134: {  	_ = 	snop;
	(pc) =	sbr.rel .LBB2_11-.Ltmp10, $1  }
0x135: {  	_ =	sdelay $0x3  }
.LBB2_13:
0x136: {  	_ =	swait.ge [sflag:s19], $0x640  }
0x137: {  	[sflag:s19] =	ssyncset.done $0x0  }
0x138: {  	[sflag:s19] =	ssyncadd.s32 $0xFFFFF9C0  }
0x139: {  	_ =	swait.ge [sflag:s20], $0x640  }
0x13a: {  	s1 =	simm.s32 $0x0;
	[sflag:s20] =	ssyncset.done $0x0  }
0x13b: {  	s31 =	simm.s32 $0x80;
	s12 =	simm.s32 $0x0;
	[sflag:s20] =	ssyncadd.s32 $0xFFFFF9C0  }
.LBB2_14:
0x13c: {  	v4 =	vld [tilespmem:s31+$0x10]  }
0x13d: {  	v5 =	vld [tilespmem:s31+$0x30]  }
0x13e: {  	v6 =	vld [tilespmem:s31+$0xFFFFFF90]  }
0x13f: {  	v9 =	vld [tilespmem:s31+$0xFFFFFFA0]  }
0x140: {  	v11 =	vld [tilespmem:s31+$0x50]  }
0x141: {  	v12 =	vld [tilespmem:s31+$0xFFFFFF80];
	_ =	sdelay $0x2  }
0x142: {  	vm0 =	veq.f32 v4, $0.0e+00;
	v4 =	vtrunc.f32 v4  }
0x143: {  	vm1 =	veq.f32 v5, $0.0e+00;
	vm2 =	veq.f32 v6, $0.0e+00;
	v14 =	vtrunc.f32 v9  }
0x144: {  	vm3 =	veq.f32 v12, $0.0e+00;
	v15 =	vtrunc.f32 v11;
	v7 =	vcvt.f32.s32 v4  }
0x145: {  	v4 =	vtrunc.f32 v5;
	v5 =	vtrunc.f32 v6;
	v13 =	vsel vm2, $0x1, v2  }
0x146: {  	v6 =	vld [tilespmem:s31+$0xFFFFFFC0];
	vm2 =	veq.f32 v9, $0.0e+00;
	v9 =	vtrunc.f32 v12;
	v14 =	vcvt.f32.s32 v14  }
0x147: {  	v12 =	vsel vm3, $0x1, v2;
	v5 =	vcvt.f32.s32 v5;
	v9 =	vcvt.f32.s32 v9  }
0x148: {  	v8 =	vcvt.f32.s32 v4;
	v10 =	vsel vm2, $0x1, v2;
	vm2 =	veq.f32 v11, $0.0e+00  }
0x149: {  	v11 =	vshll.u32 v5, $0x17;
	v5 =	vcvt.f32.s32 v15;
	v9 =	vshll.u32 v9, $0x17  }
0x14a: {  	v13 =	vadd.s32 v12, v13;
	v12 =	vld [tilespmem:s31+$0xFFFFFFD0];
	v4 =	vsel vm2, $0x1, v2;
	v16 =	vsub.s32 $0x3F800000, v9  }
0x14b: {  	s8 =	simm.s32 $0x1;
	v9 =	vld [tilespmem:s31+$0xFFFFFFB0];
	vm2 =	veq.f32 v6, $0.0e+00;
	v15 =	vtrunc.f32 v6;
	v5 =	vshll.u32 v5, $0x17  }
0x14c: {  	s9 =	smov.u32 s31;
	s7 =	smov.u32 s31;
	s3 =	simm.s32 $0x0;
	v16 =	vadd.f32 $0.0e+00, v16;
	v6 =	vsel vm2, $0x1, v2;
	v15 =	vcvt.f32.s32 v15  }
.LBB2_15:
0x14d: {  	p0 =	sne.s32 s8, $0xF  }
0x14e: {  	v10 =	vadd.s32 v10, v13;
	v7 =	vshll.u32 v7, $0x17;
	v8 =	vshll.u32 v8, $0x17;
	s9 =	sadd.s32 $0x100, s9;
	s0 =	smov.u32 s8;
	s8 =	sadd.s32 $0x1, s8  }
0x14f: {  	v11 =	vsub.s32 $0x3F800000, v11;
	vm2 =	veq.f32 v12, $0.0e+00;
	v12 =	vtrunc.f32 v12  }
0x150: {  	v11 =	vadd.f32 v11, v16;
	v13 =	vtrunc.f32 v9;
	v12 =	vcvt.f32.s32 v12  }
0x151: {  	v14 =	vshll.u32 v14, $0x17;
	v15 =	vshll.u32 v15, $0x17;
	v16 =	vsel vm2, $0x1, v2;
	v17 =	vld [tilespmem:s7+$0xFFFFFFE0]  }
0x152: {  	v14 =	vsub.s32 $0x3F800000, v14;
	v13 =	vcvt.f32.s32 v13;
	v12 =	vshll.u32 v12, $0x17;
	v18 =	vld [tilespmem:s7+$0xFFFFFFF0]  }
0x153: {  	vm2 =	veq.f32 v9, $0.0e+00;
	v9 =	vsub.s32 $0x3F800000, v12;
	v12 =	vor.u32 s3, v3;
	s3 =	smov.u32 s0  }
0x154: {  	v11 =	vadd.f32 v14, v11;
	v14 =	vsel vm2, $0x1, v2;
	v13 =	vshll.u32 v13, $0x17  }
0x155: {  	v10 =	vadd.s32 v14, v10;
	v14 =	vsel vm1, $0x1, v2;
	v13 =	vsub.s32 $0x3F800000, v13  }
0x156: {  	v6 =	vadd.s32 v6, v10;
	v10 =	vsub.s32 $0x3F800000, v15;
	v11 =	vadd.f32 v13, v11;
	v13 =	vld [tilespmem:s7+$0x0]  }
0x157: {  	v6 =	vadd.s32 v16, v6;
	vm1 =	veq.f32 v17, $0.0e+00;
	v15 =	vtrunc.f32 v17  }
0x158: {  	v10 =	vadd.f32 v10, v11;
	v11 =	vcvt.f32.s32 v15;
	v15 =	vtrunc.f32 v18  }
0x159: {  	v16 =	vsel vm1, $0x1, v2;
	vm1 =	veq.f32 v18, $0.0e+00;
	v15 =	vcvt.f32.s32 v15  }
0x15a: {  	v6 =	vadd.s32 v16, v6;
	v9 =	vadd.f32 v9, v10;
	v10 =	vshll.u32 v11, $0x17;
	v11 =	vld [tilespmem:s7+$0x20]  }
0x15b: {  	v10 =	vsub.s32 $0x3F800000, v10;
	v15 =	vshll.u32 v15, $0x17;
	vm2 =	veq.f32 v13, $0.0e+00  }
0x15c: {  	v9 =	vadd.f32 v10, v9;
	v13 =	vtrunc.f32 v13;
	v10 =	vsel vm2, $0x1, v2  }
0x15d: {  	v16 =	vsel vm1, $0x1, v2;
	v15 =	vsub.s32 $0x3F800000, v15;
	v13 =	vcvt.f32.s32 v13;
	v17 =	vld [tilespmem:s7+$0x40]  }
0x15e: {  	v6 =	vadd.s32 v16, v6;
	v9 =	vadd.f32 v15, v9;
	v15 =	vsel vm0, $0x1, v2  }
0x15f: {  	v6 =	vadd.s32 v10, v6;
	v10 =	vshll.u32 v13, $0x17;
	v13 =	vtrunc.f32 v11  }
0x160: {  	v6 =	vadd.s32 v15, v6;
	v10 =	vsub.s32 $0x3F800000, v10;
	vm0 =	veq.f32 v11, $0.0e+00;
	v11 =	vld [tilespmem:s7+$0x60]  }
0x161: {  	v9 =	vadd.f32 v10, v9;
	v10 =	vsel vm0, $0x1, v2;
	v13 =	vcvt.f32.s32 v13;
	v15 =	vld [tilespmem:s7+$0x70];
	s7 =	smov.u32 s9  }
0x162: {  	v7 =	vsub.s32 $0x3F800000, v7;
	v6 =	vadd.s32 v10, v6;
	vm0 =	veq.f32 v17, $0.0e+00  }
0x163: {  	v7 =	vadd.f32 v7, v9;
	v9 =	vshll.u32 v13, $0x17;
	v6 =	vadd.s32 v14, v6  }
0x164: {  	v13 =	vtrunc.f32 v17;
	v9 =	vsub.s32 $0x3F800000, v9;
	v10 =	vsel vm0, $0x1, v2  }
0x165: {  	v7 =	vadd.f32 v9, v7;
	v6 =	vadd.s32 v10, v6;
	v9 =	vcvt.f32.s32 v13  }
0x166: {  	v8 =	vsub.s32 $0x3F800000, v8;
	v4 =	vadd.s32 v4, v6;
	v6 =	vtrunc.f32 v15  }
0x167: {  	v7 =	vadd.f32 v8, v7;
	v8 =	vshll.u32 v9, $0x17;
	v6 =	vcvt.f32.s32 v6  }
0x168: {  	vm0 =	veq.f32 v11, $0.0e+00;
	v9 =	vtrunc.f32 v11;
	v8 =	vsub.s32 $0x3F800000, v8  }
0x169: {  	vm1 =	veq.f32 v15, $0.0e+00;
	v7 =	vadd.f32 v8, v7;
	v8 =	vcvt.f32.s32 v9  }
0x16a: {  	v5 =	vsub.s32 $0x3F800000, v5;
	v9 =	vsel vm1, $0x1, v2;
	v6 =	vshll.u32 v6, $0x17  }
0x16b: {  	v5 =	vadd.f32 v5, v7;
	v7 =	vsel vm0, $0x1, v2;
	v8 =	vshll.u32 v8, $0x17  }
0x16c: {  	v4 =	vadd.s32 v7, v4;
	v7 =	vsub.s32 $0x3F800000, v8  }
0x16d: {  	v5 =	vadd.f32 v7, v5;
	v4 =	vadd.s32 v9, v4  }
0x16e: {  	v6 =	vsub.s32 $0x3F800000, v6;
	[tilespmem:v12+s29+$0x0] =	vst.idx.msk $0xffff, v4  }
0x16f: {  	v4 =	vadd.f32 v6, v5;
	_ =	sdelay $0x1  }
0x170: {  	[tilespmem:v12+s30+$0x0] =	vst.idx.msk $0xffff, v4  }
0x171: {  	v4 =	vld [tilespmem:s9+$0x10]  }
0x172: {  	v5 =	vld [tilespmem:s9+$0x30]  }
0x173: {  	v6 =	vld [tilespmem:s9+$0xFFFFFF90]  }
0x174: {  	v9 =	vld [tilespmem:s9+$0xFFFFFFA0]  }
0x175: {  	v11 =	vld [tilespmem:s9+$0x50]  }
0x176: {  	v12 =	vld [tilespmem:s9+$0xFFFFFF80];
	vm0 =	veq.f32 v4, $0.0e+00;
	v4 =	vtrunc.f32 v4  }
0x177: {  	v14 =	vld [tilespmem:s9+$0xFFFFFFC0];
	v7 =	vcvt.f32.s32 v4;
	vm1 =	veq.f32 v5, $0.0e+00;
	v4 =	vtrunc.f32 v5  }
0x178: {  	vm2 =	veq.f32 v6, $0.0e+00;
	v5 =	vtrunc.f32 v6;
	v8 =	vcvt.f32.s32 v4  }
0x179: {  	v6 =	vsel vm2, $0x1, v2;
	v5 =	vcvt.f32.s32 v5;
	vm2 =	veq.f32 v9, $0.0e+00  }
0x17a: {  	v15 =	vtrunc.f32 v9;
	v10 =	vsel vm2, $0x1, v2;
	vm2 =	veq.f32 v11, $0.0e+00  }
0x17b: {  	vm3 =	veq.f32 v12, $0.0e+00;
	v9 =	vtrunc.f32 v12;
	v4 =	vsel vm2, $0x1, v2  }
.Ltmp11:
0x17c: {  	v16 =	vtrunc.f32 v11;
	v12 =	vsel vm3, $0x1, v2;
	v9 =	vcvt.f32.s32 v9;
	(pc) =	sbr.rel @p0 .LBB2_15-.Ltmp11, $4  }
0x17d: {  	v11 =	vshll.u32 v5, $0x17;
	v5 =	vcvt.f32.s32 v16;
	v13 =	vadd.s32 v12, v6;
	v12 =	vld [tilespmem:s9+$0xFFFFFFD0]  }
0x17e: {  	vm2 =	veq.f32 v14, $0.0e+00;
	v17 =	vtrunc.f32 v14;
	v6 =	vshll.u32 v9, $0x17;
	v9 =	vld [tilespmem:s9+$0xFFFFFFB0]  }
0x17f: {  	v5 =	vshll.u32 v5, $0x17;
	v14 =	vsub.s32 $0x3F800000, v6;
	v6 =	vsel vm2, $0x1, v2  }
0x180: {  	v16 =	vadd.f32 $0.0e+00, v14;
	v14 =	vcvt.f32.s32 v15;
	v15 =	vcvt.f32.s32 v17  }
0x181: {  	v10 =	vadd.s32 v10, v13  }
0x182: {  	v7 =	vshll.u32 v7, $0x17;
	v8 =	vshll.u32 v8, $0x17;
	v11 =	vsub.s32 $0x3F800000, v11  }
0x183: {  	v49 =	vor.u32 s3, v3;
	v50 =	vsel vm1, $0x1, v2;
	v22 =	vsel vm0, $0x1, v2  }
0x184: {  	v5 =	vsub.s32 $0x3F800000, v5;
	vm2 =	veq.f32 v12, $0.0e+00;
	v46 =	vtrunc.f32 v9  }
0x185: {  	v17 =	vld [tilespmem:s7+$0xFFFFFFE0];
	v11 =	vadd.f32 v11, v16;
	v14 =	vshll.u32 v14, $0x17;
	v13 =	vcvt.f32.s32 v46  }
0x186: {  	v45 =	vtrunc.f32 v12;
	v15 =	vshll.u32 v15, $0x17;
	v14 =	vsub.s32 $0x3F800000, v14  }
0x187: {  	v48 =	vld [tilespmem:s7+$0xFFFFFFF0];
	v7 =	vsub.s32 $0x3F800000, v7;
	v11 =	vadd.f32 v14, v11;
	v13 =	vshll.u32 v13, $0x17  }
0x188: {  	v12 =	vcvt.f32.s32 v45;
	vm7 =	veq.f32 v9, $0.0e+00;
	v13 =	vsub.s32 $0x3F800000, v13  }
0x189: {  	v51 =	vld [tilespmem:s7+$0x0];
	v52 =	vsub.s32 $0x3F800000, v15;
	v18 =	vsel vm7, $0x1, v2;
	v11 =	vadd.f32 v13, v11  }
0x18a: {  	v12 =	vshll.u32 v12, $0x17;
	v10 =	vadd.s32 v18, v10;
	v53 =	vtrunc.f32 v17  }
0x18b: {  	v6 =	vadd.s32 v6, v10;
	v54 =	vcvt.f32.s32 v53;
	v10 =	vadd.f32 v52, v11  }
0x18c: {  	v8 =	vsub.s32 $0x3F800000, v8;
	v12 =	vsub.s32 $0x3F800000, v12;
	v55 =	vtrunc.f32 v48  }
0x18d: {  	v57 =	vld [tilespmem:s7+$0x20];
	v15 =	vcvt.f32.s32 v55;
	v11 =	vshll.u32 v54, $0x17;
	v10 =	vadd.f32 v12, v10  }
0x18e: {  	v62 =	vld [tilespmem:s7+$0x40];
	v47 =	vsel vm2, $0x1, v2;
	v59 =	vtrunc.f32 v51;
	v58 =	vsub.s32 $0x3F800000, v11  }
0x18f: {  	v60 =	vcvt.f32.s32 v59;
	v15 =	vshll.u32 v15, $0x17;
	v9 =	vadd.f32 v58, v10  }
0x190: {  	vm8 =	veq.f32 v17, $0.0e+00;
	vm9 =	veq.f32 v48, $0.0e+00;
	v61 =	vsub.s32 $0x3F800000, v15  }
0x191: {  	vm10 =	veq.f32 v51, $0.0e+00;
	v10 =	vshll.u32 v60, $0x17;
	v9 =	vadd.f32 v61, v9  }
0x192: {  	v20 =	vtrunc.f32 v57;
	vm11 =	veq.f32 v57, $0.0e+00;
	v10 =	vsub.s32 $0x3F800000, v10  }
0x193: {  	v23 =	vld [tilespmem:s7+$0x60];
	v25 =	vtrunc.f32 v62;
	v21 =	vcvt.f32.s32 v20;
	v9 =	vadd.f32 v10, v9  }
0x194: {  	vm12 =	veq.f32 v62, $0.0e+00;
	v6 =	vadd.s32 v47, v6;
	v56 =	vsel vm8, $0x1, v2  }
0x195: {  	v63 =	vsel vm9, $0x1, v2;
	v24 =	vshll.u32 v21, $0x17;
	v7 =	vadd.f32 v7, v9  }
0x196: {  	v27 =	vcvt.f32.s32 v25;
	v6 =	vadd.s32 v56, v6;
	v9 =	vsub.s32 $0x3F800000, v24  }
0x197: {  	v26 =	vld [tilespmem:s7+$0x70];
	v13 =	vsel vm10, $0x1, v2;
	v6 =	vadd.s32 v63, v6;
	v7 =	vadd.f32 v9, v7  }
0x198: {  	v30 =	vtrunc.f32 v23;
	v28 =	vshll.u32 v27, $0x17;
	v6 =	vadd.s32 v13, v6  }
0x199: {  	v6 =	vadd.s32 v22, v6;
	v12 =	vsel vm11, $0x1, v2;
	v7 =	vadd.f32 v8, v7  }
0x19a: {  	v31 =	vcvt.f32.s32 v30;
	v6 =	vadd.s32 v12, v6;
	v8 =	vsub.s32 $0x3F800000, v28  }
0x19b: {  	v29 =	vsel vm12, $0x1, v2;
	v6 =	vadd.s32 v50, v6;
	v7 =	vadd.f32 v8, v7  }
0x19c: {  	v32 =	vtrunc.f32 v26;
	v33 =	vshll.u32 v31, $0x17;
	v6 =	vadd.s32 v29, v6  }
0x19d: {  	v4 =	vadd.s32 v4, v6;
	v6 =	vcvt.f32.s32 v32;
	v5 =	vadd.f32 v5, v7  }
0x19e: {  	vm13 =	veq.f32 v23, $0.0e+00;
	vm14 =	veq.f32 v26, $0.0e+00;
	v7 =	vsub.s32 $0x3F800000, v33  }
0x19f: {  	v34 =	vsel vm13, $0x1, v2;
	v6 =	vshll.u32 v6, $0x17;
	v5 =	vadd.f32 v7, v5  }
0x1a0: {  	v35 =	vsel vm14, $0x1, v2;
	v4 =	vadd.s32 v34, v4;
	v6 =	vsub.s32 $0x3F800000, v6  }
0x1a1: {  	v4 =	vadd.s32 v35, v4;
	v5 =	vadd.f32 v6, v5  }
0x1a2: {  	[tilespmem:v49+s29+$0x0] =	vst.idx.msk $0xffff, v4  }
0x1a3: {  	[tilespmem:v49+s30+$0x0] =	vst.idx.msk $0xffff, v5  }
0x1a4: {  	v4 =	vld [tilespmem:$0x1FB50]  }
0x1a5: {  	v5 =	vld [tilespmem:$0x1FB60]  }
0x1a6: {  	v36 =	vld [tilespmem:$0x1FA50]  }
0x1a7: {  	v37 =	vld [tilespmem:$0x1FB70]  }
0x1a8: {  	v38 =	vld [tilespmem:$0x1FA60]  }
0x1a9: {  	v39 =	vld [tilespmem:$0x1FB80]  }
0x1aa: {  	v40 =	vld [tilespmem:$0x1FB90];
	v4 =	vadd.f32 v5, v4  }
0x1ab: {  	v41 =	vld [tilespmem:$0x1FA80]  }
0x1ac: {  	v42 =	vld [tilespmem:$0x1FBA0];
	v4 =	vadd.f32 v37, v4  }
0x1ad: {  	v43 =	vld [tilespmem:$0x1FA90]  }
0x1ae: {  	v44 =	vld [tilespmem:$0x1FBB0];
	v4 =	vadd.f32 v39, v4  }
0x1af: {  	v45 =	vld [tilespmem:$0x1FAA0]  }
0x1b0: {  	v46 =	vld [tilespmem:$0x1FBC0];
	v4 =	vadd.f32 v40, v4  }
0x1b1: {  	v47 =	vld [tilespmem:$0x1FAB0]  }
0x1b2: {  	v14 =	vld [tilespmem:$0x1FBD0];
	v4 =	vadd.f32 v42, v4  }
0x1b3: {  	v48 =	vld [tilespmem:$0x1FAC0]  }
0x1b4: {  	v49 =	vld [tilespmem:$0x1FBE0];
	v4 =	vadd.f32 v44, v4  }
0x1b5: {  	v50 =	vld [tilespmem:$0x1FAD0]  }
0x1b6: {  	v5 =	vld [tilespmem:$0x1FA70];
	v4 =	vadd.f32 v46, v4  }
0x1b7: {  	v51 =	vld [tilespmem:$0x1FBF0]  }
0x1b8: {  	v52 =	vld [tilespmem:$0x1FAE0];
	v4 =	vadd.f32 v14, v4  }
0x1b9: {  	v53 =	vld [tilespmem:$0x1FC00]  }
0x1ba: {  	v54 =	vld [tilespmem:$0x1FAF0];
	v6 =	vadd.s32 v36, v38;
	v4 =	vadd.f32 v49, v4  }
0x1bb: {  	v55 =	vld [tilespmem:$0x1FC10];
	v5 =	vadd.s32 v5, v6  }
0x1bc: {  	v56 =	vld [tilespmem:$0x1FB00];
	v5 =	vadd.s32 v41, v5;
	v4 =	vadd.f32 v51, v4  }
0x1bd: {  	v57 =	vld [tilespmem:$0x1FC20];
	v5 =	vadd.s32 v43, v5  }
0x1be: {  	v58 =	vld [tilespmem:$0x1FB10];
	v5 =	vadd.s32 v45, v5;
	v4 =	vadd.f32 v53, v4  }
0x1bf: {  	v59 =	vld [tilespmem:$0x1FC30];
	v5 =	vadd.s32 v47, v5  }
0x1c0: {  	v60 =	vld [tilespmem:$0x1FB20];
	v5 =	vadd.s32 v48, v5;
	v4 =	vadd.f32 v55, v4  }
0x1c1: {  	v61 =	vld [tilespmem:$0x1FC40];
	v5 =	vadd.s32 v50, v5  }
0x1c2: {  	v62 =	vld [tilespmem:$0x1FB30];
	v5 =	vadd.s32 v52, v5;
	v4 =	vadd.f32 v57, v4  }
0x1c3: {  	v63 =	vld [tilespmem:$0x1FB40];
	v5 =	vadd.s32 v54, v5  }
0x1c4: {  	v5 =	vadd.s32 v56, v5;
	v4 =	vadd.f32 v59, v4  }
0x1c5: {  	v5 =	vadd.s32 v58, v5  }
0x1c6: {  	v5 =	vadd.s32 v60, v5;
	v4 =	vadd.f32 v61, v4  }
0x1c7: {  	v5 =	vadd.s32 v62, v5  }
0x1c8: {  	v5 =	vadd.s32 v63, v5;
	(erf) = vrcp.f32 v4;
	_ =	sdelay $0x4  }
0x1c9: {  	v4 =	vld.idx.msk [tilespmem:v5+s16+$0x0], $0xffff;
	_ =	sdelay $0x1  }
0x1ca: {  	s0 =	sshll.u32 s1, $0x4;
	s1 =	sadd.s32 $0x1, s1  }
0x1cb: {  	p0 =	sne.s32 s1, $0x14  }
.Ltmp12:
0x1cc: {  	vm15 =	vgt.s32 v5, $0x0;
	v5 =	vpop (erf);
	(pc) =	sbr.rel @p0 .LBB2_14-.Ltmp12, $4  }
0x1cd: {  	v4 =	vnsel vm15, $0x435D0000, v4;
	v5 =	vmul.f32 $4.707271090e+04, v5  }
0x1ce: {  	vm0 =	vgt.f32 v4, $2.200000000e+02  }
0x1cf: {  	s0 =	sand.u32 $0x3FFFFFF0, s0;
	v4 =	vsel vm0, v5, v4  }
0x1d0: {  	s31 =	sadd.s32 $0x1000, s31;
	[tilespmem:s0+$0x1FC50] =	vst v4  }
0x1d1: {  	s0 =	rddreg [dreg:$0x7];
	s1 =	simm.s32 $0x5  }
0x1d2: {  	[hbm4b:s0+s12] =	stream.linear.scatter [tilespmem:s12], [sflag:$0x5], $0x14000, $0x38;
	[tilespmem:$0x1FD90] =	vst v63  }
0x1d3: {  	_ =	swait.ge [sflag:s1], $0x14000  }
0x1d4: {  	[sflag:s1] =	ssyncset.done $0x0  }
0x1d5: {  	s3 =	simm.s32 $0x14000;
	s13 =	rddreg [dreg:$0x8];
	[sflag:s1] =	ssyncadd.s32 $0xFFFEC000  }
0x1d6: {  	[hbm4b:s13+s12] =	stream.linear.scatter [tilespmem:s3], [sflag:$0x5], $0x5000, $0x38;
	[tilespmem:$0x1FD90] =	vst v63  }
0x1d7: {  	_ =	swait.ge [sflag:s1], $0x5000  }
0x1d8: {  	[sflag:s1] =	ssyncset.done $0x0  }
0x1d9: {  	s7 =	simm.s32 $0x1FC50;
	s14 =	rddreg [dreg:$0x9];
	[sflag:s1] =	ssyncadd.s32 $0xFFFFB000  }
0x1da: {  	[hbm4b:s14+s12] =	stream.linear.scatter [tilespmem:s7], [sflag:$0x5], $0x140, $0x38;
	[tilespmem:$0x1FD90] =	vst v63  }
0x1db: {  	_ =	swait.ge [sflag:s1], $0x140  }
0x1dc: {  	s15 =	rddreg [dreg:$0xb]  }
0x1dd: {  	s31 =	rddreg [dreg:$0xa];
	s7 =	sadd.s32 $0x1, s15  }
0x1de: {  	p0 =	sne.s32 s7, s31  }
.Ltmp13:
0x1df: {  	_ = 	snop;
	(pc) =	sbr.rel @p0 .LBB2_1-.Ltmp13, $3  }
0x1e0: {  	_ =	sdelay $0x1  }
0x1e1: {  	[sflag:s1] =	ssyncset.done $0x0  }
0x1e2: {  	[sflag:s1] =	ssyncadd.s32 $0xFFFFFEC0  }
0x1e3: {  	_ =	sfence.sel $0x180000  }
0x1e4: {  	[bflag:$0x0] =	sbarrier.arrive $0xFFFF  }
0x1e5: {  	_ =	strace $0x9000004A  }
0x1e6: {  	s0 =	stileid.u32;
	[bflag:$0x2] =	sbarrier.arrive $0xFFFF  }
0x1e7: {  	p0 =	sne.s32 s0, $0x0;
	s0 =	rddreg [dreg:$0x3]  }
0x1e8: {  	s0 =	sadd.s32 @!p0 $0x100000, s0  }
0x1e9: {  	[sflag:s0] =	ssyncadd.tile.s32 @!p0 $0x1;
	_ =	shalt  }
.Lfunc_end2:
_tile_overlayer_lowered:
.L_overlay_start_2:
0x1ea: {  	(tag) =	ssettag $0x2  }
0x1eb: {  	s0 =	rddreg [dreg:$0x0];
	s2 =	stileid.u32  }
0x1ec: {  	s1 =	rddreg [dreg:$0x1];
	p0 =	sne.s32 s2, $0x0  }
0x1ed: {  	s3 =	rddreg [dreg:$0x2];
	[bflag:$0x3] =	sbarrier.arrive $0xFFFF;
	s2 =	simm.s32 @!p0 $0x1C05  }
0x1ee: {  	[timem:s3], [sflag:s2] =	dma.local @!p0 [hbm:s0], s1  }
0x1ef: {  	s0 =	simm.s32 @!p0 $0x5  }
0x1f0: {  	_ =	swait.ge @!p0 [sflag:s0], s1  }
0x1f1: {  	s1 =	ssub.s32 @!p0 $0x0, s1;
	[sflag:s0] =	ssyncset.done @!p0 $0x0  }
0x1f2: {  	[sflag:s0] =	ssyncadd.s32 @!p0 s1  }
0x1f3: {  	[bflag:$0x3] =	sbarrier.arrive $0xFFFF  }
0x1f4: {  	_ =	shalt  }

</sc_bundles>
